<compile_context>
chip_gen: v7x
topology: tpu7x:2x2x1
jax: 0.10.2.dev20260603
libtpu: 0.0.44.dev20260713+nightly
codegen_flags: <defaults>
</compile_context>

<pallas_src>
import functools

import jax
import jax.numpy as jnp
from jax import lax
from jax.experimental import pallas as pl
from jax.experimental.pallas import tpu as pltpu
from jax.experimental.pallas import tpu_sc as plsc

N = 10000
E = 320000
EMBED = 768
HID = 128
HEADS = 4
HEAD_DIM = 32
PE_DIM = 192
SROW = 256
DROW = 128

BN = 400
GRID = N // BN

NTILES = 32
EPT = E // NTILES
K = 40
NCHUNK = EPT // K
NMSG = 10240
NDEN = 320
NACC = 10752
RPT = NACC // 16
ZR = 24


def _leaky(x, slope):
    return jnp.maximum(x, slope * x)



def _frontend_body(cell_ref, ent_ref, pos_ref, eW_ref, eb_ref, inW_ref, inb_ref,
                   g_ref, bta_ref, W1_ref, b1_ref, As_ref, Ad_ref,
                   h0_ref, S_ref, D_ref, mx_ref):
    i = pl.program_id(0)
    cell = cell_ref[...]
    ent = ent_ref[...]
    ent_proj = jnp.dot(ent, eW_ref[...], preferred_element_type=jnp.float32) + eb_ref[...]

    lane = lax.broadcasted_iota(jnp.int32, (1, PE_DIM), 1)
    i2 = (lane // 2) * 2
    div2 = jnp.exp(i2.astype(jnp.float32) * (-jnp.log(10000.0) / PE_DIM))
    even = (lane % 2) == 0

    def pe(pos_col):
        ang = pos_col * div2
        return jnp.where(even, jnp.sin(ang), jnp.cos(ang))

    per = pe(pos_ref[:, 0:1])
    pec = pe(pos_ref[:, 1:2])

    h = (jnp.dot(cell, inW_ref[0:EMBED, :], preferred_element_type=jnp.float32)
         + jnp.dot(per, inW_ref[EMBED:EMBED + PE_DIM, :], preferred_element_type=jnp.float32)
         + jnp.dot(pec, inW_ref[EMBED + PE_DIM:EMBED + 2 * PE_DIM, :], preferred_element_type=jnp.float32)
         + jnp.dot(ent_proj, inW_ref[EMBED + 2 * PE_DIM:, :], preferred_element_type=jnp.float32)
         + inb_ref[...])
    mu = jnp.mean(h, axis=-1, keepdims=True)
    var = jnp.mean((h - mu) ** 2, axis=-1, keepdims=True)
    h = (h - mu) / jnp.sqrt(var + 1e-5) * g_ref[...] + bta_ref[...]
    h = jnp.maximum(h, 0.0)
    h0_ref[...] = h

    hp = jnp.dot(h, W1_ref[...], preferred_element_type=jnp.float32) + b1_ref[...]
    sa = jnp.dot(hp, As_ref[...], preferred_element_type=jnp.float32)
    S_ref[:, 0:HID] = hp
    S_ref[:, HID:HID + 16] = sa
    D_ref[:, 0:16] = jnp.dot(hp, Ad_ref[...], preferred_element_type=jnp.float32)

    m = jnp.broadcast_to(jnp.max(sa, axis=0, keepdims=True), (8, 16))

    @pl.when(i == 0)
    def _():
        mx_ref[...] = m

    @pl.when(i > 0)
    def _():
        mx_ref[...] = jnp.maximum(mx_ref[...], m)


def _frontend(cell, ent, pos, eW, eb, inW, inb, g, bta, W1, b1, As, Ad):
    full = lambda shape: pl.BlockSpec(shape, lambda i: tuple(0 for _ in shape))
    blk = lambda shape: pl.BlockSpec(shape, lambda i: (i,) + tuple(0 for _ in shape[1:]))
    return pl.pallas_call(
        _frontend_body,
        grid=(GRID,),
        in_specs=[blk((BN, EMBED)), blk((BN, 256)), blk((BN, 2)),
                  full((256, EMBED)), full((1, EMBED)), full((1920, HID)),
                  full((1, HID)), full((1, HID)), full((1, HID)),
                  full((HID, HID)), full((1, HID)), full((HID, 16)), full((HID, 16))],
        out_specs=[blk((BN, HID)), blk((BN, SROW)), blk((BN, DROW)), full((8, 16))],
        out_shape=[jax.ShapeDtypeStruct((N, HID), jnp.float32),
                   jax.ShapeDtypeStruct((N, SROW), jnp.float32),
                   jax.ShapeDtypeStruct((N, DROW), jnp.float32),
                   jax.ShapeDtypeStruct((8, 16), jnp.float32)],
    )(cell, ent, pos, eW, eb, inW, inb, g, bta, W1, b1, As, Ad)



def _sel_matrix():
    r = lax.broadcasted_iota(jnp.int32, (8, HID), 0)
    c = lax.broadcasted_iota(jnp.int32, (8, HID), 1)
    return ((c // HEAD_DIM) == r).astype(jnp.float32)


def _merge(m0_ref, m1_ref, d0_ref, d1_ref, hprev_ref):
    msg = m0_ref[...] + m1_ref[...]
    d8 = d0_ref[...] + d1_ref[...]
    dfull = jnp.dot(d8, _sel_matrix(), preferred_element_type=jnp.float32)
    safe = jnp.where(dfull > 0.0, dfull, 1.0)
    return _leaky(msg / safe + hprev_ref[...], 0.01)


def _combine_prep_body(m0_ref, m1_ref, d0_ref, d1_ref, hprev_ref,
                       W_ref, b_ref, As_ref, Ad_ref,
                       h1_ref, S_ref, D_ref, mx_ref):
    i = pl.program_id(0)
    h = _merge(m0_ref, m1_ref, d0_ref, d1_ref, hprev_ref)
    h1_ref[...] = h
    hp = jnp.dot(h, W_ref[...], preferred_element_type=jnp.float32) + b_ref[...]
    sa = jnp.dot(hp, As_ref[...], preferred_element_type=jnp.float32)
    S_ref[:, 0:HID] = hp
    S_ref[:, HID:HID + 16] = sa
    D_ref[:, 0:16] = jnp.dot(hp, Ad_ref[...], preferred_element_type=jnp.float32)
    m = jnp.broadcast_to(jnp.max(sa, axis=0, keepdims=True), (8, 16))

    @pl.when(i == 0)
    def _():
        mx_ref[...] = m

    @pl.when(i > 0)
    def _():
        mx_ref[...] = jnp.maximum(mx_ref[...], m)


def _combine_prep(m0, m1, d0, d1, hprev, W, b, As, Ad):
    full = lambda shape: pl.BlockSpec(shape, lambda i: tuple(0 for _ in shape))
    blk = lambda shape: pl.BlockSpec(shape, lambda i: (i,) + tuple(0 for _ in shape[1:]))
    return pl.pallas_call(
        _combine_prep_body,
        grid=(GRID,),
        in_specs=[blk((BN, HID)), blk((BN, HID)), blk((BN, 8)), blk((BN, 8)),
                  blk((BN, HID)),
                  full((HID, HID)), full((1, HID)), full((HID, 16)), full((HID, 16))],
        out_specs=[blk((BN, HID)), blk((BN, SROW)), blk((BN, DROW)), full((8, 16))],
        out_shape=[jax.ShapeDtypeStruct((N, HID), jnp.float32),
                   jax.ShapeDtypeStruct((N, SROW), jnp.float32),
                   jax.ShapeDtypeStruct((N, DROW), jnp.float32),
                   jax.ShapeDtypeStruct((8, 16), jnp.float32)],
    )(m0, m1, d0, d1, hprev, W, b, As, Ad)


def _final_body(m0_ref, m1_ref, d0_ref, d1_ref, hprev_ref, out_ref):
    out_ref[...] = _merge(m0_ref, m1_ref, d0_ref, d1_ref, hprev_ref)


def _final(m0, m1, d0, d1, hprev):
    blk = lambda shape: pl.BlockSpec(shape, lambda i: (i,) + tuple(0 for _ in shape[1:]))
    return pl.pallas_call(
        _final_body,
        grid=(GRID,),
        in_specs=[blk((BN, HID)), blk((BN, HID)), blk((BN, 8)), blk((BN, 8)),
                  blk((BN, HID))],
        out_specs=blk((BN, HID)),
        out_shape=jax.ShapeDtypeStruct((N, HID), jnp.float32),
    )(m0, m1, d0, d1, hprev)



def _lane_bcast(v, h):
    return jnp.take_along_axis(v, jnp.full((16,), h, dtype=jnp.int32), axis=0)


def _sc_body(S_hbm, D_hbm, mx_hbm, src_hbm, dst_hbm, out_hbm,
             srcv0, srcv1, dstv0, dstv1, dstv20, dstv21, srows0, srows1,
             drows0, drows1, mrows20, mrows21, maxv, zbuf, acc,
             semS0, semS1, semD0, semD1, semW0, semW1, semW20, semW21):
    cid = lax.axis_index("c")
    sid = lax.axis_index("s")
    wid = cid * 16 + sid
    iota16 = lax.broadcasted_iota(jnp.int32, (16,), 0)
    zeros16 = jnp.zeros((16,), jnp.float32)
    dmask = iota16 < HEADS
    srcv = (srcv0, srcv1)
    dstv = (dstv0, dstv1)
    dstv2 = (dstv20, dstv21)
    srows = (srows0, srows1)
    drows = (drows0, drows1)
    mrows2 = (mrows20, mrows21)
    semS = (semS0, semS1)
    semD = (semD0, semD1)
    semW = (semW0, semW1)
    semW2 = (semW20, semW21)

    def zrow(j, carry):
        for v in range(8):
            zbuf[j, pl.ds(v * 16, 16)] = zeros16
        return carry
    lax.fori_loop(0, ZR, zrow, 0)
    for r in range(RPT // ZR):
        pltpu.sync_copy(zbuf, acc.at[pl.ds(sid * RPT + r * ZR, ZR)])
    plsc.subcore_barrier()

    pltpu.sync_copy(mx_hbm, maxv)
    mv = maxv[...]
    ebase = wid * EPT

    def issue(j, b, first=False):
        if not first:
            @pl.when(j >= 2)
            def _():
                pltpu.make_async_copy(drows[b], acc.at[dstv[b]], semW[b]).wait()
        off = ebase + j * K
        pltpu.sync_copy(src_hbm.at[pl.ds(off, K)], srcv[b])
        pltpu.sync_copy(dst_hbm.at[pl.ds(off, K)], dstv[b])
        pltpu.async_copy(S_hbm.at[srcv[b]], srows[b], semS[b])
        pltpu.async_copy(D_hbm.at[dstv[b]], drows[b], semD[b])

    def run_chunk(j, b):
        sr = srows[b]
        dr = drows[b]
        dv_ref = dstv[b]
        m2 = mrows2[b]

        @pl.when(j >= 2)
        def _():
            pltpu.make_async_copy(m2, acc.at[dstv2[b]], semW2[b]).wait()
        for r in range((K + 15) // 16):
            bb = min(16 * r, K - 16)
            dv = dv_ref[pl.ds(bb, 16)]
            dstv2[b][pl.ds(bb, 16)] = (dv >> 5) + NMSG


        @plsc.parallel_loop(0, K, step=1, unroll=4)
        def edge(i):
            sa = sr[i, pl.ds(HID, 16)]
            dc = dr[i, pl.ds(0, 16)]
            x = sa + dc
            e = jnp.maximum(x, 0.2 * x)
            y = mv + dc
            cc = jnp.maximum(y, 0.2 * y)
            ex = jnp.exp(e - cc)
            base = jnp.minimum((i // 16) * 16, K - 16)
            dvec = dv_ref[pl.ds(base, 16)]
            d_b = jnp.take_along_axis(dvec, jnp.full((16,), i - base, jnp.int32),
                                      axis=0)
            for v in range(8):
                m2[i, pl.ds(v * 16, 16)] = zeros16
            plsc.store_scatter(m2, [jnp.full((16,), i, jnp.int32),
                                    (d_b & 31) * 4 + iota16], ex, mask=dmask)
            for h in range(HEADS):
                bh = _lane_bcast(ex, h)
                dr[i, pl.ds(h * 32, 16)] = sr[i, pl.ds(h * 32, 16)] * bh
                dr[i, pl.ds(h * 32 + 16, 16)] = sr[i, pl.ds(h * 32 + 16, 16)] * bh
        pltpu.async_copy(dr, acc.at[dv_ref], semW[b], add=True)
        pltpu.async_copy(m2, acc.at[dstv2[b]], semW2[b], add=True)

    issue(0, 0, first=True)

    def outer(g, carry):
        for b in range(2):
            j = 2 * g + b
            pltpu.make_async_copy(S_hbm.at[srcv[b]], srows[b], semS[b]).wait()
            pltpu.make_async_copy(D_hbm.at[dstv[b]], drows[b], semD[b]).wait()
            if b == 0:
                issue(j + 1, 1)
            else:
                @pl.when(g < NCHUNK // 2 - 1)
                def _():
                    issue(j + 1, 0)
            run_chunk(j, b)
        return carry
    lax.fori_loop(0, NCHUNK // 2, outer, 0)

    for b in range(2):
        pltpu.make_async_copy(drows[b], acc.at[dstv[b]], semW[b]).wait()
        pltpu.make_async_copy(mrows2[b], acc.at[dstv2[b]], semW2[b]).wait()

    plsc.subcore_barrier()
    for r in range(RPT // ZR):
        start = sid * RPT + r * ZR
        pltpu.sync_copy(acc.at[pl.ds(start, ZR)], out_hbm.at[cid, pl.ds(start, ZR)])


@functools.lru_cache(maxsize=1)
def _sc_edge_fn():
    return pl.kernel(
        _sc_body,
        out_type=jax.ShapeDtypeStruct((2, NACC, HID), jnp.float32),
        mesh=plsc.VectorSubcoreMesh(core_axis_name="c", subcore_axis_name="s"),
        compiler_params=pltpu.CompilerParams(needs_layout_passes=False),
        scratch_types=[
            pltpu.VMEM((K,), jnp.int32),
            pltpu.VMEM((K,), jnp.int32),
            pltpu.VMEM((K,), jnp.int32),
            pltpu.VMEM((K,), jnp.int32),
            pltpu.VMEM((K,), jnp.int32),
            pltpu.VMEM((K,), jnp.int32),
            pltpu.VMEM((K, SROW), jnp.float32),
            pltpu.VMEM((K, SROW), jnp.float32),
            pltpu.VMEM((K, DROW), jnp.float32),
            pltpu.VMEM((K, DROW), jnp.float32),
            pltpu.VMEM((K, HID), jnp.float32),
            pltpu.VMEM((K, HID), jnp.float32),
            pltpu.VMEM((16,), jnp.float32),
            pltpu.VMEM((ZR, HID), jnp.float32),
            pltpu.VMEM_SHARED((NACC, HID), jnp.float32),
            pltpu.SemaphoreType.DMA,
            pltpu.SemaphoreType.DMA,
            pltpu.SemaphoreType.DMA,
            pltpu.SemaphoreType.DMA,
            pltpu.SemaphoreType.DMA,
            pltpu.SemaphoreType.DMA,
            pltpu.SemaphoreType.DMA,
            pltpu.SemaphoreType.DMA,
        ],
    )


def _sc_edge(S, D, mxv, src, dst):
    return _sc_edge_fn()(S, D, mxv, src, dst)



def _mix_mat(a):
    return (a[:, :, None] * jnp.eye(HEADS, 16, dtype=jnp.float32)[:, None, :]).reshape(HID, 16)


def _mx_vec(mx):
    return jnp.concatenate([mx[0, :HEADS], jnp.full((16 - HEADS,), 1e9, jnp.float32)])


def _split_acc(acc):
    msg = acc[:, :N, :]
    nden_rows = (N + 31) // 32
    den = acc[:, NMSG:NMSG + nden_rows, :].reshape(2, nden_rows * HID)
    den = den[:, :N * HEADS].reshape(2, N, HEADS)
    den = jnp.concatenate([den, jnp.zeros((2, N, 4), jnp.float32)], axis=-1)
    return msg, den


def kernel(external_cell_embeds, entity_embeddings, edge_index, row_indices, col_indices,
           entity_W, entity_b, in_W, in_b, ln_g, ln_b,
           W1, b1, as1, ad1, W2, b2, as2, ad2):
    edge = edge_index.astype(jnp.int32)
    src = edge[0]
    dst = edge[1]
    pos = jnp.stack([row_indices.astype(jnp.float32),
                     col_indices.astype(jnp.float32)], axis=-1)

    h0, S1, D1, mx1 = _frontend(
        external_cell_embeds, entity_embeddings, pos,
        entity_W, entity_b.reshape(1, -1), in_W, in_b.reshape(1, -1),
        ln_g.reshape(1, -1), ln_b.reshape(1, -1),
        W1, b1.reshape(1, -1), _mix_mat(as1), _mix_mat(ad1))

    b2r = b2.reshape(1, -1)
    As2, Ad2 = _mix_mat(as2), _mix_mat(ad2)

    nlayers = 2 + jnp.minimum(src[0], 0) * 0

    def cond(carry):
        return carry[0] < nlayers

    def body(carry):
        t, S, D, mxv, h = carry
        acc = _sc_edge(S, D, mxv, src, dst)
        msg, den = _split_acc(acc)
        hn, Sn, Dn, mxn = _combine_prep(msg[0], msg[1], den[0], den[1], h,
                                        W2, b2r, As2, Ad2)
        return (t + 1, Sn, Dn, _mx_vec(mxn), hn)

    carry = lax.while_loop(cond, body, (jnp.int32(0), S1, D1, _mx_vec(mx1), h0))
    return carry[4]

# --- scband reference (transcript-rebuilt; emitter-appended) ---
"""Pipeline reference for scband-gatencoder-3461743640972 (READ-ONLY COPY).

The authoritative reference and input builder live on the scoring server;
editing this copy changes nothing except your own understanding.
"""

import jax, jax.numpy as jnp
import numpy as np

N = 10000
E = 320000
EMBED = 768
HID = 128
HEADS = 4
HEAD_DIM = HID // HEADS
ENT = 256
PE_DIM = EMBED // 4  # 192
IN_PROJ = EMBED + 2 * PE_DIM + EMBED  # cell + row_pe + col_pe + entity_proj = 1920


def sincos_pe(pos, dim):
    half = dim // 2
    i = jnp.arange(half, dtype=jnp.float32)
    div = jnp.exp(-jnp.log(10000.0) * (2.0 * i) / dim)
    ang = pos.astype(jnp.float32)[:, None] * div[None, :]
    pe = jnp.stack([jnp.sin(ang), jnp.cos(ang)], axis=-1).reshape(pos.shape[0], dim)
    return pe


def layer_norm(x, g, b, eps=1e-5):
    mu = jnp.mean(x, axis=-1, keepdims=True)
    var = jnp.var(x, axis=-1, keepdims=True)
    return (x - mu) / jnp.sqrt(var + eps) * g + b


def leaky_relu(x, slope=0.01):
    return jnp.where(x > 0, x, slope * x)


def gat_layer(h, src, dst, W, b, a_src, a_dst):
    # h: [N, HID]; multi-head GAT with edge softmax over incoming edges, residual
    hp = (h @ W + b).reshape(N, HEADS, HEAD_DIM)
    alpha_s = jnp.sum(hp * a_src[None, :, :], axis=-1)  # [N, HEADS]
    alpha_d = jnp.sum(hp * a_dst[None, :, :], axis=-1)  # [N, HEADS]
    e = leaky_relu(alpha_s[src] + alpha_d[dst], 0.2)    # [E, HEADS]
    seg_max = jax.ops.segment_max(e, dst, num_segments=N)  # [N, HEADS]
    seg_max = jnp.where(jnp.isfinite(seg_max), seg_max, 0.0)
    ex = jnp.exp(e - seg_max[dst])
    denom = jax.ops.segment_sum(ex, dst, num_segments=N)  # [N, HEADS]
    att = ex / (denom[dst] + 1e-16)                     # [E, HEADS]
    msg = hp[src] * att[:, :, None]                     # [E, HEADS, HEAD_DIM]
    agg = jax.ops.segment_sum(msg, dst, num_segments=N) # [N, HEADS, HEAD_DIM]
    out = agg.reshape(N, HID) + h                       # residual
    return leaky_relu(out, 0.01)


def setup_inputs(seed: int = 0) -> dict:
    key = jax.random.key(seed)
    ks = jax.random.split(key, 20)
    inp = {}
    inp["external_cell_embeds"] = jax.random.normal(ks[0], (N, EMBED), dtype=jnp.float32)
    inp["entity_embeddings"] = jax.random.normal(ks[1], (N, ENT), dtype=jnp.float32)
    inp["edge_index"] = jax.random.randint(ks[2], (2, E), 0, N, dtype=jnp.int64 if jax.config.jax_enable_x64 else jnp.int32)
    inp["row_indices"] = jax.random.randint(ks[3], (N,), 0, 256)
    inp["col_indices"] = jax.random.randint(ks[4], (N,), 0, 64)
    s_ent = 1.0 / np.sqrt(ENT)
    s_in = 1.0 / np.sqrt(IN_PROJ)
    s_h = 1.0 / np.sqrt(HID)
    inp["entity_W"] = jax.random.uniform(ks[5], (ENT, EMBED), minval=-s_ent, maxval=s_ent, dtype=jnp.float32)
    inp["entity_b"] = jnp.zeros((EMBED,), dtype=jnp.float32)
    inp["in_W"] = jax.random.uniform(ks[6], (IN_PROJ, HID), minval=-s_in, maxval=s_in, dtype=jnp.float32)
    inp["in_b"] = jnp.zeros((HID,), dtype=jnp.float32)
    inp["ln_g"] = jnp.ones((HID,), dtype=jnp.float32)
    inp["ln_b"] = jnp.zeros((HID,), dtype=jnp.float32)
    inp["W1"] = jax.random.uniform(ks[7], (HID, HID), minval=-s_h, maxval=s_h, dtype=jnp.float32)
    inp["b1"] = jnp.zeros((HID,), dtype=jnp.float32)
    inp["as1"] = jax.random.normal(ks[8], (HEADS, HEAD_DIM), dtype=jnp.float32) * 0.1
    inp["ad1"] = jax.random.normal(ks[9], (HEADS, HEAD_DIM), dtype=jnp.float32) * 0.1
    inp["W2"] = jax.random.uniform(ks[10], (HID, HID), minval=-s_h, maxval=s_h, dtype=jnp.float32)
    inp["b2"] = jnp.zeros((HID,), dtype=jnp.float32)
    inp["as2"] = jax.random.normal(ks[11], (HEADS, HEAD_DIM), dtype=jnp.float32) * 0.1
    inp["ad2"] = jax.random.normal(ks[12], (HEADS, HEAD_DIM), dtype=jnp.float32) * 0.1
    return inp


def reference(external_cell_embeds, entity_embeddings, edge_index, row_indices, col_indices,
              entity_W, entity_b, in_W, in_b, ln_g, ln_b,
              W1, b1, as1, ad1, W2, b2, as2, ad2):
    row_pos = sincos_pe(row_indices, PE_DIM)
    col_pos = sincos_pe(col_indices, PE_DIM)
    entity_proj = entity_embeddings @ entity_W + entity_b
    h = jnp.concatenate([external_cell_embeds, row_pos, col_pos, entity_proj], axis=-1)
    h = h @ in_W + in_b
    h = layer_norm(h, ln_g, ln_b)
    h = jnp.maximum(h, 0.0)
    src = edge_index[0]
    dst = edge_index[1]
    h = gat_layer(h, src, dst, W1, b1, as1, ad1)
    h = gat_layer(h, src, dst, W2, b2, as2, ad2)
    return h

if __name__ == "__main__":
    import jax
    _d = setup_inputs()
    print(jax.jit(kernel)(*tuple(_d.values())))

</pallas_src>

<mosaic_0001>
#map = affine_map<(d0, d1) -> (0, 0)>
#map1 = affine_map<(d0, d1) -> (0)>
#map2 = affine_map<(d0, d1) -> (0, 0, 0)>
module attributes {stable_mosaic.version = 14 : i64} {
  func.func @_sc_body(%arg0: i32, %arg1: i32, %arg2: memref<10000x256xf32, #tpu.memory_space<hbm>>, %arg3: memref<10000x128xf32, #tpu.memory_space<hbm>>, %arg4: memref<16xf32, #tpu.memory_space<hbm>>, %arg5: memref<320000xi32, #tpu.memory_space<hbm>>, %arg6: memref<320000xi32, #tpu.memory_space<hbm>>, %arg7: memref<2x10752x128xf32, #tpu.memory_space<hbm>>, %arg8: memref<40xi32, #tpu.memory_space<vmem>>, %arg9: memref<40xi32, #tpu.memory_space<vmem>>, %arg10: memref<40xi32, #tpu.memory_space<vmem>>, %arg11: memref<40xi32, #tpu.memory_space<vmem>>, %arg12: memref<40xi32, #tpu.memory_space<vmem>>, %arg13: memref<40xi32, #tpu.memory_space<vmem>>, %arg14: memref<40x256xf32, #tpu.memory_space<vmem>>, %arg15: memref<40x256xf32, #tpu.memory_space<vmem>>, %arg16: memref<40x128xf32, #tpu.memory_space<vmem>>, %arg17: memref<40x128xf32, #tpu.memory_space<vmem>>, %arg18: memref<40x128xf32, #tpu.memory_space<vmem>>, %arg19: memref<40x128xf32, #tpu.memory_space<vmem>>, %arg20: memref<16xf32, #tpu.memory_space<vmem>>, %arg21: memref<24x128xf32, #tpu.memory_space<vmem>>, %arg22: memref<10752x128xf32, #tpu.memory_space<vmem_shared>>, %arg23: memref<!tpu.dma_semaphore, #tpu.memory_space<semaphore_mem>>, %arg24: memref<!tpu.dma_semaphore, #tpu.memory_space<semaphore_mem>>, %arg25: memref<!tpu.dma_semaphore, #tpu.memory_space<semaphore_mem>>, %arg26: memref<!tpu.dma_semaphore, #tpu.memory_space<semaphore_mem>>, %arg27: memref<!tpu.dma_semaphore, #tpu.memory_space<semaphore_mem>>, %arg28: memref<!tpu.dma_semaphore, #tpu.memory_space<semaphore_mem>>, %arg29: memref<!tpu.dma_semaphore, #tpu.memory_space<semaphore_mem>>, %arg30: memref<!tpu.dma_semaphore, #tpu.memory_space<semaphore_mem>>) attributes {dimension_semantics = [#tpu.dimension_semantics<core_parallel>, #tpu.dimension_semantics<subcore_parallel>], iteration_bounds = array<i64: 2, 16>, scalar_prefetch = 0 : i64, scratch_operands = 23 : i64, tpu.core_type = #tpu.core_type<sc_vector_subcore>, window_params = [{transform_indices = #map}, {transform_indices = #map}, {transform_indices = #map1}, {transform_indices = #map1}, {transform_indices = #map1}, {transform_indices = #map2}]} {
    %mul3A = arith.constant 16 : i32
    %mul3A_0 = arith.muli %arg0, %mul3A : i32
    %add3A = arith.addi %mul3A_0, %arg1 : i32
    %iota3A = tpu.iota {dimensions = array<i32: 0>} : vector<16xi32>
    %broadcast_in_dim3A = arith.constant 0.000000e+00 : f32
    %broadcast_in_dim3A_1 = vector.broadcast %broadcast_in_dim3A : f32 to vector<16xf32>
    %lt3A = arith.constant 4 : i32
    %lt3A_2 = vector.broadcast %lt3A : i32 to vector<16xi32>
    %lt3A_3 = arith.cmpi slt, %iota3A, %lt3A_2 : vector<16xi32>
    %scan3A = arith.constant 0 : i32
    %scan3A_4 = arith.constant 0 : i32
    %scan3A_5 = arith.constant 24 : i32
    %scan3A_6 = arith.addi %scan3A_4, %scan3A_5 : i32
    %scan3A_7 = arith.constant 1 : i32
    scf.for %scan3A_261 = %scan3A_4 to %scan3A_6 step %scan3A_7  : i32 {
      %swap3A = arith.index_cast %scan3A_261 : i32 to index
      %swap3A_262 = arith.constant 0 : index
      %swap3A_263 = tpu.vector_load %arg21[%swap3A, %swap3A_262] {strides = array<i32>} : memref<24x128xf32, #tpu.memory_space<vmem>>, vector<16xf32>,
      tpu.vector_store %arg21[%swap3A, %swap3A_262], %broadcast_in_dim3A_1 {strides = array<i32>} : memref<24x128xf32, #tpu.memory_space<vmem>>, vector<16xf32>,
      %swap3A_264 = arith.index_cast %scan3A_261 : i32 to index
      %swap3A_265 = arith.constant 16 : index
      %swap3A_266 = tpu.vector_load %arg21[%swap3A_264, %swap3A_265] {strides = array<i32>} : memref<24x128xf32, #tpu.memory_space<vmem>>, vector<16xf32>,
      tpu.vector_store %arg21[%swap3A_264, %swap3A_265], %broadcast_in_dim3A_1 {strides = array<i32>} : memref<24x128xf32, #tpu.memory_space<vmem>>, vector<16xf32>,
      %swap3A_267 = arith.index_cast %scan3A_261 : i32 to index
      %swap3A_268 = arith.constant 32 : index
      %swap3A_269 = tpu.vector_load %arg21[%swap3A_267, %swap3A_268] {strides = array<i32>} : memref<24x128xf32, #tpu.memory_space<vmem>>, vector<16xf32>,
      tpu.vector_store %arg21[%swap3A_267, %swap3A_268], %broadcast_in_dim3A_1 {strides = array<i32>} : memref<24x128xf32, #tpu.memory_space<vmem>>, vector<16xf32>,
      %swap3A_270 = arith.index_cast %scan3A_261 : i32 to index
      %swap3A_271 = arith.constant 48 : index
      %swap3A_272 = tpu.vector_load %arg21[%swap3A_270, %swap3A_271] {strides = array<i32>} : memref<24x128xf32, #tpu.memory_space<vmem>>, vector<16xf32>,
      tpu.vector_store %arg21[%swap3A_270, %swap3A_271], %broadcast_in_dim3A_1 {strides = array<i32>} : memref<24x128xf32, #tpu.memory_space<vmem>>, vector<16xf32>,
      %swap3A_273 = arith.index_cast %scan3A_261 : i32 to index
      %swap3A_274 = arith.constant 64 : index
      %swap3A_275 = tpu.vector_load %arg21[%swap3A_273, %swap3A_274] {strides = array<i32>} : memref<24x128xf32, #tpu.memory_space<vmem>>, vector<16xf32>,
      tpu.vector_store %arg21[%swap3A_273, %swap3A_274], %broadcast_in_dim3A_1 {strides = array<i32>} : memref<24x128xf32, #tpu.memory_space<vmem>>, vector<16xf32>,
      %swap3A_276 = arith.index_cast %scan3A_261 : i32 to index
      %swap3A_277 = arith.constant 80 : index
      %swap3A_278 = tpu.vector_load %arg21[%swap3A_276, %swap3A_277] {strides = array<i32>} : memref<24x128xf32, #tpu.memory_space<vmem>>, vector<16xf32>,
      tpu.vector_store %arg21[%swap3A_276, %swap3A_277], %broadcast_in_dim3A_1 {strides = array<i32>} : memref<24x128xf32, #tpu.memory_space<vmem>>, vector<16xf32>,
      %swap3A_279 = arith.index_cast %scan3A_261 : i32 to index
      %swap3A_280 = arith.constant 96 : index
      %swap3A_281 = tpu.vector_load %arg21[%swap3A_279, %swap3A_280] {strides = array<i32>} : memref<24x128xf32, #tpu.memory_space<vmem>>, vector<16xf32>,
      tpu.vector_store %arg21[%swap3A_279, %swap3A_280], %broadcast_in_dim3A_1 {strides = array<i32>} : memref<24x128xf32, #tpu.memory_space<vmem>>, vector<16xf32>,
      %swap3A_282 = arith.index_cast %scan3A_261 : i32 to index
      %swap3A_283 = arith.constant 112 : index
      %swap3A_284 = tpu.vector_load %arg21[%swap3A_282, %swap3A_283] {strides = array<i32>} : memref<24x128xf32, #tpu.memory_space<vmem>>, vector<16xf32>,
      tpu.vector_store %arg21[%swap3A_282, %swap3A_283], %broadcast_in_dim3A_1 {strides = array<i32>} : memref<24x128xf32, #tpu.memory_space<vmem>>, vector<16xf32>,
    }
    %scan3A_8 = arith.constant 24 : i32
    %mul3A_9 = arith.constant 672 : i32
    %mul3A_10 = arith.muli %arg1, %mul3A_9 : i32
    %add3A_11 = arith.constant 0 : i32
    %add3A_12 = arith.addi %mul3A_10, %add3A_11 : i32
    "tpu.region"() ({
      %run_scoped3A = tpu.sem_alloc : memref<!tpu.dma_semaphore, #tpu.memory_space<semaphore_mem>>
      %dma_start3A_261 = arith.constant 0 : i32
      %dma_start3A_262 = tpu.memref_slice %arg22[%add3A_12, %dma_start3A_261] : memref<10752x128xf32, #tpu.memory_space<vmem_shared>> -> memref<24x128xf32, #tpu.memory_space<vmem_shared>>
      %dma_start3A_263 = arith.constant 0 : i32
      %dma_start3A_264 = tpu.memref_slice %arg22[%add3A_12, %dma_start3A_263] : memref<10752x128xf32, #tpu.memory_space<vmem_shared>> -> memref<24x128xf32, #tpu.memory_space<vmem_shared>>
      tpu.enqueue_dma source(%arg21 : memref<24x128xf32, #tpu.memory_space<vmem>>) target(%dma_start3A_264 : memref<24x128xf32, #tpu.memory_space<vmem_shared>>) target_semaphore(%run_scoped3A : memref<!tpu.dma_semaphore, #tpu.memory_space<semaphore_mem>>)
      %dma_wait3A_265 = arith.constant 0 : i32
      %dma_wait3A_266 = tpu.memref_slice %arg22[%add3A_12, %dma_wait3A_265] : memref<10752x128xf32, #tpu.memory_space<vmem_shared>> -> memref<24x128xf32, #tpu.memory_space<vmem_shared>>
      %dma_wait3A_267 = arith.constant 0 : i32
      %dma_wait3A_268 = tpu.memref_slice %arg22[%add3A_12, %dma_wait3A_267] : memref<10752x128xf32, #tpu.memory_space<vmem_shared>> -> memref<24x128xf32, #tpu.memory_space<vmem_shared>>
      tpu.wait_dma2 semaphore(%run_scoped3A : memref<!tpu.dma_semaphore, #tpu.memory_space<semaphore_mem>>) src(%arg21 : memref<24x128xf32, #tpu.memory_space<vmem>>) dst(%dma_wait3A_268 : memref<24x128xf32, #tpu.memory_space<vmem_shared>>)
      tpu.yield
    }) : () -> ()
    %mul3A_13 = arith.constant 672 : i32
    %mul3A_14 = arith.muli %arg1, %mul3A_13 : i32
    %add3A_15 = arith.constant 24 : i32
    %add3A_16 = arith.addi %mul3A_14, %add3A_15 : i32
    "tpu.region"() ({
      %run_scoped3A = tpu.sem_alloc : memref<!tpu.dma_semaphore, #tpu.memory_space<semaphore_mem>>
      %dma_start3A_261 = arith.constant 0 : i32
      %dma_start3A_262 = tpu.memref_slice %arg22[%add3A_16, %dma_start3A_261] : memref<10752x128xf32, #tpu.memory_space<vmem_shared>> -> memref<24x128xf32, #tpu.memory_space<vmem_shared>>
      %dma_start3A_263 = arith.constant 0 : i32
      %dma_start3A_264 = tpu.memref_slice %arg22[%add3A_16, %dma_start3A_263] : memref<10752x128xf32, #tpu.memory_space<vmem_shared>> -> memref<24x128xf32, #tpu.memory_space<vmem_shared>>
      tpu.enqueue_dma source(%arg21 : memref<24x128xf32, #tpu.memory_space<vmem>>) target(%dma_start3A_264 : memref<24x128xf32, #tpu.memory_space<vmem_shared>>) target_semaphore(%run_scoped3A : memref<!tpu.dma_semaphore, #tpu.memory_space<semaphore_mem>>)
      %dma_wait3A_265 = arith.constant 0 : i32
      %dma_wait3A_266 = tpu.memref_slice %arg22[%add3A_16, %dma_wait3A_265] : memref<10752x128xf32, #tpu.memory_space<vmem_shared>> -> memref<24x128xf32, #tpu.memory_space<vmem_shared>>
      %dma_wait3A_267 = arith.constant 0 : i32
      %dma_wait3A_268 = tpu.memref_slice %arg22[%add3A_16, %dma_wait3A_267] : memref<10752x128xf32, #tpu.memory_space<vmem_shared>> -> memref<24x128xf32, #tpu.memory_space<vmem_shared>>
      tpu.wait_dma2 semaphore(%run_scoped3A : memref<!tpu.dma_semaphore, #tpu.memory_space<semaphore_mem>>) src(%arg21 : memref<24x128xf32, #tpu.memory_space<vmem>>) dst(%dma_wait3A_268 : memref<24x128xf32, #tpu.memory_space<vmem_shared>>)
      tpu.yield
    }) : () -> ()
    %mul3A_17 = arith.constant 672 : i32
    %mul3A_18 = arith.muli %arg1, %mul3A_17 : i32
    %add3A_19 = arith.constant 48 : i32
    %add3A_20 = arith.addi %mul3A_18, %add3A_19 : i32
    "tpu.region"() ({
      %run_scoped3A = tpu.sem_alloc : memref<!tpu.dma_semaphore, #tpu.memory_space<semaphore_mem>>
      %dma_start3A_261 = arith.constant 0 : i32
      %dma_start3A_262 = tpu.memref_slice %arg22[%add3A_20, %dma_start3A_261] : memref<10752x128xf32, #tpu.memory_space<vmem_shared>> -> memref<24x128xf32, #tpu.memory_space<vmem_shared>>
      %dma_start3A_263 = arith.constant 0 : i32
      %dma_start3A_264 = tpu.memref_slice %arg22[%add3A_20, %dma_start3A_263] : memref<10752x128xf32, #tpu.memory_space<vmem_shared>> -> memref<24x128xf32, #tpu.memory_space<vmem_shared>>
      tpu.enqueue_dma source(%arg21 : memref<24x128xf32, #tpu.memory_space<vmem>>) target(%dma_start3A_264 : memref<24x128xf32, #tpu.memory_space<vmem_shared>>) target_semaphore(%run_scoped3A : memref<!tpu.dma_semaphore, #tpu.memory_space<semaphore_mem>>)
      %dma_wait3A_265 = arith.constant 0 : i32
      %dma_wait3A_266 = tpu.memref_slice %arg22[%add3A_20, %dma_wait3A_265] : memref<10752x128xf32, #tpu.memory_space<vmem_shared>> -> memref<24x128xf32, #tpu.memory_space<vmem_shared>>
      %dma_wait3A_267 = arith.constant 0 : i32
      %dma_wait3A_268 = tpu.memref_slice %arg22[%add3A_20, %dma_wait3A_267] : memref<10752x128xf32, #tpu.memory_space<vmem_shared>> -> memref<24x128xf32, #tpu.memory_space<vmem_shared>>
      tpu.wait_dma2 semaphore(%run_scoped3A : memref<!tpu.dma_semaphore, #tpu.memory_space<semaphore_mem>>) src(%arg21 : memref<24x128xf32, #tpu.memory_space<vmem>>) dst(%dma_wait3A_268 : memref<24x128xf32, #tpu.memory_space<vmem_shared>>)
      tpu.yield
    }) : () -> ()
    %mul3A_21 = arith.constant 672 : i32
    %mul3A_22 = arith.muli %arg1, %mul3A_21 : i32
    %add3A_23 = arith.constant 72 : i32
    %add3A_24 = arith.addi %mul3A_22, %add3A_23 : i32
    "tpu.region"() ({
      %run_scoped3A = tpu.sem_alloc : memref<!tpu.dma_semaphore, #tpu.memory_space<semaphore_mem>>
      %dma_start3A_261 = arith.constant 0 : i32
      %dma_start3A_262 = tpu.memref_slice %arg22[%add3A_24, %dma_start3A_261] : memref<10752x128xf32, #tpu.memory_space<vmem_shared>> -> memref<24x128xf32, #tpu.memory_space<vmem_shared>>
      %dma_start3A_263 = arith.constant 0 : i32
      %dma_start3A_264 = tpu.memref_slice %arg22[%add3A_24, %dma_start3A_263] : memref<10752x128xf32, #tpu.memory_space<vmem_shared>> -> memref<24x128xf32, #tpu.memory_space<vmem_shared>>
      tpu.enqueue_dma source(%arg21 : memref<24x128xf32, #tpu.memory_space<vmem>>) target(%dma_start3A_264 : memref<24x128xf32, #tpu.memory_space<vmem_shared>>) target_semaphore(%run_scoped3A : memref<!tpu.dma_semaphore, #tpu.memory_space<semaphore_mem>>)
      %dma_wait3A_265 = arith.constant 0 : i32
      %dma_wait3A_266 = tpu.memref_slice %arg22[%add3A_24, %dma_wait3A_265] : memref<10752x128xf32, #tpu.memory_space<vmem_shared>> -> memref<24x128xf32, #tpu.memory_space<vmem_shared>>
      %dma_wait3A_267 = arith.constant 0 : i32
      %dma_wait3A_268 = tpu.memref_slice %arg22[%add3A_24, %dma_wait3A_267] : memref<10752x128xf32, #tpu.memory_space<vmem_shared>> -> memref<24x128xf32, #tpu.memory_space<vmem_shared>>
      tpu.wait_dma2 semaphore(%run_scoped3A : memref<!tpu.dma_semaphore, #tpu.memory_space<semaphore_mem>>) src(%arg21 : memref<24x128xf32, #tpu.memory_space<vmem>>) dst(%dma_wait3A_268 : memref<24x128xf32, #tpu.memory_space<vmem_shared>>)
      tpu.yield
    }) : () -> ()
    %mul3A_25 = arith.constant 672 : i32
    %mul3A_26 = arith.muli %arg1, %mul3A_25 : i32
    %add3A_27 = arith.constant 96 : i32
    %add3A_28 = arith.addi %mul3A_26, %add3A_27 : i32
    "tpu.region"() ({
      %run_scoped3A = tpu.sem_alloc : memref<!tpu.dma_semaphore, #tpu.memory_space<semaphore_mem>>
      %dma_start3A_261 = arith.constant 0 : i32
      %dma_start3A_262 = tpu.memref_slice %arg22[%add3A_28, %dma_start3A_261] : memref<10752x128xf32, #tpu.memory_space<vmem_shared>> -> memref<24x128xf32, #tpu.memory_space<vmem_shared>>
      %dma_start3A_263 = arith.constant 0 : i32
      %dma_start3A_264 = tpu.memref_slice %arg22[%add3A_28, %dma_start3A_263] : memref<10752x128xf32, #tpu.memory_space<vmem_shared>> -> memref<24x128xf32, #tpu.memory_space<vmem_shared>>
      tpu.enqueue_dma source(%arg21 : memref<24x128xf32, #tpu.memory_space<vmem>>) target(%dma_start3A_264 : memref<24x128xf32, #tpu.memory_space<vmem_shared>>) target_semaphore(%run_scoped3A : memref<!tpu.dma_semaphore, #tpu.memory_space<semaphore_mem>>)
      %dma_wait3A_265 = arith.constant 0 : i32
      %dma_wait3A_266 = tpu.memref_slice %arg22[%add3A_28, %dma_wait3A_265] : memref<10752x128xf32, #tpu.memory_space<vmem_shared>> -> memref<24x128xf32, #tpu.memory_space<vmem_shared>>
      %dma_wait3A_267 = arith.constant 0 : i32
      %dma_wait3A_268 = tpu.memref_slice %arg22[%add3A_28, %dma_wait3A_267] : memref<10752x128xf32, #tpu.memory_space<vmem_shared>> -> memref<24x128xf32, #tpu.memory_space<vmem_shared>>
      tpu.wait_dma2 semaphore(%run_scoped3A : memref<!tpu.dma_semaphore, #tpu.memory_space<semaphore_mem>>) src(%arg21 : memref<24x128xf32, #tpu.memory_space<vmem>>) dst(%dma_wait3A_268 : memref<24x128xf32, #tpu.memory_space<vmem_shared>>)
      tpu.yield
    }) : () -> ()
    %mul3A_29 = arith.constant 672 : i32
    %mul3A_30 = arith.muli %arg1, %mul3A_29 : i32
    %add3A_31 = arith.constant 120 : i32
    %add3A_32 = arith.addi %mul3A_30, %add3A_31 : i32
    "tpu.region"() ({
      %run_scoped3A = tpu.sem_alloc : memref<!tpu.dma_semaphore, #tpu.memory_space<semaphore_mem>>
      %dma_start3A_261 = arith.constant 0 : i32
      %dma_start3A_262 = tpu.memref_slice %arg22[%add3A_32, %dma_start3A_261] : memref<10752x128xf32, #tpu.memory_space<vmem_shared>> -> memref<24x128xf32, #tpu.memory_space<vmem_shared>>
      %dma_start3A_263 = arith.constant 0 : i32
      %dma_start3A_264 = tpu.memref_slice %arg22[%add3A_32, %dma_start3A_263] : memref<10752x128xf32, #tpu.memory_space<vmem_shared>> -> memref<24x128xf32, #tpu.memory_space<vmem_shared>>
      tpu.enqueue_dma source(%arg21 : memref<24x128xf32, #tpu.memory_space<vmem>>) target(%dma_start3A_264 : memref<24x128xf32, #tpu.memory_space<vmem_shared>>) target_semaphore(%run_scoped3A : memref<!tpu.dma_semaphore, #tpu.memory_space<semaphore_mem>>)
      %dma_wait3A_265 = arith.constant 0 : i32
      %dma_wait3A_266 = tpu.memref_slice %arg22[%add3A_32, %dma_wait3A_265] : memref<10752x128xf32, #tpu.memory_space<vmem_shared>> -> memref<24x128xf32, #tpu.memory_space<vmem_shared>>
      %dma_wait3A_267 = arith.constant 0 : i32
      %dma_wait3A_268 = tpu.memref_slice %arg22[%add3A_32, %dma_wait3A_267] : memref<10752x128xf32, #tpu.memory_space<vmem_shared>> -> memref<24x128xf32, #tpu.memory_space<vmem_shared>>
      tpu.wait_dma2 semaphore(%run_scoped3A : memref<!tpu.dma_semaphore, #tpu.memory_space<semaphore_mem>>) src(%arg21 : memref<24x128xf32, #tpu.memory_space<vmem>>) dst(%dma_wait3A_268 : memref<24x128xf32, #tpu.memory_space<vmem_shared>>)
      tpu.yield
    }) : () -> ()
    %mul3A_33 = arith.constant 672 : i32
    %mul3A_34 = arith.muli %arg1, %mul3A_33 : i32
    %add3A_35 = arith.constant 144 : i32
    %add3A_36 = arith.addi %mul3A_34, %add3A_35 : i32
    "tpu.region"() ({
      %run_scoped3A = tpu.sem_alloc : memref<!tpu.dma_semaphore, #tpu.memory_space<semaphore_mem>>
      %dma_start3A_261 = arith.constant 0 : i32
      %dma_start3A_262 = tpu.memref_slice %arg22[%add3A_36, %dma_start3A_261] : memref<10752x128xf32, #tpu.memory_space<vmem_shared>> -> memref<24x128xf32, #tpu.memory_space<vmem_shared>>
      %dma_start3A_263 = arith.constant 0 : i32
      %dma_start3A_264 = tpu.memref_slice %arg22[%add3A_36, %dma_start3A_263] : memref<10752x128xf32, #tpu.memory_space<vmem_shared>> -> memref<24x128xf32, #tpu.memory_space<vmem_shared>>
      tpu.enqueue_dma source(%arg21 : memref<24x128xf32, #tpu.memory_space<vmem>>) target(%dma_start3A_264 : memref<24x128xf32, #tpu.memory_space<vmem_shared>>) target_semaphore(%run_scoped3A : memref<!tpu.dma_semaphore, #tpu.memory_space<semaphore_mem>>)
      %dma_wait3A_265 = arith.constant 0 : i32
      %dma_wait3A_266 = tpu.memref_slice %arg22[%add3A_36, %dma_wait3A_265] : memref<10752x128xf32, #tpu.memory_space<vmem_shared>> -> memref<24x128xf32, #tpu.memory_space<vmem_shared>>
      %dma_wait3A_267 = arith.constant 0 : i32
      %dma_wait3A_268 = tpu.memref_slice %arg22[%add3A_36, %dma_wait3A_267] : memref<10752x128xf32, #tpu.memory_space<vmem_shared>> -> memref<24x128xf32, #tpu.memory_space<vmem_shared>>
      tpu.wait_dma2 semaphore(%run_scoped3A : memref<!tpu.dma_semaphore, #tpu.memory_space<semaphore_mem>>) src(%arg21 : memref<24x128xf32, #tpu.memory_space<vmem>>) dst(%dma_wait3A_268 : memref<24x128xf32, #tpu.memory_space<vmem_shared>>)
      tpu.yield
    }) : () -> ()
    %mul3A_37 = arith.constant 672 : i32
    %mul3A_38 = arith.muli %arg1, %mul3A_37 : i32
    %add3A_39 = arith.constant 168 : i32
    %add3A_40 = arith.addi %mul3A_38, %add3A_39 : i32
    "tpu.region"() ({
      %run_scoped3A = tpu.sem_alloc : memref<!tpu.dma_semaphore, #tpu.memory_space<semaphore_mem>>
      %dma_start3A_261 = arith.constant 0 : i32
      %dma_start3A_262 = tpu.memref_slice %arg22[%add3A_40, %dma_start3A_261] : memref<10752x128xf32, #tpu.memory_space<vmem_shared>> -> memref<24x128xf32, #tpu.memory_space<vmem_shared>>
      %dma_start3A_263 = arith.constant 0 : i32
      %dma_start3A_264 = tpu.memref_slice %arg22[%add3A_40, %dma_start3A_263] : memref<10752x128xf32, #tpu.memory_space<vmem_shared>> -> memref<24x128xf32, #tpu.memory_space<vmem_shared>>
      tpu.enqueue_dma source(%arg21 : memref<24x128xf32, #tpu.memory_space<vmem>>) target(%dma_start3A_264 : memref<24x128xf32, #tpu.memory_space<vmem_shared>>) target_semaphore(%run_scoped3A : memref<!tpu.dma_semaphore, #tpu.memory_space<semaphore_mem>>)
      %dma_wait3A_265 = arith.constant 0 : i32
      %dma_wait3A_266 = tpu.memref_slice %arg22[%add3A_40, %dma_wait3A_265] : memref<10752x128xf32, #tpu.memory_space<vmem_shared>> -> memref<24x128xf32, #tpu.memory_space<vmem_shared>>
      %dma_wait3A_267 = arith.constant 0 : i32
      %dma_wait3A_268 = tpu.memref_slice %arg22[%add3A_40, %dma_wait3A_267] : memref<10752x128xf32, #tpu.memory_space<vmem_shared>> -> memref<24x128xf32, #tpu.memory_space<vmem_shared>>
      tpu.wait_dma2 semaphore(%run_scoped3A : memref<!tpu.dma_semaphore, #tpu.memory_space<semaphore_mem>>) src(%arg21 : memref<24x128xf32, #tpu.memory_space<vmem>>) dst(%dma_wait3A_268 : memref<24x128xf32, #tpu.memory_space<vmem_shared>>)
      tpu.yield
    }) : () -> ()
    %mul3A_41 = arith.constant 672 : i32
    %mul3A_42 = arith.muli %arg1, %mul3A_41 : i32
    %add3A_43 = arith.constant 192 : i32
    %add3A_44 = arith.addi %mul3A_42, %add3A_43 : i32
    "tpu.region"() ({
      %run_scoped3A = tpu.sem_alloc : memref<!tpu.dma_semaphore, #tpu.memory_space<semaphore_mem>>
      %dma_start3A_261 = arith.constant 0 : i32
      %dma_start3A_262 = tpu.memref_slice %arg22[%add3A_44, %dma_start3A_261] : memref<10752x128xf32, #tpu.memory_space<vmem_shared>> -> memref<24x128xf32, #tpu.memory_space<vmem_shared>>
      %dma_start3A_263 = arith.constant 0 : i32
      %dma_start3A_264 = tpu.memref_slice %arg22[%add3A_44, %dma_start3A_263] : memref<10752x128xf32, #tpu.memory_space<vmem_shared>> -> memref<24x128xf32, #tpu.memory_space<vmem_shared>>
      tpu.enqueue_dma source(%arg21 : memref<24x128xf32, #tpu.memory_space<vmem>>) target(%dma_start3A_264 : memref<24x128xf32, #tpu.memory_space<vmem_shared>>) target_semaphore(%run_scoped3A : memref<!tpu.dma_semaphore, #tpu.memory_space<semaphore_mem>>)
      %dma_wait3A_265 = arith.constant 0 : i32
      %dma_wait3A_266 = tpu.memref_slice %arg22[%add3A_44, %dma_wait3A_265] : memref<10752x128xf32, #tpu.memory_space<vmem_shared>> -> memref<24x128xf32, #tpu.memory_space<vmem_shared>>
      %dma_wait3A_267 = arith.constant 0 : i32
      %dma_wait3A_268 = tpu.memref_slice %arg22[%add3A_44, %dma_wait3A_267] : memref<10752x128xf32, #tpu.memory_space<vmem_shared>> -> memref<24x128xf32, #tpu.memory_space<vmem_shared>>
      tpu.wait_dma2 semaphore(%run_scoped3A : memref<!tpu.dma_semaphore, #tpu.memory_space<semaphore_mem>>) src(%arg21 : memref<24x128xf32, #tpu.memory_space<vmem>>) dst(%dma_wait3A_268 : memref<24x128xf32, #tpu.memory_space<vmem_shared>>)
      tpu.yield
    }) : () -> ()
    %mul3A_45 = arith.constant 672 : i32
    %mul3A_46 = arith.muli %arg1, %mul3A_45 : i32
    %add3A_47 = arith.constant 216 : i32
    %add3A_48 = arith.addi %mul3A_46, %add3A_47 : i32
    "tpu.region"() ({
      %run_scoped3A = tpu.sem_alloc : memref<!tpu.dma_semaphore, #tpu.memory_space<semaphore_mem>>
      %dma_start3A_261 = arith.constant 0 : i32
      %dma_start3A_262 = tpu.memref_slice %arg22[%add3A_48, %dma_start3A_261] : memref<10752x128xf32, #tpu.memory_space<vmem_shared>> -> memref<24x128xf32, #tpu.memory_space<vmem_shared>>
      %dma_start3A_263 = arith.constant 0 : i32
      %dma_start3A_264 = tpu.memref_slice %arg22[%add3A_48, %dma_start3A_263] : memref<10752x128xf32, #tpu.memory_space<vmem_shared>> -> memref<24x128xf32, #tpu.memory_space<vmem_shared>>
      tpu.enqueue_dma source(%arg21 : memref<24x128xf32, #tpu.memory_space<vmem>>) target(%dma_start3A_264 : memref<24x128xf32, #tpu.memory_space<vmem_shared>>) target_semaphore(%run_scoped3A : memref<!tpu.dma_semaphore, #tpu.memory_space<semaphore_mem>>)
      %dma_wait3A_265 = arith.constant 0 : i32
      %dma_wait3A_266 = tpu.memref_slice %arg22[%add3A_48, %dma_wait3A_265] : memref<10752x128xf32, #tpu.memory_space<vmem_shared>> -> memref<24x128xf32, #tpu.memory_space<vmem_shared>>
      %dma_wait3A_267 = arith.constant 0 : i32
      %dma_wait3A_268 = tpu.memref_slice %arg22[%add3A_48, %dma_wait3A_267] : memref<10752x128xf32, #tpu.memory_space<vmem_shared>> -> memref<24x128xf32, #tpu.memory_space<vmem_shared>>
      tpu.wait_dma2 semaphore(%run_scoped3A : memref<!tpu.dma_semaphore, #tpu.memory_space<semaphore_mem>>) src(%arg21 : memref<24x128xf32, #tpu.memory_space<vmem>>) dst(%dma_wait3A_268 : memref<24x128xf32, #tpu.memory_space<vmem_shared>>)
      tpu.yield
    }) : () -> ()
    %mul3A_49 = arith.constant 672 : i32
    %mul3A_50 = arith.muli %arg1, %mul3A_49 : i32
    %add3A_51 = arith.constant 240 : i32
    %add3A_52 = arith.addi %mul3A_50, %add3A_51 : i32
    "tpu.region"() ({
      %run_scoped3A = tpu.sem_alloc : memref<!tpu.dma_semaphore, #tpu.memory_space<semaphore_mem>>
      %dma_start3A_261 = arith.constant 0 : i32
      %dma_start3A_262 = tpu.memref_slice %arg22[%add3A_52, %dma_start3A_261] : memref<10752x128xf32, #tpu.memory_space<vmem_shared>> -> memref<24x128xf32, #tpu.memory_space<vmem_shared>>
      %dma_start3A_263 = arith.constant 0 : i32
      %dma_start3A_264 = tpu.memref_slice %arg22[%add3A_52, %dma_start3A_263] : memref<10752x128xf32, #tpu.memory_space<vmem_shared>> -> memref<24x128xf32, #tpu.memory_space<vmem_shared>>
      tpu.enqueue_dma source(%arg21 : memref<24x128xf32, #tpu.memory_space<vmem>>) target(%dma_start3A_264 : memref<24x128xf32, #tpu.memory_space<vmem_shared>>) target_semaphore(%run_scoped3A : memref<!tpu.dma_semaphore, #tpu.memory_space<semaphore_mem>>)
      %dma_wait3A_265 = arith.constant 0 : i32
      %dma_wait3A_266 = tpu.memref_slice %arg22[%add3A_52, %dma_wait3A_265] : memref<10752x128xf32, #tpu.memory_space<vmem_shared>> -> memref<24x128xf32, #tpu.memory_space<vmem_shared>>
      %dma_wait3A_267 = arith.constant 0 : i32
      %dma_wait3A_268 = tpu.memref_slice %arg22[%add3A_52, %dma_wait3A_267] : memref<10752x128xf32, #tpu.memory_space<vmem_shared>> -> memref<24x128xf32, #tpu.memory_space<vmem_shared>>
      tpu.wait_dma2 semaphore(%run_scoped3A : memref<!tpu.dma_semaphore, #tpu.memory_space<semaphore_mem>>) src(%arg21 : memref<24x128xf32, #tpu.memory_space<vmem>>) dst(%dma_wait3A_268 : memref<24x128xf32, #tpu.memory_space<vmem_shared>>)
      tpu.yield
    }) : () -> ()
    %mul3A_53 = arith.constant 672 : i32
    %mul3A_54 = arith.muli %arg1, %mul3A_53 : i32
    %add3A_55 = arith.constant 264 : i32
    %add3A_56 = arith.addi %mul3A_54, %add3A_55 : i32
    "tpu.region"() ({
      %run_scoped3A = tpu.sem_alloc : memref<!tpu.dma_semaphore, #tpu.memory_space<semaphore_mem>>
      %dma_start3A_261 = arith.constant 0 : i32
      %dma_start3A_262 = tpu.memref_slice %arg22[%add3A_56, %dma_start3A_261] : memref<10752x128xf32, #tpu.memory_space<vmem_shared>> -> memref<24x128xf32, #tpu.memory_space<vmem_shared>>
      %dma_start3A_263 = arith.constant 0 : i32
      %dma_start3A_264 = tpu.memref_slice %arg22[%add3A_56, %dma_start3A_263] : memref<10752x128xf32, #tpu.memory_space<vmem_shared>> -> memref<24x128xf32, #tpu.memory_space<vmem_shared>>
      tpu.enqueue_dma source(%arg21 : memref<24x128xf32, #tpu.memory_space<vmem>>) target(%dma_start3A_264 : memref<24x128xf32, #tpu.memory_space<vmem_shared>>) target_semaphore(%run_scoped3A : memref<!tpu.dma_semaphore, #tpu.memory_space<semaphore_mem>>)
      %dma_wait3A_265 = arith.constant 0 : i32
      %dma_wait3A_266 = tpu.memref_slice %arg22[%add3A_56, %dma_wait3A_265] : memref<10752x128xf32, #tpu.memory_space<vmem_shared>> -> memref<24x128xf32, #tpu.memory_space<vmem_shared>>
      %dma_wait3A_267 = arith.constant 0 : i32
      %dma_wait3A_268 = tpu.memref_slice %arg22[%add3A_56, %dma_wait3A_267] : memref<10752x128xf32, #tpu.memory_space<vmem_shared>> -> memref<24x128xf32, #tpu.memory_space<vmem_shared>>
      tpu.wait_dma2 semaphore(%run_scoped3A : memref<!tpu.dma_semaphore, #tpu.memory_space<semaphore_mem>>) src(%arg21 : memref<24x128xf32, #tpu.memory_space<vmem>>) dst(%dma_wait3A_268 : memref<24x128xf32, #tpu.memory_space<vmem_shared>>)
      tpu.yield
    }) : () -> ()
    %mul3A_57 = arith.constant 672 : i32
    %mul3A_58 = arith.muli %arg1, %mul3A_57 : i32
    %add3A_59 = arith.constant 288 : i32
    %add3A_60 = arith.addi %mul3A_58, %add3A_59 : i32
    "tpu.region"() ({
      %run_scoped3A = tpu.sem_alloc : memref<!tpu.dma_semaphore, #tpu.memory_space<semaphore_mem>>
      %dma_start3A_261 = arith.constant 0 : i32
      %dma_start3A_262 = tpu.memref_slice %arg22[%add3A_60, %dma_start3A_261] : memref<10752x128xf32, #tpu.memory_space<vmem_shared>> -> memref<24x128xf32, #tpu.memory_space<vmem_shared>>
      %dma_start3A_263 = arith.constant 0 : i32
      %dma_start3A_264 = tpu.memref_slice %arg22[%add3A_60, %dma_start3A_263] : memref<10752x128xf32, #tpu.memory_space<vmem_shared>> -> memref<24x128xf32, #tpu.memory_space<vmem_shared>>
      tpu.enqueue_dma source(%arg21 : memref<24x128xf32, #tpu.memory_space<vmem>>) target(%dma_start3A_264 : memref<24x128xf32, #tpu.memory_space<vmem_shared>>) target_semaphore(%run_scoped3A : memref<!tpu.dma_semaphore, #tpu.memory_space<semaphore_mem>>)
      %dma_wait3A_265 = arith.constant 0 : i32
      %dma_wait3A_266 = tpu.memref_slice %arg22[%add3A_60, %dma_wait3A_265] : memref<10752x128xf32, #tpu.memory_space<vmem_shared>> -> memref<24x128xf32, #tpu.memory_space<vmem_shared>>
      %dma_wait3A_267 = arith.constant 0 : i32
      %dma_wait3A_268 = tpu.memref_slice %arg22[%add3A_60, %dma_wait3A_267] : memref<10752x128xf32, #tpu.memory_space<vmem_shared>> -> memref<24x128xf32, #tpu.memory_space<vmem_shared>>
      tpu.wait_dma2 semaphore(%run_scoped3A : memref<!tpu.dma_semaphore, #tpu.memory_space<semaphore_mem>>) src(%arg21 : memref<24x128xf32, #tpu.memory_space<vmem>>) dst(%dma_wait3A_268 : memref<24x128xf32, #tpu.memory_space<vmem_shared>>)
      tpu.yield
    }) : () -> ()
    %mul3A_61 = arith.constant 672 : i32
    %mul3A_62 = arith.muli %arg1, %mul3A_61 : i32
    %add3A_63 = arith.constant 312 : i32
    %add3A_64 = arith.addi %mul3A_62, %add3A_63 : i32
    "tpu.region"() ({
      %run_scoped3A = tpu.sem_alloc : memref<!tpu.dma_semaphore, #tpu.memory_space<semaphore_mem>>
      %dma_start3A_261 = arith.constant 0 : i32
      %dma_start3A_262 = tpu.memref_slice %arg22[%add3A_64, %dma_start3A_261] : memref<10752x128xf32, #tpu.memory_space<vmem_shared>> -> memref<24x128xf32, #tpu.memory_space<vmem_shared>>
      %dma_start3A_263 = arith.constant 0 : i32
      %dma_start3A_264 = tpu.memref_slice %arg22[%add3A_64, %dma_start3A_263] : memref<10752x128xf32, #tpu.memory_space<vmem_shared>> -> memref<24x128xf32, #tpu.memory_space<vmem_shared>>
      tpu.enqueue_dma source(%arg21 : memref<24x128xf32, #tpu.memory_space<vmem>>) target(%dma_start3A_264 : memref<24x128xf32, #tpu.memory_space<vmem_shared>>) target_semaphore(%run_scoped3A : memref<!tpu.dma_semaphore, #tpu.memory_space<semaphore_mem>>)
      %dma_wait3A_265 = arith.constant 0 : i32
      %dma_wait3A_266 = tpu.memref_slice %arg22[%add3A_64, %dma_wait3A_265] : memref<10752x128xf32, #tpu.memory_space<vmem_shared>> -> memref<24x128xf32, #tpu.memory_space<vmem_shared>>
      %dma_wait3A_267 = arith.constant 0 : i32
      %dma_wait3A_268 = tpu.memref_slice %arg22[%add3A_64, %dma_wait3A_267] : memref<10752x128xf32, #tpu.memory_space<vmem_shared>> -> memref<24x128xf32, #tpu.memory_space<vmem_shared>>
      tpu.wait_dma2 semaphore(%run_scoped3A : memref<!tpu.dma_semaphore, #tpu.memory_space<semaphore_mem>>) src(%arg21 : memref<24x128xf32, #tpu.memory_space<vmem>>) dst(%dma_wait3A_268 : memref<24x128xf32, #tpu.memory_space<vmem_shared>>)
      tpu.yield
    }) : () -> ()
    %mul3A_65 = arith.constant 672 : i32
    %mul3A_66 = arith.muli %arg1, %mul3A_65 : i32
    %add3A_67 = arith.constant 336 : i32
    %add3A_68 = arith.addi %mul3A_66, %add3A_67 : i32
    "tpu.region"() ({
      %run_scoped3A = tpu.sem_alloc : memref<!tpu.dma_semaphore, #tpu.memory_space<semaphore_mem>>
      %dma_start3A_261 = arith.constant 0 : i32
      %dma_start3A_262 = tpu.memref_slice %arg22[%add3A_68, %dma_start3A_261] : memref<10752x128xf32, #tpu.memory_space<vmem_shared>> -> memref<24x128xf32, #tpu.memory_space<vmem_shared>>
      %dma_start3A_263 = arith.constant 0 : i32
      %dma_start3A_264 = tpu.memref_slice %arg22[%add3A_68, %dma_start3A_263] : memref<10752x128xf32, #tpu.memory_space<vmem_shared>> -> memref<24x128xf32, #tpu.memory_space<vmem_shared>>
      tpu.enqueue_dma source(%arg21 : memref<24x128xf32, #tpu.memory_space<vmem>>) target(%dma_start3A_264 : memref<24x128xf32, #tpu.memory_space<vmem_shared>>) target_semaphore(%run_scoped3A : memref<!tpu.dma_semaphore, #tpu.memory_space<semaphore_mem>>)
      %dma_wait3A_265 = arith.constant 0 : i32
      %dma_wait3A_266 = tpu.memref_slice %arg22[%add3A_68, %dma_wait3A_265] : memref<10752x128xf32, #tpu.memory_space<vmem_shared>> -> memref<24x128xf32, #tpu.memory_space<vmem_shared>>
      %dma_wait3A_267 = arith.constant 0 : i32
      %dma_wait3A_268 = tpu.memref_slice %arg22[%add3A_68, %dma_wait3A_267] : memref<10752x128xf32, #tpu.memory_space<vmem_shared>> -> memref<24x128xf32, #tpu.memory_space<vmem_shared>>
      tpu.wait_dma2 semaphore(%run_scoped3A : memref<!tpu.dma_semaphore, #tpu.memory_space<semaphore_mem>>) src(%arg21 : memref<24x128xf32, #tpu.memory_space<vmem>>) dst(%dma_wait3A_268 : memref<24x128xf32, #tpu.memory_space<vmem_shared>>)
      tpu.yield
    }) : () -> ()
    %mul3A_69 = arith.constant 672 : i32
    %mul3A_70 = arith.muli %arg1, %mul3A_69 : i32
    %add3A_71 = arith.constant 360 : i32
    %add3A_72 = arith.addi %mul3A_70, %add3A_71 : i32
    "tpu.region"() ({
      %run_scoped3A = tpu.sem_alloc : memref<!tpu.dma_semaphore, #tpu.memory_space<semaphore_mem>>
      %dma_start3A_261 = arith.constant 0 : i32
      %dma_start3A_262 = tpu.memref_slice %arg22[%add3A_72, %dma_start3A_261] : memref<10752x128xf32, #tpu.memory_space<vmem_shared>> -> memref<24x128xf32, #tpu.memory_space<vmem_shared>>
      %dma_start3A_263 = arith.constant 0 : i32
      %dma_start3A_264 = tpu.memref_slice %arg22[%add3A_72, %dma_start3A_263] : memref<10752x128xf32, #tpu.memory_space<vmem_shared>> -> memref<24x128xf32, #tpu.memory_space<vmem_shared>>
      tpu.enqueue_dma source(%arg21 : memref<24x128xf32, #tpu.memory_space<vmem>>) target(%dma_start3A_264 : memref<24x128xf32, #tpu.memory_space<vmem_shared>>) target_semaphore(%run_scoped3A : memref<!tpu.dma_semaphore, #tpu.memory_space<semaphore_mem>>)
      %dma_wait3A_265 = arith.constant 0 : i32
      %dma_wait3A_266 = tpu.memref_slice %arg22[%add3A_72, %dma_wait3A_265] : memref<10752x128xf32, #tpu.memory_space<vmem_shared>> -> memref<24x128xf32, #tpu.memory_space<vmem_shared>>
      %dma_wait3A_267 = arith.constant 0 : i32
      %dma_wait3A_268 = tpu.memref_slice %arg22[%add3A_72, %dma_wait3A_267] : memref<10752x128xf32, #tpu.memory_space<vmem_shared>> -> memref<24x128xf32, #tpu.memory_space<vmem_shared>>
      tpu.wait_dma2 semaphore(%run_scoped3A : memref<!tpu.dma_semaphore, #tpu.memory_space<semaphore_mem>>) src(%arg21 : memref<24x128xf32, #tpu.memory_space<vmem>>) dst(%dma_wait3A_268 : memref<24x128xf32, #tpu.memory_space<vmem_shared>>)
      tpu.yield
    }) : () -> ()
    %mul3A_73 = arith.constant 672 : i32
    %mul3A_74 = arith.muli %arg1, %mul3A_73 : i32
    %add3A_75 = arith.constant 384 : i32
    %add3A_76 = arith.addi %mul3A_74, %add3A_75 : i32
    "tpu.region"() ({
      %run_scoped3A = tpu.sem_alloc : memref<!tpu.dma_semaphore, #tpu.memory_space<semaphore_mem>>
      %dma_start3A_261 = arith.constant 0 : i32
      %dma_start3A_262 = tpu.memref_slice %arg22[%add3A_76, %dma_start3A_261] : memref<10752x128xf32, #tpu.memory_space<vmem_shared>> -> memref<24x128xf32, #tpu.memory_space<vmem_shared>>
      %dma_start3A_263 = arith.constant 0 : i32
      %dma_start3A_264 = tpu.memref_slice %arg22[%add3A_76, %dma_start3A_263] : memref<10752x128xf32, #tpu.memory_space<vmem_shared>> -> memref<24x128xf32, #tpu.memory_space<vmem_shared>>
      tpu.enqueue_dma source(%arg21 : memref<24x128xf32, #tpu.memory_space<vmem>>) target(%dma_start3A_264 : memref<24x128xf32, #tpu.memory_space<vmem_shared>>) target_semaphore(%run_scoped3A : memref<!tpu.dma_semaphore, #tpu.memory_space<semaphore_mem>>)
      %dma_wait3A_265 = arith.constant 0 : i32
      %dma_wait3A_266 = tpu.memref_slice %arg22[%add3A_76, %dma_wait3A_265] : memref<10752x128xf32, #tpu.memory_space<vmem_shared>> -> memref<24x128xf32, #tpu.memory_space<vmem_shared>>
      %dma_wait3A_267 = arith.constant 0 : i32
      %dma_wait3A_268 = tpu.memref_slice %arg22[%add3A_76, %dma_wait3A_267] : memref<10752x128xf32, #tpu.memory_space<vmem_shared>> -> memref<24x128xf32, #tpu.memory_space<vmem_shared>>
      tpu.wait_dma2 semaphore(%run_scoped3A : memref<!tpu.dma_semaphore, #tpu.memory_space<semaphore_mem>>) src(%arg21 : memref<24x128xf32, #tpu.memory_space<vmem>>) dst(%dma_wait3A_268 : memref<24x128xf32, #tpu.memory_space<vmem_shared>>)
      tpu.yield
    }) : () -> ()
    %mul3A_77 = arith.constant 672 : i32
    %mul3A_78 = arith.muli %arg1, %mul3A_77 : i32
    %add3A_79 = arith.constant 408 : i32
    %add3A_80 = arith.addi %mul3A_78, %add3A_79 : i32
    "tpu.region"() ({
      %run_scoped3A = tpu.sem_alloc : memref<!tpu.dma_semaphore, #tpu.memory_space<semaphore_mem>>
      %dma_start3A_261 = arith.constant 0 : i32
      %dma_start3A_262 = tpu.memref_slice %arg22[%add3A_80, %dma_start3A_261] : memref<10752x128xf32, #tpu.memory_space<vmem_shared>> -> memref<24x128xf32, #tpu.memory_space<vmem_shared>>
      %dma_start3A_263 = arith.constant 0 : i32
      %dma_start3A_264 = tpu.memref_slice %arg22[%add3A_80, %dma_start3A_263] : memref<10752x128xf32, #tpu.memory_space<vmem_shared>> -> memref<24x128xf32, #tpu.memory_space<vmem_shared>>
      tpu.enqueue_dma source(%arg21 : memref<24x128xf32, #tpu.memory_space<vmem>>) target(%dma_start3A_264 : memref<24x128xf32, #tpu.memory_space<vmem_shared>>) target_semaphore(%run_scoped3A : memref<!tpu.dma_semaphore, #tpu.memory_space<semaphore_mem>>)
      %dma_wait3A_265 = arith.constant 0 : i32
      %dma_wait3A_266 = tpu.memref_slice %arg22[%add3A_80, %dma_wait3A_265] : memref<10752x128xf32, #tpu.memory_space<vmem_shared>> -> memref<24x128xf32, #tpu.memory_space<vmem_shared>>
      %dma_wait3A_267 = arith.constant 0 : i32
      %dma_wait3A_268 = tpu.memref_slice %arg22[%add3A_80, %dma_wait3A_267] : memref<10752x128xf32, #tpu.memory_space<vmem_shared>> -> memref<24x128xf32, #tpu.memory_space<vmem_shared>>
      tpu.wait_dma2 semaphore(%run_scoped3A : memref<!tpu.dma_semaphore, #tpu.memory_space<semaphore_mem>>) src(%arg21 : memref<24x128xf32, #tpu.memory_space<vmem>>) dst(%dma_wait3A_268 : memref<24x128xf32, #tpu.memory_space<vmem_shared>>)
      tpu.yield
    }) : () -> ()
    %mul3A_81 = arith.constant 672 : i32
    %mul3A_82 = arith.muli %arg1, %mul3A_81 : i32
    %add3A_83 = arith.constant 432 : i32
    %add3A_84 = arith.addi %mul3A_82, %add3A_83 : i32
    "tpu.region"() ({
      %run_scoped3A = tpu.sem_alloc : memref<!tpu.dma_semaphore, #tpu.memory_space<semaphore_mem>>
      %dma_start3A_261 = arith.constant 0 : i32
      %dma_start3A_262 = tpu.memref_slice %arg22[%add3A_84, %dma_start3A_261] : memref<10752x128xf32, #tpu.memory_space<vmem_shared>> -> memref<24x128xf32, #tpu.memory_space<vmem_shared>>
      %dma_start3A_263 = arith.constant 0 : i32
      %dma_start3A_264 = tpu.memref_slice %arg22[%add3A_84, %dma_start3A_263] : memref<10752x128xf32, #tpu.memory_space<vmem_shared>> -> memref<24x128xf32, #tpu.memory_space<vmem_shared>>
      tpu.enqueue_dma source(%arg21 : memref<24x128xf32, #tpu.memory_space<vmem>>) target(%dma_start3A_264 : memref<24x128xf32, #tpu.memory_space<vmem_shared>>) target_semaphore(%run_scoped3A : memref<!tpu.dma_semaphore, #tpu.memory_space<semaphore_mem>>)
      %dma_wait3A_265 = arith.constant 0 : i32
      %dma_wait3A_266 = tpu.memref_slice %arg22[%add3A_84, %dma_wait3A_265] : memref<10752x128xf32, #tpu.memory_space<vmem_shared>> -> memref<24x128xf32, #tpu.memory_space<vmem_shared>>
      %dma_wait3A_267 = arith.constant 0 : i32
      %dma_wait3A_268 = tpu.memref_slice %arg22[%add3A_84, %dma_wait3A_267] : memref<10752x128xf32, #tpu.memory_space<vmem_shared>> -> memref<24x128xf32, #tpu.memory_space<vmem_shared>>
      tpu.wait_dma2 semaphore(%run_scoped3A : memref<!tpu.dma_semaphore, #tpu.memory_space<semaphore_mem>>) src(%arg21 : memref<24x128xf32, #tpu.memory_space<vmem>>) dst(%dma_wait3A_268 : memref<24x128xf32, #tpu.memory_space<vmem_shared>>)
      tpu.yield
    }) : () -> ()
    %mul3A_85 = arith.constant 672 : i32
    %mul3A_86 = arith.muli %arg1, %mul3A_85 : i32
    %add3A_87 = arith.constant 456 : i32
    %add3A_88 = arith.addi %mul3A_86, %add3A_87 : i32
    "tpu.region"() ({
      %run_scoped3A = tpu.sem_alloc : memref<!tpu.dma_semaphore, #tpu.memory_space<semaphore_mem>>
      %dma_start3A_261 = arith.constant 0 : i32
      %dma_start3A_262 = tpu.memref_slice %arg22[%add3A_88, %dma_start3A_261] : memref<10752x128xf32, #tpu.memory_space<vmem_shared>> -> memref<24x128xf32, #tpu.memory_space<vmem_shared>>
      %dma_start3A_263 = arith.constant 0 : i32
      %dma_start3A_264 = tpu.memref_slice %arg22[%add3A_88, %dma_start3A_263] : memref<10752x128xf32, #tpu.memory_space<vmem_shared>> -> memref<24x128xf32, #tpu.memory_space<vmem_shared>>
      tpu.enqueue_dma source(%arg21 : memref<24x128xf32, #tpu.memory_space<vmem>>) target(%dma_start3A_264 : memref<24x128xf32, #tpu.memory_space<vmem_shared>>) target_semaphore(%run_scoped3A : memref<!tpu.dma_semaphore, #tpu.memory_space<semaphore_mem>>)
      %dma_wait3A_265 = arith.constant 0 : i32
      %dma_wait3A_266 = tpu.memref_slice %arg22[%add3A_88, %dma_wait3A_265] : memref<10752x128xf32, #tpu.memory_space<vmem_shared>> -> memref<24x128xf32, #tpu.memory_space<vmem_shared>>
      %dma_wait3A_267 = arith.constant 0 : i32
      %dma_wait3A_268 = tpu.memref_slice %arg22[%add3A_88, %dma_wait3A_267] : memref<10752x128xf32, #tpu.memory_space<vmem_shared>> -> memref<24x128xf32, #tpu.memory_space<vmem_shared>>
      tpu.wait_dma2 semaphore(%run_scoped3A : memref<!tpu.dma_semaphore, #tpu.memory_space<semaphore_mem>>) src(%arg21 : memref<24x128xf32, #tpu.memory_space<vmem>>) dst(%dma_wait3A_268 : memref<24x128xf32, #tpu.memory_space<vmem_shared>>)
      tpu.yield
    }) : () -> ()
    %mul3A_89 = arith.constant 672 : i32
    %mul3A_90 = arith.muli %arg1, %mul3A_89 : i32
    %add3A_91 = arith.constant 480 : i32
    %add3A_92 = arith.addi %mul3A_90, %add3A_91 : i32
    "tpu.region"() ({
      %run_scoped3A = tpu.sem_alloc : memref<!tpu.dma_semaphore, #tpu.memory_space<semaphore_mem>>
      %dma_start3A_261 = arith.constant 0 : i32
      %dma_start3A_262 = tpu.memref_slice %arg22[%add3A_92, %dma_start3A_261] : memref<10752x128xf32, #tpu.memory_space<vmem_shared>> -> memref<24x128xf32, #tpu.memory_space<vmem_shared>>
      %dma_start3A_263 = arith.constant 0 : i32
      %dma_start3A_264 = tpu.memref_slice %arg22[%add3A_92, %dma_start3A_263] : memref<10752x128xf32, #tpu.memory_space<vmem_shared>> -> memref<24x128xf32, #tpu.memory_space<vmem_shared>>
      tpu.enqueue_dma source(%arg21 : memref<24x128xf32, #tpu.memory_space<vmem>>) target(%dma_start3A_264 : memref<24x128xf32, #tpu.memory_space<vmem_shared>>) target_semaphore(%run_scoped3A : memref<!tpu.dma_semaphore, #tpu.memory_space<semaphore_mem>>)
      %dma_wait3A_265 = arith.constant 0 : i32
      %dma_wait3A_266 = tpu.memref_slice %arg22[%add3A_92, %dma_wait3A_265] : memref<10752x128xf32, #tpu.memory_space<vmem_shared>> -> memref<24x128xf32, #tpu.memory_space<vmem_shared>>
      %dma_wait3A_267 = arith.constant 0 : i32
      %dma_wait3A_268 = tpu.memref_slice %arg22[%add3A_92, %dma_wait3A_267] : memref<10752x128xf32, #tpu.memory_space<vmem_shared>> -> memref<24x128xf32, #tpu.memory_space<vmem_shared>>
      tpu.wait_dma2 semaphore(%run_scoped3A : memref<!tpu.dma_semaphore, #tpu.memory_space<semaphore_mem>>) src(%arg21 : memref<24x128xf32, #tpu.memory_space<vmem>>) dst(%dma_wait3A_268 : memref<24x128xf32, #tpu.memory_space<vmem_shared>>)
      tpu.yield
    }) : () -> ()
    %mul3A_93 = arith.constant 672 : i32
    %mul3A_94 = arith.muli %arg1, %mul3A_93 : i32
    %add3A_95 = arith.constant 504 : i32
    %add3A_96 = arith.addi %mul3A_94, %add3A_95 : i32
    "tpu.region"() ({
      %run_scoped3A = tpu.sem_alloc : memref<!tpu.dma_semaphore, #tpu.memory_space<semaphore_mem>>
      %dma_start3A_261 = arith.constant 0 : i32
      %dma_start3A_262 = tpu.memref_slice %arg22[%add3A_96, %dma_start3A_261] : memref<10752x128xf32, #tpu.memory_space<vmem_shared>> -> memref<24x128xf32, #tpu.memory_space<vmem_shared>>
      %dma_start3A_263 = arith.constant 0 : i32
      %dma_start3A_264 = tpu.memref_slice %arg22[%add3A_96, %dma_start3A_263] : memref<10752x128xf32, #tpu.memory_space<vmem_shared>> -> memref<24x128xf32, #tpu.memory_space<vmem_shared>>
      tpu.enqueue_dma source(%arg21 : memref<24x128xf32, #tpu.memory_space<vmem>>) target(%dma_start3A_264 : memref<24x128xf32, #tpu.memory_space<vmem_shared>>) target_semaphore(%run_scoped3A : memref<!tpu.dma_semaphore, #tpu.memory_space<semaphore_mem>>)
      %dma_wait3A_265 = arith.constant 0 : i32
      %dma_wait3A_266 = tpu.memref_slice %arg22[%add3A_96, %dma_wait3A_265] : memref<10752x128xf32, #tpu.memory_space<vmem_shared>> -> memref<24x128xf32, #tpu.memory_space<vmem_shared>>
      %dma_wait3A_267 = arith.constant 0 : i32
      %dma_wait3A_268 = tpu.memref_slice %arg22[%add3A_96, %dma_wait3A_267] : memref<10752x128xf32, #tpu.memory_space<vmem_shared>> -> memref<24x128xf32, #tpu.memory_space<vmem_shared>>
      tpu.wait_dma2 semaphore(%run_scoped3A : memref<!tpu.dma_semaphore, #tpu.memory_space<semaphore_mem>>) src(%arg21 : memref<24x128xf32, #tpu.memory_space<vmem>>) dst(%dma_wait3A_268 : memref<24x128xf32, #tpu.memory_space<vmem_shared>>)
      tpu.yield
    }) : () -> ()
    %mul3A_97 = arith.constant 672 : i32
    %mul3A_98 = arith.muli %arg1, %mul3A_97 : i32
    %add3A_99 = arith.constant 528 : i32
    %add3A_100 = arith.addi %mul3A_98, %add3A_99 : i32
    "tpu.region"() ({
      %run_scoped3A = tpu.sem_alloc : memref<!tpu.dma_semaphore, #tpu.memory_space<semaphore_mem>>
      %dma_start3A_261 = arith.constant 0 : i32
      %dma_start3A_262 = tpu.memref_slice %arg22[%add3A_100, %dma_start3A_261] : memref<10752x128xf32, #tpu.memory_space<vmem_shared>> -> memref<24x128xf32, #tpu.memory_space<vmem_shared>>
      %dma_start3A_263 = arith.constant 0 : i32
      %dma_start3A_264 = tpu.memref_slice %arg22[%add3A_100, %dma_start3A_263] : memref<10752x128xf32, #tpu.memory_space<vmem_shared>> -> memref<24x128xf32, #tpu.memory_space<vmem_shared>>
      tpu.enqueue_dma source(%arg21 : memref<24x128xf32, #tpu.memory_space<vmem>>) target(%dma_start3A_264 : memref<24x128xf32, #tpu.memory_space<vmem_shared>>) target_semaphore(%run_scoped3A : memref<!tpu.dma_semaphore, #tpu.memory_space<semaphore_mem>>)
      %dma_wait3A_265 = arith.constant 0 : i32
      %dma_wait3A_266 = tpu.memref_slice %arg22[%add3A_100, %dma_wait3A_265] : memref<10752x128xf32, #tpu.memory_space<vmem_shared>> -> memref<24x128xf32, #tpu.memory_space<vmem_shared>>
      %dma_wait3A_267 = arith.constant 0 : i32
      %dma_wait3A_268 = tpu.memref_slice %arg22[%add3A_100, %dma_wait3A_267] : memref<10752x128xf32, #tpu.memory_space<vmem_shared>> -> memref<24x128xf32, #tpu.memory_space<vmem_shared>>
      tpu.wait_dma2 semaphore(%run_scoped3A : memref<!tpu.dma_semaphore, #tpu.memory_space<semaphore_mem>>) src(%arg21 : memref<24x128xf32, #tpu.memory_space<vmem>>) dst(%dma_wait3A_268 : memref<24x128xf32, #tpu.memory_space<vmem_shared>>)
      tpu.yield
    }) : () -> ()
    %mul3A_101 = arith.constant 672 : i32
    %mul3A_102 = arith.muli %arg1, %mul3A_101 : i32
    %add3A_103 = arith.constant 552 : i32
    %add3A_104 = arith.addi %mul3A_102, %add3A_103 : i32
    "tpu.region"() ({
      %run_scoped3A = tpu.sem_alloc : memref<!tpu.dma_semaphore, #tpu.memory_space<semaphore_mem>>
      %dma_start3A_261 = arith.constant 0 : i32
      %dma_start3A_262 = tpu.memref_slice %arg22[%add3A_104, %dma_start3A_261] : memref<10752x128xf32, #tpu.memory_space<vmem_shared>> -> memref<24x128xf32, #tpu.memory_space<vmem_shared>>
      %dma_start3A_263 = arith.constant 0 : i32
      %dma_start3A_264 = tpu.memref_slice %arg22[%add3A_104, %dma_start3A_263] : memref<10752x128xf32, #tpu.memory_space<vmem_shared>> -> memref<24x128xf32, #tpu.memory_space<vmem_shared>>
      tpu.enqueue_dma source(%arg21 : memref<24x128xf32, #tpu.memory_space<vmem>>) target(%dma_start3A_264 : memref<24x128xf32, #tpu.memory_space<vmem_shared>>) target_semaphore(%run_scoped3A : memref<!tpu.dma_semaphore, #tpu.memory_space<semaphore_mem>>)
      %dma_wait3A_265 = arith.constant 0 : i32
      %dma_wait3A_266 = tpu.memref_slice %arg22[%add3A_104, %dma_wait3A_265] : memref<10752x128xf32, #tpu.memory_space<vmem_shared>> -> memref<24x128xf32, #tpu.memory_space<vmem_shared>>
      %dma_wait3A_267 = arith.constant 0 : i32
      %dma_wait3A_268 = tpu.memref_slice %arg22[%add3A_104, %dma_wait3A_267] : memref<10752x128xf32, #tpu.memory_space<vmem_shared>> -> memref<24x128xf32, #tpu.memory_space<vmem_shared>>
      tpu.wait_dma2 semaphore(%run_scoped3A : memref<!tpu.dma_semaphore, #tpu.memory_space<semaphore_mem>>) src(%arg21 : memref<24x128xf32, #tpu.memory_space<vmem>>) dst(%dma_wait3A_268 : memref<24x128xf32, #tpu.memory_space<vmem_shared>>)
      tpu.yield
    }) : () -> ()
    %mul3A_105 = arith.constant 672 : i32
    %mul3A_106 = arith.muli %arg1, %mul3A_105 : i32
    %add3A_107 = arith.constant 576 : i32
    %add3A_108 = arith.addi %mul3A_106, %add3A_107 : i32
    "tpu.region"() ({
      %run_scoped3A = tpu.sem_alloc : memref<!tpu.dma_semaphore, #tpu.memory_space<semaphore_mem>>
      %dma_start3A_261 = arith.constant 0 : i32
      %dma_start3A_262 = tpu.memref_slice %arg22[%add3A_108, %dma_start3A_261] : memref<10752x128xf32, #tpu.memory_space<vmem_shared>> -> memref<24x128xf32, #tpu.memory_space<vmem_shared>>
      %dma_start3A_263 = arith.constant 0 : i32
      %dma_start3A_264 = tpu.memref_slice %arg22[%add3A_108, %dma_start3A_263] : memref<10752x128xf32, #tpu.memory_space<vmem_shared>> -> memref<24x128xf32, #tpu.memory_space<vmem_shared>>
      tpu.enqueue_dma source(%arg21 : memref<24x128xf32, #tpu.memory_space<vmem>>) target(%dma_start3A_264 : memref<24x128xf32, #tpu.memory_space<vmem_shared>>) target_semaphore(%run_scoped3A : memref<!tpu.dma_semaphore, #tpu.memory_space<semaphore_mem>>)
      %dma_wait3A_265 = arith.constant 0 : i32
      %dma_wait3A_266 = tpu.memref_slice %arg22[%add3A_108, %dma_wait3A_265] : memref<10752x128xf32, #tpu.memory_space<vmem_shared>> -> memref<24x128xf32, #tpu.memory_space<vmem_shared>>
      %dma_wait3A_267 = arith.constant 0 : i32
      %dma_wait3A_268 = tpu.memref_slice %arg22[%add3A_108, %dma_wait3A_267] : memref<10752x128xf32, #tpu.memory_space<vmem_shared>> -> memref<24x128xf32, #tpu.memory_space<vmem_shared>>
      tpu.wait_dma2 semaphore(%run_scoped3A : memref<!tpu.dma_semaphore, #tpu.memory_space<semaphore_mem>>) src(%arg21 : memref<24x128xf32, #tpu.memory_space<vmem>>) dst(%dma_wait3A_268 : memref<24x128xf32, #tpu.memory_space<vmem_shared>>)
      tpu.yield
    }) : () -> ()
    %mul3A_109 = arith.constant 672 : i32
    %mul3A_110 = arith.muli %arg1, %mul3A_109 : i32
    %add3A_111 = arith.constant 600 : i32
    %add3A_112 = arith.addi %mul3A_110, %add3A_111 : i32
    "tpu.region"() ({
      %run_scoped3A = tpu.sem_alloc : memref<!tpu.dma_semaphore, #tpu.memory_space<semaphore_mem>>
      %dma_start3A_261 = arith.constant 0 : i32
      %dma_start3A_262 = tpu.memref_slice %arg22[%add3A_112, %dma_start3A_261] : memref<10752x128xf32, #tpu.memory_space<vmem_shared>> -> memref<24x128xf32, #tpu.memory_space<vmem_shared>>
      %dma_start3A_263 = arith.constant 0 : i32
      %dma_start3A_264 = tpu.memref_slice %arg22[%add3A_112, %dma_start3A_263] : memref<10752x128xf32, #tpu.memory_space<vmem_shared>> -> memref<24x128xf32, #tpu.memory_space<vmem_shared>>
      tpu.enqueue_dma source(%arg21 : memref<24x128xf32, #tpu.memory_space<vmem>>) target(%dma_start3A_264 : memref<24x128xf32, #tpu.memory_space<vmem_shared>>) target_semaphore(%run_scoped3A : memref<!tpu.dma_semaphore, #tpu.memory_space<semaphore_mem>>)
      %dma_wait3A_265 = arith.constant 0 : i32
      %dma_wait3A_266 = tpu.memref_slice %arg22[%add3A_112, %dma_wait3A_265] : memref<10752x128xf32, #tpu.memory_space<vmem_shared>> -> memref<24x128xf32, #tpu.memory_space<vmem_shared>>
      %dma_wait3A_267 = arith.constant 0 : i32
      %dma_wait3A_268 = tpu.memref_slice %arg22[%add3A_112, %dma_wait3A_267] : memref<10752x128xf32, #tpu.memory_space<vmem_shared>> -> memref<24x128xf32, #tpu.memory_space<vmem_shared>>
      tpu.wait_dma2 semaphore(%run_scoped3A : memref<!tpu.dma_semaphore, #tpu.memory_space<semaphore_mem>>) src(%arg21 : memref<24x128xf32, #tpu.memory_space<vmem>>) dst(%dma_wait3A_268 : memref<24x128xf32, #tpu.memory_space<vmem_shared>>)
      tpu.yield
    }) : () -> ()
    %mul3A_113 = arith.constant 672 : i32
    %mul3A_114 = arith.muli %arg1, %mul3A_113 : i32
    %add3A_115 = arith.constant 624 : i32
    %add3A_116 = arith.addi %mul3A_114, %add3A_115 : i32
    "tpu.region"() ({
      %run_scoped3A = tpu.sem_alloc : memref<!tpu.dma_semaphore, #tpu.memory_space<semaphore_mem>>
      %dma_start3A_261 = arith.constant 0 : i32
      %dma_start3A_262 = tpu.memref_slice %arg22[%add3A_116, %dma_start3A_261] : memref<10752x128xf32, #tpu.memory_space<vmem_shared>> -> memref<24x128xf32, #tpu.memory_space<vmem_shared>>
      %dma_start3A_263 = arith.constant 0 : i32
      %dma_start3A_264 = tpu.memref_slice %arg22[%add3A_116, %dma_start3A_263] : memref<10752x128xf32, #tpu.memory_space<vmem_shared>> -> memref<24x128xf32, #tpu.memory_space<vmem_shared>>
      tpu.enqueue_dma source(%arg21 : memref<24x128xf32, #tpu.memory_space<vmem>>) target(%dma_start3A_264 : memref<24x128xf32, #tpu.memory_space<vmem_shared>>) target_semaphore(%run_scoped3A : memref<!tpu.dma_semaphore, #tpu.memory_space<semaphore_mem>>)
      %dma_wait3A_265 = arith.constant 0 : i32
      %dma_wait3A_266 = tpu.memref_slice %arg22[%add3A_116, %dma_wait3A_265] : memref<10752x128xf32, #tpu.memory_space<vmem_shared>> -> memref<24x128xf32, #tpu.memory_space<vmem_shared>>
      %dma_wait3A_267 = arith.constant 0 : i32
      %dma_wait3A_268 = tpu.memref_slice %arg22[%add3A_116, %dma_wait3A_267] : memref<10752x128xf32, #tpu.memory_space<vmem_shared>> -> memref<24x128xf32, #tpu.memory_space<vmem_shared>>
      tpu.wait_dma2 semaphore(%run_scoped3A : memref<!tpu.dma_semaphore, #tpu.memory_space<semaphore_mem>>) src(%arg21 : memref<24x128xf32, #tpu.memory_space<vmem>>) dst(%dma_wait3A_268 : memref<24x128xf32, #tpu.memory_space<vmem_shared>>)
      tpu.yield
    }) : () -> ()
    %mul3A_117 = arith.constant 672 : i32
    %mul3A_118 = arith.muli %arg1, %mul3A_117 : i32
    %add3A_119 = arith.constant 648 : i32
    %add3A_120 = arith.addi %mul3A_118, %add3A_119 : i32
    "tpu.region"() ({
      %run_scoped3A = tpu.sem_alloc : memref<!tpu.dma_semaphore, #tpu.memory_space<semaphore_mem>>
      %dma_start3A_261 = arith.constant 0 : i32
      %dma_start3A_262 = tpu.memref_slice %arg22[%add3A_120, %dma_start3A_261] : memref<10752x128xf32, #tpu.memory_space<vmem_shared>> -> memref<24x128xf32, #tpu.memory_space<vmem_shared>>
      %dma_start3A_263 = arith.constant 0 : i32
      %dma_start3A_264 = tpu.memref_slice %arg22[%add3A_120, %dma_start3A_263] : memref<10752x128xf32, #tpu.memory_space<vmem_shared>> -> memref<24x128xf32, #tpu.memory_space<vmem_shared>>
      tpu.enqueue_dma source(%arg21 : memref<24x128xf32, #tpu.memory_space<vmem>>) target(%dma_start3A_264 : memref<24x128xf32, #tpu.memory_space<vmem_shared>>) target_semaphore(%run_scoped3A : memref<!tpu.dma_semaphore, #tpu.memory_space<semaphore_mem>>)
      %dma_wait3A_265 = arith.constant 0 : i32
      %dma_wait3A_266 = tpu.memref_slice %arg22[%add3A_120, %dma_wait3A_265] : memref<10752x128xf32, #tpu.memory_space<vmem_shared>> -> memref<24x128xf32, #tpu.memory_space<vmem_shared>>
      %dma_wait3A_267 = arith.constant 0 : i32
      %dma_wait3A_268 = tpu.memref_slice %arg22[%add3A_120, %dma_wait3A_267] : memref<10752x128xf32, #tpu.memory_space<vmem_shared>> -> memref<24x128xf32, #tpu.memory_space<vmem_shared>>
      tpu.wait_dma2 semaphore(%run_scoped3A : memref<!tpu.dma_semaphore, #tpu.memory_space<semaphore_mem>>) src(%arg21 : memref<24x128xf32, #tpu.memory_space<vmem>>) dst(%dma_wait3A_268 : memref<24x128xf32, #tpu.memory_space<vmem_shared>>)
      tpu.yield
    }) : () -> ()
    %barrier3A = arith.constant 0 : index
    tpu.barrier barrier_id(%barrier3A)
    "tpu.region"() ({
      %run_scoped3A = tpu.sem_alloc : memref<!tpu.dma_semaphore, #tpu.memory_space<semaphore_mem>>
      tpu.enqueue_dma source(%arg4 : memref<16xf32, #tpu.memory_space<hbm>>) target(%arg20 : memref<16xf32, #tpu.memory_space<vmem>>) target_semaphore(%run_scoped3A : memref<!tpu.dma_semaphore, #tpu.memory_space<semaphore_mem>>)
      tpu.wait_dma2 semaphore(%run_scoped3A : memref<!tpu.dma_semaphore, #tpu.memory_space<semaphore_mem>>) src(%arg4 : memref<16xf32, #tpu.memory_space<hbm>>) dst(%arg20 : memref<16xf32, #tpu.memory_space<vmem>>)
      tpu.yield
    }) : () -> ()
    %get3A = arith.constant 0 : index
    %get3A_121 = tpu.vector_load %arg20[%get3A] {strides = array<i32>} : memref<16xf32, #tpu.memory_space<vmem>>, vector<16xf32>,
    %mul3A_122 = arith.constant 10000 : i32
    %mul3A_123 = arith.muli %add3A, %mul3A_122 : i32
    %add3A_124 = arith.constant 0 : i32
    %add3A_125 = arith.addi %mul3A_123, %add3A_124 : i32
    "tpu.region"() ({
      %run_scoped3A = tpu.sem_alloc : memref<!tpu.dma_semaphore, #tpu.memory_space<semaphore_mem>>
      %dma_start3A_261 = tpu.memref_slice %arg5[%add3A_125] : memref<320000xi32, #tpu.memory_space<hbm>> -> memref<40xi32, #tpu.memory_space<hbm>>
      %dma_start3A_262 = tpu.memref_slice %arg5[%add3A_125] : memref<320000xi32, #tpu.memory_space<hbm>> -> memref<40xi32, #tpu.memory_space<hbm>>
      tpu.enqueue_dma source(%dma_start3A_262 : memref<40xi32, #tpu.memory_space<hbm>>) target(%arg8 : memref<40xi32, #tpu.memory_space<vmem>>) target_semaphore(%run_scoped3A : memref<!tpu.dma_semaphore, #tpu.memory_space<semaphore_mem>>)
      %dma_wait3A_263 = tpu.memref_slice %arg5[%add3A_125] : memref<320000xi32, #tpu.memory_space<hbm>> -> memref<40xi32, #tpu.memory_space<hbm>>
      %dma_wait3A_264 = tpu.memref_slice %arg5[%add3A_125] : memref<320000xi32, #tpu.memory_space<hbm>> -> memref<40xi32, #tpu.memory_space<hbm>>
      tpu.wait_dma2 semaphore(%run_scoped3A : memref<!tpu.dma_semaphore, #tpu.memory_space<semaphore_mem>>) src(%dma_wait3A_264 : memref<40xi32, #tpu.memory_space<hbm>>) dst(%arg8 : memref<40xi32, #tpu.memory_space<vmem>>)
      tpu.yield
    }) : () -> ()
    "tpu.region"() ({
      %run_scoped3A = tpu.sem_alloc : memref<!tpu.dma_semaphore, #tpu.memory_space<semaphore_mem>>
      %dma_start3A_261 = tpu.memref_slice %arg6[%add3A_125] : memref<320000xi32, #tpu.memory_space<hbm>> -> memref<40xi32, #tpu.memory_space<hbm>>
      %dma_start3A_262 = tpu.memref_slice %arg6[%add3A_125] : memref<320000xi32, #tpu.memory_space<hbm>> -> memref<40xi32, #tpu.memory_space<hbm>>
      tpu.enqueue_dma source(%dma_start3A_262 : memref<40xi32, #tpu.memory_space<hbm>>) target(%arg10 : memref<40xi32, #tpu.memory_space<vmem>>) target_semaphore(%run_scoped3A : memref<!tpu.dma_semaphore, #tpu.memory_space<semaphore_mem>>)
      %dma_wait3A_263 = tpu.memref_slice %arg6[%add3A_125] : memref<320000xi32, #tpu.memory_space<hbm>> -> memref<40xi32, #tpu.memory_space<hbm>>
      %dma_wait3A_264 = tpu.memref_slice %arg6[%add3A_125] : memref<320000xi32, #tpu.memory_space<hbm>> -> memref<40xi32, #tpu.memory_space<hbm>>
      tpu.wait_dma2 semaphore(%run_scoped3A : memref<!tpu.dma_semaphore, #tpu.memory_space<semaphore_mem>>) src(%dma_wait3A_264 : memref<40xi32, #tpu.memory_space<hbm>>) dst(%arg10 : memref<40xi32, #tpu.memory_space<vmem>>)
      tpu.yield
    }) : () -> ()
    %dma_start3A = arith.constant 0 : i32
    %dma_start3A_126 = arith.constant 0 : i32
    %dma_start3A_127 = tpu.memref_slice %arg2[%dma_start3A, %dma_start3A_126] : memref<10000x256xf32, #tpu.memory_space<hbm>> -> memref<10000x256xf32, #tpu.memory_space<hbm>>
    tpu.enqueue_indirect_dma source(%dma_start3A_127 : memref<10000x256xf32, #tpu.memory_space<hbm>>) target(%arg14 : memref<40x256xf32, #tpu.memory_space<vmem>>) offsets(%arg8 : memref<40xi32, #tpu.memory_space<vmem>>) semaphore(%arg23 : memref<!tpu.dma_semaphore, #tpu.memory_space<semaphore_mem>>)
    %dma_start3A_128 = arith.constant 0 : i32
    %dma_start3A_129 = arith.constant 0 : i32
    %dma_start3A_130 = tpu.memref_slice %arg3[%dma_start3A_128, %dma_start3A_129] : memref<10000x128xf32, #tpu.memory_space<hbm>> -> memref<10000x128xf32, #tpu.memory_space<hbm>>
    tpu.enqueue_indirect_dma source(%dma_start3A_130 : memref<10000x128xf32, #tpu.memory_space<hbm>>) target(%arg16 : memref<40x128xf32, #tpu.memory_space<vmem>>) offsets(%arg10 : memref<40xi32, #tpu.memory_space<vmem>>) semaphore(%arg25 : memref<!tpu.dma_semaphore, #tpu.memory_space<semaphore_mem>>)
    %scan3A_131 = arith.constant 0 : i32
    %scan3A_132 = arith.constant 0 : i32
    %scan3A_133 = arith.constant 125 : i32
    %scan3A_134 = arith.addi %scan3A_132, %scan3A_133 : i32
    %scan3A_135 = arith.constant 1 : i32
    scf.for %scan3A_261 = %scan3A_132 to %scan3A_134 step %scan3A_135  : i32 {
      %mul3A_262 = arith.constant 2 : i32
      %mul3A_263 = arith.muli %mul3A_262, %scan3A_261 : i32
      %add3A_264 = arith.constant 0 : i32
      %add3A_265 = arith.addi %mul3A_263, %add3A_264 : i32
      %dma_wait3A_266 = arith.constant 0 : i32
      %dma_wait3A_267 = arith.constant 0 : i32
      %dma_wait3A_268 = tpu.memref_slice %arg2[%dma_wait3A_266, %dma_wait3A_267] : memref<10000x256xf32, #tpu.memory_space<hbm>> -> memref<10000x256xf32, #tpu.memory_space<hbm>>
      tpu.wait_indirect_dma semaphore(%arg23 : memref<!tpu.dma_semaphore, #tpu.memory_space<semaphore_mem>>) src(%dma_wait3A_268 : memref<10000x256xf32, #tpu.memory_space<hbm>>) dst(%arg14 : memref<40x256xf32, #tpu.memory_space<vmem>>)
      %dma_wait3A_269 = arith.constant 0 : i32
      %dma_wait3A_270 = arith.constant 0 : i32
      %dma_wait3A_271 = tpu.memref_slice %arg3[%dma_wait3A_269, %dma_wait3A_270] : memref<10000x128xf32, #tpu.memory_space<hbm>> -> memref<10000x128xf32, #tpu.memory_space<hbm>>
      tpu.wait_indirect_dma semaphore(%arg25 : memref<!tpu.dma_semaphore, #tpu.memory_space<semaphore_mem>>) src(%dma_wait3A_271 : memref<10000x128xf32, #tpu.memory_space<hbm>>) dst(%arg16 : memref<40x128xf32, #tpu.memory_space<vmem>>)
      %add3A_272 = arith.constant 1 : i32
      %add3A_273 = arith.addi %add3A_265, %add3A_272 : i32
      %ge3A = arith.constant 2 : i32
      %ge3A_274 = arith.cmpi sge, %add3A_273, %ge3A : i32
      %convert_element_type3A = arith.extui %ge3A_274 : i1 to i32
      %cond3A = arith.constant 0 : i32
      %cond3A_275 = arith.cmpi ne, %convert_element_type3A, %cond3A : i32
      scf.if %cond3A_275 {
        %dma_wait3A_385 = arith.constant 0 : i32
        %dma_wait3A_386 = arith.constant 0 : i32
        %dma_wait3A_387 = tpu.memref_slice %arg22[%dma_wait3A_385, %dma_wait3A_386] : memref<10752x128xf32, #tpu.memory_space<vmem_shared>> -> memref<10752x128xf32, #tpu.memory_space<vmem_shared>>
        tpu.wait_indirect_dma semaphore(%arg28 : memref<!tpu.dma_semaphore, #tpu.memory_space<semaphore_mem>>) src(%arg17 : memref<40x128xf32, #tpu.memory_space<vmem>>) dst(%dma_wait3A_387 : memref<10752x128xf32, #tpu.memory_space<vmem_shared>>)
      } else {
      }
      %mul3A_276 = arith.constant 40 : i32
      %mul3A_277 = arith.muli %add3A_273, %mul3A_276 : i32
      %add3A_278 = arith.addi %mul3A_123, %mul3A_277 : i32
      "tpu.region"() ({
        %run_scoped3A = tpu.sem_alloc : memref<!tpu.dma_semaphore, #tpu.memory_space<semaphore_mem>>
        %dma_start3A_385 = tpu.memref_slice %arg5[%add3A_278] : memref<320000xi32, #tpu.memory_space<hbm>> -> memref<40xi32, #tpu.memory_space<hbm>>
        %dma_start3A_386 = tpu.memref_slice %arg5[%add3A_278] : memref<320000xi32, #tpu.memory_space<hbm>> -> memref<40xi32, #tpu.memory_space<hbm>>
        tpu.enqueue_dma source(%dma_start3A_386 : memref<40xi32, #tpu.memory_space<hbm>>) target(%arg9 : memref<40xi32, #tpu.memory_space<vmem>>) target_semaphore(%run_scoped3A : memref<!tpu.dma_semaphore, #tpu.memory_space<semaphore_mem>>)
        %dma_wait3A_387 = tpu.memref_slice %arg5[%add3A_278] : memref<320000xi32, #tpu.memory_space<hbm>> -> memref<40xi32, #tpu.memory_space<hbm>>
        %dma_wait3A_388 = tpu.memref_slice %arg5[%add3A_278] : memref<320000xi32, #tpu.memory_space<hbm>> -> memref<40xi32, #tpu.memory_space<hbm>>
        tpu.wait_dma2 semaphore(%run_scoped3A : memref<!tpu.dma_semaphore, #tpu.memory_space<semaphore_mem>>) src(%dma_wait3A_388 : memref<40xi32, #tpu.memory_space<hbm>>) dst(%arg9 : memref<40xi32, #tpu.memory_space<vmem>>)
        tpu.yield
      }) : () -> ()
      "tpu.region"() ({
        %run_scoped3A = tpu.sem_alloc : memref<!tpu.dma_semaphore, #tpu.memory_space<semaphore_mem>>
        %dma_start3A_385 = tpu.memref_slice %arg6[%add3A_278] : memref<320000xi32, #tpu.memory_space<hbm>> -> memref<40xi32, #tpu.memory_space<hbm>>
        %dma_start3A_386 = tpu.memref_slice %arg6[%add3A_278] : memref<320000xi32, #tpu.memory_space<hbm>> -> memref<40xi32, #tpu.memory_space<hbm>>
        tpu.enqueue_dma source(%dma_start3A_386 : memref<40xi32, #tpu.memory_space<hbm>>) target(%arg11 : memref<40xi32, #tpu.memory_space<vmem>>) target_semaphore(%run_scoped3A : memref<!tpu.dma_semaphore, #tpu.memory_space<semaphore_mem>>)
        %dma_wait3A_387 = tpu.memref_slice %arg6[%add3A_278] : memref<320000xi32, #tpu.memory_space<hbm>> -> memref<40xi32, #tpu.memory_space<hbm>>
        %dma_wait3A_388 = tpu.memref_slice %arg6[%add3A_278] : memref<320000xi32, #tpu.memory_space<hbm>> -> memref<40xi32, #tpu.memory_space<hbm>>
        tpu.wait_dma2 semaphore(%run_scoped3A : memref<!tpu.dma_semaphore, #tpu.memory_space<semaphore_mem>>) src(%dma_wait3A_388 : memref<40xi32, #tpu.memory_space<hbm>>) dst(%arg11 : memref<40xi32, #tpu.memory_space<vmem>>)
        tpu.yield
      }) : () -> ()
      %dma_start3A_279 = arith.constant 0 : i32
      %dma_start3A_280 = arith.constant 0 : i32
      %dma_start3A_281 = tpu.memref_slice %arg2[%dma_start3A_279, %dma_start3A_280] : memref<10000x256xf32, #tpu.memory_space<hbm>> -> memref<10000x256xf32, #tpu.memory_space<hbm>>
      tpu.enqueue_indirect_dma source(%dma_start3A_281 : memref<10000x256xf32, #tpu.memory_space<hbm>>) target(%arg15 : memref<40x256xf32, #tpu.memory_space<vmem>>) offsets(%arg9 : memref<40xi32, #tpu.memory_space<vmem>>) semaphore(%arg24 : memref<!tpu.dma_semaphore, #tpu.memory_space<semaphore_mem>>)
      %dma_start3A_282 = arith.constant 0 : i32
      %dma_start3A_283 = arith.constant 0 : i32
      %dma_start3A_284 = tpu.memref_slice %arg3[%dma_start3A_282, %dma_start3A_283] : memref<10000x128xf32, #tpu.memory_space<hbm>> -> memref<10000x128xf32, #tpu.memory_space<hbm>>
      tpu.enqueue_indirect_dma source(%dma_start3A_284 : memref<10000x128xf32, #tpu.memory_space<hbm>>) target(%arg17 : memref<40x128xf32, #tpu.memory_space<vmem>>) offsets(%arg11 : memref<40xi32, #tpu.memory_space<vmem>>) semaphore(%arg26 : memref<!tpu.dma_semaphore, #tpu.memory_space<semaphore_mem>>)
      %ge3A_285 = arith.constant 2 : i32
      %ge3A_286 = arith.cmpi sge, %add3A_265, %ge3A_285 : i32
      %convert_element_type3A_287 = arith.extui %ge3A_286 : i1 to i32
      %cond3A_288 = arith.constant 0 : i32
      %cond3A_289 = arith.cmpi ne, %convert_element_type3A_287, %cond3A_288 : i32
      scf.if %cond3A_289 {
        %dma_wait3A_385 = arith.constant 0 : i32
        %dma_wait3A_386 = arith.constant 0 : i32
        %dma_wait3A_387 = tpu.memref_slice %arg22[%dma_wait3A_385, %dma_wait3A_386] : memref<10752x128xf32, #tpu.memory_space<vmem_shared>> -> memref<10752x128xf32, #tpu.memory_space<vmem_shared>>
        tpu.wait_indirect_dma semaphore(%arg29 : memref<!tpu.dma_semaphore, #tpu.memory_space<semaphore_mem>>) src(%arg18 : memref<40x128xf32, #tpu.memory_space<vmem>>) dst(%dma_wait3A_387 : memref<10752x128xf32, #tpu.memory_space<vmem_shared>>)
      } else {
      }
      %get3A_290 = arith.constant 0 : index
      %get3A_291 = tpu.vector_load %arg10[%get3A_290] {strides = array<i32>} : memref<40xi32, #tpu.memory_space<vmem>>, vector<16xi32>,
      %shift_right_arithmetic3A = arith.constant 5 : i32
      %shift_right_arithmetic3A_292 = vector.broadcast %shift_right_arithmetic3A : i32 to vector<16xi32>
      %shift_right_arithmetic3A_293 = arith.shrsi %get3A_291, %shift_right_arithmetic3A_292 : vector<16xi32>
      %add3A_294 = arith.constant 10240 : i32
      %add3A_295 = vector.broadcast %add3A_294 : i32 to vector<16xi32>
      %add3A_296 = arith.addi %shift_right_arithmetic3A_293, %add3A_295 : vector<16xi32>
      %swap3A = arith.constant 0 : index
      %swap3A_297 = tpu.vector_load %arg12[%swap3A] {strides = array<i32>} : memref<40xi32, #tpu.memory_space<vmem>>, vector<16xi32>,
      tpu.vector_store %arg12[%swap3A], %add3A_296 {strides = array<i32>} : memref<40xi32, #tpu.memory_space<vmem>>, vector<16xi32>,
      %get3A_298 = arith.constant 16 : index
      %get3A_299 = tpu.vector_load %arg10[%get3A_298] {strides = array<i32>} : memref<40xi32, #tpu.memory_space<vmem>>, vector<16xi32>,
      %shift_right_arithmetic3A_300 = arith.constant 5 : i32
      %shift_right_arithmetic3A_301 = vector.broadcast %shift_right_arithmetic3A_300 : i32 to vector<16xi32>
      %shift_right_arithmetic3A_302 = arith.shrsi %get3A_299, %shift_right_arithmetic3A_301 : vector<16xi32>
      %add3A_303 = arith.constant 10240 : i32
      %add3A_304 = vector.broadcast %add3A_303 : i32 to vector<16xi32>
      %add3A_305 = arith.addi %shift_right_arithmetic3A_302, %add3A_304 : vector<16xi32>
      %swap3A_306 = arith.constant 16 : index
      %swap3A_307 = tpu.vector_load %arg12[%swap3A_306] {strides = array<i32>} : memref<40xi32, #tpu.memory_space<vmem>>, vector<16xi32>,
      tpu.vector_store %arg12[%swap3A_306], %add3A_305 {strides = array<i32>} : memref<40xi32, #tpu.memory_space<vmem>>, vector<16xi32>,
      %get3A_308 = arith.constant 24 : index
      %get3A_309 = tpu.vector_load %arg10[%get3A_308] {strides = array<i32>} : memref<40xi32, #tpu.memory_space<vmem>>, vector<16xi32>,
      %shift_right_arithmetic3A_310 = arith.constant 5 : i32
      %shift_right_arithmetic3A_311 = vector.broadcast %shift_right_arithmetic3A_310 : i32 to vector<16xi32>
      %shift_right_arithmetic3A_312 = arith.shrsi %get3A_309, %shift_right_arithmetic3A_311 : vector<16xi32>
      %add3A_313 = arith.constant 10240 : i32
      %add3A_314 = vector.broadcast %add3A_313 : i32 to vector<16xi32>
      %add3A_315 = arith.addi %shift_right_arithmetic3A_312, %add3A_314 : vector<16xi32>
      %swap3A_316 = arith.constant 24 : index
      %swap3A_317 = tpu.vector_load %arg12[%swap3A_316] {strides = array<i32>} : memref<40xi32, #tpu.memory_space<vmem>>, vector<16xi32>,
      tpu.vector_store %arg12[%swap3A_316], %add3A_315 {strides = array<i32>} : memref<40xi32, #tpu.memory_space<vmem>>, vector<16xi32>,
      %parallel_loop3A = arith.constant 0 : i32
      %parallel_loop3A_318 = arith.constant 40 : i32
      %parallel_loop3A_319 = arith.constant 1 : i32
      scf.for %parallel_loop3A_385 = %parallel_loop3A to %parallel_loop3A_318 step %parallel_loop3A_319  : i32 {
        %parallel_loop3A_386 = arith.index_cast %parallel_loop3A_385 : i32 to index
        %parallel_loop3A_387 = arith.constant 128 : index
        %parallel_loop3A_388 = tpu.vector_load %arg14[%parallel_loop3A_386, %parallel_loop3A_387] {strides = array<i32>} : memref<40x256xf32, #tpu.memory_space<vmem>>, vector<16xf32>,
        %parallel_loop3A_389 = arith.index_cast %parallel_loop3A_385 : i32 to index
        %parallel_loop3A_390 = arith.constant 0 : index
        %parallel_loop3A_391 = tpu.vector_load %arg16[%parallel_loop3A_389, %parallel_loop3A_390] {strides = array<i32>} : memref<40x128xf32, #tpu.memory_space<vmem>>, vector<16xf32>,
        %parallel_loop3A_392 = arith.addf %parallel_loop3A_388, %parallel_loop3A_391 : vector<16xf32>
        %parallel_loop3A_393 = arith.constant 2.000000e-01 : f32
        %parallel_loop3A_394 = vector.broadcast %parallel_loop3A_393 : f32 to vector<16xf32>
        %parallel_loop3A_395 = arith.mulf %parallel_loop3A_394, %parallel_loop3A_392 : vector<16xf32>
        %parallel_loop3A_396 = arith.maximumf %parallel_loop3A_392, %parallel_loop3A_395 : vector<16xf32>
        %parallel_loop3A_397 = arith.addf %get3A_121, %parallel_loop3A_391 : vector<16xf32>
        %parallel_loop3A_398 = arith.constant 2.000000e-01 : f32
        %parallel_loop3A_399 = vector.broadcast %parallel_loop3A_398 : f32 to vector<16xf32>
        %parallel_loop3A_400 = arith.mulf %parallel_loop3A_399, %parallel_loop3A_397 : vector<16xf32>
        %parallel_loop3A_401 = arith.maximumf %parallel_loop3A_397, %parallel_loop3A_400 : vector<16xf32>
        %parallel_loop3A_402 = arith.subf %parallel_loop3A_396, %parallel_loop3A_401 : vector<16xf32>
        %parallel_loop3A_403 = math.exp %parallel_loop3A_402 : vector<16xf32>
        %parallel_loop3A_404 = arith.constant 16 : i32
        %parallel_loop3A_405 = arith.divsi %parallel_loop3A_385, %parallel_loop3A_404 : i32
        %parallel_loop3A_406 = arith.constant 0 : i32
        %parallel_loop3A_407 = arith.cmpi sgt, %parallel_loop3A_385, %parallel_loop3A_406 : i32
        %parallel_loop3A_408 = arith.extui %parallel_loop3A_407 : i1 to i32
        %parallel_loop3A_409 = arith.constant 0 : i32
        %parallel_loop3A_410 = arith.cmpi slt, %parallel_loop3A_385, %parallel_loop3A_409 : i32
        %parallel_loop3A_411 = arith.extui %parallel_loop3A_410 : i1 to i32
        %parallel_loop3A_412 = arith.subi %parallel_loop3A_408, %parallel_loop3A_411 : i32
        %parallel_loop3A_413 = arith.constant 0 : i32
        %parallel_loop3A_414 = arith.cmpi sgt, %parallel_loop3A_404, %parallel_loop3A_413 : i32
        %parallel_loop3A_415 = arith.extui %parallel_loop3A_414 : i1 to i32
        %parallel_loop3A_416 = arith.constant 0 : i32
        %parallel_loop3A_417 = arith.cmpi slt, %parallel_loop3A_404, %parallel_loop3A_416 : i32
        %parallel_loop3A_418 = arith.extui %parallel_loop3A_417 : i1 to i32
        %parallel_loop3A_419 = arith.subi %parallel_loop3A_415, %parallel_loop3A_418 : i32
        %parallel_loop3A_420 = arith.cmpi ne, %parallel_loop3A_412, %parallel_loop3A_419 : i32
        %parallel_loop3A_421 = arith.remsi %parallel_loop3A_385, %parallel_loop3A_404 : i32
        %parallel_loop3A_422 = arith.constant 0 : i32
        %parallel_loop3A_423 = arith.cmpi ne, %parallel_loop3A_421, %parallel_loop3A_422 : i32
        %parallel_loop3A_424 = arith.andi %parallel_loop3A_420, %parallel_loop3A_423 : i1
        %parallel_loop3A_425 = arith.constant 1 : i32
        %parallel_loop3A_426 = arith.subi %parallel_loop3A_405, %parallel_loop3A_425 : i32
        %parallel_loop3A_427 = arith.select %parallel_loop3A_424, %parallel_loop3A_426, %parallel_loop3A_405 : i32
        %parallel_loop3A_428 = arith.constant 16 : i32
        %parallel_loop3A_429 = arith.muli %parallel_loop3A_427, %parallel_loop3A_428 : i32
        %parallel_loop3A_430 = arith.constant 24 : i32
        %parallel_loop3A_431 = arith.minsi %parallel_loop3A_429, %parallel_loop3A_430 : i32
        %parallel_loop3A_432 = arith.index_cast %parallel_loop3A_431 : i32 to index
        %parallel_loop3A_433 = tpu.vector_load %arg10[%parallel_loop3A_432] {strides = array<i32>} : memref<40xi32, #tpu.memory_space<vmem>>, vector<16xi32>,
        %parallel_loop3A_434 = arith.subi %parallel_loop3A_385, %parallel_loop3A_431 : i32
        %parallel_loop3A_435 = vector.broadcast %parallel_loop3A_434 : i32 to vector<16xi32>
        %parallel_loop3A_436 = arith.constant 0 : i32
        %parallel_loop3A_437 = vector.broadcast %parallel_loop3A_436 : i32 to vector<16xi32>
        %parallel_loop3A_438 = arith.cmpi slt, %parallel_loop3A_435, %parallel_loop3A_437 : vector<16xi32>
        %parallel_loop3A_439 = arith.constant 16 : i32
        %parallel_loop3A_440 = vector.broadcast %parallel_loop3A_439 : i32 to vector<16xi32>
        %parallel_loop3A_441 = arith.addi %parallel_loop3A_435, %parallel_loop3A_440 : vector<16xi32>
        %parallel_loop3A_442 = arith.select %parallel_loop3A_438, %parallel_loop3A_441, %parallel_loop3A_435 : vector<16xi1>, vector<16xi32>
        %parallel_loop3A_443 = vector.shape_cast %parallel_loop3A_442 : vector<16xi32> to vector<16x1xi32>
        %parallel_loop3A_444 = vector.shape_cast %parallel_loop3A_443 : vector<16x1xi32> to vector<16xi32>
        %parallel_loop3A_445 = tpu.dynamic_gather %parallel_loop3A_433[%parallel_loop3A_444] in [0] : vector<16xi32>, vector<16xi32> -> vector<16xi32>
        %parallel_loop3A_446 = arith.index_cast %parallel_loop3A_385 : i32 to index
        %parallel_loop3A_447 = arith.constant 0 : index
        %parallel_loop3A_448 = tpu.vector_load %arg18[%parallel_loop3A_446, %parallel_loop3A_447] {strides = array<i32>} : memref<40x128xf32, #tpu.memory_space<vmem>>, vector<16xf32>,
        tpu.vector_store %arg18[%parallel_loop3A_446, %parallel_loop3A_447], %broadcast_in_dim3A_1 {strides = array<i32>} : memref<40x128xf32, #tpu.memory_space<vmem>>, vector<16xf32>,
        %parallel_loop3A_449 = arith.index_cast %parallel_loop3A_385 : i32 to index
        %parallel_loop3A_450 = arith.constant 16 : index
        %parallel_loop3A_451 = tpu.vector_load %arg18[%parallel_loop3A_449, %parallel_loop3A_450] {strides = array<i32>} : memref<40x128xf32, #tpu.memory_space<vmem>>, vector<16xf32>,
        tpu.vector_store %arg18[%parallel_loop3A_449, %parallel_loop3A_450], %broadcast_in_dim3A_1 {strides = array<i32>} : memref<40x128xf32, #tpu.memory_space<vmem>>, vector<16xf32>,
        %parallel_loop3A_452 = arith.index_cast %parallel_loop3A_385 : i32 to index
        %parallel_loop3A_453 = arith.constant 32 : index
        %parallel_loop3A_454 = tpu.vector_load %arg18[%parallel_loop3A_452, %parallel_loop3A_453] {strides = array<i32>} : memref<40x128xf32, #tpu.memory_space<vmem>>, vector<16xf32>,
        tpu.vector_store %arg18[%parallel_loop3A_452, %parallel_loop3A_453], %broadcast_in_dim3A_1 {strides = array<i32>} : memref<40x128xf32, #tpu.memory_space<vmem>>, vector<16xf32>,
        %parallel_loop3A_455 = arith.index_cast %parallel_loop3A_385 : i32 to index
        %parallel_loop3A_456 = arith.constant 48 : index
        %parallel_loop3A_457 = tpu.vector_load %arg18[%parallel_loop3A_455, %parallel_loop3A_456] {strides = array<i32>} : memref<40x128xf32, #tpu.memory_space<vmem>>, vector<16xf32>,
        tpu.vector_store %arg18[%parallel_loop3A_455, %parallel_loop3A_456], %broadcast_in_dim3A_1 {strides = array<i32>} : memref<40x128xf32, #tpu.memory_space<vmem>>, vector<16xf32>,
        %parallel_loop3A_458 = arith.index_cast %parallel_loop3A_385 : i32 to index
        %parallel_loop3A_459 = arith.constant 64 : index
        %parallel_loop3A_460 = tpu.vector_load %arg18[%parallel_loop3A_458, %parallel_loop3A_459] {strides = array<i32>} : memref<40x128xf32, #tpu.memory_space<vmem>>, vector<16xf32>,
        tpu.vector_store %arg18[%parallel_loop3A_458, %parallel_loop3A_459], %broadcast_in_dim3A_1 {strides = array<i32>} : memref<40x128xf32, #tpu.memory_space<vmem>>, vector<16xf32>,
        %parallel_loop3A_461 = arith.index_cast %parallel_loop3A_385 : i32 to index
        %parallel_loop3A_462 = arith.constant 80 : index
        %parallel_loop3A_463 = tpu.vector_load %arg18[%parallel_loop3A_461, %parallel_loop3A_462] {strides = array<i32>} : memref<40x128xf32, #tpu.memory_space<vmem>>, vector<16xf32>,
        tpu.vector_store %arg18[%parallel_loop3A_461, %parallel_loop3A_462], %broadcast_in_dim3A_1 {strides = array<i32>} : memref<40x128xf32, #tpu.memory_space<vmem>>, vector<16xf32>,
        %parallel_loop3A_464 = arith.index_cast %parallel_loop3A_385 : i32 to index
        %parallel_loop3A_465 = arith.constant 96 : index
        %parallel_loop3A_466 = tpu.vector_load %arg18[%parallel_loop3A_464, %parallel_loop3A_465] {strides = array<i32>} : memref<40x128xf32, #tpu.memory_space<vmem>>, vector<16xf32>,
        tpu.vector_store %arg18[%parallel_loop3A_464, %parallel_loop3A_465], %broadcast_in_dim3A_1 {strides = array<i32>} : memref<40x128xf32, #tpu.memory_space<vmem>>, vector<16xf32>,
        %parallel_loop3A_467 = arith.index_cast %parallel_loop3A_385 : i32 to index
        %parallel_loop3A_468 = arith.constant 112 : index
        %parallel_loop3A_469 = tpu.vector_load %arg18[%parallel_loop3A_467, %parallel_loop3A_468] {strides = array<i32>} : memref<40x128xf32, #tpu.memory_space<vmem>>, vector<16xf32>,
        tpu.vector_store %arg18[%parallel_loop3A_467, %parallel_loop3A_468], %broadcast_in_dim3A_1 {strides = array<i32>} : memref<40x128xf32, #tpu.memory_space<vmem>>, vector<16xf32>,
        %parallel_loop3A_470 = vector.broadcast %parallel_loop3A_385 : i32 to vector<16xi32>
        %parallel_loop3A_471 = arith.constant 31 : i32
        %parallel_loop3A_472 = vector.broadcast %parallel_loop3A_471 : i32 to vector<16xi32>
        %parallel_loop3A_473 = arith.andi %parallel_loop3A_445, %parallel_loop3A_472 : vector<16xi32>
        %parallel_loop3A_474 = arith.constant 4 : i32
        %parallel_loop3A_475 = vector.broadcast %parallel_loop3A_474 : i32 to vector<16xi32>
        %parallel_loop3A_476 = arith.muli %parallel_loop3A_473, %parallel_loop3A_475 : vector<16xi32>
        %parallel_loop3A_477 = arith.addi %parallel_loop3A_476, %iota3A : vector<16xi32>
        tpu.vector_store_idx %arg18[%parallel_loop3A_470, %parallel_loop3A_477], %parallel_loop3A_403 masked %lt3A_3 : memref<40x128xf32, #tpu.memory_space<vmem>>[vector<16xi32>, vector<16xi32>], vector<16xf32>, vector<16xi1>
        %parallel_loop3A_478 = arith.constant 0 : i32
        %parallel_loop3A_479 = vector.broadcast %parallel_loop3A_478 : i32 to vector<16xi32>
        %parallel_loop3A_480 = arith.constant 0 : i32
        %parallel_loop3A_481 = vector.broadcast %parallel_loop3A_480 : i32 to vector<16xi32>
        %parallel_loop3A_482 = arith.cmpi slt, %parallel_loop3A_479, %parallel_loop3A_481 : vector<16xi32>
        %parallel_loop3A_483 = arith.constant 16 : i32
        %parallel_loop3A_484 = vector.broadcast %parallel_loop3A_483 : i32 to vector<16xi32>
        %parallel_loop3A_485 = arith.addi %parallel_loop3A_479, %parallel_loop3A_484 : vector<16xi32>
        %parallel_loop3A_486 = arith.select %parallel_loop3A_482, %parallel_loop3A_485, %parallel_loop3A_479 : vector<16xi1>, vector<16xi32>
        %parallel_loop3A_487 = vector.shape_cast %parallel_loop3A_486 : vector<16xi32> to vector<16x1xi32>
        %parallel_loop3A_488 = vector.shape_cast %parallel_loop3A_487 : vector<16x1xi32> to vector<16xi32>
        %parallel_loop3A_489 = tpu.dynamic_gather %parallel_loop3A_403[%parallel_loop3A_488] in [0] : vector<16xf32>, vector<16xi32> -> vector<16xf32>
        %parallel_loop3A_490 = arith.index_cast %parallel_loop3A_385 : i32 to index
        %parallel_loop3A_491 = arith.constant 0 : index
        %parallel_loop3A_492 = tpu.vector_load %arg14[%parallel_loop3A_490, %parallel_loop3A_491] {strides = array<i32>} : memref<40x256xf32, #tpu.memory_space<vmem>>, vector<16xf32>,
        %parallel_loop3A_493 = arith.mulf %parallel_loop3A_492, %parallel_loop3A_489 : vector<16xf32>
        %parallel_loop3A_494 = arith.index_cast %parallel_loop3A_385 : i32 to index
        %parallel_loop3A_495 = arith.constant 0 : index
        %parallel_loop3A_496 = tpu.vector_load %arg16[%parallel_loop3A_494, %parallel_loop3A_495] {strides = array<i32>} : memref<40x128xf32, #tpu.memory_space<vmem>>, vector<16xf32>,
        tpu.vector_store %arg16[%parallel_loop3A_494, %parallel_loop3A_495], %parallel_loop3A_493 {strides = array<i32>} : memref<40x128xf32, #tpu.memory_space<vmem>>, vector<16xf32>,
        %parallel_loop3A_497 = arith.index_cast %parallel_loop3A_385 : i32 to index
        %parallel_loop3A_498 = arith.constant 16 : index
        %parallel_loop3A_499 = tpu.vector_load %arg14[%parallel_loop3A_497, %parallel_loop3A_498] {strides = array<i32>} : memref<40x256xf32, #tpu.memory_space<vmem>>, vector<16xf32>,
        %parallel_loop3A_500 = arith.mulf %parallel_loop3A_499, %parallel_loop3A_489 : vector<16xf32>
        %parallel_loop3A_501 = arith.index_cast %parallel_loop3A_385 : i32 to index
        %parallel_loop3A_502 = arith.constant 16 : index
        %parallel_loop3A_503 = tpu.vector_load %arg16[%parallel_loop3A_501, %parallel_loop3A_502] {strides = array<i32>} : memref<40x128xf32, #tpu.memory_space<vmem>>, vector<16xf32>,
        tpu.vector_store %arg16[%parallel_loop3A_501, %parallel_loop3A_502], %parallel_loop3A_500 {strides = array<i32>} : memref<40x128xf32, #tpu.memory_space<vmem>>, vector<16xf32>,
        %parallel_loop3A_504 = arith.constant 1 : i32
        %parallel_loop3A_505 = vector.broadcast %parallel_loop3A_504 : i32 to vector<16xi32>
        %parallel_loop3A_506 = arith.constant 0 : i32
        %parallel_loop3A_507 = vector.broadcast %parallel_loop3A_506 : i32 to vector<16xi32>
        %parallel_loop3A_508 = arith.cmpi slt, %parallel_loop3A_505, %parallel_loop3A_507 : vector<16xi32>
        %parallel_loop3A_509 = arith.constant 16 : i32
        %parallel_loop3A_510 = vector.broadcast %parallel_loop3A_509 : i32 to vector<16xi32>
        %parallel_loop3A_511 = arith.addi %parallel_loop3A_505, %parallel_loop3A_510 : vector<16xi32>
        %parallel_loop3A_512 = arith.select %parallel_loop3A_508, %parallel_loop3A_511, %parallel_loop3A_505 : vector<16xi1>, vector<16xi32>
        %parallel_loop3A_513 = vector.shape_cast %parallel_loop3A_512 : vector<16xi32> to vector<16x1xi32>
        %parallel_loop3A_514 = vector.shape_cast %parallel_loop3A_513 : vector<16x1xi32> to vector<16xi32>
        %parallel_loop3A_515 = tpu.dynamic_gather %parallel_loop3A_403[%parallel_loop3A_514] in [0] : vector<16xf32>, vector<16xi32> -> vector<16xf32>
        %parallel_loop3A_516 = arith.index_cast %parallel_loop3A_385 : i32 to index
        %parallel_loop3A_517 = arith.constant 32 : index
        %parallel_loop3A_518 = tpu.vector_load %arg14[%parallel_loop3A_516, %parallel_loop3A_517] {strides = array<i32>} : memref<40x256xf32, #tpu.memory_space<vmem>>, vector<16xf32>,
        %parallel_loop3A_519 = arith.mulf %parallel_loop3A_518, %parallel_loop3A_515 : vector<16xf32>
        %parallel_loop3A_520 = arith.index_cast %parallel_loop3A_385 : i32 to index
        %parallel_loop3A_521 = arith.constant 32 : index
        %parallel_loop3A_522 = tpu.vector_load %arg16[%parallel_loop3A_520, %parallel_loop3A_521] {strides = array<i32>} : memref<40x128xf32, #tpu.memory_space<vmem>>, vector<16xf32>,
        tpu.vector_store %arg16[%parallel_loop3A_520, %parallel_loop3A_521], %parallel_loop3A_519 {strides = array<i32>} : memref<40x128xf32, #tpu.memory_space<vmem>>, vector<16xf32>,
        %parallel_loop3A_523 = arith.index_cast %parallel_loop3A_385 : i32 to index
        %parallel_loop3A_524 = arith.constant 48 : index
        %parallel_loop3A_525 = tpu.vector_load %arg14[%parallel_loop3A_523, %parallel_loop3A_524] {strides = array<i32>} : memref<40x256xf32, #tpu.memory_space<vmem>>, vector<16xf32>,
        %parallel_loop3A_526 = arith.mulf %parallel_loop3A_525, %parallel_loop3A_515 : vector<16xf32>
        %parallel_loop3A_527 = arith.index_cast %parallel_loop3A_385 : i32 to index
        %parallel_loop3A_528 = arith.constant 48 : index
        %parallel_loop3A_529 = tpu.vector_load %arg16[%parallel_loop3A_527, %parallel_loop3A_528] {strides = array<i32>} : memref<40x128xf32, #tpu.memory_space<vmem>>, vector<16xf32>,
        tpu.vector_store %arg16[%parallel_loop3A_527, %parallel_loop3A_528], %parallel_loop3A_526 {strides = array<i32>} : memref<40x128xf32, #tpu.memory_space<vmem>>, vector<16xf32>,
        %parallel_loop3A_530 = arith.constant 2 : i32
        %parallel_loop3A_531 = vector.broadcast %parallel_loop3A_530 : i32 to vector<16xi32>
        %parallel_loop3A_532 = arith.constant 0 : i32
        %parallel_loop3A_533 = vector.broadcast %parallel_loop3A_532 : i32 to vector<16xi32>
        %parallel_loop3A_534 = arith.cmpi slt, %parallel_loop3A_531, %parallel_loop3A_533 : vector<16xi32>
        %parallel_loop3A_535 = arith.constant 16 : i32
        %parallel_loop3A_536 = vector.broadcast %parallel_loop3A_535 : i32 to vector<16xi32>
        %parallel_loop3A_537 = arith.addi %parallel_loop3A_531, %parallel_loop3A_536 : vector<16xi32>
        %parallel_loop3A_538 = arith.select %parallel_loop3A_534, %parallel_loop3A_537, %parallel_loop3A_531 : vector<16xi1>, vector<16xi32>
        %parallel_loop3A_539 = vector.shape_cast %parallel_loop3A_538 : vector<16xi32> to vector<16x1xi32>
        %parallel_loop3A_540 = vector.shape_cast %parallel_loop3A_539 : vector<16x1xi32> to vector<16xi32>
        %parallel_loop3A_541 = tpu.dynamic_gather %parallel_loop3A_403[%parallel_loop3A_540] in [0] : vector<16xf32>, vector<16xi32> -> vector<16xf32>
        %parallel_loop3A_542 = arith.index_cast %parallel_loop3A_385 : i32 to index
        %parallel_loop3A_543 = arith.constant 64 : index
        %parallel_loop3A_544 = tpu.vector_load %arg14[%parallel_loop3A_542, %parallel_loop3A_543] {strides = array<i32>} : memref<40x256xf32, #tpu.memory_space<vmem>>, vector<16xf32>,
        %parallel_loop3A_545 = arith.mulf %parallel_loop3A_544, %parallel_loop3A_541 : vector<16xf32>
        %parallel_loop3A_546 = arith.index_cast %parallel_loop3A_385 : i32 to index
        %parallel_loop3A_547 = arith.constant 64 : index
        %parallel_loop3A_548 = tpu.vector_load %arg16[%parallel_loop3A_546, %parallel_loop3A_547] {strides = array<i32>} : memref<40x128xf32, #tpu.memory_space<vmem>>, vector<16xf32>,
        tpu.vector_store %arg16[%parallel_loop3A_546, %parallel_loop3A_547], %parallel_loop3A_545 {strides = array<i32>} : memref<40x128xf32, #tpu.memory_space<vmem>>, vector<16xf32>,
        %parallel_loop3A_549 = arith.index_cast %parallel_loop3A_385 : i32 to index
        %parallel_loop3A_550 = arith.constant 80 : index
        %parallel_loop3A_551 = tpu.vector_load %arg14[%parallel_loop3A_549, %parallel_loop3A_550] {strides = array<i32>} : memref<40x256xf32, #tpu.memory_space<vmem>>, vector<16xf32>,
        %parallel_loop3A_552 = arith.mulf %parallel_loop3A_551, %parallel_loop3A_541 : vector<16xf32>
        %parallel_loop3A_553 = arith.index_cast %parallel_loop3A_385 : i32 to index
        %parallel_loop3A_554 = arith.constant 80 : index
        %parallel_loop3A_555 = tpu.vector_load %arg16[%parallel_loop3A_553, %parallel_loop3A_554] {strides = array<i32>} : memref<40x128xf32, #tpu.memory_space<vmem>>, vector<16xf32>,
        tpu.vector_store %arg16[%parallel_loop3A_553, %parallel_loop3A_554], %parallel_loop3A_552 {strides = array<i32>} : memref<40x128xf32, #tpu.memory_space<vmem>>, vector<16xf32>,
        %parallel_loop3A_556 = arith.constant 3 : i32
        %parallel_loop3A_557 = vector.broadcast %parallel_loop3A_556 : i32 to vector<16xi32>
        %parallel_loop3A_558 = arith.constant 0 : i32
        %parallel_loop3A_559 = vector.broadcast %parallel_loop3A_558 : i32 to vector<16xi32>
        %parallel_loop3A_560 = arith.cmpi slt, %parallel_loop3A_557, %parallel_loop3A_559 : vector<16xi32>
        %parallel_loop3A_561 = arith.constant 16 : i32
        %parallel_loop3A_562 = vector.broadcast %parallel_loop3A_561 : i32 to vector<16xi32>
        %parallel_loop3A_563 = arith.addi %parallel_loop3A_557, %parallel_loop3A_562 : vector<16xi32>
        %parallel_loop3A_564 = arith.select %parallel_loop3A_560, %parallel_loop3A_563, %parallel_loop3A_557 : vector<16xi1>, vector<16xi32>
        %parallel_loop3A_565 = vector.shape_cast %parallel_loop3A_564 : vector<16xi32> to vector<16x1xi32>
        %parallel_loop3A_566 = vector.shape_cast %parallel_loop3A_565 : vector<16x1xi32> to vector<16xi32>
        %parallel_loop3A_567 = tpu.dynamic_gather %parallel_loop3A_403[%parallel_loop3A_566] in [0] : vector<16xf32>, vector<16xi32> -> vector<16xf32>
        %parallel_loop3A_568 = arith.index_cast %parallel_loop3A_385 : i32 to index
        %parallel_loop3A_569 = arith.constant 96 : index
        %parallel_loop3A_570 = tpu.vector_load %arg14[%parallel_loop3A_568, %parallel_loop3A_569] {strides = array<i32>} : memref<40x256xf32, #tpu.memory_space<vmem>>, vector<16xf32>,
        %parallel_loop3A_571 = arith.mulf %parallel_loop3A_570, %parallel_loop3A_567 : vector<16xf32>
        %parallel_loop3A_572 = arith.index_cast %parallel_loop3A_385 : i32 to index
        %parallel_loop3A_573 = arith.constant 96 : index
        %parallel_loop3A_574 = tpu.vector_load %arg16[%parallel_loop3A_572, %parallel_loop3A_573] {strides = array<i32>} : memref<40x128xf32, #tpu.memory_space<vmem>>, vector<16xf32>,
        tpu.vector_store %arg16[%parallel_loop3A_572, %parallel_loop3A_573], %parallel_loop3A_571 {strides = array<i32>} : memref<40x128xf32, #tpu.memory_space<vmem>>, vector<16xf32>,
        %parallel_loop3A_575 = arith.index_cast %parallel_loop3A_385 : i32 to index
        %parallel_loop3A_576 = arith.constant 112 : index
        %parallel_loop3A_577 = tpu.vector_load %arg14[%parallel_loop3A_575, %parallel_loop3A_576] {strides = array<i32>} : memref<40x256xf32, #tpu.memory_space<vmem>>, vector<16xf32>,
        %parallel_loop3A_578 = arith.mulf %parallel_loop3A_577, %parallel_loop3A_567 : vector<16xf32>
        %parallel_loop3A_579 = arith.index_cast %parallel_loop3A_385 : i32 to index
        %parallel_loop3A_580 = arith.constant 112 : index
        %parallel_loop3A_581 = tpu.vector_load %arg16[%parallel_loop3A_579, %parallel_loop3A_580] {strides = array<i32>} : memref<40x128xf32, #tpu.memory_space<vmem>>, vector<16xf32>,
        tpu.vector_store %arg16[%parallel_loop3A_579, %parallel_loop3A_580], %parallel_loop3A_578 {strides = array<i32>} : memref<40x128xf32, #tpu.memory_space<vmem>>, vector<16xf32>,
      } {sc.loop_unroll_factor = 4 : i64, sc.parallel_access}
      %dma_start3A_320 = arith.constant 0 : i32
      %dma_start3A_321 = arith.constant 0 : i32
      %dma_start3A_322 = tpu.memref_slice %arg22[%dma_start3A_320, %dma_start3A_321] : memref<10752x128xf32, #tpu.memory_space<vmem_shared>> -> memref<10752x128xf32, #tpu.memory_space<vmem_shared>>
      tpu.enqueue_indirect_dma source(%arg16 : memref<40x128xf32, #tpu.memory_space<vmem>>) target(%dma_start3A_322 : memref<10752x128xf32, #tpu.memory_space<vmem_shared>>) offsets(%arg10 : memref<40xi32, #tpu.memory_space<vmem>>) semaphore(%arg27 : memref<!tpu.dma_semaphore, #tpu.memory_space<semaphore_mem>>) {add = true}
      %dma_start3A_323 = arith.constant 0 : i32
      %dma_start3A_324 = arith.constant 0 : i32
      %dma_start3A_325 = tpu.memref_slice %arg22[%dma_start3A_323, %dma_start3A_324] : memref<10752x128xf32, #tpu.memory_space<vmem_shared>> -> memref<10752x128xf32, #tpu.memory_space<vmem_shared>>
      tpu.enqueue_indirect_dma source(%arg18 : memref<40x128xf32, #tpu.memory_space<vmem>>) target(%dma_start3A_325 : memref<10752x128xf32, #tpu.memory_space<vmem_shared>>) offsets(%arg12 : memref<40xi32, #tpu.memory_space<vmem>>) semaphore(%arg29 : memref<!tpu.dma_semaphore, #tpu.memory_space<semaphore_mem>>) {add = true}
      %mul3A_326 = arith.constant 2 : i32
      %mul3A_327 = arith.muli %mul3A_326, %scan3A_261 : i32
      %add3A_328 = arith.constant 1 : i32
      %add3A_329 = arith.addi %mul3A_327, %add3A_328 : i32
      %dma_wait3A_330 = arith.constant 0 : i32
      %dma_wait3A_331 = arith.constant 0 : i32
      %dma_wait3A_332 = tpu.memref_slice %arg2[%dma_wait3A_330, %dma_wait3A_331] : memref<10000x256xf32, #tpu.memory_space<hbm>> -> memref<10000x256xf32, #tpu.memory_space<hbm>>
      tpu.wait_indirect_dma semaphore(%arg24 : memref<!tpu.dma_semaphore, #tpu.memory_space<semaphore_mem>>) src(%dma_wait3A_332 : memref<10000x256xf32, #tpu.memory_space<hbm>>) dst(%arg15 : memref<40x256xf32, #tpu.memory_space<vmem>>)
      %dma_wait3A_333 = arith.constant 0 : i32
      %dma_wait3A_334 = arith.constant 0 : i32
      %dma_wait3A_335 = tpu.memref_slice %arg3[%dma_wait3A_333, %dma_wait3A_334] : memref<10000x128xf32, #tpu.memory_space<hbm>> -> memref<10000x128xf32, #tpu.memory_space<hbm>>
      tpu.wait_indirect_dma semaphore(%arg26 : memref<!tpu.dma_semaphore, #tpu.memory_space<semaphore_mem>>) src(%dma_wait3A_335 : memref<10000x128xf32, #tpu.memory_space<hbm>>) dst(%arg17 : memref<40x128xf32, #tpu.memory_space<vmem>>)
      %lt3A_336 = arith.constant 124 : i32
      %lt3A_337 = arith.cmpi slt, %scan3A_261, %lt3A_336 : i32
      %convert_element_type3A_338 = arith.extui %lt3A_337 : i1 to i32
      %cond3A_339 = arith.constant 0 : i32
      %cond3A_340 = arith.cmpi ne, %convert_element_type3A_338, %cond3A_339 : i32
      scf.if %cond3A_340 {
        %add3A_385 = arith.constant 1 : i32
        %add3A_386 = arith.addi %add3A_329, %add3A_385 : i32
        %ge3A_387 = arith.constant 2 : i32
        %ge3A_388 = arith.cmpi sge, %add3A_386, %ge3A_387 : i32
        %convert_element_type3A_389 = arith.extui %ge3A_388 : i1 to i32
        %cond3A_390 = arith.constant 0 : i32
        %cond3A_391 = arith.cmpi ne, %convert_element_type3A_389, %cond3A_390 : i32
        scf.if %cond3A_391 {
          %dma_wait3A_401 = arith.constant 0 : i32
          %dma_wait3A_402 = arith.constant 0 : i32
          %dma_wait3A_403 = tpu.memref_slice %arg22[%dma_wait3A_401, %dma_wait3A_402] : memref<10752x128xf32, #tpu.memory_space<vmem_shared>> -> memref<10752x128xf32, #tpu.memory_space<vmem_shared>>
          tpu.wait_indirect_dma semaphore(%arg27 : memref<!tpu.dma_semaphore, #tpu.memory_space<semaphore_mem>>) src(%arg16 : memref<40x128xf32, #tpu.memory_space<vmem>>) dst(%dma_wait3A_403 : memref<10752x128xf32, #tpu.memory_space<vmem_shared>>)
        } else {
        }
        %mul3A_392 = arith.constant 40 : i32
        %mul3A_393 = arith.muli %add3A_386, %mul3A_392 : i32
        %add3A_394 = arith.addi %mul3A_123, %mul3A_393 : i32
        "tpu.region"() ({
          %run_scoped3A = tpu.sem_alloc : memref<!tpu.dma_semaphore, #tpu.memory_space<semaphore_mem>>
          %dma_start3A_401 = tpu.memref_slice %arg5[%add3A_394] : memref<320000xi32, #tpu.memory_space<hbm>> -> memref<40xi32, #tpu.memory_space<hbm>>
          %dma_start3A_402 = tpu.memref_slice %arg5[%add3A_394] : memref<320000xi32, #tpu.memory_space<hbm>> -> memref<40xi32, #tpu.memory_space<hbm>>
          tpu.enqueue_dma source(%dma_start3A_402 : memref<40xi32, #tpu.memory_space<hbm>>) target(%arg8 : memref<40xi32, #tpu.memory_space<vmem>>) target_semaphore(%run_scoped3A : memref<!tpu.dma_semaphore, #tpu.memory_space<semaphore_mem>>)
          %dma_wait3A_403 = tpu.memref_slice %arg5[%add3A_394] : memref<320000xi32, #tpu.memory_space<hbm>> -> memref<40xi32, #tpu.memory_space<hbm>>
          %dma_wait3A_404 = tpu.memref_slice %arg5[%add3A_394] : memref<320000xi32, #tpu.memory_space<hbm>> -> memref<40xi32, #tpu.memory_space<hbm>>
          tpu.wait_dma2 semaphore(%run_scoped3A : memref<!tpu.dma_semaphore, #tpu.memory_space<semaphore_mem>>) src(%dma_wait3A_404 : memref<40xi32, #tpu.memory_space<hbm>>) dst(%arg8 : memref<40xi32, #tpu.memory_space<vmem>>)
          tpu.yield
        }) : () -> ()
        "tpu.region"() ({
          %run_scoped3A = tpu.sem_alloc : memref<!tpu.dma_semaphore, #tpu.memory_space<semaphore_mem>>
          %dma_start3A_401 = tpu.memref_slice %arg6[%add3A_394] : memref<320000xi32, #tpu.memory_space<hbm>> -> memref<40xi32, #tpu.memory_space<hbm>>
          %dma_start3A_402 = tpu.memref_slice %arg6[%add3A_394] : memref<320000xi32, #tpu.memory_space<hbm>> -> memref<40xi32, #tpu.memory_space<hbm>>
          tpu.enqueue_dma source(%dma_start3A_402 : memref<40xi32, #tpu.memory_space<hbm>>) target(%arg10 : memref<40xi32, #tpu.memory_space<vmem>>) target_semaphore(%run_scoped3A : memref<!tpu.dma_semaphore, #tpu.memory_space<semaphore_mem>>)
          %dma_wait3A_403 = tpu.memref_slice %arg6[%add3A_394] : memref<320000xi32, #tpu.memory_space<hbm>> -> memref<40xi32, #tpu.memory_space<hbm>>
          %dma_wait3A_404 = tpu.memref_slice %arg6[%add3A_394] : memref<320000xi32, #tpu.memory_space<hbm>> -> memref<40xi32, #tpu.memory_space<hbm>>
          tpu.wait_dma2 semaphore(%run_scoped3A : memref<!tpu.dma_semaphore, #tpu.memory_space<semaphore_mem>>) src(%dma_wait3A_404 : memref<40xi32, #tpu.memory_space<hbm>>) dst(%arg10 : memref<40xi32, #tpu.memory_space<vmem>>)
          tpu.yield
        }) : () -> ()
        %dma_start3A_395 = arith.constant 0 : i32
        %dma_start3A_396 = arith.constant 0 : i32
        %dma_start3A_397 = tpu.memref_slice %arg2[%dma_start3A_395, %dma_start3A_396] : memref<10000x256xf32, #tpu.memory_space<hbm>> -> memref<10000x256xf32, #tpu.memory_space<hbm>>
        tpu.enqueue_indirect_dma source(%dma_start3A_397 : memref<10000x256xf32, #tpu.memory_space<hbm>>) target(%arg14 : memref<40x256xf32, #tpu.memory_space<vmem>>) offsets(%arg8 : memref<40xi32, #tpu.memory_space<vmem>>) semaphore(%arg23 : memref<!tpu.dma_semaphore, #tpu.memory_space<semaphore_mem>>)
        %dma_start3A_398 = arith.constant 0 : i32
        %dma_start3A_399 = arith.constant 0 : i32
        %dma_start3A_400 = tpu.memref_slice %arg3[%dma_start3A_398, %dma_start3A_399] : memref<10000x128xf32, #tpu.memory_space<hbm>> -> memref<10000x128xf32, #tpu.memory_space<hbm>>
        tpu.enqueue_indirect_dma source(%dma_start3A_400 : memref<10000x128xf32, #tpu.memory_space<hbm>>) target(%arg16 : memref<40x128xf32, #tpu.memory_space<vmem>>) offsets(%arg10 : memref<40xi32, #tpu.memory_space<vmem>>) semaphore(%arg25 : memref<!tpu.dma_semaphore, #tpu.memory_space<semaphore_mem>>)
      } else {
      }
      %ge3A_341 = arith.constant 2 : i32
      %ge3A_342 = arith.cmpi sge, %add3A_329, %ge3A_341 : i32
      %convert_element_type3A_343 = arith.extui %ge3A_342 : i1 to i32
      %cond3A_344 = arith.constant 0 : i32
      %cond3A_345 = arith.cmpi ne, %convert_element_type3A_343, %cond3A_344 : i32
      scf.if %cond3A_345 {
        %dma_wait3A_385 = arith.constant 0 : i32
        %dma_wait3A_386 = arith.constant 0 : i32
        %dma_wait3A_387 = tpu.memref_slice %arg22[%dma_wait3A_385, %dma_wait3A_386] : memref<10752x128xf32, #tpu.memory_space<vmem_shared>> -> memref<10752x128xf32, #tpu.memory_space<vmem_shared>>
        tpu.wait_indirect_dma semaphore(%arg30 : memref<!tpu.dma_semaphore, #tpu.memory_space<semaphore_mem>>) src(%arg19 : memref<40x128xf32, #tpu.memory_space<vmem>>) dst(%dma_wait3A_387 : memref<10752x128xf32, #tpu.memory_space<vmem_shared>>)
      } else {
      }
      %get3A_346 = arith.constant 0 : index
      %get3A_347 = tpu.vector_load %arg11[%get3A_346] {strides = array<i32>} : memref<40xi32, #tpu.memory_space<vmem>>, vector<16xi32>,
      %shift_right_arithmetic3A_348 = arith.constant 5 : i32
      %shift_right_arithmetic3A_349 = vector.broadcast %shift_right_arithmetic3A_348 : i32 to vector<16xi32>
      %shift_right_arithmetic3A_350 = arith.shrsi %get3A_347, %shift_right_arithmetic3A_349 : vector<16xi32>
      %add3A_351 = arith.constant 10240 : i32
      %add3A_352 = vector.broadcast %add3A_351 : i32 to vector<16xi32>
      %add3A_353 = arith.addi %shift_right_arithmetic3A_350, %add3A_352 : vector<16xi32>
      %swap3A_354 = arith.constant 0 : index
      %swap3A_355 = tpu.vector_load %arg13[%swap3A_354] {strides = array<i32>} : memref<40xi32, #tpu.memory_space<vmem>>, vector<16xi32>,
      tpu.vector_store %arg13[%swap3A_354], %add3A_353 {strides = array<i32>} : memref<40xi32, #tpu.memory_space<vmem>>, vector<16xi32>,
      %get3A_356 = arith.constant 16 : index
      %get3A_357 = tpu.vector_load %arg11[%get3A_356] {strides = array<i32>} : memref<40xi32, #tpu.memory_space<vmem>>, vector<16xi32>,
      %shift_right_arithmetic3A_358 = arith.constant 5 : i32
      %shift_right_arithmetic3A_359 = vector.broadcast %shift_right_arithmetic3A_358 : i32 to vector<16xi32>
      %shift_right_arithmetic3A_360 = arith.shrsi %get3A_357, %shift_right_arithmetic3A_359 : vector<16xi32>
      %add3A_361 = arith.constant 10240 : i32
      %add3A_362 = vector.broadcast %add3A_361 : i32 to vector<16xi32>
      %add3A_363 = arith.addi %shift_right_arithmetic3A_360, %add3A_362 : vector<16xi32>
      %swap3A_364 = arith.constant 16 : index
      %swap3A_365 = tpu.vector_load %arg13[%swap3A_364] {strides = array<i32>} : memref<40xi32, #tpu.memory_space<vmem>>, vector<16xi32>,
      tpu.vector_store %arg13[%swap3A_364], %add3A_363 {strides = array<i32>} : memref<40xi32, #tpu.memory_space<vmem>>, vector<16xi32>,
      %get3A_366 = arith.constant 24 : index
      %get3A_367 = tpu.vector_load %arg11[%get3A_366] {strides = array<i32>} : memref<40xi32, #tpu.memory_space<vmem>>, vector<16xi32>,
      %shift_right_arithmetic3A_368 = arith.constant 5 : i32
      %shift_right_arithmetic3A_369 = vector.broadcast %shift_right_arithmetic3A_368 : i32 to vector<16xi32>
      %shift_right_arithmetic3A_370 = arith.shrsi %get3A_367, %shift_right_arithmetic3A_369 : vector<16xi32>
      %add3A_371 = arith.constant 10240 : i32
      %add3A_372 = vector.broadcast %add3A_371 : i32 to vector<16xi32>
      %add3A_373 = arith.addi %shift_right_arithmetic3A_370, %add3A_372 : vector<16xi32>
      %swap3A_374 = arith.constant 24 : index
      %swap3A_375 = tpu.vector_load %arg13[%swap3A_374] {strides = array<i32>} : memref<40xi32, #tpu.memory_space<vmem>>, vector<16xi32>,
      tpu.vector_store %arg13[%swap3A_374], %add3A_373 {strides = array<i32>} : memref<40xi32, #tpu.memory_space<vmem>>, vector<16xi32>,
      %parallel_loop3A_376 = arith.constant 0 : i32
      %parallel_loop3A_377 = arith.constant 40 : i32
      %parallel_loop3A_378 = arith.constant 1 : i32
      scf.for %parallel_loop3A_385 = %parallel_loop3A_376 to %parallel_loop3A_377 step %parallel_loop3A_378  : i32 {
        %parallel_loop3A_386 = arith.index_cast %parallel_loop3A_385 : i32 to index
        %parallel_loop3A_387 = arith.constant 128 : index
        %parallel_loop3A_388 = tpu.vector_load %arg15[%parallel_loop3A_386, %parallel_loop3A_387] {strides = array<i32>} : memref<40x256xf32, #tpu.memory_space<vmem>>, vector<16xf32>,
        %parallel_loop3A_389 = arith.index_cast %parallel_loop3A_385 : i32 to index
        %parallel_loop3A_390 = arith.constant 0 : index
        %parallel_loop3A_391 = tpu.vector_load %arg17[%parallel_loop3A_389, %parallel_loop3A_390] {strides = array<i32>} : memref<40x128xf32, #tpu.memory_space<vmem>>, vector<16xf32>,
        %parallel_loop3A_392 = arith.addf %parallel_loop3A_388, %parallel_loop3A_391 : vector<16xf32>
        %parallel_loop3A_393 = arith.constant 2.000000e-01 : f32
        %parallel_loop3A_394 = vector.broadcast %parallel_loop3A_393 : f32 to vector<16xf32>
        %parallel_loop3A_395 = arith.mulf %parallel_loop3A_394, %parallel_loop3A_392 : vector<16xf32>
        %parallel_loop3A_396 = arith.maximumf %parallel_loop3A_392, %parallel_loop3A_395 : vector<16xf32>
        %parallel_loop3A_397 = arith.addf %get3A_121, %parallel_loop3A_391 : vector<16xf32>
        %parallel_loop3A_398 = arith.constant 2.000000e-01 : f32
        %parallel_loop3A_399 = vector.broadcast %parallel_loop3A_398 : f32 to vector<16xf32>
        %parallel_loop3A_400 = arith.mulf %parallel_loop3A_399, %parallel_loop3A_397 : vector<16xf32>
        %parallel_loop3A_401 = arith.maximumf %parallel_loop3A_397, %parallel_loop3A_400 : vector<16xf32>
        %parallel_loop3A_402 = arith.subf %parallel_loop3A_396, %parallel_loop3A_401 : vector<16xf32>
        %parallel_loop3A_403 = math.exp %parallel_loop3A_402 : vector<16xf32>
        %parallel_loop3A_404 = arith.constant 16 : i32
        %parallel_loop3A_405 = arith.divsi %parallel_loop3A_385, %parallel_loop3A_404 : i32
        %parallel_loop3A_406 = arith.constant 0 : i32
        %parallel_loop3A_407 = arith.cmpi sgt, %parallel_loop3A_385, %parallel_loop3A_406 : i32
        %parallel_loop3A_408 = arith.extui %parallel_loop3A_407 : i1 to i32
        %parallel_loop3A_409 = arith.constant 0 : i32
        %parallel_loop3A_410 = arith.cmpi slt, %parallel_loop3A_385, %parallel_loop3A_409 : i32
        %parallel_loop3A_411 = arith.extui %parallel_loop3A_410 : i1 to i32
        %parallel_loop3A_412 = arith.subi %parallel_loop3A_408, %parallel_loop3A_411 : i32
        %parallel_loop3A_413 = arith.constant 0 : i32
        %parallel_loop3A_414 = arith.cmpi sgt, %parallel_loop3A_404, %parallel_loop3A_413 : i32
        %parallel_loop3A_415 = arith.extui %parallel_loop3A_414 : i1 to i32
        %parallel_loop3A_416 = arith.constant 0 : i32
        %parallel_loop3A_417 = arith.cmpi slt, %parallel_loop3A_404, %parallel_loop3A_416 : i32
        %parallel_loop3A_418 = arith.extui %parallel_loop3A_417 : i1 to i32
        %parallel_loop3A_419 = arith.subi %parallel_loop3A_415, %parallel_loop3A_418 : i32
        %parallel_loop3A_420 = arith.cmpi ne, %parallel_loop3A_412, %parallel_loop3A_419 : i32
        %parallel_loop3A_421 = arith.remsi %parallel_loop3A_385, %parallel_loop3A_404 : i32
        %parallel_loop3A_422 = arith.constant 0 : i32
        %parallel_loop3A_423 = arith.cmpi ne, %parallel_loop3A_421, %parallel_loop3A_422 : i32
        %parallel_loop3A_424 = arith.andi %parallel_loop3A_420, %parallel_loop3A_423 : i1
        %parallel_loop3A_425 = arith.constant 1 : i32
        %parallel_loop3A_426 = arith.subi %parallel_loop3A_405, %parallel_loop3A_425 : i32
        %parallel_loop3A_427 = arith.select %parallel_loop3A_424, %parallel_loop3A_426, %parallel_loop3A_405 : i32
        %parallel_loop3A_428 = arith.constant 16 : i32
        %parallel_loop3A_429 = arith.muli %parallel_loop3A_427, %parallel_loop3A_428 : i32
        %parallel_loop3A_430 = arith.constant 24 : i32
        %parallel_loop3A_431 = arith.minsi %parallel_loop3A_429, %parallel_loop3A_430 : i32
        %parallel_loop3A_432 = arith.index_cast %parallel_loop3A_431 : i32 to index
        %parallel_loop3A_433 = tpu.vector_load %arg11[%parallel_loop3A_432] {strides = array<i32>} : memref<40xi32, #tpu.memory_space<vmem>>, vector<16xi32>,
        %parallel_loop3A_434 = arith.subi %parallel_loop3A_385, %parallel_loop3A_431 : i32
        %parallel_loop3A_435 = vector.broadcast %parallel_loop3A_434 : i32 to vector<16xi32>
        %parallel_loop3A_436 = arith.constant 0 : i32
        %parallel_loop3A_437 = vector.broadcast %parallel_loop3A_436 : i32 to vector<16xi32>
        %parallel_loop3A_438 = arith.cmpi slt, %parallel_loop3A_435, %parallel_loop3A_437 : vector<16xi32>
        %parallel_loop3A_439 = arith.constant 16 : i32
        %parallel_loop3A_440 = vector.broadcast %parallel_loop3A_439 : i32 to vector<16xi32>
        %parallel_loop3A_441 = arith.addi %parallel_loop3A_435, %parallel_loop3A_440 : vector<16xi32>
        %parallel_loop3A_442 = arith.select %parallel_loop3A_438, %parallel_loop3A_441, %parallel_loop3A_435 : vector<16xi1>, vector<16xi32>
        %parallel_loop3A_443 = vector.shape_cast %parallel_loop3A_442 : vector<16xi32> to vector<16x1xi32>
        %parallel_loop3A_444 = vector.shape_cast %parallel_loop3A_443 : vector<16x1xi32> to vector<16xi32>
        %parallel_loop3A_445 = tpu.dynamic_gather %parallel_loop3A_433[%parallel_loop3A_444] in [0] : vector<16xi32>, vector<16xi32> -> vector<16xi32>
        %parallel_loop3A_446 = arith.index_cast %parallel_loop3A_385 : i32 to index
        %parallel_loop3A_447 = arith.constant 0 : index
        %parallel_loop3A_448 = tpu.vector_load %arg19[%parallel_loop3A_446, %parallel_loop3A_447] {strides = array<i32>} : memref<40x128xf32, #tpu.memory_space<vmem>>, vector<16xf32>,
        tpu.vector_store %arg19[%parallel_loop3A_446, %parallel_loop3A_447], %broadcast_in_dim3A_1 {strides = array<i32>} : memref<40x128xf32, #tpu.memory_space<vmem>>, vector<16xf32>,
        %parallel_loop3A_449 = arith.index_cast %parallel_loop3A_385 : i32 to index
        %parallel_loop3A_450 = arith.constant 16 : index
        %parallel_loop3A_451 = tpu.vector_load %arg19[%parallel_loop3A_449, %parallel_loop3A_450] {strides = array<i32>} : memref<40x128xf32, #tpu.memory_space<vmem>>, vector<16xf32>,
        tpu.vector_store %arg19[%parallel_loop3A_449, %parallel_loop3A_450], %broadcast_in_dim3A_1 {strides = array<i32>} : memref<40x128xf32, #tpu.memory_space<vmem>>, vector<16xf32>,
        %parallel_loop3A_452 = arith.index_cast %parallel_loop3A_385 : i32 to index
        %parallel_loop3A_453 = arith.constant 32 : index
        %parallel_loop3A_454 = tpu.vector_load %arg19[%parallel_loop3A_452, %parallel_loop3A_453] {strides = array<i32>} : memref<40x128xf32, #tpu.memory_space<vmem>>, vector<16xf32>,
        tpu.vector_store %arg19[%parallel_loop3A_452, %parallel_loop3A_453], %broadcast_in_dim3A_1 {strides = array<i32>} : memref<40x128xf32, #tpu.memory_space<vmem>>, vector<16xf32>,
        %parallel_loop3A_455 = arith.index_cast %parallel_loop3A_385 : i32 to index
        %parallel_loop3A_456 = arith.constant 48 : index
        %parallel_loop3A_457 = tpu.vector_load %arg19[%parallel_loop3A_455, %parallel_loop3A_456] {strides = array<i32>} : memref<40x128xf32, #tpu.memory_space<vmem>>, vector<16xf32>,
        tpu.vector_store %arg19[%parallel_loop3A_455, %parallel_loop3A_456], %broadcast_in_dim3A_1 {strides = array<i32>} : memref<40x128xf32, #tpu.memory_space<vmem>>, vector<16xf32>,
        %parallel_loop3A_458 = arith.index_cast %parallel_loop3A_385 : i32 to index
        %parallel_loop3A_459 = arith.constant 64 : index
        %parallel_loop3A_460 = tpu.vector_load %arg19[%parallel_loop3A_458, %parallel_loop3A_459] {strides = array<i32>} : memref<40x128xf32, #tpu.memory_space<vmem>>, vector<16xf32>,
        tpu.vector_store %arg19[%parallel_loop3A_458, %parallel_loop3A_459], %broadcast_in_dim3A_1 {strides = array<i32>} : memref<40x128xf32, #tpu.memory_space<vmem>>, vector<16xf32>,
        %parallel_loop3A_461 = arith.index_cast %parallel_loop3A_385 : i32 to index
        %parallel_loop3A_462 = arith.constant 80 : index
        %parallel_loop3A_463 = tpu.vector_load %arg19[%parallel_loop3A_461, %parallel_loop3A_462] {strides = array<i32>} : memref<40x128xf32, #tpu.memory_space<vmem>>, vector<16xf32>,
        tpu.vector_store %arg19[%parallel_loop3A_461, %parallel_loop3A_462], %broadcast_in_dim3A_1 {strides = array<i32>} : memref<40x128xf32, #tpu.memory_space<vmem>>, vector<16xf32>,
        %parallel_loop3A_464 = arith.index_cast %parallel_loop3A_385 : i32 to index
        %parallel_loop3A_465 = arith.constant 96 : index
        %parallel_loop3A_466 = tpu.vector_load %arg19[%parallel_loop3A_464, %parallel_loop3A_465] {strides = array<i32>} : memref<40x128xf32, #tpu.memory_space<vmem>>, vector<16xf32>,
        tpu.vector_store %arg19[%parallel_loop3A_464, %parallel_loop3A_465], %broadcast_in_dim3A_1 {strides = array<i32>} : memref<40x128xf32, #tpu.memory_space<vmem>>, vector<16xf32>,
        %parallel_loop3A_467 = arith.index_cast %parallel_loop3A_385 : i32 to index
        %parallel_loop3A_468 = arith.constant 112 : index
        %parallel_loop3A_469 = tpu.vector_load %arg19[%parallel_loop3A_467, %parallel_loop3A_468] {strides = array<i32>} : memref<40x128xf32, #tpu.memory_space<vmem>>, vector<16xf32>,
        tpu.vector_store %arg19[%parallel_loop3A_467, %parallel_loop3A_468], %broadcast_in_dim3A_1 {strides = array<i32>} : memref<40x128xf32, #tpu.memory_space<vmem>>, vector<16xf32>,
        %parallel_loop3A_470 = vector.broadcast %parallel_loop3A_385 : i32 to vector<16xi32>
        %parallel_loop3A_471 = arith.constant 31 : i32
        %parallel_loop3A_472 = vector.broadcast %parallel_loop3A_471 : i32 to vector<16xi32>
        %parallel_loop3A_473 = arith.andi %parallel_loop3A_445, %parallel_loop3A_472 : vector<16xi32>
        %parallel_loop3A_474 = arith.constant 4 : i32
        %parallel_loop3A_475 = vector.broadcast %parallel_loop3A_474 : i32 to vector<16xi32>
        %parallel_loop3A_476 = arith.muli %parallel_loop3A_473, %parallel_loop3A_475 : vector<16xi32>
        %parallel_loop3A_477 = arith.addi %parallel_loop3A_476, %iota3A : vector<16xi32>
        tpu.vector_store_idx %arg19[%parallel_loop3A_470, %parallel_loop3A_477], %parallel_loop3A_403 masked %lt3A_3 : memref<40x128xf32, #tpu.memory_space<vmem>>[vector<16xi32>, vector<16xi32>], vector<16xf32>, vector<16xi1>
        %parallel_loop3A_478 = arith.constant 0 : i32
        %parallel_loop3A_479 = vector.broadcast %parallel_loop3A_478 : i32 to vector<16xi32>
        %parallel_loop3A_480 = arith.constant 0 : i32
        %parallel_loop3A_481 = vector.broadcast %parallel_loop3A_480 : i32 to vector<16xi32>
        %parallel_loop3A_482 = arith.cmpi slt, %parallel_loop3A_479, %parallel_loop3A_481 : vector<16xi32>
        %parallel_loop3A_483 = arith.constant 16 : i32
        %parallel_loop3A_484 = vector.broadcast %parallel_loop3A_483 : i32 to vector<16xi32>
        %parallel_loop3A_485 = arith.addi %parallel_loop3A_479, %parallel_loop3A_484 : vector<16xi32>
        %parallel_loop3A_486 = arith.select %parallel_loop3A_482, %parallel_loop3A_485, %parallel_loop3A_479 : vector<16xi1>, vector<16xi32>
        %parallel_loop3A_487 = vector.shape_cast %parallel_loop3A_486 : vector<16xi32> to vector<16x1xi32>
        %parallel_loop3A_488 = vector.shape_cast %parallel_loop3A_487 : vector<16x1xi32> to vector<16xi32>
        %parallel_loop3A_489 = tpu.dynamic_gather %parallel_loop3A_403[%parallel_loop3A_488] in [0] : vector<16xf32>, vector<16xi32> -> vector<16xf32>
        %parallel_loop3A_490 = arith.index_cast %parallel_loop3A_385 : i32 to index
        %parallel_loop3A_491 = arith.constant 0 : index
        %parallel_loop3A_492 = tpu.vector_load %arg15[%parallel_loop3A_490, %parallel_loop3A_491] {strides = array<i32>} : memref<40x256xf32, #tpu.memory_space<vmem>>, vector<16xf32>,
        %parallel_loop3A_493 = arith.mulf %parallel_loop3A_492, %parallel_loop3A_489 : vector<16xf32>
        %parallel_loop3A_494 = arith.index_cast %parallel_loop3A_385 : i32 to index
        %parallel_loop3A_495 = arith.constant 0 : index
        %parallel_loop3A_496 = tpu.vector_load %arg17[%parallel_loop3A_494, %parallel_loop3A_495] {strides = array<i32>} : memref<40x128xf32, #tpu.memory_space<vmem>>, vector<16xf32>,
        tpu.vector_store %arg17[%parallel_loop3A_494, %parallel_loop3A_495], %parallel_loop3A_493 {strides = array<i32>} : memref<40x128xf32, #tpu.memory_space<vmem>>, vector<16xf32>,
        %parallel_loop3A_497 = arith.index_cast %parallel_loop3A_385 : i32 to index
        %parallel_loop3A_498 = arith.constant 16 : index
        %parallel_loop3A_499 = tpu.vector_load %arg15[%parallel_loop3A_497, %parallel_loop3A_498] {strides = array<i32>} : memref<40x256xf32, #tpu.memory_space<vmem>>, vector<16xf32>,
        %parallel_loop3A_500 = arith.mulf %parallel_loop3A_499, %parallel_loop3A_489 : vector<16xf32>
        %parallel_loop3A_501 = arith.index_cast %parallel_loop3A_385 : i32 to index
        %parallel_loop3A_502 = arith.constant 16 : index
        %parallel_loop3A_503 = tpu.vector_load %arg17[%parallel_loop3A_501, %parallel_loop3A_502] {strides = array<i32>} : memref<40x128xf32, #tpu.memory_space<vmem>>, vector<16xf32>,
        tpu.vector_store %arg17[%parallel_loop3A_501, %parallel_loop3A_502], %parallel_loop3A_500 {strides = array<i32>} : memref<40x128xf32, #tpu.memory_space<vmem>>, vector<16xf32>,
        %parallel_loop3A_504 = arith.constant 1 : i32
        %parallel_loop3A_505 = vector.broadcast %parallel_loop3A_504 : i32 to vector<16xi32>
        %parallel_loop3A_506 = arith.constant 0 : i32
        %parallel_loop3A_507 = vector.broadcast %parallel_loop3A_506 : i32 to vector<16xi32>
        %parallel_loop3A_508 = arith.cmpi slt, %parallel_loop3A_505, %parallel_loop3A_507 : vector<16xi32>
        %parallel_loop3A_509 = arith.constant 16 : i32
        %parallel_loop3A_510 = vector.broadcast %parallel_loop3A_509 : i32 to vector<16xi32>
        %parallel_loop3A_511 = arith.addi %parallel_loop3A_505, %parallel_loop3A_510 : vector<16xi32>
        %parallel_loop3A_512 = arith.select %parallel_loop3A_508, %parallel_loop3A_511, %parallel_loop3A_505 : vector<16xi1>, vector<16xi32>
        %parallel_loop3A_513 = vector.shape_cast %parallel_loop3A_512 : vector<16xi32> to vector<16x1xi32>
        %parallel_loop3A_514 = vector.shape_cast %parallel_loop3A_513 : vector<16x1xi32> to vector<16xi32>
        %parallel_loop3A_515 = tpu.dynamic_gather %parallel_loop3A_403[%parallel_loop3A_514] in [0] : vector<16xf32>, vector<16xi32> -> vector<16xf32>
        %parallel_loop3A_516 = arith.index_cast %parallel_loop3A_385 : i32 to index
        %parallel_loop3A_517 = arith.constant 32 : index
        %parallel_loop3A_518 = tpu.vector_load %arg15[%parallel_loop3A_516, %parallel_loop3A_517] {strides = array<i32>} : memref<40x256xf32, #tpu.memory_space<vmem>>, vector<16xf32>,
        %parallel_loop3A_519 = arith.mulf %parallel_loop3A_518, %parallel_loop3A_515 : vector<16xf32>
        %parallel_loop3A_520 = arith.index_cast %parallel_loop3A_385 : i32 to index
        %parallel_loop3A_521 = arith.constant 32 : index
        %parallel_loop3A_522 = tpu.vector_load %arg17[%parallel_loop3A_520, %parallel_loop3A_521] {strides = array<i32>} : memref<40x128xf32, #tpu.memory_space<vmem>>, vector<16xf32>,
        tpu.vector_store %arg17[%parallel_loop3A_520, %parallel_loop3A_521], %parallel_loop3A_519 {strides = array<i32>} : memref<40x128xf32, #tpu.memory_space<vmem>>, vector<16xf32>,
        %parallel_loop3A_523 = arith.index_cast %parallel_loop3A_385 : i32 to index
        %parallel_loop3A_524 = arith.constant 48 : index
        %parallel_loop3A_525 = tpu.vector_load %arg15[%parallel_loop3A_523, %parallel_loop3A_524] {strides = array<i32>} : memref<40x256xf32, #tpu.memory_space<vmem>>, vector<16xf32>,
        %parallel_loop3A_526 = arith.mulf %parallel_loop3A_525, %parallel_loop3A_515 : vector<16xf32>
        %parallel_loop3A_527 = arith.index_cast %parallel_loop3A_385 : i32 to index
        %parallel_loop3A_528 = arith.constant 48 : index
        %parallel_loop3A_529 = tpu.vector_load %arg17[%parallel_loop3A_527, %parallel_loop3A_528] {strides = array<i32>} : memref<40x128xf32, #tpu.memory_space<vmem>>, vector<16xf32>,
        tpu.vector_store %arg17[%parallel_loop3A_527, %parallel_loop3A_528], %parallel_loop3A_526 {strides = array<i32>} : memref<40x128xf32, #tpu.memory_space<vmem>>, vector<16xf32>,
        %parallel_loop3A_530 = arith.constant 2 : i32
        %parallel_loop3A_531 = vector.broadcast %parallel_loop3A_530 : i32 to vector<16xi32>
        %parallel_loop3A_532 = arith.constant 0 : i32
        %parallel_loop3A_533 = vector.broadcast %parallel_loop3A_532 : i32 to vector<16xi32>
        %parallel_loop3A_534 = arith.cmpi slt, %parallel_loop3A_531, %parallel_loop3A_533 : vector<16xi32>
        %parallel_loop3A_535 = arith.constant 16 : i32
        %parallel_loop3A_536 = vector.broadcast %parallel_loop3A_535 : i32 to vector<16xi32>
        %parallel_loop3A_537 = arith.addi %parallel_loop3A_531, %parallel_loop3A_536 : vector<16xi32>
        %parallel_loop3A_538 = arith.select %parallel_loop3A_534, %parallel_loop3A_537, %parallel_loop3A_531 : vector<16xi1>, vector<16xi32>
        %parallel_loop3A_539 = vector.shape_cast %parallel_loop3A_538 : vector<16xi32> to vector<16x1xi32>
        %parallel_loop3A_540 = vector.shape_cast %parallel_loop3A_539 : vector<16x1xi32> to vector<16xi32>
        %parallel_loop3A_541 = tpu.dynamic_gather %parallel_loop3A_403[%parallel_loop3A_540] in [0] : vector<16xf32>, vector<16xi32> -> vector<16xf32>
        %parallel_loop3A_542 = arith.index_cast %parallel_loop3A_385 : i32 to index
        %parallel_loop3A_543 = arith.constant 64 : index
        %parallel_loop3A_544 = tpu.vector_load %arg15[%parallel_loop3A_542, %parallel_loop3A_543] {strides = array<i32>} : memref<40x256xf32, #tpu.memory_space<vmem>>, vector<16xf32>,
        %parallel_loop3A_545 = arith.mulf %parallel_loop3A_544, %parallel_loop3A_541 : vector<16xf32>
        %parallel_loop3A_546 = arith.index_cast %parallel_loop3A_385 : i32 to index
        %parallel_loop3A_547 = arith.constant 64 : index
        %parallel_loop3A_548 = tpu.vector_load %arg17[%parallel_loop3A_546, %parallel_loop3A_547] {strides = array<i32>} : memref<40x128xf32, #tpu.memory_space<vmem>>, vector<16xf32>,
        tpu.vector_store %arg17[%parallel_loop3A_546, %parallel_loop3A_547], %parallel_loop3A_545 {strides = array<i32>} : memref<40x128xf32, #tpu.memory_space<vmem>>, vector<16xf32>,
        %parallel_loop3A_549 = arith.index_cast %parallel_loop3A_385 : i32 to index
        %parallel_loop3A_550 = arith.constant 80 : index
        %parallel_loop3A_551 = tpu.vector_load %arg15[%parallel_loop3A_549, %parallel_loop3A_550] {strides = array<i32>} : memref<40x256xf32, #tpu.memory_space<vmem>>, vector<16xf32>,
        %parallel_loop3A_552 = arith.mulf %parallel_loop3A_551, %parallel_loop3A_541 : vector<16xf32>
        %parallel_loop3A_553 = arith.index_cast %parallel_loop3A_385 : i32 to index
        %parallel_loop3A_554 = arith.constant 80 : index
        %parallel_loop3A_555 = tpu.vector_load %arg17[%parallel_loop3A_553, %parallel_loop3A_554] {strides = array<i32>} : memref<40x128xf32, #tpu.memory_space<vmem>>, vector<16xf32>,
        tpu.vector_store %arg17[%parallel_loop3A_553, %parallel_loop3A_554], %parallel_loop3A_552 {strides = array<i32>} : memref<40x128xf32, #tpu.memory_space<vmem>>, vector<16xf32>,
        %parallel_loop3A_556 = arith.constant 3 : i32
        %parallel_loop3A_557 = vector.broadcast %parallel_loop3A_556 : i32 to vector<16xi32>
        %parallel_loop3A_558 = arith.constant 0 : i32
        %parallel_loop3A_559 = vector.broadcast %parallel_loop3A_558 : i32 to vector<16xi32>
        %parallel_loop3A_560 = arith.cmpi slt, %parallel_loop3A_557, %parallel_loop3A_559 : vector<16xi32>
        %parallel_loop3A_561 = arith.constant 16 : i32
        %parallel_loop3A_562 = vector.broadcast %parallel_loop3A_561 : i32 to vector<16xi32>
        %parallel_loop3A_563 = arith.addi %parallel_loop3A_557, %parallel_loop3A_562 : vector<16xi32>
        %parallel_loop3A_564 = arith.select %parallel_loop3A_560, %parallel_loop3A_563, %parallel_loop3A_557 : vector<16xi1>, vector<16xi32>
        %parallel_loop3A_565 = vector.shape_cast %parallel_loop3A_564 : vector<16xi32> to vector<16x1xi32>
        %parallel_loop3A_566 = vector.shape_cast %parallel_loop3A_565 : vector<16x1xi32> to vector<16xi32>
        %parallel_loop3A_567 = tpu.dynamic_gather %parallel_loop3A_403[%parallel_loop3A_566] in [0] : vector<16xf32>, vector<16xi32> -> vector<16xf32>
        %parallel_loop3A_568 = arith.index_cast %parallel_loop3A_385 : i32 to index
        %parallel_loop3A_569 = arith.constant 96 : index
        %parallel_loop3A_570 = tpu.vector_load %arg15[%parallel_loop3A_568, %parallel_loop3A_569] {strides = array<i32>} : memref<40x256xf32, #tpu.memory_space<vmem>>, vector<16xf32>,
        %parallel_loop3A_571 = arith.mulf %parallel_loop3A_570, %parallel_loop3A_567 : vector<16xf32>
        %parallel_loop3A_572 = arith.index_cast %parallel_loop3A_385 : i32 to index
        %parallel_loop3A_573 = arith.constant 96 : index
        %parallel_loop3A_574 = tpu.vector_load %arg17[%parallel_loop3A_572, %parallel_loop3A_573] {strides = array<i32>} : memref<40x128xf32, #tpu.memory_space<vmem>>, vector<16xf32>,
        tpu.vector_store %arg17[%parallel_loop3A_572, %parallel_loop3A_573], %parallel_loop3A_571 {strides = array<i32>} : memref<40x128xf32, #tpu.memory_space<vmem>>, vector<16xf32>,
        %parallel_loop3A_575 = arith.index_cast %parallel_loop3A_385 : i32 to index
        %parallel_loop3A_576 = arith.constant 112 : index
        %parallel_loop3A_577 = tpu.vector_load %arg15[%parallel_loop3A_575, %parallel_loop3A_576] {strides = array<i32>} : memref<40x256xf32, #tpu.memory_space<vmem>>, vector<16xf32>,
        %parallel_loop3A_578 = arith.mulf %parallel_loop3A_577, %parallel_loop3A_567 : vector<16xf32>
        %parallel_loop3A_579 = arith.index_cast %parallel_loop3A_385 : i32 to index
        %parallel_loop3A_580 = arith.constant 112 : index
        %parallel_loop3A_581 = tpu.vector_load %arg17[%parallel_loop3A_579, %parallel_loop3A_580] {strides = array<i32>} : memref<40x128xf32, #tpu.memory_space<vmem>>, vector<16xf32>,
        tpu.vector_store %arg17[%parallel_loop3A_579, %parallel_loop3A_580], %parallel_loop3A_578 {strides = array<i32>} : memref<40x128xf32, #tpu.memory_space<vmem>>, vector<16xf32>,
      } {sc.loop_unroll_factor = 4 : i64, sc.parallel_access}
      %dma_start3A_379 = arith.constant 0 : i32
      %dma_start3A_380 = arith.constant 0 : i32
      %dma_start3A_381 = tpu.memref_slice %arg22[%dma_start3A_379, %dma_start3A_380] : memref<10752x128xf32, #tpu.memory_space<vmem_shared>> -> memref<10752x128xf32, #tpu.memory_space<vmem_shared>>
      tpu.enqueue_indirect_dma source(%arg17 : memref<40x128xf32, #tpu.memory_space<vmem>>) target(%dma_start3A_381 : memref<10752x128xf32, #tpu.memory_space<vmem_shared>>) offsets(%arg11 : memref<40xi32, #tpu.memory_space<vmem>>) semaphore(%arg28 : memref<!tpu.dma_semaphore, #tpu.memory_space<semaphore_mem>>) {add = true}
      %dma_start3A_382 = arith.constant 0 : i32
      %dma_start3A_383 = arith.constant 0 : i32
      %dma_start3A_384 = tpu.memref_slice %arg22[%dma_start3A_382, %dma_start3A_383] : memref<10752x128xf32, #tpu.memory_space<vmem_shared>> -> memref<10752x128xf32, #tpu.memory_space<vmem_shared>>
      tpu.enqueue_indirect_dma source(%arg19 : memref<40x128xf32, #tpu.memory_space<vmem>>) target(%dma_start3A_384 : memref<10752x128xf32, #tpu.memory_space<vmem_shared>>) offsets(%arg13 : memref<40xi32, #tpu.memory_space<vmem>>) semaphore(%arg30 : memref<!tpu.dma_semaphore, #tpu.memory_space<semaphore_mem>>) {add = true}
    }
    %scan3A_136 = arith.constant 125 : i32
    %dma_wait3A = arith.constant 0 : i32
    %dma_wait3A_137 = arith.constant 0 : i32
    %dma_wait3A_138 = tpu.memref_slice %arg22[%dma_wait3A, %dma_wait3A_137] : memref<10752x128xf32, #tpu.memory_space<vmem_shared>> -> memref<10752x128xf32, #tpu.memory_space<vmem_shared>>
    tpu.wait_indirect_dma semaphore(%arg27 : memref<!tpu.dma_semaphore, #tpu.memory_space<semaphore_mem>>) src(%arg16 : memref<40x128xf32, #tpu.memory_space<vmem>>) dst(%dma_wait3A_138 : memref<10752x128xf32, #tpu.memory_space<vmem_shared>>)
    %dma_wait3A_139 = arith.constant 0 : i32
    %dma_wait3A_140 = arith.constant 0 : i32
    %dma_wait3A_141 = tpu.memref_slice %arg22[%dma_wait3A_139, %dma_wait3A_140] : memref<10752x128xf32, #tpu.memory_space<vmem_shared>> -> memref<10752x128xf32, #tpu.memory_space<vmem_shared>>
    tpu.wait_indirect_dma semaphore(%arg29 : memref<!tpu.dma_semaphore, #tpu.memory_space<semaphore_mem>>) src(%arg18 : memref<40x128xf32, #tpu.memory_space<vmem>>) dst(%dma_wait3A_141 : memref<10752x128xf32, #tpu.memory_space<vmem_shared>>)
    %dma_wait3A_142 = arith.constant 0 : i32
    %dma_wait3A_143 = arith.constant 0 : i32
    %dma_wait3A_144 = tpu.memref_slice %arg22[%dma_wait3A_142, %dma_wait3A_143] : memref<10752x128xf32, #tpu.memory_space<vmem_shared>> -> memref<10752x128xf32, #tpu.memory_space<vmem_shared>>
    tpu.wait_indirect_dma semaphore(%arg28 : memref<!tpu.dma_semaphore, #tpu.memory_space<semaphore_mem>>) src(%arg17 : memref<40x128xf32, #tpu.memory_space<vmem>>) dst(%dma_wait3A_144 : memref<10752x128xf32, #tpu.memory_space<vmem_shared>>)
    %dma_wait3A_145 = arith.constant 0 : i32
    %dma_wait3A_146 = arith.constant 0 : i32
    %dma_wait3A_147 = tpu.memref_slice %arg22[%dma_wait3A_145, %dma_wait3A_146] : memref<10752x128xf32, #tpu.memory_space<vmem_shared>> -> memref<10752x128xf32, #tpu.memory_space<vmem_shared>>
    tpu.wait_indirect_dma semaphore(%arg30 : memref<!tpu.dma_semaphore, #tpu.memory_space<semaphore_mem>>) src(%arg19 : memref<40x128xf32, #tpu.memory_space<vmem>>) dst(%dma_wait3A_147 : memref<10752x128xf32, #tpu.memory_space<vmem_shared>>)
    %barrier3A_148 = arith.constant 0 : index
    tpu.barrier barrier_id(%barrier3A_148)
    %mul3A_149 = arith.constant 672 : i32
    %mul3A_150 = arith.muli %arg1, %mul3A_149 : i32
    %add3A_151 = arith.constant 0 : i32
    %add3A_152 = arith.addi %mul3A_150, %add3A_151 : i32
    "tpu.region"() ({
      %run_scoped3A = tpu.sem_alloc : memref<!tpu.dma_semaphore, #tpu.memory_space<semaphore_mem>>
      %dma_start3A_261 = arith.constant 0 : i32
      %dma_start3A_262 = tpu.memref_slice %arg7[%arg0, %add3A_152, %dma_start3A_261] : memref<2x10752x128xf32, #tpu.memory_space<hbm>> -> memref<1x24x128xf32, #tpu.memory_space<hbm>>
      %dma_start3A_263 = tpu.memref_squeeze %dma_start3A_262 : memref<1x24x128xf32, #tpu.memory_space<hbm>> -> memref<24x128xf32, #tpu.memory_space<hbm>>
      %dma_start3A_264 = arith.constant 0 : i32
      %dma_start3A_265 = tpu.memref_slice %arg22[%add3A_152, %dma_start3A_264] : memref<10752x128xf32, #tpu.memory_space<vmem_shared>> -> memref<24x128xf32, #tpu.memory_space<vmem_shared>>
      tpu.enqueue_dma source(%dma_start3A_265 : memref<24x128xf32, #tpu.memory_space<vmem_shared>>) target(%dma_start3A_263 : memref<24x128xf32, #tpu.memory_space<hbm>>) target_semaphore(%run_scoped3A : memref<!tpu.dma_semaphore, #tpu.memory_space<semaphore_mem>>)
      %dma_wait3A_266 = arith.constant 0 : i32
      %dma_wait3A_267 = tpu.memref_slice %arg7[%arg0, %add3A_152, %dma_wait3A_266] : memref<2x10752x128xf32, #tpu.memory_space<hbm>> -> memref<1x24x128xf32, #tpu.memory_space<hbm>>
      %dma_wait3A_268 = tpu.memref_squeeze %dma_wait3A_267 : memref<1x24x128xf32, #tpu.memory_space<hbm>> -> memref<24x128xf32, #tpu.memory_space<hbm>>
      %dma_wait3A_269 = arith.constant 0 : i32
      %dma_wait3A_270 = tpu.memref_slice %arg22[%add3A_152, %dma_wait3A_269] : memref<10752x128xf32, #tpu.memory_space<vmem_shared>> -> memref<24x128xf32, #tpu.memory_space<vmem_shared>>
      tpu.wait_dma2 semaphore(%run_scoped3A : memref<!tpu.dma_semaphore, #tpu.memory_space<semaphore_mem>>) src(%dma_wait3A_270 : memref<24x128xf32, #tpu.memory_space<vmem_shared>>) dst(%dma_wait3A_268 : memref<24x128xf32, #tpu.memory_space<hbm>>)
      tpu.yield
    }) : () -> ()
    %mul3A_153 = arith.constant 672 : i32
    %mul3A_154 = arith.muli %arg1, %mul3A_153 : i32
    %add3A_155 = arith.constant 24 : i32
    %add3A_156 = arith.addi %mul3A_154, %add3A_155 : i32
    "tpu.region"() ({
      %run_scoped3A = tpu.sem_alloc : memref<!tpu.dma_semaphore, #tpu.memory_space<semaphore_mem>>
      %dma_start3A_261 = arith.constant 0 : i32
      %dma_start3A_262 = tpu.memref_slice %arg7[%arg0, %add3A_156, %dma_start3A_261] : memref<2x10752x128xf32, #tpu.memory_space<hbm>> -> memref<1x24x128xf32, #tpu.memory_space<hbm>>
      %dma_start3A_263 = tpu.memref_squeeze %dma_start3A_262 : memref<1x24x128xf32, #tpu.memory_space<hbm>> -> memref<24x128xf32, #tpu.memory_space<hbm>>
      %dma_start3A_264 = arith.constant 0 : i32
      %dma_start3A_265 = tpu.memref_slice %arg22[%add3A_156, %dma_start3A_264] : memref<10752x128xf32, #tpu.memory_space<vmem_shared>> -> memref<24x128xf32, #tpu.memory_space<vmem_shared>>
      tpu.enqueue_dma source(%dma_start3A_265 : memref<24x128xf32, #tpu.memory_space<vmem_shared>>) target(%dma_start3A_263 : memref<24x128xf32, #tpu.memory_space<hbm>>) target_semaphore(%run_scoped3A : memref<!tpu.dma_semaphore, #tpu.memory_space<semaphore_mem>>)
      %dma_wait3A_266 = arith.constant 0 : i32
      %dma_wait3A_267 = tpu.memref_slice %arg7[%arg0, %add3A_156, %dma_wait3A_266] : memref<2x10752x128xf32, #tpu.memory_space<hbm>> -> memref<1x24x128xf32, #tpu.memory_space<hbm>>
      %dma_wait3A_268 = tpu.memref_squeeze %dma_wait3A_267 : memref<1x24x128xf32, #tpu.memory_space<hbm>> -> memref<24x128xf32, #tpu.memory_space<hbm>>
      %dma_wait3A_269 = arith.constant 0 : i32
      %dma_wait3A_270 = tpu.memref_slice %arg22[%add3A_156, %dma_wait3A_269] : memref<10752x128xf32, #tpu.memory_space<vmem_shared>> -> memref<24x128xf32, #tpu.memory_space<vmem_shared>>
      tpu.wait_dma2 semaphore(%run_scoped3A : memref<!tpu.dma_semaphore, #tpu.memory_space<semaphore_mem>>) src(%dma_wait3A_270 : memref<24x128xf32, #tpu.memory_space<vmem_shared>>) dst(%dma_wait3A_268 : memref<24x128xf32, #tpu.memory_space<hbm>>)
      tpu.yield
    }) : () -> ()
    %mul3A_157 = arith.constant 672 : i32
    %mul3A_158 = arith.muli %arg1, %mul3A_157 : i32
    %add3A_159 = arith.constant 48 : i32
    %add3A_160 = arith.addi %mul3A_158, %add3A_159 : i32
    "tpu.region"() ({
      %run_scoped3A = tpu.sem_alloc : memref<!tpu.dma_semaphore, #tpu.memory_space<semaphore_mem>>
      %dma_start3A_261 = arith.constant 0 : i32
      %dma_start3A_262 = tpu.memref_slice %arg7[%arg0, %add3A_160, %dma_start3A_261] : memref<2x10752x128xf32, #tpu.memory_space<hbm>> -> memref<1x24x128xf32, #tpu.memory_space<hbm>>
      %dma_start3A_263 = tpu.memref_squeeze %dma_start3A_262 : memref<1x24x128xf32, #tpu.memory_space<hbm>> -> memref<24x128xf32, #tpu.memory_space<hbm>>
      %dma_start3A_264 = arith.constant 0 : i32
      %dma_start3A_265 = tpu.memref_slice %arg22[%add3A_160, %dma_start3A_264] : memref<10752x128xf32, #tpu.memory_space<vmem_shared>> -> memref<24x128xf32, #tpu.memory_space<vmem_shared>>
      tpu.enqueue_dma source(%dma_start3A_265 : memref<24x128xf32, #tpu.memory_space<vmem_shared>>) target(%dma_start3A_263 : memref<24x128xf32, #tpu.memory_space<hbm>>) target_semaphore(%run_scoped3A : memref<!tpu.dma_semaphore, #tpu.memory_space<semaphore_mem>>)
      %dma_wait3A_266 = arith.constant 0 : i32
      %dma_wait3A_267 = tpu.memref_slice %arg7[%arg0, %add3A_160, %dma_wait3A_266] : memref<2x10752x128xf32, #tpu.memory_space<hbm>> -> memref<1x24x128xf32, #tpu.memory_space<hbm>>
      %dma_wait3A_268 = tpu.memref_squeeze %dma_wait3A_267 : memref<1x24x128xf32, #tpu.memory_space<hbm>> -> memref<24x128xf32, #tpu.memory_space<hbm>>
      %dma_wait3A_269 = arith.constant 0 : i32
      %dma_wait3A_270 = tpu.memref_slice %arg22[%add3A_160, %dma_wait3A_269] : memref<10752x128xf32, #tpu.memory_space<vmem_shared>> -> memref<24x128xf32, #tpu.memory_space<vmem_shared>>
      tpu.wait_dma2 semaphore(%run_scoped3A : memref<!tpu.dma_semaphore, #tpu.memory_space<semaphore_mem>>) src(%dma_wait3A_270 : memref<24x128xf32, #tpu.memory_space<vmem_shared>>) dst(%dma_wait3A_268 : memref<24x128xf32, #tpu.memory_space<hbm>>)
      tpu.yield
    }) : () -> ()
    %mul3A_161 = arith.constant 672 : i32
    %mul3A_162 = arith.muli %arg1, %mul3A_161 : i32
    %add3A_163 = arith.constant 72 : i32
    %add3A_164 = arith.addi %mul3A_162, %add3A_163 : i32
    "tpu.region"() ({
      %run_scoped3A = tpu.sem_alloc : memref<!tpu.dma_semaphore, #tpu.memory_space<semaphore_mem>>
      %dma_start3A_261 = arith.constant 0 : i32
      %dma_start3A_262 = tpu.memref_slice %arg7[%arg0, %add3A_164, %dma_start3A_261] : memref<2x10752x128xf32, #tpu.memory_space<hbm>> -> memref<1x24x128xf32, #tpu.memory_space<hbm>>
      %dma_start3A_263 = tpu.memref_squeeze %dma_start3A_262 : memref<1x24x128xf32, #tpu.memory_space<hbm>> -> memref<24x128xf32, #tpu.memory_space<hbm>>
      %dma_start3A_264 = arith.constant 0 : i32
      %dma_start3A_265 = tpu.memref_slice %arg22[%add3A_164, %dma_start3A_264] : memref<10752x128xf32, #tpu.memory_space<vmem_shared>> -> memref<24x128xf32, #tpu.memory_space<vmem_shared>>
      tpu.enqueue_dma source(%dma_start3A_265 : memref<24x128xf32, #tpu.memory_space<vmem_shared>>) target(%dma_start3A_263 : memref<24x128xf32, #tpu.memory_space<hbm>>) target_semaphore(%run_scoped3A : memref<!tpu.dma_semaphore, #tpu.memory_space<semaphore_mem>>)
      %dma_wait3A_266 = arith.constant 0 : i32
      %dma_wait3A_267 = tpu.memref_slice %arg7[%arg0, %add3A_164, %dma_wait3A_266] : memref<2x10752x128xf32, #tpu.memory_space<hbm>> -> memref<1x24x128xf32, #tpu.memory_space<hbm>>
      %dma_wait3A_268 = tpu.memref_squeeze %dma_wait3A_267 : memref<1x24x128xf32, #tpu.memory_space<hbm>> -> memref<24x128xf32, #tpu.memory_space<hbm>>
      %dma_wait3A_269 = arith.constant 0 : i32
      %dma_wait3A_270 = tpu.memref_slice %arg22[%add3A_164, %dma_wait3A_269] : memref<10752x128xf32, #tpu.memory_space<vmem_shared>> -> memref<24x128xf32, #tpu.memory_space<vmem_shared>>
      tpu.wait_dma2 semaphore(%run_scoped3A : memref<!tpu.dma_semaphore, #tpu.memory_space<semaphore_mem>>) src(%dma_wait3A_270 : memref<24x128xf32, #tpu.memory_space<vmem_shared>>) dst(%dma_wait3A_268 : memref<24x128xf32, #tpu.memory_space<hbm>>)
      tpu.yield
    }) : () -> ()
    %mul3A_165 = arith.constant 672 : i32
    %mul3A_166 = arith.muli %arg1, %mul3A_165 : i32
    %add3A_167 = arith.constant 96 : i32
    %add3A_168 = arith.addi %mul3A_166, %add3A_167 : i32
    "tpu.region"() ({
      %run_scoped3A = tpu.sem_alloc : memref<!tpu.dma_semaphore, #tpu.memory_space<semaphore_mem>>
      %dma_start3A_261 = arith.constant 0 : i32
      %dma_start3A_262 = tpu.memref_slice %arg7[%arg0, %add3A_168, %dma_start3A_261] : memref<2x10752x128xf32, #tpu.memory_space<hbm>> -> memref<1x24x128xf32, #tpu.memory_space<hbm>>
      %dma_start3A_263 = tpu.memref_squeeze %dma_start3A_262 : memref<1x24x128xf32, #tpu.memory_space<hbm>> -> memref<24x128xf32, #tpu.memory_space<hbm>>
      %dma_start3A_264 = arith.constant 0 : i32
      %dma_start3A_265 = tpu.memref_slice %arg22[%add3A_168, %dma_start3A_264] : memref<10752x128xf32, #tpu.memory_space<vmem_shared>> -> memref<24x128xf32, #tpu.memory_space<vmem_shared>>
      tpu.enqueue_dma source(%dma_start3A_265 : memref<24x128xf32, #tpu.memory_space<vmem_shared>>) target(%dma_start3A_263 : memref<24x128xf32, #tpu.memory_space<hbm>>) target_semaphore(%run_scoped3A : memref<!tpu.dma_semaphore, #tpu.memory_space<semaphore_mem>>)
      %dma_wait3A_266 = arith.constant 0 : i32
      %dma_wait3A_267 = tpu.memref_slice %arg7[%arg0, %add3A_168, %dma_wait3A_266] : memref<2x10752x128xf32, #tpu.memory_space<hbm>> -> memref<1x24x128xf32, #tpu.memory_space<hbm>>
      %dma_wait3A_268 = tpu.memref_squeeze %dma_wait3A_267 : memref<1x24x128xf32, #tpu.memory_space<hbm>> -> memref<24x128xf32, #tpu.memory_space<hbm>>
      %dma_wait3A_269 = arith.constant 0 : i32
      %dma_wait3A_270 = tpu.memref_slice %arg22[%add3A_168, %dma_wait3A_269] : memref<10752x128xf32, #tpu.memory_space<vmem_shared>> -> memref<24x128xf32, #tpu.memory_space<vmem_shared>>
      tpu.wait_dma2 semaphore(%run_scoped3A : memref<!tpu.dma_semaphore, #tpu.memory_space<semaphore_mem>>) src(%dma_wait3A_270 : memref<24x128xf32, #tpu.memory_space<vmem_shared>>) dst(%dma_wait3A_268 : memref<24x128xf32, #tpu.memory_space<hbm>>)
      tpu.yield
    }) : () -> ()
    %mul3A_169 = arith.constant 672 : i32
    %mul3A_170 = arith.muli %arg1, %mul3A_169 : i32
    %add3A_171 = arith.constant 120 : i32
    %add3A_172 = arith.addi %mul3A_170, %add3A_171 : i32
    "tpu.region"() ({
      %run_scoped3A = tpu.sem_alloc : memref<!tpu.dma_semaphore, #tpu.memory_space<semaphore_mem>>
      %dma_start3A_261 = arith.constant 0 : i32
      %dma_start3A_262 = tpu.memref_slice %arg7[%arg0, %add3A_172, %dma_start3A_261] : memref<2x10752x128xf32, #tpu.memory_space<hbm>> -> memref<1x24x128xf32, #tpu.memory_space<hbm>>
      %dma_start3A_263 = tpu.memref_squeeze %dma_start3A_262 : memref<1x24x128xf32, #tpu.memory_space<hbm>> -> memref<24x128xf32, #tpu.memory_space<hbm>>
      %dma_start3A_264 = arith.constant 0 : i32
      %dma_start3A_265 = tpu.memref_slice %arg22[%add3A_172, %dma_start3A_264] : memref<10752x128xf32, #tpu.memory_space<vmem_shared>> -> memref<24x128xf32, #tpu.memory_space<vmem_shared>>
      tpu.enqueue_dma source(%dma_start3A_265 : memref<24x128xf32, #tpu.memory_space<vmem_shared>>) target(%dma_start3A_263 : memref<24x128xf32, #tpu.memory_space<hbm>>) target_semaphore(%run_scoped3A : memref<!tpu.dma_semaphore, #tpu.memory_space<semaphore_mem>>)
      %dma_wait3A_266 = arith.constant 0 : i32
      %dma_wait3A_267 = tpu.memref_slice %arg7[%arg0, %add3A_172, %dma_wait3A_266] : memref<2x10752x128xf32, #tpu.memory_space<hbm>> -> memref<1x24x128xf32, #tpu.memory_space<hbm>>
      %dma_wait3A_268 = tpu.memref_squeeze %dma_wait3A_267 : memref<1x24x128xf32, #tpu.memory_space<hbm>> -> memref<24x128xf32, #tpu.memory_space<hbm>>
      %dma_wait3A_269 = arith.constant 0 : i32
      %dma_wait3A_270 = tpu.memref_slice %arg22[%add3A_172, %dma_wait3A_269] : memref<10752x128xf32, #tpu.memory_space<vmem_shared>> -> memref<24x128xf32, #tpu.memory_space<vmem_shared>>
      tpu.wait_dma2 semaphore(%run_scoped3A : memref<!tpu.dma_semaphore, #tpu.memory_space<semaphore_mem>>) src(%dma_wait3A_270 : memref<24x128xf32, #tpu.memory_space<vmem_shared>>) dst(%dma_wait3A_268 : memref<24x128xf32, #tpu.memory_space<hbm>>)
      tpu.yield
    }) : () -> ()
    %mul3A_173 = arith.constant 672 : i32
    %mul3A_174 = arith.muli %arg1, %mul3A_173 : i32
    %add3A_175 = arith.constant 144 : i32
    %add3A_176 = arith.addi %mul3A_174, %add3A_175 : i32
    "tpu.region"() ({
      %run_scoped3A = tpu.sem_alloc : memref<!tpu.dma_semaphore, #tpu.memory_space<semaphore_mem>>
      %dma_start3A_261 = arith.constant 0 : i32
      %dma_start3A_262 = tpu.memref_slice %arg7[%arg0, %add3A_176, %dma_start3A_261] : memref<2x10752x128xf32, #tpu.memory_space<hbm>> -> memref<1x24x128xf32, #tpu.memory_space<hbm>>
      %dma_start3A_263 = tpu.memref_squeeze %dma_start3A_262 : memref<1x24x128xf32, #tpu.memory_space<hbm>> -> memref<24x128xf32, #tpu.memory_space<hbm>>
      %dma_start3A_264 = arith.constant 0 : i32
      %dma_start3A_265 = tpu.memref_slice %arg22[%add3A_176, %dma_start3A_264] : memref<10752x128xf32, #tpu.memory_space<vmem_shared>> -> memref<24x128xf32, #tpu.memory_space<vmem_shared>>
      tpu.enqueue_dma source(%dma_start3A_265 : memref<24x128xf32, #tpu.memory_space<vmem_shared>>) target(%dma_start3A_263 : memref<24x128xf32, #tpu.memory_space<hbm>>) target_semaphore(%run_scoped3A : memref<!tpu.dma_semaphore, #tpu.memory_space<semaphore_mem>>)
      %dma_wait3A_266 = arith.constant 0 : i32
      %dma_wait3A_267 = tpu.memref_slice %arg7[%arg0, %add3A_176, %dma_wait3A_266] : memref<2x10752x128xf32, #tpu.memory_space<hbm>> -> memref<1x24x128xf32, #tpu.memory_space<hbm>>
      %dma_wait3A_268 = tpu.memref_squeeze %dma_wait3A_267 : memref<1x24x128xf32, #tpu.memory_space<hbm>> -> memref<24x128xf32, #tpu.memory_space<hbm>>
      %dma_wait3A_269 = arith.constant 0 : i32
      %dma_wait3A_270 = tpu.memref_slice %arg22[%add3A_176, %dma_wait3A_269] : memref<10752x128xf32, #tpu.memory_space<vmem_shared>> -> memref<24x128xf32, #tpu.memory_space<vmem_shared>>
      tpu.wait_dma2 semaphore(%run_scoped3A : memref<!tpu.dma_semaphore, #tpu.memory_space<semaphore_mem>>) src(%dma_wait3A_270 : memref<24x128xf32, #tpu.memory_space<vmem_shared>>) dst(%dma_wait3A_268 : memref<24x128xf32, #tpu.memory_space<hbm>>)
      tpu.yield
    }) : () -> ()
    %mul3A_177 = arith.constant 672 : i32
    %mul3A_178 = arith.muli %arg1, %mul3A_177 : i32
    %add3A_179 = arith.constant 168 : i32
    %add3A_180 = arith.addi %mul3A_178, %add3A_179 : i32
    "tpu.region"() ({
      %run_scoped3A = tpu.sem_alloc : memref<!tpu.dma_semaphore, #tpu.memory_space<semaphore_mem>>
      %dma_start3A_261 = arith.constant 0 : i32
      %dma_start3A_262 = tpu.memref_slice %arg7[%arg0, %add3A_180, %dma_start3A_261] : memref<2x10752x128xf32, #tpu.memory_space<hbm>> -> memref<1x24x128xf32, #tpu.memory_space<hbm>>
      %dma_start3A_263 = tpu.memref_squeeze %dma_start3A_262 : memref<1x24x128xf32, #tpu.memory_space<hbm>> -> memref<24x128xf32, #tpu.memory_space<hbm>>
      %dma_start3A_264 = arith.constant 0 : i32
      %dma_start3A_265 = tpu.memref_slice %arg22[%add3A_180, %dma_start3A_264] : memref<10752x128xf32, #tpu.memory_space<vmem_shared>> -> memref<24x128xf32, #tpu.memory_space<vmem_shared>>
      tpu.enqueue_dma source(%dma_start3A_265 : memref<24x128xf32, #tpu.memory_space<vmem_shared>>) target(%dma_start3A_263 : memref<24x128xf32, #tpu.memory_space<hbm>>) target_semaphore(%run_scoped3A : memref<!tpu.dma_semaphore, #tpu.memory_space<semaphore_mem>>)
      %dma_wait3A_266 = arith.constant 0 : i32
      %dma_wait3A_267 = tpu.memref_slice %arg7[%arg0, %add3A_180, %dma_wait3A_266] : memref<2x10752x128xf32, #tpu.memory_space<hbm>> -> memref<1x24x128xf32, #tpu.memory_space<hbm>>
      %dma_wait3A_268 = tpu.memref_squeeze %dma_wait3A_267 : memref<1x24x128xf32, #tpu.memory_space<hbm>> -> memref<24x128xf32, #tpu.memory_space<hbm>>
      %dma_wait3A_269 = arith.constant 0 : i32
      %dma_wait3A_270 = tpu.memref_slice %arg22[%add3A_180, %dma_wait3A_269] : memref<10752x128xf32, #tpu.memory_space<vmem_shared>> -> memref<24x128xf32, #tpu.memory_space<vmem_shared>>
      tpu.wait_dma2 semaphore(%run_scoped3A : memref<!tpu.dma_semaphore, #tpu.memory_space<semaphore_mem>>) src(%dma_wait3A_270 : memref<24x128xf32, #tpu.memory_space<vmem_shared>>) dst(%dma_wait3A_268 : memref<24x128xf32, #tpu.memory_space<hbm>>)
      tpu.yield
    }) : () -> ()
    %mul3A_181 = arith.constant 672 : i32
    %mul3A_182 = arith.muli %arg1, %mul3A_181 : i32
    %add3A_183 = arith.constant 192 : i32
    %add3A_184 = arith.addi %mul3A_182, %add3A_183 : i32
    "tpu.region"() ({
      %run_scoped3A = tpu.sem_alloc : memref<!tpu.dma_semaphore, #tpu.memory_space<semaphore_mem>>
      %dma_start3A_261 = arith.constant 0 : i32
      %dma_start3A_262 = tpu.memref_slice %arg7[%arg0, %add3A_184, %dma_start3A_261] : memref<2x10752x128xf32, #tpu.memory_space<hbm>> -> memref<1x24x128xf32, #tpu.memory_space<hbm>>
      %dma_start3A_263 = tpu.memref_squeeze %dma_start3A_262 : memref<1x24x128xf32, #tpu.memory_space<hbm>> -> memref<24x128xf32, #tpu.memory_space<hbm>>
      %dma_start3A_264 = arith.constant 0 : i32
      %dma_start3A_265 = tpu.memref_slice %arg22[%add3A_184, %dma_start3A_264] : memref<10752x128xf32, #tpu.memory_space<vmem_shared>> -> memref<24x128xf32, #tpu.memory_space<vmem_shared>>
      tpu.enqueue_dma source(%dma_start3A_265 : memref<24x128xf32, #tpu.memory_space<vmem_shared>>) target(%dma_start3A_263 : memref<24x128xf32, #tpu.memory_space<hbm>>) target_semaphore(%run_scoped3A : memref<!tpu.dma_semaphore, #tpu.memory_space<semaphore_mem>>)
      %dma_wait3A_266 = arith.constant 0 : i32
      %dma_wait3A_267 = tpu.memref_slice %arg7[%arg0, %add3A_184, %dma_wait3A_266] : memref<2x10752x128xf32, #tpu.memory_space<hbm>> -> memref<1x24x128xf32, #tpu.memory_space<hbm>>
      %dma_wait3A_268 = tpu.memref_squeeze %dma_wait3A_267 : memref<1x24x128xf32, #tpu.memory_space<hbm>> -> memref<24x128xf32, #tpu.memory_space<hbm>>
      %dma_wait3A_269 = arith.constant 0 : i32
      %dma_wait3A_270 = tpu.memref_slice %arg22[%add3A_184, %dma_wait3A_269] : memref<10752x128xf32, #tpu.memory_space<vmem_shared>> -> memref<24x128xf32, #tpu.memory_space<vmem_shared>>
      tpu.wait_dma2 semaphore(%run_scoped3A : memref<!tpu.dma_semaphore, #tpu.memory_space<semaphore_mem>>) src(%dma_wait3A_270 : memref<24x128xf32, #tpu.memory_space<vmem_shared>>) dst(%dma_wait3A_268 : memref<24x128xf32, #tpu.memory_space<hbm>>)
      tpu.yield
    }) : () -> ()
    %mul3A_185 = arith.constant 672 : i32
    %mul3A_186 = arith.muli %arg1, %mul3A_185 : i32
    %add3A_187 = arith.constant 216 : i32
    %add3A_188 = arith.addi %mul3A_186, %add3A_187 : i32
    "tpu.region"() ({
      %run_scoped3A = tpu.sem_alloc : memref<!tpu.dma_semaphore, #tpu.memory_space<semaphore_mem>>
      %dma_start3A_261 = arith.constant 0 : i32
      %dma_start3A_262 = tpu.memref_slice %arg7[%arg0, %add3A_188, %dma_start3A_261] : memref<2x10752x128xf32, #tpu.memory_space<hbm>> -> memref<1x24x128xf32, #tpu.memory_space<hbm>>
      %dma_start3A_263 = tpu.memref_squeeze %dma_start3A_262 : memref<1x24x128xf32, #tpu.memory_space<hbm>> -> memref<24x128xf32, #tpu.memory_space<hbm>>
      %dma_start3A_264 = arith.constant 0 : i32
      %dma_start3A_265 = tpu.memref_slice %arg22[%add3A_188, %dma_start3A_264] : memref<10752x128xf32, #tpu.memory_space<vmem_shared>> -> memref<24x128xf32, #tpu.memory_space<vmem_shared>>
      tpu.enqueue_dma source(%dma_start3A_265 : memref<24x128xf32, #tpu.memory_space<vmem_shared>>) target(%dma_start3A_263 : memref<24x128xf32, #tpu.memory_space<hbm>>) target_semaphore(%run_scoped3A : memref<!tpu.dma_semaphore, #tpu.memory_space<semaphore_mem>>)
      %dma_wait3A_266 = arith.constant 0 : i32
      %dma_wait3A_267 = tpu.memref_slice %arg7[%arg0, %add3A_188, %dma_wait3A_266] : memref<2x10752x128xf32, #tpu.memory_space<hbm>> -> memref<1x24x128xf32, #tpu.memory_space<hbm>>
      %dma_wait3A_268 = tpu.memref_squeeze %dma_wait3A_267 : memref<1x24x128xf32, #tpu.memory_space<hbm>> -> memref<24x128xf32, #tpu.memory_space<hbm>>
      %dma_wait3A_269 = arith.constant 0 : i32
      %dma_wait3A_270 = tpu.memref_slice %arg22[%add3A_188, %dma_wait3A_269] : memref<10752x128xf32, #tpu.memory_space<vmem_shared>> -> memref<24x128xf32, #tpu.memory_space<vmem_shared>>
      tpu.wait_dma2 semaphore(%run_scoped3A : memref<!tpu.dma_semaphore, #tpu.memory_space<semaphore_mem>>) src(%dma_wait3A_270 : memref<24x128xf32, #tpu.memory_space<vmem_shared>>) dst(%dma_wait3A_268 : memref<24x128xf32, #tpu.memory_space<hbm>>)
      tpu.yield
    }) : () -> ()
    %mul3A_189 = arith.constant 672 : i32
    %mul3A_190 = arith.muli %arg1, %mul3A_189 : i32
    %add3A_191 = arith.constant 240 : i32
    %add3A_192 = arith.addi %mul3A_190, %add3A_191 : i32
    "tpu.region"() ({
      %run_scoped3A = tpu.sem_alloc : memref<!tpu.dma_semaphore, #tpu.memory_space<semaphore_mem>>
      %dma_start3A_261 = arith.constant 0 : i32
      %dma_start3A_262 = tpu.memref_slice %arg7[%arg0, %add3A_192, %dma_start3A_261] : memref<2x10752x128xf32, #tpu.memory_space<hbm>> -> memref<1x24x128xf32, #tpu.memory_space<hbm>>
      %dma_start3A_263 = tpu.memref_squeeze %dma_start3A_262 : memref<1x24x128xf32, #tpu.memory_space<hbm>> -> memref<24x128xf32, #tpu.memory_space<hbm>>
      %dma_start3A_264 = arith.constant 0 : i32
      %dma_start3A_265 = tpu.memref_slice %arg22[%add3A_192, %dma_start3A_264] : memref<10752x128xf32, #tpu.memory_space<vmem_shared>> -> memref<24x128xf32, #tpu.memory_space<vmem_shared>>
      tpu.enqueue_dma source(%dma_start3A_265 : memref<24x128xf32, #tpu.memory_space<vmem_shared>>) target(%dma_start3A_263 : memref<24x128xf32, #tpu.memory_space<hbm>>) target_semaphore(%run_scoped3A : memref<!tpu.dma_semaphore, #tpu.memory_space<semaphore_mem>>)
      %dma_wait3A_266 = arith.constant 0 : i32
      %dma_wait3A_267 = tpu.memref_slice %arg7[%arg0, %add3A_192, %dma_wait3A_266] : memref<2x10752x128xf32, #tpu.memory_space<hbm>> -> memref<1x24x128xf32, #tpu.memory_space<hbm>>
      %dma_wait3A_268 = tpu.memref_squeeze %dma_wait3A_267 : memref<1x24x128xf32, #tpu.memory_space<hbm>> -> memref<24x128xf32, #tpu.memory_space<hbm>>
      %dma_wait3A_269 = arith.constant 0 : i32
      %dma_wait3A_270 = tpu.memref_slice %arg22[%add3A_192, %dma_wait3A_269] : memref<10752x128xf32, #tpu.memory_space<vmem_shared>> -> memref<24x128xf32, #tpu.memory_space<vmem_shared>>
      tpu.wait_dma2 semaphore(%run_scoped3A : memref<!tpu.dma_semaphore, #tpu.memory_space<semaphore_mem>>) src(%dma_wait3A_270 : memref<24x128xf32, #tpu.memory_space<vmem_shared>>) dst(%dma_wait3A_268 : memref<24x128xf32, #tpu.memory_space<hbm>>)
      tpu.yield
    }) : () -> ()
    %mul3A_193 = arith.constant 672 : i32
    %mul3A_194 = arith.muli %arg1, %mul3A_193 : i32
    %add3A_195 = arith.constant 264 : i32
    %add3A_196 = arith.addi %mul3A_194, %add3A_195 : i32
    "tpu.region"() ({
      %run_scoped3A = tpu.sem_alloc : memref<!tpu.dma_semaphore, #tpu.memory_space<semaphore_mem>>
      %dma_start3A_261 = arith.constant 0 : i32
      %dma_start3A_262 = tpu.memref_slice %arg7[%arg0, %add3A_196, %dma_start3A_261] : memref<2x10752x128xf32, #tpu.memory_space<hbm>> -> memref<1x24x128xf32, #tpu.memory_space<hbm>>
      %dma_start3A_263 = tpu.memref_squeeze %dma_start3A_262 : memref<1x24x128xf32, #tpu.memory_space<hbm>> -> memref<24x128xf32, #tpu.memory_space<hbm>>
      %dma_start3A_264 = arith.constant 0 : i32
      %dma_start3A_265 = tpu.memref_slice %arg22[%add3A_196, %dma_start3A_264] : memref<10752x128xf32, #tpu.memory_space<vmem_shared>> -> memref<24x128xf32, #tpu.memory_space<vmem_shared>>
      tpu.enqueue_dma source(%dma_start3A_265 : memref<24x128xf32, #tpu.memory_space<vmem_shared>>) target(%dma_start3A_263 : memref<24x128xf32, #tpu.memory_space<hbm>>) target_semaphore(%run_scoped3A : memref<!tpu.dma_semaphore, #tpu.memory_space<semaphore_mem>>)
      %dma_wait3A_266 = arith.constant 0 : i32
      %dma_wait3A_267 = tpu.memref_slice %arg7[%arg0, %add3A_196, %dma_wait3A_266] : memref<2x10752x128xf32, #tpu.memory_space<hbm>> -> memref<1x24x128xf32, #tpu.memory_space<hbm>>
      %dma_wait3A_268 = tpu.memref_squeeze %dma_wait3A_267 : memref<1x24x128xf32, #tpu.memory_space<hbm>> -> memref<24x128xf32, #tpu.memory_space<hbm>>
      %dma_wait3A_269 = arith.constant 0 : i32
      %dma_wait3A_270 = tpu.memref_slice %arg22[%add3A_196, %dma_wait3A_269] : memref<10752x128xf32, #tpu.memory_space<vmem_shared>> -> memref<24x128xf32, #tpu.memory_space<vmem_shared>>
      tpu.wait_dma2 semaphore(%run_scoped3A : memref<!tpu.dma_semaphore, #tpu.memory_space<semaphore_mem>>) src(%dma_wait3A_270 : memref<24x128xf32, #tpu.memory_space<vmem_shared>>) dst(%dma_wait3A_268 : memref<24x128xf32, #tpu.memory_space<hbm>>)
      tpu.yield
    }) : () -> ()
    %mul3A_197 = arith.constant 672 : i32
    %mul3A_198 = arith.muli %arg1, %mul3A_197 : i32
    %add3A_199 = arith.constant 288 : i32
    %add3A_200 = arith.addi %mul3A_198, %add3A_199 : i32
    "tpu.region"() ({
      %run_scoped3A = tpu.sem_alloc : memref<!tpu.dma_semaphore, #tpu.memory_space<semaphore_mem>>
      %dma_start3A_261 = arith.constant 0 : i32
      %dma_start3A_262 = tpu.memref_slice %arg7[%arg0, %add3A_200, %dma_start3A_261] : memref<2x10752x128xf32, #tpu.memory_space<hbm>> -> memref<1x24x128xf32, #tpu.memory_space<hbm>>
      %dma_start3A_263 = tpu.memref_squeeze %dma_start3A_262 : memref<1x24x128xf32, #tpu.memory_space<hbm>> -> memref<24x128xf32, #tpu.memory_space<hbm>>
      %dma_start3A_264 = arith.constant 0 : i32
      %dma_start3A_265 = tpu.memref_slice %arg22[%add3A_200, %dma_start3A_264] : memref<10752x128xf32, #tpu.memory_space<vmem_shared>> -> memref<24x128xf32, #tpu.memory_space<vmem_shared>>
      tpu.enqueue_dma source(%dma_start3A_265 : memref<24x128xf32, #tpu.memory_space<vmem_shared>>) target(%dma_start3A_263 : memref<24x128xf32, #tpu.memory_space<hbm>>) target_semaphore(%run_scoped3A : memref<!tpu.dma_semaphore, #tpu.memory_space<semaphore_mem>>)
      %dma_wait3A_266 = arith.constant 0 : i32
      %dma_wait3A_267 = tpu.memref_slice %arg7[%arg0, %add3A_200, %dma_wait3A_266] : memref<2x10752x128xf32, #tpu.memory_space<hbm>> -> memref<1x24x128xf32, #tpu.memory_space<hbm>>
      %dma_wait3A_268 = tpu.memref_squeeze %dma_wait3A_267 : memref<1x24x128xf32, #tpu.memory_space<hbm>> -> memref<24x128xf32, #tpu.memory_space<hbm>>
      %dma_wait3A_269 = arith.constant 0 : i32
      %dma_wait3A_270 = tpu.memref_slice %arg22[%add3A_200, %dma_wait3A_269] : memref<10752x128xf32, #tpu.memory_space<vmem_shared>> -> memref<24x128xf32, #tpu.memory_space<vmem_shared>>
      tpu.wait_dma2 semaphore(%run_scoped3A : memref<!tpu.dma_semaphore, #tpu.memory_space<semaphore_mem>>) src(%dma_wait3A_270 : memref<24x128xf32, #tpu.memory_space<vmem_shared>>) dst(%dma_wait3A_268 : memref<24x128xf32, #tpu.memory_space<hbm>>)
      tpu.yield
    }) : () -> ()
    %mul3A_201 = arith.constant 672 : i32
    %mul3A_202 = arith.muli %arg1, %mul3A_201 : i32
    %add3A_203 = arith.constant 312 : i32
    %add3A_204 = arith.addi %mul3A_202, %add3A_203 : i32
    "tpu.region"() ({
      %run_scoped3A = tpu.sem_alloc : memref<!tpu.dma_semaphore, #tpu.memory_space<semaphore_mem>>
      %dma_start3A_261 = arith.constant 0 : i32
      %dma_start3A_262 = tpu.memref_slice %arg7[%arg0, %add3A_204, %dma_start3A_261] : memref<2x10752x128xf32, #tpu.memory_space<hbm>> -> memref<1x24x128xf32, #tpu.memory_space<hbm>>
      %dma_start3A_263 = tpu.memref_squeeze %dma_start3A_262 : memref<1x24x128xf32, #tpu.memory_space<hbm>> -> memref<24x128xf32, #tpu.memory_space<hbm>>
      %dma_start3A_264 = arith.constant 0 : i32
      %dma_start3A_265 = tpu.memref_slice %arg22[%add3A_204, %dma_start3A_264] : memref<10752x128xf32, #tpu.memory_space<vmem_shared>> -> memref<24x128xf32, #tpu.memory_space<vmem_shared>>
      tpu.enqueue_dma source(%dma_start3A_265 : memref<24x128xf32, #tpu.memory_space<vmem_shared>>) target(%dma_start3A_263 : memref<24x128xf32, #tpu.memory_space<hbm>>) target_semaphore(%run_scoped3A : memref<!tpu.dma_semaphore, #tpu.memory_space<semaphore_mem>>)
      %dma_wait3A_266 = arith.constant 0 : i32
      %dma_wait3A_267 = tpu.memref_slice %arg7[%arg0, %add3A_204, %dma_wait3A_266] : memref<2x10752x128xf32, #tpu.memory_space<hbm>> -> memref<1x24x128xf32, #tpu.memory_space<hbm>>
      %dma_wait3A_268 = tpu.memref_squeeze %dma_wait3A_267 : memref<1x24x128xf32, #tpu.memory_space<hbm>> -> memref<24x128xf32, #tpu.memory_space<hbm>>
      %dma_wait3A_269 = arith.constant 0 : i32
      %dma_wait3A_270 = tpu.memref_slice %arg22[%add3A_204, %dma_wait3A_269] : memref<10752x128xf32, #tpu.memory_space<vmem_shared>> -> memref<24x128xf32, #tpu.memory_space<vmem_shared>>
      tpu.wait_dma2 semaphore(%run_scoped3A : memref<!tpu.dma_semaphore, #tpu.memory_space<semaphore_mem>>) src(%dma_wait3A_270 : memref<24x128xf32, #tpu.memory_space<vmem_shared>>) dst(%dma_wait3A_268 : memref<24x128xf32, #tpu.memory_space<hbm>>)
      tpu.yield
    }) : () -> ()
    %mul3A_205 = arith.constant 672 : i32
    %mul3A_206 = arith.muli %arg1, %mul3A_205 : i32
    %add3A_207 = arith.constant 336 : i32
    %add3A_208 = arith.addi %mul3A_206, %add3A_207 : i32
    "tpu.region"() ({
      %run_scoped3A = tpu.sem_alloc : memref<!tpu.dma_semaphore, #tpu.memory_space<semaphore_mem>>
      %dma_start3A_261 = arith.constant 0 : i32
      %dma_start3A_262 = tpu.memref_slice %arg7[%arg0, %add3A_208, %dma_start3A_261] : memref<2x10752x128xf32, #tpu.memory_space<hbm>> -> memref<1x24x128xf32, #tpu.memory_space<hbm>>
      %dma_start3A_263 = tpu.memref_squeeze %dma_start3A_262 : memref<1x24x128xf32, #tpu.memory_space<hbm>> -> memref<24x128xf32, #tpu.memory_space<hbm>>
      %dma_start3A_264 = arith.constant 0 : i32
      %dma_start3A_265 = tpu.memref_slice %arg22[%add3A_208, %dma_start3A_264] : memref<10752x128xf32, #tpu.memory_space<vmem_shared>> -> memref<24x128xf32, #tpu.memory_space<vmem_shared>>
      tpu.enqueue_dma source(%dma_start3A_265 : memref<24x128xf32, #tpu.memory_space<vmem_shared>>) target(%dma_start3A_263 : memref<24x128xf32, #tpu.memory_space<hbm>>) target_semaphore(%run_scoped3A : memref<!tpu.dma_semaphore, #tpu.memory_space<semaphore_mem>>)
      %dma_wait3A_266 = arith.constant 0 : i32
      %dma_wait3A_267 = tpu.memref_slice %arg7[%arg0, %add3A_208, %dma_wait3A_266] : memref<2x10752x128xf32, #tpu.memory_space<hbm>> -> memref<1x24x128xf32, #tpu.memory_space<hbm>>
      %dma_wait3A_268 = tpu.memref_squeeze %dma_wait3A_267 : memref<1x24x128xf32, #tpu.memory_space<hbm>> -> memref<24x128xf32, #tpu.memory_space<hbm>>
      %dma_wait3A_269 = arith.constant 0 : i32
      %dma_wait3A_270 = tpu.memref_slice %arg22[%add3A_208, %dma_wait3A_269] : memref<10752x128xf32, #tpu.memory_space<vmem_shared>> -> memref<24x128xf32, #tpu.memory_space<vmem_shared>>
      tpu.wait_dma2 semaphore(%run_scoped3A : memref<!tpu.dma_semaphore, #tpu.memory_space<semaphore_mem>>) src(%dma_wait3A_270 : memref<24x128xf32, #tpu.memory_space<vmem_shared>>) dst(%dma_wait3A_268 : memref<24x128xf32, #tpu.memory_space<hbm>>)
      tpu.yield
    }) : () -> ()
    %mul3A_209 = arith.constant 672 : i32
    %mul3A_210 = arith.muli %arg1, %mul3A_209 : i32
    %add3A_211 = arith.constant 360 : i32
    %add3A_212 = arith.addi %mul3A_210, %add3A_211 : i32
    "tpu.region"() ({
      %run_scoped3A = tpu.sem_alloc : memref<!tpu.dma_semaphore, #tpu.memory_space<semaphore_mem>>
      %dma_start3A_261 = arith.constant 0 : i32
      %dma_start3A_262 = tpu.memref_slice %arg7[%arg0, %add3A_212, %dma_start3A_261] : memref<2x10752x128xf32, #tpu.memory_space<hbm>> -> memref<1x24x128xf32, #tpu.memory_space<hbm>>
      %dma_start3A_263 = tpu.memref_squeeze %dma_start3A_262 : memref<1x24x128xf32, #tpu.memory_space<hbm>> -> memref<24x128xf32, #tpu.memory_space<hbm>>
      %dma_start3A_264 = arith.constant 0 : i32
      %dma_start3A_265 = tpu.memref_slice %arg22[%add3A_212, %dma_start3A_264] : memref<10752x128xf32, #tpu.memory_space<vmem_shared>> -> memref<24x128xf32, #tpu.memory_space<vmem_shared>>
      tpu.enqueue_dma source(%dma_start3A_265 : memref<24x128xf32, #tpu.memory_space<vmem_shared>>) target(%dma_start3A_263 : memref<24x128xf32, #tpu.memory_space<hbm>>) target_semaphore(%run_scoped3A : memref<!tpu.dma_semaphore, #tpu.memory_space<semaphore_mem>>)
      %dma_wait3A_266 = arith.constant 0 : i32
      %dma_wait3A_267 = tpu.memref_slice %arg7[%arg0, %add3A_212, %dma_wait3A_266] : memref<2x10752x128xf32, #tpu.memory_space<hbm>> -> memref<1x24x128xf32, #tpu.memory_space<hbm>>
      %dma_wait3A_268 = tpu.memref_squeeze %dma_wait3A_267 : memref<1x24x128xf32, #tpu.memory_space<hbm>> -> memref<24x128xf32, #tpu.memory_space<hbm>>
      %dma_wait3A_269 = arith.constant 0 : i32
      %dma_wait3A_270 = tpu.memref_slice %arg22[%add3A_212, %dma_wait3A_269] : memref<10752x128xf32, #tpu.memory_space<vmem_shared>> -> memref<24x128xf32, #tpu.memory_space<vmem_shared>>
      tpu.wait_dma2 semaphore(%run_scoped3A : memref<!tpu.dma_semaphore, #tpu.memory_space<semaphore_mem>>) src(%dma_wait3A_270 : memref<24x128xf32, #tpu.memory_space<vmem_shared>>) dst(%dma_wait3A_268 : memref<24x128xf32, #tpu.memory_space<hbm>>)
      tpu.yield
    }) : () -> ()
    %mul3A_213 = arith.constant 672 : i32
    %mul3A_214 = arith.muli %arg1, %mul3A_213 : i32
    %add3A_215 = arith.constant 384 : i32
    %add3A_216 = arith.addi %mul3A_214, %add3A_215 : i32
    "tpu.region"() ({
      %run_scoped3A = tpu.sem_alloc : memref<!tpu.dma_semaphore, #tpu.memory_space<semaphore_mem>>
      %dma_start3A_261 = arith.constant 0 : i32
      %dma_start3A_262 = tpu.memref_slice %arg7[%arg0, %add3A_216, %dma_start3A_261] : memref<2x10752x128xf32, #tpu.memory_space<hbm>> -> memref<1x24x128xf32, #tpu.memory_space<hbm>>
      %dma_start3A_263 = tpu.memref_squeeze %dma_start3A_262 : memref<1x24x128xf32, #tpu.memory_space<hbm>> -> memref<24x128xf32, #tpu.memory_space<hbm>>
      %dma_start3A_264 = arith.constant 0 : i32
      %dma_start3A_265 = tpu.memref_slice %arg22[%add3A_216, %dma_start3A_264] : memref<10752x128xf32, #tpu.memory_space<vmem_shared>> -> memref<24x128xf32, #tpu.memory_space<vmem_shared>>
      tpu.enqueue_dma source(%dma_start3A_265 : memref<24x128xf32, #tpu.memory_space<vmem_shared>>) target(%dma_start3A_263 : memref<24x128xf32, #tpu.memory_space<hbm>>) target_semaphore(%run_scoped3A : memref<!tpu.dma_semaphore, #tpu.memory_space<semaphore_mem>>)
      %dma_wait3A_266 = arith.constant 0 : i32
      %dma_wait3A_267 = tpu.memref_slice %arg7[%arg0, %add3A_216, %dma_wait3A_266] : memref<2x10752x128xf32, #tpu.memory_space<hbm>> -> memref<1x24x128xf32, #tpu.memory_space<hbm>>
      %dma_wait3A_268 = tpu.memref_squeeze %dma_wait3A_267 : memref<1x24x128xf32, #tpu.memory_space<hbm>> -> memref<24x128xf32, #tpu.memory_space<hbm>>
      %dma_wait3A_269 = arith.constant 0 : i32
      %dma_wait3A_270 = tpu.memref_slice %arg22[%add3A_216, %dma_wait3A_269] : memref<10752x128xf32, #tpu.memory_space<vmem_shared>> -> memref<24x128xf32, #tpu.memory_space<vmem_shared>>
      tpu.wait_dma2 semaphore(%run_scoped3A : memref<!tpu.dma_semaphore, #tpu.memory_space<semaphore_mem>>) src(%dma_wait3A_270 : memref<24x128xf32, #tpu.memory_space<vmem_shared>>) dst(%dma_wait3A_268 : memref<24x128xf32, #tpu.memory_space<hbm>>)
      tpu.yield
    }) : () -> ()
    %mul3A_217 = arith.constant 672 : i32
    %mul3A_218 = arith.muli %arg1, %mul3A_217 : i32
    %add3A_219 = arith.constant 408 : i32
    %add3A_220 = arith.addi %mul3A_218, %add3A_219 : i32
    "tpu.region"() ({
      %run_scoped3A = tpu.sem_alloc : memref<!tpu.dma_semaphore, #tpu.memory_space<semaphore_mem>>
      %dma_start3A_261 = arith.constant 0 : i32
      %dma_start3A_262 = tpu.memref_slice %arg7[%arg0, %add3A_220, %dma_start3A_261] : memref<2x10752x128xf32, #tpu.memory_space<hbm>> -> memref<1x24x128xf32, #tpu.memory_space<hbm>>
      %dma_start3A_263 = tpu.memref_squeeze %dma_start3A_262 : memref<1x24x128xf32, #tpu.memory_space<hbm>> -> memref<24x128xf32, #tpu.memory_space<hbm>>
      %dma_start3A_264 = arith.constant 0 : i32
      %dma_start3A_265 = tpu.memref_slice %arg22[%add3A_220, %dma_start3A_264] : memref<10752x128xf32, #tpu.memory_space<vmem_shared>> -> memref<24x128xf32, #tpu.memory_space<vmem_shared>>
      tpu.enqueue_dma source(%dma_start3A_265 : memref<24x128xf32, #tpu.memory_space<vmem_shared>>) target(%dma_start3A_263 : memref<24x128xf32, #tpu.memory_space<hbm>>) target_semaphore(%run_scoped3A : memref<!tpu.dma_semaphore, #tpu.memory_space<semaphore_mem>>)
      %dma_wait3A_266 = arith.constant 0 : i32
      %dma_wait3A_267 = tpu.memref_slice %arg7[%arg0, %add3A_220, %dma_wait3A_266] : memref<2x10752x128xf32, #tpu.memory_space<hbm>> -> memref<1x24x128xf32, #tpu.memory_space<hbm>>
      %dma_wait3A_268 = tpu.memref_squeeze %dma_wait3A_267 : memref<1x24x128xf32, #tpu.memory_space<hbm>> -> memref<24x128xf32, #tpu.memory_space<hbm>>
      %dma_wait3A_269 = arith.constant 0 : i32
      %dma_wait3A_270 = tpu.memref_slice %arg22[%add3A_220, %dma_wait3A_269] : memref<10752x128xf32, #tpu.memory_space<vmem_shared>> -> memref<24x128xf32, #tpu.memory_space<vmem_shared>>
      tpu.wait_dma2 semaphore(%run_scoped3A : memref<!tpu.dma_semaphore, #tpu.memory_space<semaphore_mem>>) src(%dma_wait3A_270 : memref<24x128xf32, #tpu.memory_space<vmem_shared>>) dst(%dma_wait3A_268 : memref<24x128xf32, #tpu.memory_space<hbm>>)
      tpu.yield
    }) : () -> ()
    %mul3A_221 = arith.constant 672 : i32
    %mul3A_222 = arith.muli %arg1, %mul3A_221 : i32
    %add3A_223 = arith.constant 432 : i32
    %add3A_224 = arith.addi %mul3A_222, %add3A_223 : i32
    "tpu.region"() ({
      %run_scoped3A = tpu.sem_alloc : memref<!tpu.dma_semaphore, #tpu.memory_space<semaphore_mem>>
      %dma_start3A_261 = arith.constant 0 : i32
      %dma_start3A_262 = tpu.memref_slice %arg7[%arg0, %add3A_224, %dma_start3A_261] : memref<2x10752x128xf32, #tpu.memory_space<hbm>> -> memref<1x24x128xf32, #tpu.memory_space<hbm>>
      %dma_start3A_263 = tpu.memref_squeeze %dma_start3A_262 : memref<1x24x128xf32, #tpu.memory_space<hbm>> -> memref<24x128xf32, #tpu.memory_space<hbm>>
      %dma_start3A_264 = arith.constant 0 : i32
      %dma_start3A_265 = tpu.memref_slice %arg22[%add3A_224, %dma_start3A_264] : memref<10752x128xf32, #tpu.memory_space<vmem_shared>> -> memref<24x128xf32, #tpu.memory_space<vmem_shared>>
      tpu.enqueue_dma source(%dma_start3A_265 : memref<24x128xf32, #tpu.memory_space<vmem_shared>>) target(%dma_start3A_263 : memref<24x128xf32, #tpu.memory_space<hbm>>) target_semaphore(%run_scoped3A : memref<!tpu.dma_semaphore, #tpu.memory_space<semaphore_mem>>)
      %dma_wait3A_266 = arith.constant 0 : i32
      %dma_wait3A_267 = tpu.memref_slice %arg7[%arg0, %add3A_224, %dma_wait3A_266] : memref<2x10752x128xf32, #tpu.memory_space<hbm>> -> memref<1x24x128xf32, #tpu.memory_space<hbm>>
      %dma_wait3A_268 = tpu.memref_squeeze %dma_wait3A_267 : memref<1x24x128xf32, #tpu.memory_space<hbm>> -> memref<24x128xf32, #tpu.memory_space<hbm>>
      %dma_wait3A_269 = arith.constant 0 : i32
      %dma_wait3A_270 = tpu.memref_slice %arg22[%add3A_224, %dma_wait3A_269] : memref<10752x128xf32, #tpu.memory_space<vmem_shared>> -> memref<24x128xf32, #tpu.memory_space<vmem_shared>>
      tpu.wait_dma2 semaphore(%run_scoped3A : memref<!tpu.dma_semaphore, #tpu.memory_space<semaphore_mem>>) src(%dma_wait3A_270 : memref<24x128xf32, #tpu.memory_space<vmem_shared>>) dst(%dma_wait3A_268 : memref<24x128xf32, #tpu.memory_space<hbm>>)
      tpu.yield
    }) : () -> ()
    %mul3A_225 = arith.constant 672 : i32
    %mul3A_226 = arith.muli %arg1, %mul3A_225 : i32
    %add3A_227 = arith.constant 456 : i32
    %add3A_228 = arith.addi %mul3A_226, %add3A_227 : i32
    "tpu.region"() ({
      %run_scoped3A = tpu.sem_alloc : memref<!tpu.dma_semaphore, #tpu.memory_space<semaphore_mem>>
      %dma_start3A_261 = arith.constant 0 : i32
      %dma_start3A_262 = tpu.memref_slice %arg7[%arg0, %add3A_228, %dma_start3A_261] : memref<2x10752x128xf32, #tpu.memory_space<hbm>> -> memref<1x24x128xf32, #tpu.memory_space<hbm>>
      %dma_start3A_263 = tpu.memref_squeeze %dma_start3A_262 : memref<1x24x128xf32, #tpu.memory_space<hbm>> -> memref<24x128xf32, #tpu.memory_space<hbm>>
      %dma_start3A_264 = arith.constant 0 : i32
      %dma_start3A_265 = tpu.memref_slice %arg22[%add3A_228, %dma_start3A_264] : memref<10752x128xf32, #tpu.memory_space<vmem_shared>> -> memref<24x128xf32, #tpu.memory_space<vmem_shared>>
      tpu.enqueue_dma source(%dma_start3A_265 : memref<24x128xf32, #tpu.memory_space<vmem_shared>>) target(%dma_start3A_263 : memref<24x128xf32, #tpu.memory_space<hbm>>) target_semaphore(%run_scoped3A : memref<!tpu.dma_semaphore, #tpu.memory_space<semaphore_mem>>)
      %dma_wait3A_266 = arith.constant 0 : i32
      %dma_wait3A_267 = tpu.memref_slice %arg7[%arg0, %add3A_228, %dma_wait3A_266] : memref<2x10752x128xf32, #tpu.memory_space<hbm>> -> memref<1x24x128xf32, #tpu.memory_space<hbm>>
      %dma_wait3A_268 = tpu.memref_squeeze %dma_wait3A_267 : memref<1x24x128xf32, #tpu.memory_space<hbm>> -> memref<24x128xf32, #tpu.memory_space<hbm>>
      %dma_wait3A_269 = arith.constant 0 : i32
      %dma_wait3A_270 = tpu.memref_slice %arg22[%add3A_228, %dma_wait3A_269] : memref<10752x128xf32, #tpu.memory_space<vmem_shared>> -> memref<24x128xf32, #tpu.memory_space<vmem_shared>>
      tpu.wait_dma2 semaphore(%run_scoped3A : memref<!tpu.dma_semaphore, #tpu.memory_space<semaphore_mem>>) src(%dma_wait3A_270 : memref<24x128xf32, #tpu.memory_space<vmem_shared>>) dst(%dma_wait3A_268 : memref<24x128xf32, #tpu.memory_space<hbm>>)
      tpu.yield
    }) : () -> ()
    %mul3A_229 = arith.constant 672 : i32
    %mul3A_230 = arith.muli %arg1, %mul3A_229 : i32
    %add3A_231 = arith.constant 480 : i32
    %add3A_232 = arith.addi %mul3A_230, %add3A_231 : i32
    "tpu.region"() ({
      %run_scoped3A = tpu.sem_alloc : memref<!tpu.dma_semaphore, #tpu.memory_space<semaphore_mem>>
      %dma_start3A_261 = arith.constant 0 : i32
      %dma_start3A_262 = tpu.memref_slice %arg7[%arg0, %add3A_232, %dma_start3A_261] : memref<2x10752x128xf32, #tpu.memory_space<hbm>> -> memref<1x24x128xf32, #tpu.memory_space<hbm>>
      %dma_start3A_263 = tpu.memref_squeeze %dma_start3A_262 : memref<1x24x128xf32, #tpu.memory_space<hbm>> -> memref<24x128xf32, #tpu.memory_space<hbm>>
      %dma_start3A_264 = arith.constant 0 : i32
      %dma_start3A_265 = tpu.memref_slice %arg22[%add3A_232, %dma_start3A_264] : memref<10752x128xf32, #tpu.memory_space<vmem_shared>> -> memref<24x128xf32, #tpu.memory_space<vmem_shared>>
      tpu.enqueue_dma source(%dma_start3A_265 : memref<24x128xf32, #tpu.memory_space<vmem_shared>>) target(%dma_start3A_263 : memref<24x128xf32, #tpu.memory_space<hbm>>) target_semaphore(%run_scoped3A : memref<!tpu.dma_semaphore, #tpu.memory_space<semaphore_mem>>)
      %dma_wait3A_266 = arith.constant 0 : i32
      %dma_wait3A_267 = tpu.memref_slice %arg7[%arg0, %add3A_232, %dma_wait3A_266] : memref<2x10752x128xf32, #tpu.memory_space<hbm>> -> memref<1x24x128xf32, #tpu.memory_space<hbm>>
      %dma_wait3A_268 = tpu.memref_squeeze %dma_wait3A_267 : memref<1x24x128xf32, #tpu.memory_space<hbm>> -> memref<24x128xf32, #tpu.memory_space<hbm>>
      %dma_wait3A_269 = arith.constant 0 : i32
      %dma_wait3A_270 = tpu.memref_slice %arg22[%add3A_232, %dma_wait3A_269] : memref<10752x128xf32, #tpu.memory_space<vmem_shared>> -> memref<24x128xf32, #tpu.memory_space<vmem_shared>>
      tpu.wait_dma2 semaphore(%run_scoped3A : memref<!tpu.dma_semaphore, #tpu.memory_space<semaphore_mem>>) src(%dma_wait3A_270 : memref<24x128xf32, #tpu.memory_space<vmem_shared>>) dst(%dma_wait3A_268 : memref<24x128xf32, #tpu.memory_space<hbm>>)
      tpu.yield
    }) : () -> ()
    %mul3A_233 = arith.constant 672 : i32
    %mul3A_234 = arith.muli %arg1, %mul3A_233 : i32
    %add3A_235 = arith.constant 504 : i32
    %add3A_236 = arith.addi %mul3A_234, %add3A_235 : i32
    "tpu.region"() ({
      %run_scoped3A = tpu.sem_alloc : memref<!tpu.dma_semaphore, #tpu.memory_space<semaphore_mem>>
      %dma_start3A_261 = arith.constant 0 : i32
      %dma_start3A_262 = tpu.memref_slice %arg7[%arg0, %add3A_236, %dma_start3A_261] : memref<2x10752x128xf32, #tpu.memory_space<hbm>> -> memref<1x24x128xf32, #tpu.memory_space<hbm>>
      %dma_start3A_263 = tpu.memref_squeeze %dma_start3A_262 : memref<1x24x128xf32, #tpu.memory_space<hbm>> -> memref<24x128xf32, #tpu.memory_space<hbm>>
      %dma_start3A_264 = arith.constant 0 : i32
      %dma_start3A_265 = tpu.memref_slice %arg22[%add3A_236, %dma_start3A_264] : memref<10752x128xf32, #tpu.memory_space<vmem_shared>> -> memref<24x128xf32, #tpu.memory_space<vmem_shared>>
      tpu.enqueue_dma source(%dma_start3A_265 : memref<24x128xf32, #tpu.memory_space<vmem_shared>>) target(%dma_start3A_263 : memref<24x128xf32, #tpu.memory_space<hbm>>) target_semaphore(%run_scoped3A : memref<!tpu.dma_semaphore, #tpu.memory_space<semaphore_mem>>)
      %dma_wait3A_266 = arith.constant 0 : i32
      %dma_wait3A_267 = tpu.memref_slice %arg7[%arg0, %add3A_236, %dma_wait3A_266] : memref<2x10752x128xf32, #tpu.memory_space<hbm>> -> memref<1x24x128xf32, #tpu.memory_space<hbm>>
      %dma_wait3A_268 = tpu.memref_squeeze %dma_wait3A_267 : memref<1x24x128xf32, #tpu.memory_space<hbm>> -> memref<24x128xf32, #tpu.memory_space<hbm>>
      %dma_wait3A_269 = arith.constant 0 : i32
      %dma_wait3A_270 = tpu.memref_slice %arg22[%add3A_236, %dma_wait3A_269] : memref<10752x128xf32, #tpu.memory_space<vmem_shared>> -> memref<24x128xf32, #tpu.memory_space<vmem_shared>>
      tpu.wait_dma2 semaphore(%run_scoped3A : memref<!tpu.dma_semaphore, #tpu.memory_space<semaphore_mem>>) src(%dma_wait3A_270 : memref<24x128xf32, #tpu.memory_space<vmem_shared>>) dst(%dma_wait3A_268 : memref<24x128xf32, #tpu.memory_space<hbm>>)
      tpu.yield
    }) : () -> ()
    %mul3A_237 = arith.constant 672 : i32
    %mul3A_238 = arith.muli %arg1, %mul3A_237 : i32
    %add3A_239 = arith.constant 528 : i32
    %add3A_240 = arith.addi %mul3A_238, %add3A_239 : i32
    "tpu.region"() ({
      %run_scoped3A = tpu.sem_alloc : memref<!tpu.dma_semaphore, #tpu.memory_space<semaphore_mem>>
      %dma_start3A_261 = arith.constant 0 : i32
      %dma_start3A_262 = tpu.memref_slice %arg7[%arg0, %add3A_240, %dma_start3A_261] : memref<2x10752x128xf32, #tpu.memory_space<hbm>> -> memref<1x24x128xf32, #tpu.memory_space<hbm>>
      %dma_start3A_263 = tpu.memref_squeeze %dma_start3A_262 : memref<1x24x128xf32, #tpu.memory_space<hbm>> -> memref<24x128xf32, #tpu.memory_space<hbm>>
      %dma_start3A_264 = arith.constant 0 : i32
      %dma_start3A_265 = tpu.memref_slice %arg22[%add3A_240, %dma_start3A_264] : memref<10752x128xf32, #tpu.memory_space<vmem_shared>> -> memref<24x128xf32, #tpu.memory_space<vmem_shared>>
      tpu.enqueue_dma source(%dma_start3A_265 : memref<24x128xf32, #tpu.memory_space<vmem_shared>>) target(%dma_start3A_263 : memref<24x128xf32, #tpu.memory_space<hbm>>) target_semaphore(%run_scoped3A : memref<!tpu.dma_semaphore, #tpu.memory_space<semaphore_mem>>)
      %dma_wait3A_266 = arith.constant 0 : i32
      %dma_wait3A_267 = tpu.memref_slice %arg7[%arg0, %add3A_240, %dma_wait3A_266] : memref<2x10752x128xf32, #tpu.memory_space<hbm>> -> memref<1x24x128xf32, #tpu.memory_space<hbm>>
      %dma_wait3A_268 = tpu.memref_squeeze %dma_wait3A_267 : memref<1x24x128xf32, #tpu.memory_space<hbm>> -> memref<24x128xf32, #tpu.memory_space<hbm>>
      %dma_wait3A_269 = arith.constant 0 : i32
      %dma_wait3A_270 = tpu.memref_slice %arg22[%add3A_240, %dma_wait3A_269] : memref<10752x128xf32, #tpu.memory_space<vmem_shared>> -> memref<24x128xf32, #tpu.memory_space<vmem_shared>>
      tpu.wait_dma2 semaphore(%run_scoped3A : memref<!tpu.dma_semaphore, #tpu.memory_space<semaphore_mem>>) src(%dma_wait3A_270 : memref<24x128xf32, #tpu.memory_space<vmem_shared>>) dst(%dma_wait3A_268 : memref<24x128xf32, #tpu.memory_space<hbm>>)
      tpu.yield
    }) : () -> ()
    %mul3A_241 = arith.constant 672 : i32
    %mul3A_242 = arith.muli %arg1, %mul3A_241 : i32
    %add3A_243 = arith.constant 552 : i32
    %add3A_244 = arith.addi %mul3A_242, %add3A_243 : i32
    "tpu.region"() ({
      %run_scoped3A = tpu.sem_alloc : memref<!tpu.dma_semaphore, #tpu.memory_space<semaphore_mem>>
      %dma_start3A_261 = arith.constant 0 : i32
      %dma_start3A_262 = tpu.memref_slice %arg7[%arg0, %add3A_244, %dma_start3A_261] : memref<2x10752x128xf32, #tpu.memory_space<hbm>> -> memref<1x24x128xf32, #tpu.memory_space<hbm>>
      %dma_start3A_263 = tpu.memref_squeeze %dma_start3A_262 : memref<1x24x128xf32, #tpu.memory_space<hbm>> -> memref<24x128xf32, #tpu.memory_space<hbm>>
      %dma_start3A_264 = arith.constant 0 : i32
      %dma_start3A_265 = tpu.memref_slice %arg22[%add3A_244, %dma_start3A_264] : memref<10752x128xf32, #tpu.memory_space<vmem_shared>> -> memref<24x128xf32, #tpu.memory_space<vmem_shared>>
      tpu.enqueue_dma source(%dma_start3A_265 : memref<24x128xf32, #tpu.memory_space<vmem_shared>>) target(%dma_start3A_263 : memref<24x128xf32, #tpu.memory_space<hbm>>) target_semaphore(%run_scoped3A : memref<!tpu.dma_semaphore, #tpu.memory_space<semaphore_mem>>)
      %dma_wait3A_266 = arith.constant 0 : i32
      %dma_wait3A_267 = tpu.memref_slice %arg7[%arg0, %add3A_244, %dma_wait3A_266] : memref<2x10752x128xf32, #tpu.memory_space<hbm>> -> memref<1x24x128xf32, #tpu.memory_space<hbm>>
      %dma_wait3A_268 = tpu.memref_squeeze %dma_wait3A_267 : memref<1x24x128xf32, #tpu.memory_space<hbm>> -> memref<24x128xf32, #tpu.memory_space<hbm>>
      %dma_wait3A_269 = arith.constant 0 : i32
      %dma_wait3A_270 = tpu.memref_slice %arg22[%add3A_244, %dma_wait3A_269] : memref<10752x128xf32, #tpu.memory_space<vmem_shared>> -> memref<24x128xf32, #tpu.memory_space<vmem_shared>>
      tpu.wait_dma2 semaphore(%run_scoped3A : memref<!tpu.dma_semaphore, #tpu.memory_space<semaphore_mem>>) src(%dma_wait3A_270 : memref<24x128xf32, #tpu.memory_space<vmem_shared>>) dst(%dma_wait3A_268 : memref<24x128xf32, #tpu.memory_space<hbm>>)
      tpu.yield
    }) : () -> ()
    %mul3A_245 = arith.constant 672 : i32
    %mul3A_246 = arith.muli %arg1, %mul3A_245 : i32
    %add3A_247 = arith.constant 576 : i32
    %add3A_248 = arith.addi %mul3A_246, %add3A_247 : i32
    "tpu.region"() ({
      %run_scoped3A = tpu.sem_alloc : memref<!tpu.dma_semaphore, #tpu.memory_space<semaphore_mem>>
      %dma_start3A_261 = arith.constant 0 : i32
      %dma_start3A_262 = tpu.memref_slice %arg7[%arg0, %add3A_248, %dma_start3A_261] : memref<2x10752x128xf32, #tpu.memory_space<hbm>> -> memref<1x24x128xf32, #tpu.memory_space<hbm>>
      %dma_start3A_263 = tpu.memref_squeeze %dma_start3A_262 : memref<1x24x128xf32, #tpu.memory_space<hbm>> -> memref<24x128xf32, #tpu.memory_space<hbm>>
      %dma_start3A_264 = arith.constant 0 : i32
      %dma_start3A_265 = tpu.memref_slice %arg22[%add3A_248, %dma_start3A_264] : memref<10752x128xf32, #tpu.memory_space<vmem_shared>> -> memref<24x128xf32, #tpu.memory_space<vmem_shared>>
      tpu.enqueue_dma source(%dma_start3A_265 : memref<24x128xf32, #tpu.memory_space<vmem_shared>>) target(%dma_start3A_263 : memref<24x128xf32, #tpu.memory_space<hbm>>) target_semaphore(%run_scoped3A : memref<!tpu.dma_semaphore, #tpu.memory_space<semaphore_mem>>)
      %dma_wait3A_266 = arith.constant 0 : i32
      %dma_wait3A_267 = tpu.memref_slice %arg7[%arg0, %add3A_248, %dma_wait3A_266] : memref<2x10752x128xf32, #tpu.memory_space<hbm>> -> memref<1x24x128xf32, #tpu.memory_space<hbm>>
      %dma_wait3A_268 = tpu.memref_squeeze %dma_wait3A_267 : memref<1x24x128xf32, #tpu.memory_space<hbm>> -> memref<24x128xf32, #tpu.memory_space<hbm>>
      %dma_wait3A_269 = arith.constant 0 : i32
      %dma_wait3A_270 = tpu.memref_slice %arg22[%add3A_248, %dma_wait3A_269] : memref<10752x128xf32, #tpu.memory_space<vmem_shared>> -> memref<24x128xf32, #tpu.memory_space<vmem_shared>>
      tpu.wait_dma2 semaphore(%run_scoped3A : memref<!tpu.dma_semaphore, #tpu.memory_space<semaphore_mem>>) src(%dma_wait3A_270 : memref<24x128xf32, #tpu.memory_space<vmem_shared>>) dst(%dma_wait3A_268 : memref<24x128xf32, #tpu.memory_space<hbm>>)
      tpu.yield
    }) : () -> ()
    %mul3A_249 = arith.constant 672 : i32
    %mul3A_250 = arith.muli %arg1, %mul3A_249 : i32
    %add3A_251 = arith.constant 600 : i32
    %add3A_252 = arith.addi %mul3A_250, %add3A_251 : i32
    "tpu.region"() ({
      %run_scoped3A = tpu.sem_alloc : memref<!tpu.dma_semaphore, #tpu.memory_space<semaphore_mem>>
      %dma_start3A_261 = arith.constant 0 : i32
      %dma_start3A_262 = tpu.memref_slice %arg7[%arg0, %add3A_252, %dma_start3A_261] : memref<2x10752x128xf32, #tpu.memory_space<hbm>> -> memref<1x24x128xf32, #tpu.memory_space<hbm>>
      %dma_start3A_263 = tpu.memref_squeeze %dma_start3A_262 : memref<1x24x128xf32, #tpu.memory_space<hbm>> -> memref<24x128xf32, #tpu.memory_space<hbm>>
      %dma_start3A_264 = arith.constant 0 : i32
      %dma_start3A_265 = tpu.memref_slice %arg22[%add3A_252, %dma_start3A_264] : memref<10752x128xf32, #tpu.memory_space<vmem_shared>> -> memref<24x128xf32, #tpu.memory_space<vmem_shared>>
      tpu.enqueue_dma source(%dma_start3A_265 : memref<24x128xf32, #tpu.memory_space<vmem_shared>>) target(%dma_start3A_263 : memref<24x128xf32, #tpu.memory_space<hbm>>) target_semaphore(%run_scoped3A : memref<!tpu.dma_semaphore, #tpu.memory_space<semaphore_mem>>)
      %dma_wait3A_266 = arith.constant 0 : i32
      %dma_wait3A_267 = tpu.memref_slice %arg7[%arg0, %add3A_252, %dma_wait3A_266] : memref<2x10752x128xf32, #tpu.memory_space<hbm>> -> memref<1x24x128xf32, #tpu.memory_space<hbm>>
      %dma_wait3A_268 = tpu.memref_squeeze %dma_wait3A_267 : memref<1x24x128xf32, #tpu.memory_space<hbm>> -> memref<24x128xf32, #tpu.memory_space<hbm>>
      %dma_wait3A_269 = arith.constant 0 : i32
      %dma_wait3A_270 = tpu.memref_slice %arg22[%add3A_252, %dma_wait3A_269] : memref<10752x128xf32, #tpu.memory_space<vmem_shared>> -> memref<24x128xf32, #tpu.memory_space<vmem_shared>>
      tpu.wait_dma2 semaphore(%run_scoped3A : memref<!tpu.dma_semaphore, #tpu.memory_space<semaphore_mem>>) src(%dma_wait3A_270 : memref<24x128xf32, #tpu.memory_space<vmem_shared>>) dst(%dma_wait3A_268 : memref<24x128xf32, #tpu.memory_space<hbm>>)
      tpu.yield
    }) : () -> ()
    %mul3A_253 = arith.constant 672 : i32
    %mul3A_254 = arith.muli %arg1, %mul3A_253 : i32
    %add3A_255 = arith.constant 624 : i32
    %add3A_256 = arith.addi %mul3A_254, %add3A_255 : i32
    "tpu.region"() ({
      %run_scoped3A = tpu.sem_alloc : memref<!tpu.dma_semaphore, #tpu.memory_space<semaphore_mem>>
      %dma_start3A_261 = arith.constant 0 : i32
      %dma_start3A_262 = tpu.memref_slice %arg7[%arg0, %add3A_256, %dma_start3A_261] : memref<2x10752x128xf32, #tpu.memory_space<hbm>> -> memref<1x24x128xf32, #tpu.memory_space<hbm>>
      %dma_start3A_263 = tpu.memref_squeeze %dma_start3A_262 : memref<1x24x128xf32, #tpu.memory_space<hbm>> -> memref<24x128xf32, #tpu.memory_space<hbm>>
      %dma_start3A_264 = arith.constant 0 : i32
      %dma_start3A_265 = tpu.memref_slice %arg22[%add3A_256, %dma_start3A_264] : memref<10752x128xf32, #tpu.memory_space<vmem_shared>> -> memref<24x128xf32, #tpu.memory_space<vmem_shared>>
      tpu.enqueue_dma source(%dma_start3A_265 : memref<24x128xf32, #tpu.memory_space<vmem_shared>>) target(%dma_start3A_263 : memref<24x128xf32, #tpu.memory_space<hbm>>) target_semaphore(%run_scoped3A : memref<!tpu.dma_semaphore, #tpu.memory_space<semaphore_mem>>)
      %dma_wait3A_266 = arith.constant 0 : i32
      %dma_wait3A_267 = tpu.memref_slice %arg7[%arg0, %add3A_256, %dma_wait3A_266] : memref<2x10752x128xf32, #tpu.memory_space<hbm>> -> memref<1x24x128xf32, #tpu.memory_space<hbm>>
      %dma_wait3A_268 = tpu.memref_squeeze %dma_wait3A_267 : memref<1x24x128xf32, #tpu.memory_space<hbm>> -> memref<24x128xf32, #tpu.memory_space<hbm>>
      %dma_wait3A_269 = arith.constant 0 : i32
      %dma_wait3A_270 = tpu.memref_slice %arg22[%add3A_256, %dma_wait3A_269] : memref<10752x128xf32, #tpu.memory_space<vmem_shared>> -> memref<24x128xf32, #tpu.memory_space<vmem_shared>>
      tpu.wait_dma2 semaphore(%run_scoped3A : memref<!tpu.dma_semaphore, #tpu.memory_space<semaphore_mem>>) src(%dma_wait3A_270 : memref<24x128xf32, #tpu.memory_space<vmem_shared>>) dst(%dma_wait3A_268 : memref<24x128xf32, #tpu.memory_space<hbm>>)
      tpu.yield
    }) : () -> ()
    %mul3A_257 = arith.constant 672 : i32
    %mul3A_258 = arith.muli %arg1, %mul3A_257 : i32
    %add3A_259 = arith.constant 648 : i32
    %add3A_260 = arith.addi %mul3A_258, %add3A_259 : i32
    "tpu.region"() ({
      %run_scoped3A = tpu.sem_alloc : memref<!tpu.dma_semaphore, #tpu.memory_space<semaphore_mem>>
      %dma_start3A_261 = arith.constant 0 : i32
      %dma_start3A_262 = tpu.memref_slice %arg7[%arg0, %add3A_260, %dma_start3A_261] : memref<2x10752x128xf32, #tpu.memory_space<hbm>> -> memref<1x24x128xf32, #tpu.memory_space<hbm>>
      %dma_start3A_263 = tpu.memref_squeeze %dma_start3A_262 : memref<1x24x128xf32, #tpu.memory_space<hbm>> -> memref<24x128xf32, #tpu.memory_space<hbm>>
      %dma_start3A_264 = arith.constant 0 : i32
      %dma_start3A_265 = tpu.memref_slice %arg22[%add3A_260, %dma_start3A_264] : memref<10752x128xf32, #tpu.memory_space<vmem_shared>> -> memref<24x128xf32, #tpu.memory_space<vmem_shared>>
      tpu.enqueue_dma source(%dma_start3A_265 : memref<24x128xf32, #tpu.memory_space<vmem_shared>>) target(%dma_start3A_263 : memref<24x128xf32, #tpu.memory_space<hbm>>) target_semaphore(%run_scoped3A : memref<!tpu.dma_semaphore, #tpu.memory_space<semaphore_mem>>)
      %dma_wait3A_266 = arith.constant 0 : i32
      %dma_wait3A_267 = tpu.memref_slice %arg7[%arg0, %add3A_260, %dma_wait3A_266] : memref<2x10752x128xf32, #tpu.memory_space<hbm>> -> memref<1x24x128xf32, #tpu.memory_space<hbm>>
      %dma_wait3A_268 = tpu.memref_squeeze %dma_wait3A_267 : memref<1x24x128xf32, #tpu.memory_space<hbm>> -> memref<24x128xf32, #tpu.memory_space<hbm>>
      %dma_wait3A_269 = arith.constant 0 : i32
      %dma_wait3A_270 = tpu.memref_slice %arg22[%add3A_260, %dma_wait3A_269] : memref<10752x128xf32, #tpu.memory_space<vmem_shared>> -> memref<24x128xf32, #tpu.memory_space<vmem_shared>>
      tpu.wait_dma2 semaphore(%run_scoped3A : memref<!tpu.dma_semaphore, #tpu.memory_space<semaphore_mem>>) src(%dma_wait3A_270 : memref<24x128xf32, #tpu.memory_space<vmem_shared>>) dst(%dma_wait3A_268 : memref<24x128xf32, #tpu.memory_space<hbm>>)
      tpu.yield
    }) : () -> ()
    return
  }
}

module attributes {stable_mosaic.version = 14 : i64} {
  func.func @_frontend_body(%arg0: i32, %arg1: memref<400x768xf32, #tpu.memory_space<vmem>>, %arg2: memref<400x256xf32, #tpu.memory_space<vmem>>, %arg3: memref<400x2xf32, #tpu.memory_space<vmem>>, %arg4: memref<256x768xf32, #tpu.memory_space<vmem>>, %arg5: memref<1x768xf32, #tpu.memory_space<vmem>>, %arg6: memref<1920x128xf32, #tpu.memory_space<vmem>>, %arg7: memref<1x128xf32, #tpu.memory_space<vmem>>, %arg8: memref<1x128xf32, #tpu.memory_space<vmem>>, %arg9: memref<1x128xf32, #tpu.memory_space<vmem>>, %arg10: memref<128x128xf32, #tpu.memory_space<vmem>>, %arg11: memref<1x128xf32, #tpu.memory_space<vmem>>, %arg12: memref<128x16xf32, #tpu.memory_space<vmem>>, %arg13: memref<128x16xf32, #tpu.memory_space<vmem>>, %arg14: memref<400x128xf32, #tpu.memory_space<vmem>>, %arg15: memref<400x256xf32, #tpu.memory_space<vmem>>, %arg16: memref<400x128xf32, #tpu.memory_space<vmem>>, %arg17: memref<8x16xf32, #tpu.memory_space<vmem>>) attributes {dimension_semantics = [#tpu.dimension_semantics<arbitrary>], iteration_bounds = array<i64: 25>, scalar_prefetch = 0 : i64, scratch_operands = 0 : i64, tpu.core_type = #tpu.core_type<tc>, window_params = [{transform_indices = @transform_0, window_bounds = array<i64: 400, 768>}, {transform_indices = @transform_1, window_bounds = array<i64: 400, 256>}, {transform_indices = @transform_2, window_bounds = array<i64: 400, 2>}, {pipeline_mode = #tpu.pipeline_mode<synchronous>, transform_indices = @transform_3, window_bounds = array<i64: 256, 768>}, {pipeline_mode = #tpu.pipeline_mode<synchronous>, transform_indices = @transform_4, window_bounds = array<i64: 1, 768>}, {pipeline_mode = #tpu.pipeline_mode<synchronous>, transform_indices = @transform_5, window_bounds = array<i64: 1920, 128>}, {pipeline_mode = #tpu.pipeline_mode<synchronous>, transform_indices = @transform_6, window_bounds = array<i64: 1, 128>}, {pipeline_mode = #tpu.pipeline_mode<synchronous>, transform_indices = @transform_7, window_bounds = array<i64: 1, 128>}, {pipeline_mode = #tpu.pipeline_mode<synchronous>, transform_indices = @transform_8, window_bounds = array<i64: 1, 128>}, {pipeline_mode = #tpu.pipeline_mode<synchronous>, transform_indices = @transform_9, window_bounds = array<i64: 128, 128>}, {pipeline_mode = #tpu.pipeline_mode<synchronous>, transform_indices = @transform_10, window_bounds = array<i64: 1, 128>}, {pipeline_mode = #tpu.pipeline_mode<synchronous>, transform_indices = @transform_11, window_bounds = array<i64: 128, 16>}, {pipeline_mode = #tpu.pipeline_mode<synchronous>, transform_indices = @transform_12, window_bounds = array<i64: 128, 16>}, {transform_indices = @transform_13, window_bounds = array<i64: 400, 128>}, {transform_indices = @transform_14, window_bounds = array<i64: 400, 256>}, {transform_indices = @transform_15, window_bounds = array<i64: 400, 128>}, {pipeline_mode = #tpu.pipeline_mode<synchronous>, transform_indices = @transform_16, window_bounds = array<i64: 8, 16>}]} {
    %get3A = arith.constant 0 : index
    %get3A_0 = arith.constant 0 : index
    %get3A_1 = vector.load %arg1[%get3A, %get3A_0] : memref<400x768xf32, #tpu.memory_space<vmem>>, vector<400x768xf32>
    %get3A_2 = arith.constant 0 : index
    %get3A_3 = arith.constant 0 : index
    %get3A_4 = vector.load %arg2[%get3A_2, %get3A_3] : memref<400x256xf32, #tpu.memory_space<vmem>>, vector<400x256xf32>
    %get3A_5 = arith.constant 0 : index
    %get3A_6 = arith.constant 0 : index
    %get3A_7 = vector.load %arg4[%get3A_5, %get3A_6] : memref<256x768xf32, #tpu.memory_space<vmem>>, vector<256x768xf32>
    %dot_general3A = arith.constant dense<0.000000e+00> : vector<400x768xf32>
    %dot_general3A_8 = tpu.matmul %get3A_4, %get3A_7, %dot_general3A {dimension_numbers = #tpu.dot_dimension_numbers<[1], [0], [0], [1], [0, 0, 1, 1], [], []>, transpose_lhs_hint = false} : vector<400x256xf32>, vector<256x768xf32>, vector<400x768xf32> -> vector<400x768xf32>
    %get3A_9 = arith.constant 0 : index
    %get3A_10 = arith.constant 0 : index
    %get3A_11 = vector.load %arg5[%get3A_9, %get3A_10] : memref<1x768xf32, #tpu.memory_space<vmem>>, vector<1x768xf32>
    %add3A = vector.broadcast %get3A_11 : vector<1x768xf32> to vector<400x768xf32>
    %add3A_12 = arith.addf %dot_general3A_8, %add3A : vector<400x768xf32>
    %iota3A = tpu.iota {dimensions = array<i32: 1>} : vector<1x192xi32>
    %jit3A = arith.constant 2 : i32
    %div3A = vector.broadcast %jit3A : i32 to vector<1x192xi32>
    %div3A_13 = arith.divsi %iota3A, %div3A : vector<1x192xi32>
    %sign3A = arith.constant 0 : i32
    %sign3A_14 = vector.broadcast %sign3A : i32 to vector<1x192xi32>
    %sign3A_15 = arith.cmpi sgt, %iota3A, %sign3A_14 : vector<1x192xi32>
    %sign3A_16 = arith.extui %sign3A_15 : vector<1x192xi1> to vector<1x192xi32>
    %sign3A_17 = arith.constant 0 : i32
    %sign3A_18 = vector.broadcast %sign3A_17 : i32 to vector<1x192xi32>
    %sign3A_19 = arith.cmpi slt, %iota3A, %sign3A_18 : vector<1x192xi32>
    %sign3A_20 = arith.extui %sign3A_19 : vector<1x192xi1> to vector<1x192xi32>
    %sign3A_21 = arith.subi %sign3A_16, %sign3A_20 : vector<1x192xi32>
    %sign3A_22 = arith.constant 0 : i32
    %sign3A_23 = arith.cmpi sgt, %jit3A, %sign3A_22 : i32
    %sign3A_24 = arith.extui %sign3A_23 : i1 to i32
    %sign3A_25 = arith.constant 0 : i32
    %sign3A_26 = arith.cmpi slt, %jit3A, %sign3A_25 : i32
    %sign3A_27 = arith.extui %sign3A_26 : i1 to i32
    %sign3A_28 = arith.subi %sign3A_24, %sign3A_27 : i32
    %ne3A = vector.broadcast %sign3A_28 : i32 to vector<1x192xi32>
    %ne3A_29 = arith.cmpi ne, %sign3A_21, %ne3A : vector<1x192xi32>
    %rem3A = vector.broadcast %jit3A : i32 to vector<1x192xi32>
    %rem3A_30 = arith.remsi %iota3A, %rem3A : vector<1x192xi32>
    %ne3A_31 = arith.constant 0 : i32
    %ne3A_32 = vector.broadcast %ne3A_31 : i32 to vector<1x192xi32>
    %ne3A_33 = arith.cmpi ne, %rem3A_30, %ne3A_32 : vector<1x192xi32>
    %and3A = arith.andi %ne3A_29, %ne3A_33 : vector<1x192xi1>
    %sub3A = arith.constant 1 : i32
    %sub3A_34 = vector.broadcast %sub3A : i32 to vector<1x192xi32>
    %sub3A_35 = arith.subi %div3A_13, %sub3A_34 : vector<1x192xi32>
    %select_n3A = arith.select %and3A, %sub3A_35, %div3A_13 : vector<1x192xi1>, vector<1x192xi32>
    %mul3A = arith.constant 2 : i32
    %mul3A_36 = vector.broadcast %mul3A : i32 to vector<1x192xi32>
    %mul3A_37 = arith.muli %select_n3A, %mul3A_36 : vector<1x192xi32>
    %convert_element_type3A = arith.sitofp %mul3A_37 : vector<1x192xi32> to vector<1x192xf32>
    %log3A = arith.constant 1.000000e+04 : f32
    %log3A_38 = math.log %log3A : f32
    %neg3A = arith.constant 0.000000e+00 : f32
    %neg3A_39 = arith.subf %neg3A, %log3A_38 : f32
    %div3A_40 = arith.constant 1.920000e+02 : f32
    %div3A_41 = arith.divf %neg3A_39, %div3A_40 : f32
    %mul3A_42 = vector.broadcast %div3A_41 : f32 to vector<1x192xf32>
    %mul3A_43 = arith.mulf %convert_element_type3A, %mul3A_42 : vector<1x192xf32>
    %exp3A = math.exp %mul3A_43 : vector<1x192xf32>
    %jit3A_44 = arith.constant 2 : i32
    %eq3A = arith.constant 0 : i32
    %eq3A_45 = arith.cmpi eq, %jit3A_44, %eq3A : i32
    %jit3A_46 = arith.constant 1 : i32
    %select_n3A_47 = arith.select %eq3A_45, %jit3A_46, %jit3A_44 : i32
    %rem3A_48 = vector.broadcast %select_n3A_47 : i32 to vector<1x192xi32>
    %rem3A_49 = arith.remsi %iota3A, %rem3A_48 : vector<1x192xi32>
    %ne3A_50 = arith.constant 0 : i32
    %ne3A_51 = vector.broadcast %ne3A_50 : i32 to vector<1x192xi32>
    %ne3A_52 = arith.cmpi ne, %rem3A_49, %ne3A_51 : vector<1x192xi32>
    %lt3A = arith.constant 0 : i32
    %lt3A_53 = vector.broadcast %lt3A : i32 to vector<1x192xi32>
    %lt3A_54 = arith.cmpi slt, %rem3A_49, %lt3A_53 : vector<1x192xi32>
    %lt3A_55 = arith.constant 0 : i32
    %lt3A_56 = arith.cmpi slt, %select_n3A_47, %lt3A_55 : i32
    %ne3A_57 = vector.broadcast %lt3A_56 : i1 to vector<1x192xi1>
    %ne3A_58 = vector.broadcast %ne3A_57 : vector<1x192xi1> to vector<1x192xi1>
    %ne3A_59 = arith.xori %lt3A_54, %ne3A_58 : vector<1x192xi1>
    %and3A_60 = arith.andi %ne3A_59, %ne3A_52 : vector<1x192xi1>
    %add3A_61 = vector.broadcast %select_n3A_47 : i32 to vector<1x192xi32>
    %add3A_62 = arith.addi %rem3A_49, %add3A_61 : vector<1x192xi32>
    %select_n3A_63 = arith.select %and3A_60, %add3A_62, %rem3A_49 : vector<1x192xi1>, vector<1x192xi32>
    %eq3A_64 = arith.constant 0 : i32
    %eq3A_65 = vector.broadcast %eq3A_64 : i32 to vector<1x192xi32>
    %eq3A_66 = arith.cmpi eq, %select_n3A_63, %eq3A_65 : vector<1x192xi32>
    %get3A_67 = arith.constant 0 : index
    %get3A_68 = arith.constant 0 : index
    %get3A_69 = vector.load %arg3[%get3A_67, %get3A_68] : memref<400x2xf32, #tpu.memory_space<vmem>>, vector<400x1xf32>
    %mul3A_70 = vector.broadcast %get3A_69 : vector<400x1xf32> to vector<400x192xf32>
    %mul3A_71 = vector.broadcast %exp3A : vector<1x192xf32> to vector<400x192xf32>
    %mul3A_72 = arith.mulf %mul3A_70, %mul3A_71 : vector<400x192xf32>
    %sin3A = math.sin %mul3A_72 : vector<400x192xf32>
    %cos3A = math.cos %mul3A_72 : vector<400x192xf32>
    %broadcast_in_dim3A = vector.shape_cast %eq3A_66 : vector<1x192xi1> to vector<1x192xi1>
    %broadcast_in_dim3A_73 = vector.broadcast %broadcast_in_dim3A : vector<1x192xi1> to vector<400x192xi1>
    %select_n3A_74 = arith.select %broadcast_in_dim3A_73, %sin3A, %cos3A : vector<400x192xi1>, vector<400x192xf32>
    %get3A_75 = arith.constant 0 : index
    %get3A_76 = arith.constant 1 : index
    %get3A_77 = vector.load %arg3[%get3A_75, %get3A_76] : memref<400x2xf32, #tpu.memory_space<vmem>>, vector<400x1xf32>
    %mul3A_78 = vector.broadcast %get3A_77 : vector<400x1xf32> to vector<400x192xf32>
    %mul3A_79 = vector.broadcast %exp3A : vector<1x192xf32> to vector<400x192xf32>
    %mul3A_80 = arith.mulf %mul3A_78, %mul3A_79 : vector<400x192xf32>
    %sin3A_81 = math.sin %mul3A_80 : vector<400x192xf32>
    %cos3A_82 = math.cos %mul3A_80 : vector<400x192xf32>
    %broadcast_in_dim3A_83 = vector.shape_cast %eq3A_66 : vector<1x192xi1> to vector<1x192xi1>
    %broadcast_in_dim3A_84 = vector.broadcast %broadcast_in_dim3A_83 : vector<1x192xi1> to vector<400x192xi1>
    %select_n3A_85 = arith.select %broadcast_in_dim3A_84, %sin3A_81, %cos3A_82 : vector<400x192xi1>, vector<400x192xf32>
    %get3A_86 = arith.constant 0 : index
    %get3A_87 = arith.constant 0 : index
    %get3A_88 = vector.load %arg6[%get3A_86, %get3A_87] : memref<1920x128xf32, #tpu.memory_space<vmem>>, vector<768x128xf32>
    %dot_general3A_89 = arith.constant dense<0.000000e+00> : vector<400x128xf32>
    %dot_general3A_90 = tpu.matmul %get3A_1, %get3A_88, %dot_general3A_89 {dimension_numbers = #tpu.dot_dimension_numbers<[1], [0], [0], [1], [0, 0, 1, 1], [], []>, transpose_lhs_hint = false} : vector<400x768xf32>, vector<768x128xf32>, vector<400x128xf32> -> vector<400x128xf32>
    %get3A_91 = arith.constant 768 : index
    %get3A_92 = arith.constant 0 : index
    %get3A_93 = vector.load %arg6[%get3A_91, %get3A_92] : memref<1920x128xf32, #tpu.memory_space<vmem>>, vector<192x128xf32>
    %dot_general3A_94 = arith.constant dense<0.000000e+00> : vector<400x128xf32>
    %dot_general3A_95 = tpu.matmul %select_n3A_74, %get3A_93, %dot_general3A_94 {dimension_numbers = #tpu.dot_dimension_numbers<[1], [0], [0], [1], [0, 0, 1, 1], [], []>, transpose_lhs_hint = false} : vector<400x192xf32>, vector<192x128xf32>, vector<400x128xf32> -> vector<400x128xf32>
    %add3A_96 = arith.addf %dot_general3A_90, %dot_general3A_95 : vector<400x128xf32>
    %get3A_97 = arith.constant 960 : index
    %get3A_98 = arith.constant 0 : index
    %get3A_99 = vector.load %arg6[%get3A_97, %get3A_98] : memref<1920x128xf32, #tpu.memory_space<vmem>>, vector<192x128xf32>
    %dot_general3A_100 = arith.constant dense<0.000000e+00> : vector<400x128xf32>
    %dot_general3A_101 = tpu.matmul %select_n3A_85, %get3A_99, %dot_general3A_100 {dimension_numbers = #tpu.dot_dimension_numbers<[1], [0], [0], [1], [0, 0, 1, 1], [], []>, transpose_lhs_hint = false} : vector<400x192xf32>, vector<192x128xf32>, vector<400x128xf32> -> vector<400x128xf32>
    %add3A_102 = arith.addf %add3A_96, %dot_general3A_101 : vector<400x128xf32>
    %get3A_103 = arith.constant 1152 : index
    %get3A_104 = arith.constant 0 : index
    %get3A_105 = vector.load %arg6[%get3A_103, %get3A_104] : memref<1920x128xf32, #tpu.memory_space<vmem>>, vector<768x128xf32>
    %dot_general3A_106 = arith.constant dense<0.000000e+00> : vector<400x128xf32>
    %dot_general3A_107 = tpu.matmul %add3A_12, %get3A_105, %dot_general3A_106 {dimension_numbers = #tpu.dot_dimension_numbers<[1], [0], [0], [1], [0, 0, 1, 1], [], []>, transpose_lhs_hint = false} : vector<400x768xf32>, vector<768x128xf32>, vector<400x128xf32> -> vector<400x128xf32>
    %add3A_108 = arith.addf %add3A_102, %dot_general3A_107 : vector<400x128xf32>
    %get3A_109 = arith.constant 0 : index
    %get3A_110 = arith.constant 0 : index
    %get3A_111 = vector.load %arg7[%get3A_109, %get3A_110] : memref<1x128xf32, #tpu.memory_space<vmem>>, vector<1x128xf32>
    %add3A_112 = vector.broadcast %get3A_111 : vector<1x128xf32> to vector<400x128xf32>
    %add3A_113 = arith.addf %add3A_108, %add3A_112 : vector<400x128xf32>
    %reduce_sum3A = arith.constant dense<0.000000e+00> : vector<400xf32>
    %reduce_sum3A_114 = vector.multi_reduction <add>, %add3A_113, %reduce_sum3A [1] : vector<400x128xf32> to vector<400xf32>
    %broadcast_in_dim3A_115 = vector.shape_cast %reduce_sum3A_114 : vector<400xf32> to vector<400x1xf32>
    %div3A_116 = arith.constant 1.280000e+02 : f32
    %div3A_117 = vector.broadcast %div3A_116 : f32 to vector<400x1xf32>
    %div3A_118 = arith.divf %broadcast_in_dim3A_115, %div3A_117 : vector<400x1xf32>
    %sub3A_119 = vector.broadcast %div3A_118 : vector<400x1xf32> to vector<400x128xf32>
    %sub3A_120 = arith.subf %add3A_113, %sub3A_119 : vector<400x128xf32>
    %integer_pow3A = arith.mulf %sub3A_120, %sub3A_120 : vector<400x128xf32>
    %reduce_sum3A_121 = arith.constant dense<0.000000e+00> : vector<400xf32>
    %reduce_sum3A_122 = vector.multi_reduction <add>, %integer_pow3A, %reduce_sum3A_121 [1] : vector<400x128xf32> to vector<400xf32>
    %broadcast_in_dim3A_123 = vector.shape_cast %reduce_sum3A_122 : vector<400xf32> to vector<400x1xf32>
    %div3A_124 = arith.constant 1.280000e+02 : f32
    %div3A_125 = vector.broadcast %div3A_124 : f32 to vector<400x1xf32>
    %div3A_126 = arith.divf %broadcast_in_dim3A_123, %div3A_125 : vector<400x1xf32>
    %sub3A_127 = vector.broadcast %div3A_118 : vector<400x1xf32> to vector<400x128xf32>
    %sub3A_128 = arith.subf %add3A_113, %sub3A_127 : vector<400x128xf32>
    %add3A_129 = arith.constant 9.99999974E-6 : f32
    %add3A_130 = vector.broadcast %add3A_129 : f32 to vector<400x1xf32>
    %add3A_131 = arith.addf %div3A_126, %add3A_130 : vector<400x1xf32>
    %sqrt3A = math.sqrt %add3A_131 : vector<400x1xf32>
    %div3A_132 = vector.broadcast %sqrt3A : vector<400x1xf32> to vector<400x128xf32>
    %div3A_133 = arith.divf %sub3A_128, %div3A_132 : vector<400x128xf32>
    %get3A_134 = arith.constant 0 : index
    %get3A_135 = arith.constant 0 : index
    %get3A_136 = vector.load %arg8[%get3A_134, %get3A_135] : memref<1x128xf32, #tpu.memory_space<vmem>>, vector<1x128xf32>
    %mul3A_137 = vector.broadcast %get3A_136 : vector<1x128xf32> to vector<400x128xf32>
    %mul3A_138 = arith.mulf %div3A_133, %mul3A_137 : vector<400x128xf32>
    %get3A_139 = arith.constant 0 : index
    %get3A_140 = arith.constant 0 : index
    %get3A_141 = vector.load %arg9[%get3A_139, %get3A_140] : memref<1x128xf32, #tpu.memory_space<vmem>>, vector<1x128xf32>
    %add3A_142 = vector.broadcast %get3A_141 : vector<1x128xf32> to vector<400x128xf32>
    %add3A_143 = arith.addf %mul3A_138, %add3A_142 : vector<400x128xf32>
    %max3A = arith.constant 0.000000e+00 : f32
    %max3A_144 = vector.broadcast %max3A : f32 to vector<400x128xf32>
    %max3A_145 = arith.maximumf %add3A_143, %max3A_144 : vector<400x128xf32>
    %swap3A = arith.constant 0 : index
    %swap3A_146 = arith.constant 0 : index
    %swap3A_147 = vector.load %arg14[%swap3A, %swap3A_146] : memref<400x128xf32, #tpu.memory_space<vmem>>, vector<400x128xf32>
    tpu.vector_store %arg14[%swap3A, %swap3A_146], %max3A_145 {strides = array<i32>} : memref<400x128xf32, #tpu.memory_space<vmem>>, vector<400x128xf32>,
    %get3A_148 = arith.constant 0 : index
    %get3A_149 = arith.constant 0 : index
    %get3A_150 = vector.load %arg10[%get3A_148, %get3A_149] : memref<128x128xf32, #tpu.memory_space<vmem>>, vector<128x128xf32>
    %dot_general3A_151 = arith.constant dense<0.000000e+00> : vector<400x128xf32>
    %dot_general3A_152 = tpu.matmul %max3A_145, %get3A_150, %dot_general3A_151 {dimension_numbers = #tpu.dot_dimension_numbers<[1], [0], [0], [1], [0, 0, 1, 1], [], []>, transpose_lhs_hint = false} : vector<400x128xf32>, vector<128x128xf32>, vector<400x128xf32> -> vector<400x128xf32>
    %get3A_153 = arith.constant 0 : index
    %get3A_154 = arith.constant 0 : index
    %get3A_155 = vector.load %arg11[%get3A_153, %get3A_154] : memref<1x128xf32, #tpu.memory_space<vmem>>, vector<1x128xf32>
    %add3A_156 = vector.broadcast %get3A_155 : vector<1x128xf32> to vector<400x128xf32>
    %add3A_157 = arith.addf %dot_general3A_152, %add3A_156 : vector<400x128xf32>
    %get3A_158 = arith.constant 0 : index
    %get3A_159 = arith.constant 0 : index
    %get3A_160 = vector.load %arg12[%get3A_158, %get3A_159] : memref<128x16xf32, #tpu.memory_space<vmem>>, vector<128x16xf32>
    %dot_general3A_161 = arith.constant dense<0.000000e+00> : vector<400x16xf32>
    %dot_general3A_162 = tpu.matmul %add3A_157, %get3A_160, %dot_general3A_161 {dimension_numbers = #tpu.dot_dimension_numbers<[1], [0], [0], [1], [0, 0, 1, 1], [], []>, transpose_lhs_hint = false} : vector<400x128xf32>, vector<128x16xf32>, vector<400x16xf32> -> vector<400x16xf32>
    %swap3A_163 = arith.constant 0 : index
    %swap3A_164 = arith.constant 0 : index
    %swap3A_165 = vector.load %arg15[%swap3A_163, %swap3A_164] : memref<400x256xf32, #tpu.memory_space<vmem>>, vector<400x128xf32>
    tpu.vector_store %arg15[%swap3A_163, %swap3A_164], %add3A_157 {strides = array<i32>} : memref<400x256xf32, #tpu.memory_space<vmem>>, vector<400x128xf32>,
    %swap3A_166 = arith.constant 0 : index
    %swap3A_167 = arith.constant 128 : index
    %swap3A_168 = vector.load %arg15[%swap3A_166, %swap3A_167] : memref<400x256xf32, #tpu.memory_space<vmem>>, vector<400x16xf32>
    tpu.vector_store %arg15[%swap3A_166, %swap3A_167], %dot_general3A_162 {strides = array<i32>} : memref<400x256xf32, #tpu.memory_space<vmem>>, vector<400x16xf32>,
    %get3A_169 = arith.constant 0 : index
    %get3A_170 = arith.constant 0 : index
    %get3A_171 = vector.load %arg13[%get3A_169, %get3A_170] : memref<128x16xf32, #tpu.memory_space<vmem>>, vector<128x16xf32>
    %dot_general3A_172 = arith.constant dense<0.000000e+00> : vector<400x16xf32>
    %dot_general3A_173 = tpu.matmul %add3A_157, %get3A_171, %dot_general3A_172 {dimension_numbers = #tpu.dot_dimension_numbers<[1], [0], [0], [1], [0, 0, 1, 1], [], []>, transpose_lhs_hint = false} : vector<400x128xf32>, vector<128x16xf32>, vector<400x16xf32> -> vector<400x16xf32>
    %swap3A_174 = arith.constant 0 : index
    %swap3A_175 = arith.constant 0 : index
    %swap3A_176 = vector.load %arg16[%swap3A_174, %swap3A_175] : memref<400x128xf32, #tpu.memory_space<vmem>>, vector<400x16xf32>
    tpu.vector_store %arg16[%swap3A_174, %swap3A_175], %dot_general3A_173 {strides = array<i32>} : memref<400x128xf32, #tpu.memory_space<vmem>>, vector<400x16xf32>,
    %reduce_max3A = arith.constant dense<0xFF800000> : vector<16xf32>
    %reduce_max3A_177 = vector.multi_reduction <maximumf>, %dot_general3A_162, %reduce_max3A [0] : vector<400x16xf32> to vector<16xf32>
    %broadcast_in_dim3A_178 = vector.shape_cast %reduce_max3A_177 : vector<16xf32> to vector<1x16xf32>
    %broadcast_in_dim3A_179 = vector.shape_cast %broadcast_in_dim3A_178 : vector<1x16xf32> to vector<1x16xf32>
    %broadcast_in_dim3A_180 = vector.broadcast %broadcast_in_dim3A_179 : vector<1x16xf32> to vector<8x16xf32>
    %eq3A_181 = arith.constant 0 : i32
    %eq3A_182 = arith.cmpi eq, %arg0, %eq3A_181 : i32
    %convert_element_type3A_183 = arith.extui %eq3A_182 : i1 to i32
    %cond3A = arith.constant 0 : i32
    %cond3A_184 = arith.cmpi ne, %convert_element_type3A_183, %cond3A : i32
    scf.if %cond3A_184 {
      %swap3A_189 = arith.constant 0 : index
      %swap3A_190 = arith.constant 0 : index
      %swap3A_191 = vector.load %arg17[%swap3A_189, %swap3A_190] : memref<8x16xf32, #tpu.memory_space<vmem>>, vector<8x16xf32>
      tpu.vector_store %arg17[%swap3A_189, %swap3A_190], %broadcast_in_dim3A_180 {strides = array<i32>} : memref<8x16xf32, #tpu.memory_space<vmem>>, vector<8x16xf32>,
    } else {
    }
    %gt3A = arith.constant 0 : i32
    %gt3A_185 = arith.cmpi sgt, %arg0, %gt3A : i32
    %convert_element_type3A_186 = arith.extui %gt3A_185 : i1 to i32
    %cond3A_187 = arith.constant 0 : i32
    %cond3A_188 = arith.cmpi ne, %convert_element_type3A_186, %cond3A_187 : i32
    scf.if %cond3A_188 {
      %get3A_189 = arith.constant 0 : index
      %get3A_190 = arith.constant 0 : index
      %get3A_191 = vector.load %arg17[%get3A_189, %get3A_190] : memref<8x16xf32, #tpu.memory_space<vmem>>, vector<8x16xf32>
      %max3A_192 = arith.maximumf %get3A_191, %broadcast_in_dim3A_180 : vector<8x16xf32>
      %swap3A_193 = arith.constant 0 : index
      %swap3A_194 = arith.constant 0 : index
      %swap3A_195 = vector.load %arg17[%swap3A_193, %swap3A_194] : memref<8x16xf32, #tpu.memory_space<vmem>>, vector<8x16xf32>
      tpu.vector_store %arg17[%swap3A_193, %swap3A_194], %max3A_192 {strides = array<i32>} : memref<8x16xf32, #tpu.memory_space<vmem>>, vector<8x16xf32>,
    } else {
    }
    return
  }
  func.func @transform_0(%arg0: i32) -> (i32, i32) {
    %c0_i32 = arith.constant 0 : i32
    %c0_i32_0 = arith.constant 0 : i32
    return %arg0, %c0_i32 : i32, i32
  }
  func.func @transform_1(%arg0: i32) -> (i32, i32) {
    %c0_i32 = arith.constant 0 : i32
    %c0_i32_0 = arith.constant 0 : i32
    return %arg0, %c0_i32 : i32, i32
  }
  func.func @transform_2(%arg0: i32) -> (i32, i32) {
    %c0_i32 = arith.constant 0 : i32
    %c0_i32_0 = arith.constant 0 : i32
    return %arg0, %c0_i32 : i32, i32
  }
  func.func @transform_3(%arg0: i32) -> (i32, i32) {
    %c0_i32 = arith.constant 0 : i32
    %c0_i32_0 = arith.constant 0 : i32
    %c0_i32_1 = arith.constant 0 : i32
    return %c0_i32, %c0_i32_0 : i32, i32
  }
  func.func @transform_4(%arg0: i32) -> (i32, i32) {
    %c0_i32 = arith.constant 0 : i32
    %c0_i32_0 = arith.constant 0 : i32
    %c0_i32_1 = arith.constant 0 : i32
    return %c0_i32, %c0_i32_0 : i32, i32
  }
  func.func @transform_5(%arg0: i32) -> (i32, i32) {
    %c0_i32 = arith.constant 0 : i32
    %c0_i32_0 = arith.constant 0 : i32
    %c0_i32_1 = arith.constant 0 : i32
    return %c0_i32, %c0_i32_0 : i32, i32
  }
  func.func @transform_6(%arg0: i32) -> (i32, i32) {
    %c0_i32 = arith.constant 0 : i32
    %c0_i32_0 = arith.constant 0 : i32
    %c0_i32_1 = arith.constant 0 : i32
    return %c0_i32, %c0_i32_0 : i32, i32
  }
  func.func @transform_7(%arg0: i32) -> (i32, i32) {
    %c0_i32 = arith.constant 0 : i32
    %c0_i32_0 = arith.constant 0 : i32
    %c0_i32_1 = arith.constant 0 : i32
    return %c0_i32, %c0_i32_0 : i32, i32
  }
  func.func @transform_8(%arg0: i32) -> (i32, i32) {
    %c0_i32 = arith.constant 0 : i32
    %c0_i32_0 = arith.constant 0 : i32
    %c0_i32_1 = arith.constant 0 : i32
    return %c0_i32, %c0_i32_0 : i32, i32
  }
  func.func @transform_9(%arg0: i32) -> (i32, i32) {
    %c0_i32 = arith.constant 0 : i32
    %c0_i32_0 = arith.constant 0 : i32
    %c0_i32_1 = arith.constant 0 : i32
    return %c0_i32, %c0_i32_0 : i32, i32
  }
  func.func @transform_10(%arg0: i32) -> (i32, i32) {
    %c0_i32 = arith.constant 0 : i32
    %c0_i32_0 = arith.constant 0 : i32
    %c0_i32_1 = arith.constant 0 : i32
    return %c0_i32, %c0_i32_0 : i32, i32
  }
  func.func @transform_11(%arg0: i32) -> (i32, i32) {
    %c0_i32 = arith.constant 0 : i32
    %c0_i32_0 = arith.constant 0 : i32
    %c0_i32_1 = arith.constant 0 : i32
    return %c0_i32, %c0_i32_0 : i32, i32
  }
  func.func @transform_12(%arg0: i32) -> (i32, i32) {
    %c0_i32 = arith.constant 0 : i32
    %c0_i32_0 = arith.constant 0 : i32
    %c0_i32_1 = arith.constant 0 : i32
    return %c0_i32, %c0_i32_0 : i32, i32
  }
  func.func @transform_13(%arg0: i32) -> (i32, i32) {
    %c0_i32 = arith.constant 0 : i32
    %c0_i32_0 = arith.constant 0 : i32
    return %arg0, %c0_i32 : i32, i32
  }
  func.func @transform_14(%arg0: i32) -> (i32, i32) {
    %c0_i32 = arith.constant 0 : i32
    %c0_i32_0 = arith.constant 0 : i32
    return %arg0, %c0_i32 : i32, i32
  }
  func.func @transform_15(%arg0: i32) -> (i32, i32) {
    %c0_i32 = arith.constant 0 : i32
    %c0_i32_0 = arith.constant 0 : i32
    return %arg0, %c0_i32 : i32, i32
  }
  func.func @transform_16(%arg0: i32) -> (i32, i32) {
    %c0_i32 = arith.constant 0 : i32
    %c0_i32_0 = arith.constant 0 : i32
    %c0_i32_1 = arith.constant 0 : i32
    return %c0_i32, %c0_i32_0 : i32, i32
  }
}

module attributes {stable_mosaic.version = 14 : i64} {
  func.func @_combine_prep_body(%arg0: i32, %arg1: memref<400x128xf32, #tpu.memory_space<vmem>>, %arg2: memref<400x128xf32, #tpu.memory_space<vmem>>, %arg3: memref<400x8xf32, #tpu.memory_space<vmem>>, %arg4: memref<400x8xf32, #tpu.memory_space<vmem>>, %arg5: memref<400x128xf32, #tpu.memory_space<vmem>>, %arg6: memref<128x128xf32, #tpu.memory_space<vmem>>, %arg7: memref<1x128xf32, #tpu.memory_space<vmem>>, %arg8: memref<128x16xf32, #tpu.memory_space<vmem>>, %arg9: memref<128x16xf32, #tpu.memory_space<vmem>>, %arg10: memref<400x128xf32, #tpu.memory_space<vmem>>, %arg11: memref<400x256xf32, #tpu.memory_space<vmem>>, %arg12: memref<400x128xf32, #tpu.memory_space<vmem>>, %arg13: memref<8x16xf32, #tpu.memory_space<vmem>>) attributes {dimension_semantics = [#tpu.dimension_semantics<arbitrary>], iteration_bounds = array<i64: 25>, scalar_prefetch = 0 : i64, scratch_operands = 0 : i64, tpu.core_type = #tpu.core_type<tc>, window_params = [{transform_indices = @transform_0, window_bounds = array<i64: 400, 128>}, {transform_indices = @transform_1, window_bounds = array<i64: 400, 128>}, {transform_indices = @transform_2, window_bounds = array<i64: 400, 8>}, {transform_indices = @transform_3, window_bounds = array<i64: 400, 8>}, {transform_indices = @transform_4, window_bounds = array<i64: 400, 128>}, {pipeline_mode = #tpu.pipeline_mode<synchronous>, transform_indices = @transform_5, window_bounds = array<i64: 128, 128>}, {pipeline_mode = #tpu.pipeline_mode<synchronous>, transform_indices = @transform_6, window_bounds = array<i64: 1, 128>}, {pipeline_mode = #tpu.pipeline_mode<synchronous>, transform_indices = @transform_7, window_bounds = array<i64: 128, 16>}, {pipeline_mode = #tpu.pipeline_mode<synchronous>, transform_indices = @transform_8, window_bounds = array<i64: 128, 16>}, {transform_indices = @transform_9, window_bounds = array<i64: 400, 128>}, {transform_indices = @transform_10, window_bounds = array<i64: 400, 256>}, {transform_indices = @transform_11, window_bounds = array<i64: 400, 128>}, {pipeline_mode = #tpu.pipeline_mode<synchronous>, transform_indices = @transform_12, window_bounds = array<i64: 8, 16>}]} {
    %get3A = arith.constant 0 : index
    %get3A_0 = arith.constant 0 : index
    %get3A_1 = vector.load %arg1[%get3A, %get3A_0] : memref<400x128xf32, #tpu.memory_space<vmem>>, vector<400x128xf32>
    %get3A_2 = arith.constant 0 : index
    %get3A_3 = arith.constant 0 : index
    %get3A_4 = vector.load %arg2[%get3A_2, %get3A_3] : memref<400x128xf32, #tpu.memory_space<vmem>>, vector<400x128xf32>
    %add3A = arith.addf %get3A_1, %get3A_4 : vector<400x128xf32>
    %get3A_5 = arith.constant 0 : index
    %get3A_6 = arith.constant 0 : index
    %get3A_7 = vector.load %arg3[%get3A_5, %get3A_6] : memref<400x8xf32, #tpu.memory_space<vmem>>, vector<400x8xf32>
    %get3A_8 = arith.constant 0 : index
    %get3A_9 = arith.constant 0 : index
    %get3A_10 = vector.load %arg4[%get3A_8, %get3A_9] : memref<400x8xf32, #tpu.memory_space<vmem>>, vector<400x8xf32>
    %add3A_11 = arith.addf %get3A_7, %get3A_10 : vector<400x8xf32>
    %iota3A = tpu.iota {dimensions = array<i32: 0>} : vector<8x128xi32>
    %iota3A_12 = tpu.iota {dimensions = array<i32: 1>} : vector<8x128xi32>
    %jit3A = arith.constant 32 : i32
    %div3A = vector.broadcast %jit3A : i32 to vector<8x128xi32>
    %div3A_13 = arith.divsi %iota3A_12, %div3A : vector<8x128xi32>
    %sign3A = arith.constant 0 : i32
    %sign3A_14 = vector.broadcast %sign3A : i32 to vector<8x128xi32>
    %sign3A_15 = arith.cmpi sgt, %iota3A_12, %sign3A_14 : vector<8x128xi32>
    %sign3A_16 = arith.extui %sign3A_15 : vector<8x128xi1> to vector<8x128xi32>
    %sign3A_17 = arith.constant 0 : i32
    %sign3A_18 = vector.broadcast %sign3A_17 : i32 to vector<8x128xi32>
    %sign3A_19 = arith.cmpi slt, %iota3A_12, %sign3A_18 : vector<8x128xi32>
    %sign3A_20 = arith.extui %sign3A_19 : vector<8x128xi1> to vector<8x128xi32>
    %sign3A_21 = arith.subi %sign3A_16, %sign3A_20 : vector<8x128xi32>
    %sign3A_22 = arith.constant 0 : i32
    %sign3A_23 = arith.cmpi sgt, %jit3A, %sign3A_22 : i32
    %sign3A_24 = arith.extui %sign3A_23 : i1 to i32
    %sign3A_25 = arith.constant 0 : i32
    %sign3A_26 = arith.cmpi slt, %jit3A, %sign3A_25 : i32
    %sign3A_27 = arith.extui %sign3A_26 : i1 to i32
    %sign3A_28 = arith.subi %sign3A_24, %sign3A_27 : i32
    %ne3A = vector.broadcast %sign3A_28 : i32 to vector<8x128xi32>
    %ne3A_29 = arith.cmpi ne, %sign3A_21, %ne3A : vector<8x128xi32>
    %rem3A = vector.broadcast %jit3A : i32 to vector<8x128xi32>
    %rem3A_30 = arith.remsi %iota3A_12, %rem3A : vector<8x128xi32>
    %ne3A_31 = arith.constant 0 : i32
    %ne3A_32 = vector.broadcast %ne3A_31 : i32 to vector<8x128xi32>
    %ne3A_33 = arith.cmpi ne, %rem3A_30, %ne3A_32 : vector<8x128xi32>
    %and3A = arith.andi %ne3A_29, %ne3A_33 : vector<8x128xi1>
    %sub3A = arith.constant 1 : i32
    %sub3A_34 = vector.broadcast %sub3A : i32 to vector<8x128xi32>
    %sub3A_35 = arith.subi %div3A_13, %sub3A_34 : vector<8x128xi32>
    %select_n3A = arith.select %and3A, %sub3A_35, %div3A_13 : vector<8x128xi1>, vector<8x128xi32>
    %eq3A = arith.cmpi eq, %select_n3A, %iota3A : vector<8x128xi32>
    %convert_element_type3A = arith.extui %eq3A : vector<8x128xi1> to vector<8x128xi32>
    %convert_element_type3A_36 = arith.sitofp %convert_element_type3A : vector<8x128xi32> to vector<8x128xf32>
    %dot_general3A = arith.constant dense<0.000000e+00> : vector<400x128xf32>
    %dot_general3A_37 = tpu.matmul %add3A_11, %convert_element_type3A_36, %dot_general3A {dimension_numbers = #tpu.dot_dimension_numbers<[1], [0], [0], [1], [0, 0, 1, 1], [], []>, transpose_lhs_hint = false} : vector<400x8xf32>, vector<8x128xf32>, vector<400x128xf32> -> vector<400x128xf32>
    %gt3A = arith.constant 0.000000e+00 : f32
    %gt3A_38 = vector.broadcast %gt3A : f32 to vector<400x128xf32>
    %gt3A_39 = arith.cmpf ogt, %dot_general3A_37, %gt3A_38 : vector<400x128xf32>
    %jit3A_40 = arith.constant 1.000000e+00 : f32
    %broadcast_in_dim3A = vector.broadcast %jit3A_40 : f32 to vector<400x128xf32>
    %select_n3A_41 = arith.select %gt3A_39, %dot_general3A_37, %broadcast_in_dim3A : vector<400x128xi1>, vector<400x128xf32>
    %div3A_42 = arith.divf %add3A, %select_n3A_41 : vector<400x128xf32>
    %get3A_43 = arith.constant 0 : index
    %get3A_44 = arith.constant 0 : index
    %get3A_45 = vector.load %arg5[%get3A_43, %get3A_44] : memref<400x128xf32, #tpu.memory_space<vmem>>, vector<400x128xf32>
    %add3A_46 = arith.addf %div3A_42, %get3A_45 : vector<400x128xf32>
    %mul3A = arith.constant 0.00999999977 : f32
    %mul3A_47 = vector.broadcast %mul3A : f32 to vector<400x128xf32>
    %mul3A_48 = arith.mulf %mul3A_47, %add3A_46 : vector<400x128xf32>
    %max3A = arith.maximumf %add3A_46, %mul3A_48 : vector<400x128xf32>
    %swap3A = arith.constant 0 : index
    %swap3A_49 = arith.constant 0 : index
    %swap3A_50 = vector.load %arg10[%swap3A, %swap3A_49] : memref<400x128xf32, #tpu.memory_space<vmem>>, vector<400x128xf32>
    tpu.vector_store %arg10[%swap3A, %swap3A_49], %max3A {strides = array<i32>} : memref<400x128xf32, #tpu.memory_space<vmem>>, vector<400x128xf32>,
    %get3A_51 = arith.constant 0 : index
    %get3A_52 = arith.constant 0 : index
    %get3A_53 = vector.load %arg6[%get3A_51, %get3A_52] : memref<128x128xf32, #tpu.memory_space<vmem>>, vector<128x128xf32>
    %dot_general3A_54 = arith.constant dense<0.000000e+00> : vector<400x128xf32>
    %dot_general3A_55 = tpu.matmul %max3A, %get3A_53, %dot_general3A_54 {dimension_numbers = #tpu.dot_dimension_numbers<[1], [0], [0], [1], [0, 0, 1, 1], [], []>, transpose_lhs_hint = false} : vector<400x128xf32>, vector<128x128xf32>, vector<400x128xf32> -> vector<400x128xf32>
    %get3A_56 = arith.constant 0 : index
    %get3A_57 = arith.constant 0 : index
    %get3A_58 = vector.load %arg7[%get3A_56, %get3A_57] : memref<1x128xf32, #tpu.memory_space<vmem>>, vector<1x128xf32>
    %add3A_59 = vector.broadcast %get3A_58 : vector<1x128xf32> to vector<400x128xf32>
    %add3A_60 = arith.addf %dot_general3A_55, %add3A_59 : vector<400x128xf32>
    %get3A_61 = arith.constant 0 : index
    %get3A_62 = arith.constant 0 : index
    %get3A_63 = vector.load %arg8[%get3A_61, %get3A_62] : memref<128x16xf32, #tpu.memory_space<vmem>>, vector<128x16xf32>
    %dot_general3A_64 = arith.constant dense<0.000000e+00> : vector<400x16xf32>
    %dot_general3A_65 = tpu.matmul %add3A_60, %get3A_63, %dot_general3A_64 {dimension_numbers = #tpu.dot_dimension_numbers<[1], [0], [0], [1], [0, 0, 1, 1], [], []>, transpose_lhs_hint = false} : vector<400x128xf32>, vector<128x16xf32>, vector<400x16xf32> -> vector<400x16xf32>
    %swap3A_66 = arith.constant 0 : index
    %swap3A_67 = arith.constant 0 : index
    %swap3A_68 = vector.load %arg11[%swap3A_66, %swap3A_67] : memref<400x256xf32, #tpu.memory_space<vmem>>, vector<400x128xf32>
    tpu.vector_store %arg11[%swap3A_66, %swap3A_67], %add3A_60 {strides = array<i32>} : memref<400x256xf32, #tpu.memory_space<vmem>>, vector<400x128xf32>,
    %swap3A_69 = arith.constant 0 : index
    %swap3A_70 = arith.constant 128 : index
    %swap3A_71 = vector.load %arg11[%swap3A_69, %swap3A_70] : memref<400x256xf32, #tpu.memory_space<vmem>>, vector<400x16xf32>
    tpu.vector_store %arg11[%swap3A_69, %swap3A_70], %dot_general3A_65 {strides = array<i32>} : memref<400x256xf32, #tpu.memory_space<vmem>>, vector<400x16xf32>,
    %get3A_72 = arith.constant 0 : index
    %get3A_73 = arith.constant 0 : index
    %get3A_74 = vector.load %arg9[%get3A_72, %get3A_73] : memref<128x16xf32, #tpu.memory_space<vmem>>, vector<128x16xf32>
    %dot_general3A_75 = arith.constant dense<0.000000e+00> : vector<400x16xf32>
    %dot_general3A_76 = tpu.matmul %add3A_60, %get3A_74, %dot_general3A_75 {dimension_numbers = #tpu.dot_dimension_numbers<[1], [0], [0], [1], [0, 0, 1, 1], [], []>, transpose_lhs_hint = false} : vector<400x128xf32>, vector<128x16xf32>, vector<400x16xf32> -> vector<400x16xf32>
    %swap3A_77 = arith.constant 0 : index
    %swap3A_78 = arith.constant 0 : index
    %swap3A_79 = vector.load %arg12[%swap3A_77, %swap3A_78] : memref<400x128xf32, #tpu.memory_space<vmem>>, vector<400x16xf32>
    tpu.vector_store %arg12[%swap3A_77, %swap3A_78], %dot_general3A_76 {strides = array<i32>} : memref<400x128xf32, #tpu.memory_space<vmem>>, vector<400x16xf32>,
    %reduce_max3A = arith.constant dense<0xFF800000> : vector<16xf32>
    %reduce_max3A_80 = vector.multi_reduction <maximumf>, %dot_general3A_65, %reduce_max3A [0] : vector<400x16xf32> to vector<16xf32>
    %broadcast_in_dim3A_81 = vector.shape_cast %reduce_max3A_80 : vector<16xf32> to vector<1x16xf32>
    %broadcast_in_dim3A_82 = vector.shape_cast %broadcast_in_dim3A_81 : vector<1x16xf32> to vector<1x16xf32>
    %broadcast_in_dim3A_83 = vector.broadcast %broadcast_in_dim3A_82 : vector<1x16xf32> to vector<8x16xf32>
    %eq3A_84 = arith.constant 0 : i32
    %eq3A_85 = arith.cmpi eq, %arg0, %eq3A_84 : i32
    %convert_element_type3A_86 = arith.extui %eq3A_85 : i1 to i32
    %cond3A = arith.constant 0 : i32
    %cond3A_87 = arith.cmpi ne, %convert_element_type3A_86, %cond3A : i32
    scf.if %cond3A_87 {
      %swap3A_93 = arith.constant 0 : index
      %swap3A_94 = arith.constant 0 : index
      %swap3A_95 = vector.load %arg13[%swap3A_93, %swap3A_94] : memref<8x16xf32, #tpu.memory_space<vmem>>, vector<8x16xf32>
      tpu.vector_store %arg13[%swap3A_93, %swap3A_94], %broadcast_in_dim3A_83 {strides = array<i32>} : memref<8x16xf32, #tpu.memory_space<vmem>>, vector<8x16xf32>,
    } else {
    }
    %gt3A_88 = arith.constant 0 : i32
    %gt3A_89 = arith.cmpi sgt, %arg0, %gt3A_88 : i32
    %convert_element_type3A_90 = arith.extui %gt3A_89 : i1 to i32
    %cond3A_91 = arith.constant 0 : i32
    %cond3A_92 = arith.cmpi ne, %convert_element_type3A_90, %cond3A_91 : i32
    scf.if %cond3A_92 {
      %get3A_93 = arith.constant 0 : index
      %get3A_94 = arith.constant 0 : index
      %get3A_95 = vector.load %arg13[%get3A_93, %get3A_94] : memref<8x16xf32, #tpu.memory_space<vmem>>, vector<8x16xf32>
      %max3A_96 = arith.maximumf %get3A_95, %broadcast_in_dim3A_83 : vector<8x16xf32>
      %swap3A_97 = arith.constant 0 : index
      %swap3A_98 = arith.constant 0 : index
      %swap3A_99 = vector.load %arg13[%swap3A_97, %swap3A_98] : memref<8x16xf32, #tpu.memory_space<vmem>>, vector<8x16xf32>
      tpu.vector_store %arg13[%swap3A_97, %swap3A_98], %max3A_96 {strides = array<i32>} : memref<8x16xf32, #tpu.memory_space<vmem>>, vector<8x16xf32>,
    } else {
    }
    return
  }
  func.func @transform_0(%arg0: i32) -> (i32, i32) {
    %c0_i32 = arith.constant 0 : i32
    %c0_i32_0 = arith.constant 0 : i32
    return %arg0, %c0_i32 : i32, i32
  }
  func.func @transform_1(%arg0: i32) -> (i32, i32) {
    %c0_i32 = arith.constant 0 : i32
    %c0_i32_0 = arith.constant 0 : i32
    return %arg0, %c0_i32 : i32, i32
  }
  func.func @transform_2(%arg0: i32) -> (i32, i32) {
    %c0_i32 = arith.constant 0 : i32
    %c0_i32_0 = arith.constant 0 : i32
    return %arg0, %c0_i32 : i32, i32
  }
  func.func @transform_3(%arg0: i32) -> (i32, i32) {
    %c0_i32 = arith.constant 0 : i32
    %c0_i32_0 = arith.constant 0 : i32
    return %arg0, %c0_i32 : i32, i32
  }
  func.func @transform_4(%arg0: i32) -> (i32, i32) {
    %c0_i32 = arith.constant 0 : i32
    %c0_i32_0 = arith.constant 0 : i32
    return %arg0, %c0_i32 : i32, i32
  }
  func.func @transform_5(%arg0: i32) -> (i32, i32) {
    %c0_i32 = arith.constant 0 : i32
    %c0_i32_0 = arith.constant 0 : i32
    %c0_i32_1 = arith.constant 0 : i32
    return %c0_i32, %c0_i32_0 : i32, i32
  }
  func.func @transform_6(%arg0: i32) -> (i32, i32) {
    %c0_i32 = arith.constant 0 : i32
    %c0_i32_0 = arith.constant 0 : i32
    %c0_i32_1 = arith.constant 0 : i32
    return %c0_i32, %c0_i32_0 : i32, i32
  }
  func.func @transform_7(%arg0: i32) -> (i32, i32) {
    %c0_i32 = arith.constant 0 : i32
    %c0_i32_0 = arith.constant 0 : i32
    %c0_i32_1 = arith.constant 0 : i32
    return %c0_i32, %c0_i32_0 : i32, i32
  }
  func.func @transform_8(%arg0: i32) -> (i32, i32) {
    %c0_i32 = arith.constant 0 : i32
    %c0_i32_0 = arith.constant 0 : i32
    %c0_i32_1 = arith.constant 0 : i32
    return %c0_i32, %c0_i32_0 : i32, i32
  }
  func.func @transform_9(%arg0: i32) -> (i32, i32) {
    %c0_i32 = arith.constant 0 : i32
    %c0_i32_0 = arith.constant 0 : i32
    return %arg0, %c0_i32 : i32, i32
  }
  func.func @transform_10(%arg0: i32) -> (i32, i32) {
    %c0_i32 = arith.constant 0 : i32
    %c0_i32_0 = arith.constant 0 : i32
    return %arg0, %c0_i32 : i32, i32
  }
  func.func @transform_11(%arg0: i32) -> (i32, i32) {
    %c0_i32 = arith.constant 0 : i32
    %c0_i32_0 = arith.constant 0 : i32
    return %arg0, %c0_i32 : i32, i32
  }
  func.func @transform_12(%arg0: i32) -> (i32, i32) {
    %c0_i32 = arith.constant 0 : i32
    %c0_i32_0 = arith.constant 0 : i32
    %c0_i32_1 = arith.constant 0 : i32
    return %c0_i32, %c0_i32_0 : i32, i32
  }
}

</mosaic_0001>

<sc_bundles>
// kernel: body.12.cloned.1.call-start
scs
__scs_entry_jumppad:
0x0: {  	(pc) =	sbr.rel $0x88, $3  }
0x1: {  	(tag) =	ssettag $0x0;
	lr =	simm.s32 $0x1  }
0x2: {  	[smem:$0x3F8E] =	sst lr;
	_ =	strace $0xD0000000  }
0x3: {  	_ = 	snop  }
0x4: {  	_ = 	snop  }
0x5: {  	_ = 	snop  }
0x6: {  	_ = 	snop  }
0x7: {  	_ = 	snop  }
__scs_overlays_trampoline_lowered:
0x8: {  	[smem:$0x3F9D] =	sst s0  }
0x9: {  	[smem:$0x3F9E] =	sst s1  }
0xa: {  	[smem:$0x3F9F] =	sst s2  }
0xb: {  	[smem:$0x3FA0] =	sst s3  }
0xc: {  	[smem:$0x3FA1] =	sst s4  }
0xd: {  	[smem:$0x3FA2] =	sst s5  }
0xe: {  	[smem:$0x3FA3] =	sst s6  }
0xf: {  	[smem:$0x3FA4] =	sst s7  }
0x10: {  	[smem:$0x3FA5] =	sst s8  }
0x11: {  	[smem:$0x3FA6] =	sst s9;
	s0 =	simm.s32 @!p0 $0x0  }
0x12: {  	s1 =	sld [smem:$0x3F8C];
	s0 =	simm.s32 @p0 $0x1  }
0x13: {  	[smem:$0x3FA7] =	sst s0;
	s0 =	simm.s32 @!p1 $0x0  }
0x14: {  	s2 =	sld [smem:$0x3F8B];
	s0 =	simm.s32 @p1 $0x1  }
0x15: {  	[smem:$0x3FA8] =	sst s0;
	s0 =	simm.s32 @!p2 $0x0  }
0x16: {  	s3 =	sld [smem:$0x3FDB];
	s0 =	simm.s32 @p2 $0x1  }
0x17: {  	s4 =	simm.s32 $0x1BF5;
	[smem:$0x3FAA] =	sst s0  }
0x18: {  	s0 =	sld [smem:$0x3F8D];
	_ =	swait.ge [sflag:s4], $0x0  }
0x19: {  	s7 =	sld [smem:$0x3F8E]  }
0x1a: {  	s8 =	sadd.s32 $0xFFFFE003, lr  }
0x1b: {  	s9 =	sadd.s32 $0xFFFFFEF7, lr;
	s5 =	simm.s32 $0xFFFFFFFF;
	p2 =	slt.u32 s8, $0xFFFFF086  }
0x1c: {  	p1 =	slt.u32 s9, $0xF7A;
	s5 =	simm.s32 @!p2 $0x0  }
0x1d: {  	s5 =	simm.s32 @p1 $0x1;
	p0 =	seq.s32 s7, s2  }
0x1e: {  	s7 =	smul.u32 @!p0 $0xF7A, s2;
	p2 =	seq.s32 @!p0 s5, $0x0  }
0x1f: {  	s9 =	smul.u32 $0xF7A, s1;
	s8 =	simm.s32 @!p0 $0x1BF5;
	p2 =	por !p2, p0  }
0x20: {  	[sflag:s8] =	ssyncset.s32 @!p0 $0xFFFFF086;
	s6 =	sadd.s32 @!p0 s3, s7;
	s7 =	simm.s32 @!p0 $0x108  }
0x21: {  	s3 =	sadd.s32 s3, s9;
	s6 =	sadd.s32 @!p0 $0x88, s6;
	s7 =	simm.s32 @p2 $0x1082  }
0x22: {  	[simem:s7], [sflag:s8] =	dma.local @!p0 [hbm:s6], $0xF7A  }
0x23: {  	s9 =	sor.u32 $0xD0000000, s2;
	s6 =	simm.s32 $0x108;
	_ =	swait.ge @!p0 [sflag:s8], $0x0  }
0x24: {  	s3 =	sadd.s32 $0x88, s3;
	s6 =	simm.s32 @!p1 $0x1082;
	[sflag:s4] =	ssyncset.s32 $0xFFFFF086  }
0x25: {  	[simem:s6], [sflag:s4] =	dma.local [hbm:s3], $0xF7A  }
0x26: {  	[smem:$0x3F8E] =	sst s1;
	(tag) =	ssettag s2;
	_ =	strace s9  }
0x27: {  	s1 =	sld [smem:$0x3F9E]  }
0x28: {  	s2 =	sld [smem:$0x3F9F]  }
0x29: {  	s4 =	sld [smem:$0x3FA1]  }
0x2a: {  	p0 =	seq.s32 s5, $0x0;
	s5 =	sld [smem:$0x3FA2]  }
0x2b: {  	s6 =	sld [smem:$0x3FA3]  }
0x2c: {  	s7 =	sld [smem:$0x3FA4]  }
0x2d: {  	s3 =	simm.s32 $0x108;
	s8 =	sld [smem:$0x3FA5]  }
0x2e: {  	s3 =	simm.s32 @!p0 $0x1082;
	s9 =	sld [smem:$0x3FA6]  }
0x2f: {  	lr =	sadd.s32 s0, s3;
	s0 =	sld [smem:$0x3F9D]  }
0x30: {  	s3 =	sld [smem:$0x3FA0]  }
0x31: {  	[smem:$0x3FA9] =	sst s10  }
0x32: {  	s10 =	sld [smem:$0x3FA7];
	_ =	sdelay $0x3  }
0x33: {  	p0 =	seq.s32 s10, $0x1;
	s10 =	sld [smem:$0x3FA9];
	_ =	sdelay $0x3  }
0x34: {  	[smem:$0x3FA9] =	sst s10  }
0x35: {  	s10 =	sld [smem:$0x3FA8];
	_ =	sdelay $0x3  }
0x36: {  	p1 =	seq.s32 s10, $0x1;
	s10 =	sld [smem:$0x3FA9];
	_ =	sdelay $0x3  }
0x37: {  	[smem:$0x3FA9] =	sst s10  }
0x38: {  	s10 =	sld [smem:$0x3FAA]  }
0x39: {  	_ = 	snop;
	(pc) =	sbr.ind lr, $3  }
0x3a: {  	_ = 	snop  }
0x3b: {  	_ = 	snop  }
0x3c: {  	p2 =	seq.s32 s10, $0x1;
	s10 =	sld [smem:$0x3FA9]  }
0x3d: {  	_ =	shalt  }
0x3e: {  	_ =	shalt  }
0x3f: {  	_ =	shalt  }
0x40: {  	_ =	shalt  }
0x41: {  	_ =	shalt  }
0x42: {  	_ =	shalt  }
0x43: {  	_ =	shalt  }
0x44: {  	_ =	shalt  }
0x45: {  	_ =	shalt  }
0x46: {  	_ =	shalt  }
0x47: {  	_ =	shalt  }
0x48: {  	_ =	shalt  }
0x49: {  	_ =	shalt  }
0x4a: {  	_ =	shalt  }
0x4b: {  	_ =	shalt  }
0x4c: {  	_ =	shalt  }
0x4d: {  	_ =	shalt  }
0x4e: {  	_ =	shalt  }
0x4f: {  	_ =	shalt  }
0x50: {  	_ =	shalt  }
0x51: {  	_ =	shalt  }
0x52: {  	_ =	shalt  }
0x53: {  	_ =	shalt  }
0x54: {  	_ =	shalt  }
0x55: {  	_ =	shalt  }
0x56: {  	_ =	shalt  }
0x57: {  	_ =	shalt  }
0x58: {  	_ =	shalt  }
0x59: {  	_ =	shalt  }
0x5a: {  	_ =	shalt  }
0x5b: {  	_ =	shalt  }
0x5c: {  	_ =	shalt  }
0x5d: {  	_ =	shalt  }
0x5e: {  	_ =	shalt  }
0x5f: {  	_ =	shalt  }
0x60: {  	_ =	shalt  }
0x61: {  	_ =	shalt  }
0x62: {  	_ =	shalt  }
0x63: {  	_ =	shalt  }
0x64: {  	_ =	shalt  }
0x65: {  	_ =	shalt  }
0x66: {  	_ =	shalt  }
0x67: {  	_ =	shalt  }
0x68: {  	_ =	shalt  }
0x69: {  	_ =	shalt  }
0x6a: {  	_ =	shalt  }
0x6b: {  	_ =	shalt  }
0x6c: {  	_ =	shalt  }
0x6d: {  	_ =	shalt  }
0x6e: {  	_ =	shalt  }
0x6f: {  	_ =	shalt  }
0x70: {  	_ =	shalt  }
0x71: {  	_ =	shalt  }
0x72: {  	_ =	shalt  }
0x73: {  	_ =	shalt  }
0x74: {  	_ =	shalt  }
0x75: {  	_ =	shalt  }
0x76: {  	_ =	shalt  }
0x77: {  	_ =	shalt  }
0x78: {  	_ =	shalt  }
0x79: {  	_ =	shalt  }
0x7a: {  	_ =	shalt  }
0x7b: {  	_ =	shalt  }
0x7c: {  	_ =	shalt  }
0x7d: {  	_ =	shalt  }
0x7e: {  	_ =	shalt  }
0x7f: {  	_ =	shalt  }
0x80: {  	_ =	shalt  }
0x81: {  	_ =	shalt  }
0x82: {  	_ =	shalt  }
0x83: {  	_ =	shalt  }
0x84: {  	_ =	shalt  }
0x85: {  	_ =	shalt  }
0x86: {  	_ =	shalt  }
0x87: {  	_ =	shalt  }
.Lfunc_end0:
.L_simem_size_0:
called_computation_lowered:
.L_overlay_start_0:
0x88: {  	s2 =	sld [smem:$0x3FD9]  }
0x89: {  	s3 =	sld [smem:$0x3FFE];
	_ =	sdelay $0x1  }
0x8a: {  	s1 =	srdreg.scid  }
0x8b: {  	s0 =	sand.u32 $0x1, s1  }
0x8c: {  	s16 =	sshll.u32 s0, $0xA;
	s2 =	sadd.s32 s3, s2  }
0x8d: {  	s2 =	sadd.s32 s2, s16  }
0x8e: {  	[smem:$0x3FB5] =	sst s2  }
0x8f: {  	_ = 	snop  }
0x90: {  	(tm) =	ssettm $0x1  }
0x91: {  	s17 =	sld [smem:$0x3FFB];
	_ =	sdelay $0x3  }
0x92: {  	_ =	strace s17  }
0x93: {  	s2 =	sld [smem:$0x3FFC];
	_ =	sdelay $0x3  }
0x94: {  	_ =	strace s2  }
0x95: {  	s2 =	sld [smem:$0x3FFD];
	_ =	sdelay $0x3  }
0x96: {  	_ =	strace s2  }
0x97: {  	_ =	strace $0x8FFFFFFF  }
0x98: {  	s18 =	sld [smem:$0x3FDB];
	_ =	sdelay $0x1  }
0x99: {  	s19 =	simm.s32 $_scs_section_size  }
0x9a: {  	s4 =	simm.s32 $_size__tile_overlayer_lowered;
	s5 =	simm.s32 $_tile_overlayer_lowered  }
0x9b: {  	s22 =	simm.s32 $0x1BFF;
	s21 =	sshll.u32 s5, $0x1;
	s2 =	sadd.s32 s19, s18  }
0x9c: {  	s6 =	simm.s32 $0x0;
	s20 =	sshll.u32 s4, $0x1;
	s4 =	sadd.s32 s21, s2  }
0x9d: {  	[timem:s6], [sflag:s22] =	dma.local [hbm:s4], s20  }
0x9e: {  	_ =	swait.ge [sflag:s22], s20  }
0x9f: {  	s3 =	ssub.s32 $0x0, s20;
	[sflag:s22] =	ssyncset.done $0x0  }
0xa0: {  	[sflag:s22] =	ssyncadd.s32 s3;
	_ =	sdelay $0x1  }
0xa1: {  	s23 =	simm.s32 $0x1B8B  }
0xa2: {  	_ =	swait.ge [sflag:s23], $0x1  }
0xa3: {  	[sflag:s23] =	ssyncset.done $0x0  }
0xa4: {  	s25 =	simm.s32 $0x1B8E;
	s24 =	sld [smem:$0x3FFE];
	[sflag:s23] =	ssyncadd.s32 $0xFFFFFFFF  }
0xa5: {  	s26 =	simm.s32 $execute0_lowered;
	[smem:$0x3FD2] =	sst s25  }
0xa6: {  	s4 =	sshll.u32 s26, $0x1;
	_ =	strace $0x80000046;
	[dreg:$0x1] =	wrdreg $0xFFFFFFFF  }
0xa7: {  	s28 =	simm.s32 $_size_execute0_lowered;
	s2 =	sadd.s32 s2, s4;
	[dreg:$0x0] =	wrdreg $0x0  }
0xa8: {  	s4 =	sshll.u32 s28, $0x1;
	[dreg:$0x2] =	wrdreg s2  }
0xa9: {  	[dreg:$0x3] =	wrdreg s4  }
0xaa: {  	[dreg:$0x4] =	wrdreg $0xC0  }
0xab: {  	_ =	task [dreg:s6], $0x5FFFF  }
0xac: {  	[dreg:$0x1] =	wrdreg $0xFFFFFFFF  }
0xad: {  	[dreg:$0x0] =	wrdreg $0x60  }
0xae: {  	[dreg:$0x2] =	wrdreg s24  }
0xaf: {  	[dreg:$0x3] =	wrdreg $0xAF800  }
0xb0: {  	[dreg:$0x4] =	wrdreg $0x9  }
0xb1: {  	_ =	task.clear_ibuf [dreg:s6], $0x5FFFF;
	_ =	strace $0x90000046  }
0xb2: {  	s29 =	simm.s32 $0x9;
	_ =	strace $0x80000048  }
0xb3: {  	_ =	swait.ge [sflag:s29], $0x1  }
0xb4: {  	[sflag:s29] =	ssyncadd.s32 $0xFFFFFFFF  }
0xb5: {  	_ =	strace $0x90000048  }
0xb6: {  	_ =	sfence  }
0xb7: {  	s30 =	sld [smem:$0x0];
	_ =	sdelay $0x2  }
0xb8: {  	s31 =	sshll.u32 s1, $0xD;
	s1 =	sshrl.u32 s1, $0x2  }
0xb9: {  	s3 =	sand.u32 $0x4000, s31;
	s1 =	sadd.s32 s1, s30  }
0xba: {  	s0 =	sor.u32 s3, s0;
	s1 =	sshll.u32 s1, $0x11  }
0xbb: {  	s0 =	sor.u32 s1, s0  }
0xbc: {  	s0 =	sadd.s32 $0x8F2B, s0  }
0xbd: {  	[sflag:s0] =	ssyncadd.remote.s32 $0x1  }
0xbe: {  	_ =	sfence.sel $0xFFFF  }
0xbf: {  	[dreg:$0x0] =	wrdreg $0xFFFFFFFF;
	(pc) =	sbr.abs _section_cstart, $3  }
0xc0: {  	[dreg:$0x1] =	wrdreg $0xFFFFFFFF  }
0xc1: {  	_ =	task.clear_ibuf [dreg:s6], $0x2FFFF;
	_ =	strace $0x9FFFFFFF  }
0xc2: {  	(tm) =	ssettm $0x7FFFFFFF  }
0xc3: {  	_ =	shalt  }
tec
execute0_lowered:
.L_overlay_start_1:
0x0: {  	(tag) =	ssettag $0x1  }
0x1: {  	s1 =	stileid.u32  }
0x2: {  	s4 =	smul.u32 $0x15000, s1  }
0x3: {  	s0 =	srdreg.scid;
	s1 =	simm.s32 $0x0  }
0x4: {  	s20 =	sand.u32 $0x1, s0;
	[smem:$0x7FF] =	sst s1;
	s0 =	sor.u32 $0xC00, s4  }
0x5: {  	s11 =	sadd.s32 $0x2400, s4;
	[smem:$0x7CF] =	sst s0  }
0x6: {  	s2 =	ssub.s32 $0x2, s20;
	s31 =	sadd.s32 $0x3000, s4;
	[smem:$0x7D2] =	sst s11  }
0x7: {  	s3 =	sshrl.u32 s2, $0x1;
	s5 =	sadd.s32 $0x3C00, s4;
	[smem:$0x7D4] =	sst s31  }
0x8: {  	s6 =	sadd.s32 $0x4800, s4;
	s7 =	sadd.s32 $0x5400, s4;
	[smem:$0x7D5] =	sst s5  }
0x9: {  	s8 =	sadd.s32 $0x6000, s4;
	s9 =	sadd.s32 $0x6C00, s4;
	[smem:$0x7D6] =	sst s6  }
0xa: {  	s19 =	sadd.s32 $0x7800, s4;
	s22 =	sadd.s32 $0x8400, s4;
	[smem:$0x7D7] =	sst s7  }
0xb: {  	s23 =	sadd.s32 $0x9000, s4;
	s24 =	sadd.s32 $0x9C00, s4;
	[smem:$0x7D8] =	sst s8  }
0xc: {  	s25 =	sadd.s32 $0xA800, s4;
	s29 =	sadd.s32 $0xC000, s4;
	[smem:$0x7D9] =	sst s9  }
0xd: {  	s28 =	sadd.s32 $0xB400, s4;
	s13 =	sadd.s32 $0xFC00, s4;
	[smem:$0x7DB] =	sst s29  }
0xe: {  	s12 =	sadd.s32 $0xCC00, s4;
	s10 =	sadd.s32 $0x10800, s4;
	[smem:$0x7DE] =	sst s13  }
0xf: {  	s14 =	sadd.s32 $0xD800, s4;
	s17 =	sadd.s32 $0x12C00, s4;
	[smem:$0x7E0] =	sst s10  }
0x10: {  	s21 =	sadd.s32 $0xF000, s4;
	s30 =	sadd.s32 $0x14400, s4;
	[smem:$0x7CC] =	sst s17  }
0x11: {  	s15 =	sadd.s32 $0x11400, s4;
	s16 =	sadd.s32 $0x12000, s4;
	[smem:$0x7CD] =	sst s30  }
0x12: {  	s26 =	ssub.s32 s2, s3;
	s2 =	smul.u32 $0x150000, s20;
	s17 =	rddreg [dreg:$0x0]  }
0x13: {  	s18 =	sadd.s32 $0x13800, s4;
	s3 =	sadd.s32 $0x1800, s4;
	[smem:$0x7EA] =	sst s26  }
0x14: {  	[smem:$0x7D1] =	sst s3;
	s26 =	sadd.s32 $0xE400, s4;
	s4 =	sadd.s32 s4, s2  }
0x15: {  	s30 =	sadd.s32 s2, s0;
	s0 =	sshrl.u32 s4, $0x3;
	s4 =	sadd.s32 $0x8C800, s17  }
0x16: {  	[smem:$0x7DD] =	sst s26;
	s30 =	sshrl.u32 s30, $0x3;
	s0 =	sadd.s32 s4, s0  }
0x17: {  	s30 =	sadd.s32 s4, s30;
	[dreg:$0x3] =	wrdreg s0  }
0x18: {  	s5 =	sadd.s32 s2, s5;
	[dreg:$0x4] =	wrdreg s30;
	s30 =	sadd.s32 s2, s3  }
0x19: {  	s3 =	sadd.s32 s2, s11;
	s11 =	sadd.s32 s2, s31;
	s0 =	sshrl.u32 s30, $0x3  }
0x1a: {  	s30 =	sshrl.u32 s3, $0x3;
	s3 =	sshrl.u32 s11, $0x3;
	s0 =	sadd.s32 s4, s0  }
0x1b: {  	s6 =	sadd.s32 s2, s6;
	s3 =	sadd.s32 s4, s3;
	[dreg:$0x5] =	wrdreg s0  }
0x1c: {  	s8 =	sadd.s32 s2, s8;
	s0 =	sadd.s32 s4, s30;
	[dreg:$0x7] =	wrdreg s3  }
0x1d: {  	s31 =	smov.u32 s14;
	s11 =	sadd.s32 s2, s7;
	[dreg:$0x6] =	wrdreg s0  }
0x1e: {  	s0 =	sshrl.u32 s5, $0x3;
	s5 =	sshrl.u32 s6, $0x3;
	s6 =	sshrl.u32 s11, $0x3  }
0x1f: {  	s11 =	sadd.s32 s2, s9;
	s9 =	smov.u32 s19;
	s19 =	sadd.s32 s2, s19  }
0x20: {  	s0 =	sadd.s32 s4, s0;
	s7 =	sadd.s32 s4, s6;
	s6 =	sshrl.u32 s19, $0x3  }
0x21: {  	s19 =	sadd.s32 s2, s24;
	[dreg:$0x8] =	wrdreg s0;
	s0 =	sadd.s32 s4, s5  }
0x22: {  	[dreg:$0xa] =	wrdreg s7;
	s5 =	sshrl.u32 s11, $0x3;
	s7 =	sadd.s32 s4, s6  }
0x23: {  	s11 =	sadd.s32 s2, s23;
	[dreg:$0x9] =	wrdreg s0;
	s0 =	sshrl.u32 s8, $0x3  }
0x24: {  	[dreg:$0xd] =	wrdreg s7;
	s8 =	sadd.s32 s2, s22;
	s3 =	sshrl.u32 s11, $0x3  }
0x25: {  	s7 =	sadd.s32 s2, s25;
	s11 =	sadd.s32 s2, s29;
	s0 =	sadd.s32 s4, s0  }
0x26: {  	s29 =	smov.u32 s12;
	[dreg:$0xb] =	wrdreg s0;
	s0 =	sadd.s32 s4, s5  }
0x27: {  	s30 =	sshrl.u32 s11, $0x3;
	s5 =	sshrl.u32 s19, $0x3;
	[dreg:$0xc] =	wrdreg s0  }
0x28: {  	s0 =	sshrl.u32 s8, $0x3;
	s6 =	sadd.s32 s4, s5;
	s8 =	sadd.s32 s2, s28  }
0x29: {  	s5 =	sadd.s32 s2, s12;
	s0 =	sadd.s32 s4, s0;
	[dreg:$0x10] =	wrdreg s6  }
0x2a: {  	s19 =	sshrl.u32 s8, $0x3;
	s6 =	sadd.s32 s2, s14;
	s14 =	sadd.s32 s2, s21  }
0x2b: {  	[dreg:$0xe] =	wrdreg s0;
	s0 =	sadd.s32 s4, s3;
	s3 =	sadd.s32 s4, s30  }
0x2c: {  	[dreg:$0xf] =	wrdreg s0;
	s0 =	sshrl.u32 s7, $0x3;
	s7 =	sadd.s32 s2, s26  }
0x2d: {  	[dreg:$0x13] =	wrdreg s3;
	s0 =	sadd.s32 s4, s0;
	s11 =	sshrl.u32 s7, $0x3  }
0x2e: {  	[dreg:$0x11] =	wrdreg s0;
	s0 =	sadd.s32 s4, s19;
	s12 =	sadd.s32 s4, s11  }
0x2f: {  	s11 =	smov.u32 s21;
	s21 =	sadd.s32 s2, s10;
	s10 =	sld [smem:$0x7CC]  }
0x30: {  	s8 =	sshrl.u32 s6, $0x3;
	s19 =	sadd.s32 s2, s13;
	[dreg:$0x12] =	wrdreg s0  }
0x31: {  	s0 =	sshrl.u32 s5, $0x3;
	[dreg:$0x16] =	wrdreg s12;
	s30 =	sshrl.u32 s21, $0x3  }
0x32: {  	s0 =	sadd.s32 s4, s0;
	s3 =	sadd.s32 s4, s30;
	s30 =	rddreg [dreg:$0x1]  }
0x33: {  	s6 =	sadd.s32 s2, s16;
	s26 =	sshrl.u32 s19, $0x3;
	[dreg:$0x14] =	wrdreg s0  }
0x34: {  	s5 =	sadd.s32 s2, s15;
	s0 =	sadd.s32 s4, s8;
	[dreg:$0x19] =	wrdreg s3  }
0x35: {  	s7 =	sadd.s32 s2, s10;
	s8 =	sshrl.u32 s6, $0x3;
	[dreg:$0x15] =	wrdreg s0  }
0x36: {  	s0 =	sshrl.u32 s14, $0x3;
	s14 =	smov.u32 s16;
	s12 =	sshrl.u32 s7, $0x3  }
0x37: {  	s7 =	sld [smem:$0x7CD];
	s16 =	stileid.u32;
	s0 =	sadd.s32 s4, s0  }
0x38: {  	s13 =	sadd.s32 s4, s12;
	s12 =	smov.u32 s18;
	[dreg:$0x17] =	wrdreg s0  }
0x39: {  	s0 =	sadd.s32 s4, s26;
	s26 =	smov.u32 s15;
	[dreg:$0x1c] =	wrdreg s13  }
0x3a: {  	s15 =	sadd.s32 s2, s18;
	[dreg:$0x18] =	wrdreg s0;
	s0 =	sshrl.u32 s5, $0x3  }
0x3b: {  	s18 =	smul.u32 $0x54000, s16;
	s2 =	sadd.s32 s2, s7;
	s0 =	sadd.s32 s4, s0  }
0x3c: {  	s2 =	sshrl.u32 s2, $0x3;
	[dreg:$0x1a] =	wrdreg s0;
	s0 =	sadd.s32 s4, s8  }
0x3d: {  	s19 =	sadd.s32 s4, s2;
	[dreg:$0x1b] =	wrdreg s0;
	s0 =	sshrl.u32 s15, $0x3  }
0x3e: {  	[dreg:$0x1e] =	wrdreg s19;
	s0 =	sadd.s32 s4, s0  }
0x3f: {  	s5 =	sadd.s32 $0x3600, s17;
	s3 =	sshrl.u32 s18, $0x2;
	[dreg:$0x1d] =	wrdreg s0  }
0x40: {  	s3 =	sadd.s32 s3, s30;
	_ =	strace $0x80000047;
	[dreg:$0x1f] =	wrdreg s5  }
0x41: {  	s26 =	sadd.s32 s26, s30;
	[smem:$0x7CE] =	sst s3  }
0x42: {  	s4 =	sadd.s32 $0x3800, s17;
	[smem:$0x7E2] =	sst s26  }
0x43: {  	s22 =	sadd.s32 s22, s30;
	[smem:$0x7E5] =	sst s4  }
0x44: {  	s23 =	sadd.s32 s23, s30;
	[smem:$0x7F4] =	sst s22  }
0x45: {  	s24 =	sadd.s32 s24, s30;
	[smem:$0x7F5] =	sst s23  }
0x46: {  	s25 =	sadd.s32 s25, s30;
	[smem:$0x7F6] =	sst s24  }
0x47: {  	s29 =	sadd.s32 s29, s30;
	[smem:$0x7F7] =	sst s25  }
0x48: {  	[smem:$0x7F9] =	sst s29  }
0x49: {  	s13 =	sld [smem:$0x7CF]  }
0x4a: {  	s21 =	sshll.u32 s20, $0x4;
	s15 =	sld [smem:$0x7D1]  }
0x4b: {  	s6 =	sor.u32 s16, s21;
	s2 =	sadd.s32 $0x5B800, s17;
	s16 =	sld [smem:$0x7D2]  }
0x4c: {  	s0 =	sadd.s32 $0xD600, s17;
	s5 =	sadd.s32 $0x82A00, s17;
	s17 =	sld [smem:$0x7D4]  }
0x4d: {  	s18 =	sld [smem:$0x7D5]  }
0x4e: {  	s19 =	sld [smem:$0x7D6]  }
0x4f: {  	s21 =	sld [smem:$0x7D8]  }
0x50: {  	s20 =	sld [smem:$0x7D7]  }
0x51: {  	s8 =	sld [smem:$0x7D9];
	s3 =	sadd.s32 s13, s30;
	s13 =	sadd.s32 s15, s30  }
0x52: {  	s15 =	sadd.s32 s17, s30;
	s17 =	sadd.s32 s19, s30;
	s19 =	sadd.s32 s21, s30  }
0x53: {  	s21 =	sadd.s32 s9, s30;
	s9 =	sadd.s32 s28, s30;
	[smem:$0x7D0] =	sst s3  }
0x54: {  	s3 =	sadd.s32 s16, s30;
	s16 =	sadd.s32 s18, s30;
	[smem:$0x7DA] =	sst s9  }
0x55: {  	s18 =	sadd.s32 s20, s30;
	s20 =	sadd.s32 s8, s30;
	s8 =	sld [smem:$0x7DB]  }
0x56: {  	[smem:$0x7EC] =	sst s13  }
0x57: {  	[smem:$0x7ED] =	sst s15  }
0x58: {  	[smem:$0x7EF] =	sst s17  }
0x59: {  	[smem:$0x7F1] =	sst s19  }
0x5a: {  	[smem:$0x7F3] =	sst s21  }
0x5b: {  	s9 =	sadd.s32 s31, s30;
	[smem:$0x7D3] =	sst s3  }
0x5c: {  	[smem:$0x7DC] =	sst s9  }
0x5d: {  	s3 =	sld [smem:$0x7DD]  }
0x5e: {  	[smem:$0x7EE] =	sst s16  }
0x5f: {  	[smem:$0x7F0] =	sst s18  }
0x60: {  	[smem:$0x7F2] =	sst s20  }
0x61: {  	s28 =	sadd.s32 s8, s30;
	s8 =	sadd.s32 s11, s30;
	s11 =	sld [smem:$0x7E0]  }
0x62: {  	s9 =	sadd.s32 s3, s30;
	s3 =	smul.u32 $0x2710, s6;
	s6 =	sld [smem:$0x7DE]  }
0x63: {  	[smem:$0x7F8] =	sst s28  }
0x64: {  	[smem:$0x7FB] =	sst s8  }
0x65: {  	[smem:$0x7FA] =	sst s9;
	s26 =	sadd.s32 $0x28, s3  }
0x66: {  	s31 =	smov.u32 s2;
	s2 =	sadd.s32 s6, s30;
	[smem:$0x7E8] =	sst s26  }
0x67: {  	s6 =	sadd.s32 s14, s30;
	[smem:$0x7DF] =	sst s2  }
0x68: {  	s2 =	sadd.s32 s11, s30;
	[smem:$0x7E3] =	sst s6  }
0x69: {  	s11 =	sadd.s32 s10, s30;
	[smem:$0x7E1] =	sst s2  }
0x6a: {  	s6 =	sshrl.u32 s3, $0x3;
	s3 =	sadd.s32 $0x50, s3;
	[smem:$0x7E4] =	sst s11  }
0x6b: {  	[smem:$0x7E9] =	sst s3  }
0x6c: {  	s10 =	sadd.s32 s12, s30;
	s11 =	sadd.s32 s7, s30;
	s30 =	sld [smem:$0x7EA]  }
0x6d: {  	s12 =	sadd.s32 s4, s6;
	[smem:$0x7FC] =	sst s10  }
0x6e: {  	v0 =	vlaneseq.u32;
	v1 =	vimm.f32 $0.0e+00;
	s26 =	simm.s32 $0x7B00;
	s14 =	sadd.s32 s5, s6;
	[smem:$0x7E6] =	sst s12  }
0x6f: {  	vm0 =	vmmov $0xffff;
	v5 =	vimm.s32 $0x2;
	v6 =	vimm.s32 $0x0;
	s2 =	smov.u32 s5;
	s5 =	simm.s32 $0x0;
	[smem:$0x7E7] =	sst s14  }
0x70: {  	v7 =	vimm.s32 $0x1;
	v8 =	vimm.s32 $0x3;
	v3 =	vshrl.u32 v0, $0x3;
	s12 =	simm.s32 $0x9;
	[smem:$0x7FD] =	sst s11;
	s3 =	smax.u32 s30, $0x1  }
0x71: {  	v2 =	vand.u32 $0x7, v0;
	v4 =	vor.u32 $0x8, v0;
	v3 =	vmul.u32 $0x8, v3;
	s14 =	simm.s32 $0x28;
	[smem:$0x7EB] =	sst s3;
	s3 =	simm.s32 $0x8F00  }
.LBB2_1:
0x72: {  	[smem:$0x7CB] =	sst s5;
	s6 =	simm.s32 $0x0;
	s7 =	simm.s32 $0x200  }
.LBB2_2:
0x73: {  	p0 =	sne.s32 s7, $0x2E00;
	[tilespmem:s6+$0xA3F0] =	vst v1  }
0x74: {  	[tilespmem:s6+$0xA380] =	vst v1  }
0x75: {  	[tilespmem:s6+$0xA390] =	vst v1  }
.Ltmp0:
0x76: {  	[tilespmem:s6+$0xA3A0] =	vst v1;
	(pc) =	sbr.rel @p0 .LBB2_2-.Ltmp0, $4  }
0x77: {  	[tilespmem:s6+$0xA3B0] =	vst v1  }
0x78: {  	[tilespmem:s6+$0xA3C0] =	vst v1  }
0x79: {  	[tilespmem:s6+$0xA3D0] =	vst v1  }
0x7a: {  	[tilespmem:s6+$0xA3E0] =	vst v1;
	s6 =	sshra.s32 s7, $0x2;
	s7 =	sadd.s32 $0x200, s7  }
0x7b: {  	[tilespmem:s6+$0xA3F0] =	vst v1  }
0x7c: {  	[tilespmem:s6+$0xA380] =	vst v1  }
0x7d: {  	[tilespmem:s6+$0xA390] =	vst v1  }
0x7e: {  	[tilespmem:s6+$0xA3A0] =	vst v1  }
0x7f: {  	[tilespmem:s6+$0xA3B0] =	vst v1  }
0x80: {  	[tilespmem:s6+$0xA3C0] =	vst v1;
	s4 =	sld [smem:$0x7CE]  }
0x81: {  	[tilespmem:s6+$0xA3D0] =	vst v1  }
0x82: {  	[tilespmem:s6+$0xA3E0] =	vst v1;
	s5 =	simm.s32 $0xA380  }
0x83: {  	[spmem:s4] =	stream.linear.scatter [tilespmem:s5], [sflag:$0x9], $0xC00, $0x38;
	[tilespmem:$0x1FF80] =	vst v63  }
0x84: {  	_ =	swait.ge [sflag:s12], $0xC00  }
0x85: {  	s7 =	sld [smem:$0x7D0]  }
0x86: {  	[sflag:s12] =	ssyncset.done $0x0  }
0x87: {  	[sflag:s12] =	ssyncadd.s32 $0xFFFFF400  }
0x88: {  	[spmem:s7] =	stream.linear.scatter [tilespmem:s5], [sflag:$0x9], $0xC00, $0x38;
	[tilespmem:$0x1FF80] =	vst v63  }
0x89: {  	_ =	swait.ge [sflag:s12], $0xC00  }
0x8a: {  	[sflag:s12] =	ssyncset.done $0x0  }
0x8b: {  	[sflag:s12] =	ssyncadd.s32 $0xFFFFF400  }
0x8c: {  	[spmem:s13] =	stream.linear.scatter [tilespmem:s5], [sflag:$0x9], $0xC00, $0x38;
	[tilespmem:$0x1FF80] =	vst v63  }
0x8d: {  	_ =	swait.ge [sflag:s12], $0xC00  }
0x8e: {  	s30 =	sld [smem:$0x7D3]  }
0x8f: {  	[sflag:s12] =	ssyncset.done $0x0  }
0x90: {  	[sflag:s12] =	ssyncadd.s32 $0xFFFFF400  }
0x91: {  	[spmem:s30] =	stream.linear.scatter [tilespmem:s5], [sflag:$0x9], $0xC00, $0x38;
	[tilespmem:$0x1FF80] =	vst v63  }
0x92: {  	_ =	swait.ge [sflag:s12], $0xC00  }
0x93: {  	[sflag:s12] =	ssyncset.done $0x0  }
0x94: {  	[sflag:s12] =	ssyncadd.s32 $0xFFFFF400  }
0x95: {  	[spmem:s15] =	stream.linear.scatter [tilespmem:s5], [sflag:$0x9], $0xC00, $0x38;
	[tilespmem:$0x1FF80] =	vst v63  }
0x96: {  	_ =	swait.ge [sflag:s12], $0xC00  }
0x97: {  	[sflag:s12] =	ssyncset.done $0x0  }
0x98: {  	[sflag:s12] =	ssyncadd.s32 $0xFFFFF400  }
0x99: {  	[spmem:s16] =	stream.linear.scatter [tilespmem:s5], [sflag:$0x9], $0xC00, $0x38;
	[tilespmem:$0x1FF80] =	vst v63  }
0x9a: {  	_ =	swait.ge [sflag:s12], $0xC00  }
0x9b: {  	[sflag:s12] =	ssyncset.done $0x0  }
0x9c: {  	[sflag:s12] =	ssyncadd.s32 $0xFFFFF400  }
0x9d: {  	[spmem:s17] =	stream.linear.scatter [tilespmem:s5], [sflag:$0x9], $0xC00, $0x38;
	[tilespmem:$0x1FF80] =	vst v63  }
0x9e: {  	_ =	swait.ge [sflag:s12], $0xC00  }
0x9f: {  	[sflag:s12] =	ssyncset.done $0x0  }
0xa0: {  	[sflag:s12] =	ssyncadd.s32 $0xFFFFF400  }
0xa1: {  	[spmem:s18] =	stream.linear.scatter [tilespmem:s5], [sflag:$0x9], $0xC00, $0x38;
	[tilespmem:$0x1FF80] =	vst v63  }
0xa2: {  	_ =	swait.ge [sflag:s12], $0xC00  }
0xa3: {  	[sflag:s12] =	ssyncset.done $0x0  }
0xa4: {  	[sflag:s12] =	ssyncadd.s32 $0xFFFFF400  }
0xa5: {  	[spmem:s19] =	stream.linear.scatter [tilespmem:s5], [sflag:$0x9], $0xC00, $0x38;
	[tilespmem:$0x1FF80] =	vst v63  }
0xa6: {  	_ =	swait.ge [sflag:s12], $0xC00  }
0xa7: {  	[sflag:s12] =	ssyncset.done $0x0  }
0xa8: {  	[sflag:s12] =	ssyncadd.s32 $0xFFFFF400  }
0xa9: {  	[spmem:s20] =	stream.linear.scatter [tilespmem:s5], [sflag:$0x9], $0xC00, $0x38;
	[tilespmem:$0x1FF80] =	vst v63  }
0xaa: {  	_ =	swait.ge [sflag:s12], $0xC00  }
0xab: {  	[sflag:s12] =	ssyncset.done $0x0  }
0xac: {  	[sflag:s12] =	ssyncadd.s32 $0xFFFFF400  }
0xad: {  	[spmem:s21] =	stream.linear.scatter [tilespmem:s5], [sflag:$0x9], $0xC00, $0x38;
	[tilespmem:$0x1FF80] =	vst v63  }
0xae: {  	_ =	swait.ge [sflag:s12], $0xC00  }
0xaf: {  	[sflag:s12] =	ssyncset.done $0x0  }
0xb0: {  	[sflag:s12] =	ssyncadd.s32 $0xFFFFF400  }
0xb1: {  	[spmem:s22] =	stream.linear.scatter [tilespmem:s5], [sflag:$0x9], $0xC00, $0x38;
	[tilespmem:$0x1FF80] =	vst v63  }
0xb2: {  	_ =	swait.ge [sflag:s12], $0xC00  }
0xb3: {  	[sflag:s12] =	ssyncset.done $0x0  }
0xb4: {  	[sflag:s12] =	ssyncadd.s32 $0xFFFFF400  }
0xb5: {  	[spmem:s23] =	stream.linear.scatter [tilespmem:s5], [sflag:$0x9], $0xC00, $0x38;
	[tilespmem:$0x1FF80] =	vst v63  }
0xb6: {  	_ =	swait.ge [sflag:s12], $0xC00  }
0xb7: {  	[sflag:s12] =	ssyncset.done $0x0  }
0xb8: {  	[sflag:s12] =	ssyncadd.s32 $0xFFFFF400  }
0xb9: {  	[spmem:s24] =	stream.linear.scatter [tilespmem:s5], [sflag:$0x9], $0xC00, $0x38;
	[tilespmem:$0x1FF80] =	vst v63  }
0xba: {  	_ =	swait.ge [sflag:s12], $0xC00  }
0xbb: {  	[sflag:s12] =	ssyncset.done $0x0  }
0xbc: {  	[sflag:s12] =	ssyncadd.s32 $0xFFFFF400  }
0xbd: {  	[spmem:s25] =	stream.linear.scatter [tilespmem:s5], [sflag:$0x9], $0xC00, $0x38;
	[tilespmem:$0x1FF80] =	vst v63  }
0xbe: {  	_ =	swait.ge [sflag:s12], $0xC00  }
0xbf: {  	s6 =	sld [smem:$0x7DA]  }
0xc0: {  	[sflag:s12] =	ssyncset.done $0x0  }
0xc1: {  	[sflag:s12] =	ssyncadd.s32 $0xFFFFF400  }
0xc2: {  	[spmem:s6] =	stream.linear.scatter [tilespmem:s5], [sflag:$0x9], $0xC00, $0x38;
	[tilespmem:$0x1FF80] =	vst v63  }
0xc3: {  	_ =	swait.ge [sflag:s12], $0xC00  }
0xc4: {  	[sflag:s12] =	ssyncset.done $0x0  }
0xc5: {  	[sflag:s12] =	ssyncadd.s32 $0xFFFFF400  }
0xc6: {  	[spmem:s28] =	stream.linear.scatter [tilespmem:s5], [sflag:$0x9], $0xC00, $0x38;
	[tilespmem:$0x1FF80] =	vst v63  }
0xc7: {  	_ =	swait.ge [sflag:s12], $0xC00  }
0xc8: {  	[sflag:s12] =	ssyncset.done $0x0  }
0xc9: {  	[sflag:s12] =	ssyncadd.s32 $0xFFFFF400  }
0xca: {  	[spmem:s29] =	stream.linear.scatter [tilespmem:s5], [sflag:$0x9], $0xC00, $0x38;
	[tilespmem:$0x1FF80] =	vst v63  }
0xcb: {  	_ =	swait.ge [sflag:s12], $0xC00  }
0xcc: {  	s7 =	sld [smem:$0x7DC]  }
0xcd: {  	[sflag:s12] =	ssyncset.done $0x0  }
0xce: {  	[sflag:s12] =	ssyncadd.s32 $0xFFFFF400  }
0xcf: {  	[spmem:s7] =	stream.linear.scatter [tilespmem:s5], [sflag:$0x9], $0xC00, $0x38;
	[tilespmem:$0x1FF80] =	vst v63  }
0xd0: {  	_ =	swait.ge [sflag:s12], $0xC00  }
0xd1: {  	[sflag:s12] =	ssyncset.done $0x0  }
0xd2: {  	[sflag:s12] =	ssyncadd.s32 $0xFFFFF400  }
0xd3: {  	[spmem:s9] =	stream.linear.scatter [tilespmem:s5], [sflag:$0x9], $0xC00, $0x38;
	[tilespmem:$0x1FF80] =	vst v63  }
0xd4: {  	_ =	swait.ge [sflag:s12], $0xC00  }
0xd5: {  	[sflag:s12] =	ssyncset.done $0x0  }
0xd6: {  	[sflag:s12] =	ssyncadd.s32 $0xFFFFF400  }
0xd7: {  	[spmem:s8] =	stream.linear.scatter [tilespmem:s5], [sflag:$0x9], $0xC00, $0x38;
	[tilespmem:$0x1FF80] =	vst v63  }
0xd8: {  	_ =	swait.ge [sflag:s12], $0xC00  }
0xd9: {  	s9 =	sld [smem:$0x7DF]  }
0xda: {  	[sflag:s12] =	ssyncset.done $0x0  }
0xdb: {  	[sflag:s12] =	ssyncadd.s32 $0xFFFFF400  }
0xdc: {  	[spmem:s9] =	stream.linear.scatter [tilespmem:s5], [sflag:$0x9], $0xC00, $0x38;
	[tilespmem:$0x1FF80] =	vst v63  }
0xdd: {  	_ =	swait.ge [sflag:s12], $0xC00  }
0xde: {  	s13 =	sld [smem:$0x7E1]  }
0xdf: {  	[sflag:s12] =	ssyncset.done $0x0  }
0xe0: {  	[sflag:s12] =	ssyncadd.s32 $0xFFFFF400  }
0xe1: {  	[spmem:s13] =	stream.linear.scatter [tilespmem:s5], [sflag:$0x9], $0xC00, $0x38;
	[tilespmem:$0x1FF80] =	vst v63  }
0xe2: {  	_ =	swait.ge [sflag:s12], $0xC00  }
0xe3: {  	s15 =	sld [smem:$0x7E2]  }
0xe4: {  	[sflag:s12] =	ssyncset.done $0x0  }
0xe5: {  	[sflag:s12] =	ssyncadd.s32 $0xFFFFF400  }
0xe6: {  	[spmem:s15] =	stream.linear.scatter [tilespmem:s5], [sflag:$0x9], $0xC00, $0x38;
	[tilespmem:$0x1FF80] =	vst v63  }
0xe7: {  	_ =	swait.ge [sflag:s12], $0xC00  }
0xe8: {  	s16 =	sld [smem:$0x7E3]  }
0xe9: {  	[sflag:s12] =	ssyncset.done $0x0  }
0xea: {  	[sflag:s12] =	ssyncadd.s32 $0xFFFFF400  }
0xeb: {  	[spmem:s16] =	stream.linear.scatter [tilespmem:s5], [sflag:$0x9], $0xC00, $0x38;
	[tilespmem:$0x1FF80] =	vst v63  }
0xec: {  	_ =	swait.ge [sflag:s12], $0xC00  }
0xed: {  	s17 =	sld [smem:$0x7E4]  }
0xee: {  	[sflag:s12] =	ssyncset.done $0x0  }
0xef: {  	[sflag:s12] =	ssyncadd.s32 $0xFFFFF400  }
0xf0: {  	[spmem:s17] =	stream.linear.scatter [tilespmem:s5], [sflag:$0x9], $0xC00, $0x38;
	[tilespmem:$0x1FF80] =	vst v63  }
0xf1: {  	_ =	swait.ge [sflag:s12], $0xC00  }
0xf2: {  	[sflag:s12] =	ssyncset.done $0x0  }
0xf3: {  	[sflag:s12] =	ssyncadd.s32 $0xFFFFF400  }
0xf4: {  	[spmem:s10] =	stream.linear.scatter [tilespmem:s5], [sflag:$0x9], $0xC00, $0x38;
	[tilespmem:$0x1FF80] =	vst v63  }
0xf5: {  	_ =	swait.ge [sflag:s12], $0xC00  }
0xf6: {  	[sflag:s12] =	ssyncset.done $0x0  }
0xf7: {  	[sflag:s12] =	ssyncadd.s32 $0xFFFFF400  }
0xf8: {  	[spmem:s11] =	stream.linear.scatter [tilespmem:s5], [sflag:$0x9], $0xC00, $0x38;
	[tilespmem:$0x1FF80] =	vst v63  }
0xf9: {  	_ =	swait.ge [sflag:s12], $0xC00  }
0xfa: {  	[sflag:s12] =	ssyncset.done $0x0  }
0xfb: {  	[sflag:s12] =	ssyncadd.s32 $0xFFFFF400  }
0xfc: {  	[bflag:$0x0] =	sbarrier.arrive $0xFFFF  }
0xfd: {  	s19 =	simm.s32 $0xA300;
	s8 =	simm.s32 $0x0;
	s18 =	rddreg [dreg:$0x1f]  }
0xfe: {  	[tilespmem:s19], [sflag:$0x9] =	stream.linear.gather [hbm4b:s18+s8], $0x80, $0x38;
	[tilespmem:$0x1FF80] =	vst v63  }
0xff: {  	_ =	swait.ge [sflag:s12], $0x80  }
0x100: {  	s20 =	sld [smem:$0x7E6]  }
0x101: {  	[sflag:s12] =	ssyncset.done $0x0  }
0x102: {  	[sflag:s12] =	ssyncadd.s32 $0xFFFFFF80  }
0x103: {  	v9 =	vld [tilespmem:$0xA300];
	[tilespmem:s8], [sflag:$0x9] =	stream.linear.gather [hbm4b:s20+s8], $0x28, $0x38  }
0x104: {  	_ =	swait.ge [sflag:s12], $0x28  }
0x105: {  	s21 =	sld [smem:$0x7E7]  }
0x106: {  	[sflag:s12] =	ssyncset.done $0x0  }
0x107: {  	s22 =	simm.s32 $0x100;
	[sflag:s12] =	ssyncadd.s32 $0xFFFFFFD8  }
0x108: {  	[tilespmem:s22], [sflag:$0x9] =	stream.linear.gather [hbm4b:s21+s8], $0x28, $0x38;
	[tilespmem:$0x1FF80] =	vst v63  }
0x109: {  	_ =	swait.ge [sflag:s12], $0x28  }
0x10a: {  	[sflag:s12] =	ssyncset.done $0x0  }
0x10b: {  	[sflag:s12] =	ssyncadd.s32 $0xFFFFFFD8  }
0x10c: {  	v10 =	vld [tilespmem:$0x0];
	_ =	sdelay $0x4  }
0x10d: {  	v11 =	vshll.u32 v10, $0x1  }
0x10e: {  	v10 =	vand.u32 $0x7, v10;
	v11 =	vand.u32 $0xFFFFFFF0, v11  }
0x10f: {  	v10 =	vor.u32 v10, v11  }
0x110: {  	v11 =	vperm.xlane v10, v2;
	_ =	sdelay $0x1  }
0x111: {  	v10 =	vperm.xlane v10, v4;
	v11 =	vadd.s32 v3, v11;
	_ =	sdelay $0x1  }
0x112: {  	v10 =	vadd.s32 v3, v10;
	_ =	sdelay $0x1  }
0x113: {  	s23 =	simm.s32 $0x300  }
0x114: {  	[tilespmem:s23], [sflag:$0x1] =	stream.indirect_vreg.gather [hbm4b:s0+s8], $0x80, v11, vm0, $0xb8;
	[tilespmem:$0x1FF80] =	vst v63  }
0x115: {  	s24 =	simm.s32 $0xB00  }
0x116: {  	[tilespmem:s24], [sflag:$0x1] =	stream.indirect_vreg.gather [hbm4b:s0+s8], $0x80, v10, vm0, $0xb8;
	[tilespmem:$0x1FF80] =	vst v63  }
0x117: {  	v10 =	vld [tilespmem:$0x10];
	_ =	sdelay $0x4  }
0x118: {  	v11 =	vshll.u32 v10, $0x1  }
0x119: {  	v10 =	vand.u32 $0x7, v10;
	v11 =	vand.u32 $0xFFFFFFF0, v11  }
0x11a: {  	v10 =	vor.u32 v10, v11  }
0x11b: {  	v11 =	vperm.xlane v10, v2;
	_ =	sdelay $0x1  }
0x11c: {  	v10 =	vperm.xlane v10, v4;
	v11 =	vadd.s32 v3, v11;
	_ =	sdelay $0x1  }
0x11d: {  	v10 =	vadd.s32 v3, v10;
	_ =	sdelay $0x1  }
0x11e: {  	s25 =	simm.s32 $0x1300  }
0x11f: {  	[tilespmem:s25], [sflag:$0x1] =	stream.indirect_vreg.gather [hbm4b:s0+s8], $0x80, v11, vm0, $0xb8;
	[tilespmem:$0x1FF80] =	vst v63  }
0x120: {  	s28 =	simm.s32 $0x1B00  }
0x121: {  	[tilespmem:s28], [sflag:$0x1] =	stream.indirect_vreg.gather [hbm4b:s0+s8], $0x80, v10, vm0, $0xb8;
	[tilespmem:$0x1FF80] =	vst v63  }
0x122: {  	v10 =	vld.msk [tilespmem:$0x20], $0xff;
	_ =	sdelay $0x4  }
0x123: {  	v11 =	vshll.u32 v10, $0x1  }
0x124: {  	v10 =	vand.u32 $0x7, v10;
	v11 =	vand.u32 $0xFFFFFFF0, v11  }
0x125: {  	v10 =	vor.u32 v10, v11  }
0x126: {  	v10 =	vperm.xlane v10, v2;
	_ =	sdelay $0x1  }
0x127: {  	v10 =	vadd.s32 v3, v10;
	_ =	sdelay $0x3  }
0x128: {  	s30 =	simm.s32 $0x5300;
	s29 =	simm.s32 $0x2300  }
0x129: {  	[tilespmem:s29], [sflag:$0x1] =	stream.indirect_vreg.gather [hbm4b:s0+s8], $0x80, v10, vm0, $0xb8;
	[tilespmem:$0x1FF80] =	vst v63  }
0x12a: {  	s9 =	simm.s32 $0x6700;
	s11 =	simm.s32 $0x0;
	s5 =	simm.s32 $0x180  }
0x12b: {  	[tilespmem:s30], [sflag:$0x3] =	stream.indirect.gather [hbm4b:s31+s14], $0x80, s22, s14, $0xb8;
	[tilespmem:$0x1FF80] =	vst v63  }
.LBB2_4:
0x12c: {  	s4 =	simm.s32 $0x1  }
0x12d: {  	_ =	swait.ge [sflag:s4], $0x2800  }
0x12e: {  	[sflag:s4] =	ssyncset.done $0x0  }
0x12f: {  	s25 =	simm.s32 $0x3;
	[sflag:s4] =	ssyncadd.s32 $0xFFFFD800  }
0x130: {  	_ =	swait.ge [sflag:s25], $0x1400  }
0x131: {  	p0 =	seq.s32 s11, $0x0;
	[sflag:s25] =	ssyncset.done $0x0  }
0x132: {  	s6 =	simm.s32 @!p0 $0x6;
	[sflag:s25] =	ssyncadd.s32 $0xFFFFEC00  }
0x133: {  	_ =	swait.ge @!p0 [sflag:s6], $0x1400  }
0x134: {  	s28 =	sld [smem:$0x7E8]  }
0x135: {  	s18 =	smul.u32 $0x50, s11;
	[sflag:s6] =	ssyncset.done @!p0 $0x0  }
0x136: {  	[sflag:s6] =	ssyncadd.s32 @!p0 $0xFFFFEC00;
	s6 =	sld [smem:$0x7E5]  }
0x137: {  	s7 =	sadd.s32 s18, s28  }
0x138: {  	s7 =	sshrl.u32 s7, $0x3  }
0x139: {  	s13 =	simm.s32 $0x80;
	s10 =	sadd.s32 s6, s7  }
0x13a: {  	[tilespmem:s13], [sflag:$0x9] =	stream.linear.gather [hbm4b:s10+s1], $0x28, $0x38;
	[tilespmem:$0x1FF80] =	vst v63  }
0x13b: {  	_ =	swait.ge [sflag:s12], $0x28  }
0x13c: {  	[sflag:s12] =	ssyncset.done $0x0  }
0x13d: {  	s15 =	sadd.s32 s2, s7;
	[sflag:s12] =	ssyncadd.s32 $0xFFFFFFD8  }
0x13e: {  	[tilespmem:s5], [sflag:$0x9] =	stream.linear.gather [hbm4b:s15+s1], $0x28, $0x38;
	[tilespmem:$0x1FF80] =	vst v63  }
0x13f: {  	_ =	swait.ge [sflag:s12], $0x28  }
0x140: {  	[sflag:s12] =	ssyncset.done $0x0  }
0x141: {  	[sflag:s12] =	ssyncadd.s32 $0xFFFFFFD8  }
0x142: {  	v10 =	vld [tilespmem:$0x80];
	_ =	sdelay $0x4  }
0x143: {  	v11 =	vshll.u32 v10, $0x1  }
0x144: {  	v10 =	vand.u32 $0x7, v10;
	v11 =	vand.u32 $0xFFFFFFF0, v11  }
0x145: {  	v10 =	vor.u32 v10, v11  }
0x146: {  	v11 =	vperm.xlane v10, v2;
	_ =	sdelay $0x1  }
0x147: {  	v10 =	vperm.xlane v10, v4;
	v11 =	vadd.s32 v3, v11;
	_ =	sdelay $0x1  }
0x148: {  	v10 =	vadd.s32 v3, v10;
	_ =	sdelay $0x1  }
0x149: {  	s16 =	simm.s32 $0x2B00  }
0x14a: {  	[tilespmem:s16], [sflag:$0x2] =	stream.indirect_vreg.gather [hbm4b:s0+s1], $0x80, v11, vm0, $0xb8;
	[tilespmem:$0x1FF80] =	vst v63  }
0x14b: {  	s17 =	simm.s32 $0x3300  }
0x14c: {  	[tilespmem:s17], [sflag:$0x2] =	stream.indirect_vreg.gather [hbm4b:s0+s1], $0x80, v10, vm0, $0xb8;
	[tilespmem:$0x1FF80] =	vst v63  }
0x14d: {  	v10 =	vld [tilespmem:$0x90];
	_ =	sdelay $0x4  }
0x14e: {  	v11 =	vshll.u32 v10, $0x1  }
0x14f: {  	v10 =	vand.u32 $0x7, v10;
	v11 =	vand.u32 $0xFFFFFFF0, v11  }
0x150: {  	v10 =	vor.u32 v10, v11  }
0x151: {  	v11 =	vperm.xlane v10, v2;
	_ =	sdelay $0x1  }
0x152: {  	v10 =	vperm.xlane v10, v4;
	v11 =	vadd.s32 v3, v11;
	_ =	sdelay $0x1  }
0x153: {  	v10 =	vadd.s32 v3, v10;
	_ =	sdelay $0x1  }
0x154: {  	s19 =	simm.s32 $0x3B00  }
0x155: {  	[tilespmem:s19], [sflag:$0x2] =	stream.indirect_vreg.gather [hbm4b:s0+s1], $0x80, v11, vm0, $0xb8;
	[tilespmem:$0x1FF80] =	vst v63  }
0x156: {  	s20 =	simm.s32 $0x4300  }
0x157: {  	[tilespmem:s20], [sflag:$0x2] =	stream.indirect_vreg.gather [hbm4b:s0+s1], $0x80, v10, vm0, $0xb8;
	[tilespmem:$0x1FF80] =	vst v63  }
0x158: {  	v10 =	vld.msk [tilespmem:$0xA0], $0xff;
	_ =	sdelay $0x4  }
0x159: {  	v11 =	vshll.u32 v10, $0x1  }
0x15a: {  	v10 =	vand.u32 $0x7, v10;
	v11 =	vand.u32 $0xFFFFFFF0, v11  }
0x15b: {  	v10 =	vor.u32 v10, v11  }
0x15c: {  	v10 =	vperm.xlane v10, v2;
	_ =	sdelay $0x1  }
0x15d: {  	v10 =	vadd.s32 v3, v10;
	_ =	sdelay $0x3  }
0x15e: {  	s21 =	simm.s32 $0x4B00  }
0x15f: {  	[tilespmem:s21], [sflag:$0x2] =	stream.indirect_vreg.gather [hbm4b:s0+s1], $0x80, v10, vm0, $0xb8;
	[tilespmem:$0x1FF80] =	vst v63  }
0x160: {  	s6 =	simm.s32 @!p0 $0x7  }
0x161: {  	[tilespmem:s9], [sflag:$0x4] =	stream.indirect.gather [hbm4b:s31+s14], $0x80, s5, s14, $0xb8;
	[tilespmem:$0x1FF80] =	vst v63  }
0x162: {  	_ =	swait.ge @!p0 [sflag:s6], $0x1400  }
0x163: {  	[sflag:s6] =	ssyncset.done @!p0 $0x0  }
0x164: {  	[sflag:s6] =	ssyncadd.s32 @!p0 $0xFFFFEC00  }
0x165: {  	v10 =	vld [tilespmem:$0x100]  }
0x166: {  	v11 =	vld [tilespmem:$0x110]  }
0x167: {  	v12 =	vld [tilespmem:$0x118];
	_ =	sdelay $0x2  }
0x168: {  	v10 =	vshra.s32 v10, $0x5  }
0x169: {  	v11 =	vshra.s32 v11, $0x5;
	v10 =	vadd.s32 $0x2800, v10  }
0x16a: {  	s22 =	sand.u32 $0x7, s8;
	[tilespmem:$0x200] =	vst v10;
	v10 =	vadd.s32 $0x2800, v11;
	v11 =	vshra.s32 v12, $0x5  }
0x16b: {  	s23 =	sand.u32 $0x3, s8;
	s6 =	sshll.u32 s22, $0x7;
	[tilespmem:$0x210] =	vst v10;
	v10 =	vadd.s32 $0x2800, v11  }
0x16c: {  	s7 =	sshll.u32 s23, $0x8;
	s20 =	simm.s32 $0x5400;
	s6 =	sadd.s32 $0x0, s6;
	[tilespmem:$0x218] =	vst v10  }
0x16d: {  	s7 =	sadd.s32 $0x0, s7;
	s24 =	sadd.s32 $0x80, s6;
	v10 =	vld [tilespmem:s20+$0x0]  }
0x16e: {  	s7 =	sadd.s32 $0x100, s7;
	s9 =	sor.u32 $0x400, s24;
	v11 =	vld [tilespmem:s20+$0xFFFFFF80]  }
0x16f: {  	s7 =	sor.u32 $0x400, s7;
	v12 =	vld [tilespmem:s9+$0x300]  }
0x170: {  	s10 =	simm.s32 $0x7C00;
	s6 =	sadd.s32 $0x180, s6;
	v13 =	vld [tilespmem:s7+$0x300]  }
0x171: {  	s6 =	sor.u32 $0x400, s6;
	[tilespmem:s10+$0xFFFFFFC0] =	vst v1;
	v14 =	vld [tilespmem:s20+$0x80]  }
0x172: {  	[tilespmem:s10+$0xFFFFFFF0] =	vst v1;
	v15 =	vld [tilespmem:s6+$0x300]  }
0x173: {  	s28 =	sand.u32 $0x30, s8;
	[tilespmem:s10+$0xFFFFFFE0] =	vst v1;
	v16 =	vld [tilespmem:s20+$0xFFFFFF00]  }
0x174: {  	s25 =	sand.u32 $0xFFFFFFF0, s8;
	[tilespmem:s10+$0x50] =	vst v1;
	s7 =	smin.u32 s28, $0x18  }
0x175: {  	s6 =	smin.u32 s25, $0x18;
	[tilespmem:s10+$0x0] =	vst v1;
	v22 =	vld [tilespmem:s7+$0x100]  }
0x176: {  	[tilespmem:s10+$0xFFFFFFD0] =	vst v1;
	s6 =	ssub.s32 $0x0, s6;
	v17 =	vadd.f32 v10, v9;
	v10 =	vadd.f32 v10, v13  }
0x177: {  	s30 =	smov.u32 s31;
	[tilespmem:s10+$0xFFFFFF80] =	vst v1;
	s31 =	sadd.s32 $0x1, s6;
	v13 =	vmov s6;
	v18 =	vadd.f32 v14, v9;
	v14 =	vadd.f32 v14, v15  }
0x178: {  	s13 =	simm.s32 $0x1;
	p0 =	por $0x0, $0x0;
	[tilespmem:s10+$0xFFFFFFB0] =	vst v1;
	v15 =	vmov s31;
	v21 =	vadd.f32 v16, v9;
	v19 =	vmul.f32 $2.000000030e-01, v17  }
0x179: {  	s13 =	simm.s32 @!p0 $0x0;
	[tilespmem:s10+$0xFFFFFFA0] =	vst v1;
	v15 =	vadd.s32 $0x10, v15;
	v20 =	vmul.f32 $2.000000030e-01, v10;
	v24 =	vmul.f32 $2.000000030e-01, v14  }
0x17a: {  	s4 =	sshll.u32 s13, $0x9;
	[tilespmem:s10+$0xD0] =	vst v1;
	s5 =	sadd.s32 $0x2, s6;
	s6 =	sadd.s32 $0x3, s6;
	v23 =	vmul.f32 $2.000000030e-01, v18;
	v15 =	vperm.xlane v22, v15;
	v17 =	vmax.f32 v17, v19  }
0x17b: {  	[tilespmem:s10+$0x20] =	vst v1;
	s7 =	sadd.s32 $0x0, s4;
	v10 =	vmax.f32 v10, v20;
	v14 =	vmax.f32 v14, v24;
	v19 =	vmov s6  }
0x17c: {  	[tilespmem:s10+$0x30] =	vst v1;
	s7 =	sor.u32 $0x400, s7;
	v15 =	vshll.u32 v15, $0x2;
	v10 =	vsub.f32 v10, v17;
	v17 =	vmax.f32 v18, v23  }
0x17d: {  	[tilespmem:s10+$0xA0] =	vst v1;
	v20 =	vld [tilespmem:s7+$0x300];
	v19 =	vadd.s32 $0x10, v19;
	v14 =	vsub.f32 v14, v17;
	v17 =	vadd.f32 v11, v9  }
0x17e: {  	[tilespmem:s10+$0xB0] =	vst v1;
	v11 =	vadd.f32 v11, v12;
	v12 =	vperm.xlane v22, v19;
	v10 =	vmul.f32 $1.442695020e+00, v10  }
0x17f: {  	[tilespmem:s10+$0x10] =	vst v1;
	v18 =	vmov s5;
	v14 =	vmul.f32 $1.442695020e+00, v14;
	v19 =	vmul.f32 $2.000000030e-01, v17  }
0x180: {  	[tilespmem:s10+$0x90] =	vst v1;
	v12 =	vshll.u32 v12, $0x2;
	(erf) = vpow2.f32 v10;
	v10 =	vmul.f32 $2.000000030e-01, v11  }
0x181: {  	[tilespmem:s10+$0x40] =	vst v1;
	v12 =	vand.u32 $0x7C, v12;
	(erf) = vpow2.f32 v14;
	v17 =	vmax.f32 v17, v19  }
0x182: {  	[tilespmem:s10+$0x70] =	vst v1;
	v10 =	vmax.f32 v11, v10;
	v11 =	vadd.s32 v0, v12;
	v12 =	vadd.f32 v16, v20  }
0x183: {  	[tilespmem:s10+$0xC0] =	vst v1;
	v18 =	vadd.s32 $0x10, v18;
	v14 =	vmul.f32 $2.000000030e-01, v21;
	v10 =	vsub.f32 v10, v17  }
0x184: {  	s9 =	simm.s32 $0x180;
	[tilespmem:s10+$0xF0] =	vst v1;
	v16 =	vand.u32 $0x80, v11;
	v11 =	vand.u32 $0x7F, v11;
	v17 =	vmul.f32 $2.000000030e-01, v12  }
0x185: {  	[tilespmem:s10+$0xE0] =	vst v1;
	v14 =	vmax.f32 v21, v14;
	v16 =	vadd.s32 s9, v16;
	v10 =	vmul.f32 $1.442695020e+00, v10  }
0x186: {  	[tilespmem:s10+$0x80] =	vst v1;
	v11 =	vor.u32 v11, v16;
	v16 =	vperm.xlane v22, v18;
	v12 =	vmax.f32 v12, v17  }
0x187: {  	[tilespmem:s10+$0x60] =	vst v1;
	v15 =	vand.u32 $0x7C, v15;
	v12 =	vsub.f32 v12, v14;
	(erf) = vpow2.f32 v10  }
0x188: {  	s16 =	sand.u32 $0x3800, s8;
	[tilespmem:s10+$0xFFFFFF90] =	vst v1;
	v10 =	vadd.s32 $0x10, v13;
	v13 =	vshll.u32 v16, $0x2;
	v16 =	vadd.s32 v0, v15  }
0x189: {  	s17 =	simm.s32 $0x180;
	s19 =	simm.s32 $0x100;
	s13 =	simm.s32 $0x80;
	[tilespmem:s10+$0xFFFFFF70] =	vst v1;
	v17 =	vand.u32 $0x80, v16;
	v13 =	vand.u32 $0x7C, v13;
	v14 =	vpop (erf);
	v12 =	vmul.f32 $1.442695020e+00, v12  }
0x18a: {  	s15 =	sor.u32 $0x300, s16;
	s21 =	sand.u32 $0x380, s17;
	[tilespmem:s10+$0xFFFFFF30] =	vst v1;
	v10 =	vperm.xlane v22, v10;
	v17 =	vadd.s32 s13, v17;
	v13 =	vor.u32 s19, v13;
	v15 =	vpop (erf)  }
0x18b: {  	s6 =	sadd.s32 s21, s15;
	[tilespmem:v11+s26+$0x0] =	vst.idx.msk $0xf, v15;
	v11 =	vand.u32 $0x7F, v16;
	(erf) = vpow2.f32 v12;
	v12 =	vadd.s32 v0, v13  }
0x18c: {  	[tilespmem:s10+$0xFFFFFF60] =	vst v1;
	v13 =	vld [tilespmem:s6+$0x0];
	v11 =	vor.u32 v11, v17  }
0x18d: {  	[tilespmem:s10+$0xFFFFFF40] =	vst v1;
	v10 =	vshll.u32 v10, $0x2  }
0x18e: {  	s23 =	simm.s32 $0x100;
	s22 =	simm.s32 $0x0;
	[tilespmem:s10+$0xFFFFFF20] =	vst v1;
	v10 =	vand.u32 $0x7C, v10  }
0x18f: {  	s24 =	simm.s32 $0x80;
	[tilespmem:s10+$0xFFFFFF00] =	vst v1;
	s9 =	sand.u32 $0x300, s23;
	v18 =	vperm.xlane v15, v6;
	v10 =	vor.u32 s22, v10  }
0x190: {  	s25 =	sand.u32 $0x280, s24;
	s7 =	sadd.s32 s9, s15;
	v10 =	vadd.s32 v0, v10;
	v16 =	vpop (erf);
	[tilespmem:v12+s26+$0x0] =	vst.idx.msk $0xf, v14  }
0x191: {  	s9 =	sadd.s32 s25, s15;
	v12 =	vmul.f32 v13, v18;
	[tilespmem:v11+s26+$0x0] =	vst.idx.msk $0xf, v16;
	v11 =	vld [tilespmem:s7+$0x0]  }
0x192: {  	[tilespmem:s10+$0xFFFFFF10] =	vst v1;
	v13 =	vld [tilespmem:s9+$0x0]  }
0x193: {  	[tilespmem:s20+$0x80] =	vst v12  }
0x194: {  	s28 =	sand.u32 $0x200, s8;
	[tilespmem:s10+$0xFFFFFF50] =	vst v1;
	v19 =	vperm.xlane v14, v6;
	v12 =	vld [tilespmem:s6+$0x10];
	v17 =	vpop (erf)  }
0x195: {  	s10 =	sadd.s32 s28, s15;
	v20 =	vperm.xlane v16, v6;
	[tilespmem:v10+s26+$0x0] =	vst.idx.msk $0xf, v17  }
0x196: {  	v10 =	vld [tilespmem:s10+$0x0];
	v11 =	vmul.f32 v11, v19  }
0x197: {  	v13 =	vmul.f32 v13, v20  }
0x198: {  	[tilespmem:s20+$0x0] =	vst v11  }
0x199: {  	v11 =	vmul.f32 v12, v18;
	v12 =	vperm.xlane v17, v6;
	[tilespmem:s20+$0xFFFFFF80] =	vst v13;
	v13 =	vld [tilespmem:s7+$0x10]  }
0x19a: {  	v18 =	vld [tilespmem:s9+$0x10]  }
0x19b: {  	[tilespmem:s20+$0x90] =	vst v11;
	v10 =	vmul.f32 v10, v12  }
0x19c: {  	v11 =	vld [tilespmem:s6+$0x20]  }
0x19d: {  	[tilespmem:s20+$0xFFFFFF00] =	vst v10  }
0x19e: {  	v21 =	vld [tilespmem:s10+$0x10];
	v13 =	vmul.f32 v13, v19  }
0x19f: {  	v10 =	vperm.xlane v15, v7;
	v18 =	vmul.f32 v18, v20  }
0x1a0: {  	[tilespmem:s20+$0x10] =	vst v13  }
0x1a1: {  	v11 =	vmul.f32 v11, v10;
	v13 =	vld [tilespmem:s7+$0x20];
	[tilespmem:s20+$0xFFFFFF90] =	vst v18  }
0x1a2: {  	v18 =	vld [tilespmem:s9+$0x20]  }
0x1a3: {  	[tilespmem:s20+$0xA0] =	vst v11;
	v11 =	vmul.f32 v21, v12  }
0x1a4: {  	s31 =	simm.s32 $0x4;
	v19 =	vperm.xlane v14, v7;
	v12 =	vld [tilespmem:s6+$0x30]  }
0x1a5: {  	s4 =	sand.u32 $0x7, s31;
	[tilespmem:s20+$0xFFFFFF10] =	vst v11;
	v11 =	vperm.xlane v16, v7  }
0x1a6: {  	s13 =	sshll.u32 s4, $0x7;
	v13 =	vmul.f32 v13, v19  }
0x1a7: {  	s16 =	sadd.s32 $0x400, s13;
	v18 =	vmul.f32 v18, v11  }
0x1a8: {  	s21 =	simm.s32 $0x5600;
	s17 =	sadd.s32 $0x80, s16;
	[tilespmem:s20+$0x20] =	vst v13  }
0x1a9: {  	s13 =	simm.s32 $0x7E00;
	s17 =	sor.u32 $0x400, s17;
	v10 =	vmul.f32 v12, v10;
	v12 =	vld [tilespmem:s21+$0xFFFFFF80];
	[tilespmem:s20+$0xFFFFFFA0] =	vst v18  }
0x1aa: {  	v18 =	vld [tilespmem:s17+$0x300];
	[tilespmem:s13+$0xFFFFFFC0] =	vst v1  }
0x1ab: {  	[tilespmem:s13+$0xFFFFFFF0] =	vst v1  }
0x1ac: {  	v20 =	vld [tilespmem:s10+$0x20];
	[tilespmem:s13+$0xFFFFFFE0] =	vst v1  }
0x1ad: {  	[tilespmem:s13+$0xFFFFFFD0] =	vst v1  }
0x1ae: {  	s5 =	simm.s32 $0x2;
	[tilespmem:s13+$0xFFFFFF80] =	vst v1  }
0x1af: {  	v22 =	vld [tilespmem:s21+$0xFFFFFF00];
	s19 =	sand.u32 $0x3, s5;
	s16 =	sadd.s32 $0x180, s16;
	v13 =	vperm.xlane v17, v7;
	[tilespmem:s13+$0xFFFFFFB0] =	vst v1  }
0x1b0: {  	s19 =	sshll.u32 s19, $0x8;
	s16 =	sor.u32 $0x400, s16;
	v21 =	vld [tilespmem:s7+$0x30];
	[tilespmem:s13+$0xFFFFFFA0] =	vst v1  }
0x1b1: {  	s19 =	sadd.s32 $0x400, s19;
	v24 =	vld [tilespmem:s16+$0x300];
	[tilespmem:s20+$0xB0] =	vst v10;
	v10 =	vmul.f32 v20, v13  }
0x1b2: {  	s17 =	sadd.s32 $0x100, s19;
	[tilespmem:s13+$0xFFFFFF90] =	vst v1;
	v25 =	vld [tilespmem:s9+$0x30]  }
0x1b3: {  	s22 =	sand.u32 $0xFFFFFFF0, s31;
	s17 =	sor.u32 $0x400, s17;
	v20 =	vld [tilespmem:s21+$0x0];
	[tilespmem:s20+$0xFFFFFF20] =	vst v10  }
0x1b4: {  	v10 =	vld [tilespmem:s17+$0x300];
	[tilespmem:s13+$0x50] =	vst v1;
	s17 =	smin.u32 s22, $0x18  }
0x1b5: {  	v26 =	vadd.f32 v22, v9;
	[tilespmem:s13+$0x0] =	vst v1;
	v19 =	vmul.f32 v21, v19;
	s17 =	ssub.s32 $0x4, s17;
	v21 =	vld [tilespmem:s21+$0x80]  }
0x1b6: {  	[tilespmem:s13+$0x20] =	vst v1;
	v27 =	vadd.f32 v12, v9;
	v12 =	vadd.f32 v12, v18;
	v23 =	vmov s17  }
0x1b7: {  	v18 =	vmul.f32 $2.000000030e-01, v26;
	s22 =	sadd.s32 $0x1, s17;
	s24 =	sadd.s32 $0x2, s17;
	v11 =	vmul.f32 v25, v11;
	[tilespmem:s20+$0x30] =	vst v19;
	v19 =	vadd.s32 $0x10, v23  }
0x1b8: {  	p0 =	por !p0, !p0;
	s19 =	simm.s32 $0x1;
	[tilespmem:s13+$0x30] =	vst v1;
	v23 =	vmov s22;
	v29 =	vmov s24;
	v30 =	vadd.f32 v20, v9  }
0x1b9: {  	s15 =	sand.u32 $0x30, s31;
	s19 =	simm.s32 @!p0 $0x0;
	[tilespmem:s13+$0x10] =	vst v1;
	v32 =	vmul.f32 $2.000000030e-01, v27;
	v34 =	vmul.f32 $2.000000030e-01, v12;
	v10 =	vadd.f32 v20, v10  }
0x1ba: {  	s15 =	smin.u32 s15, $0x18;
	s23 =	sshll.u32 s19, $0x9;
	[tilespmem:s13+$0x40] =	vst v1;
	s25 =	sadd.s32 $0x3, s17;
	v18 =	vmax.f32 v26, v18;
	v24 =	vadd.f32 v21, v24;
	v21 =	vadd.f32 v21, v9  }
0x1bb: {  	v31 =	vld [tilespmem:s15+$0x100];
	s16 =	sadd.s32 $0x400, s23;
	[tilespmem:s13+$0x70] =	vst v1;
	v57 =	vmov s25;
	v33 =	vmul.f32 $2.000000030e-01, v30;
	v35 =	vmul.f32 $2.000000030e-01, v10  }
0x1bc: {  	s16 =	sor.u32 $0x400, s16;
	[tilespmem:s13+$0x60] =	vst v1;
	v23 =	vadd.s32 $0x10, v23;
	v55 =	vmul.f32 $2.000000030e-01, v21;
	v56 =	vmul.f32 $2.000000030e-01, v24  }
0x1bd: {  	[tilespmem:s13+$0xD0] =	vst v1;
	v29 =	vadd.s32 $0x10, v29;
	v20 =	vld [tilespmem:s16+$0x300];
	v25 =	vmax.f32 v30, v33;
	v10 =	vmax.f32 v10, v35  }
0x1be: {  	[tilespmem:s20+$0xFFFFFFB0] =	vst v11;
	v10 =	vsub.f32 v10, v25;
	v11 =	vmax.f32 v21, v55;
	v21 =	vmax.f32 v24, v56  }
0x1bf: {  	[tilespmem:s13+$0xA0] =	vst v1;
	v12 =	vmax.f32 v12, v34;
	v24 =	vadd.s32 $0x10, v57;
	v11 =	vsub.f32 v21, v11  }
0x1c0: {  	[tilespmem:s13+$0xB0] =	vst v1;
	v25 =	vmax.f32 v27, v32;
	v21 =	vld [tilespmem:s10+$0x30];
	v24 =	vperm.xlane v31, v24;
	v10 =	vmul.f32 $1.442695020e+00, v10  }
0x1c1: {  	[tilespmem:s13+$0x90] =	vst v1;
	v23 =	vperm.xlane v31, v23;
	v12 =	vsub.f32 v12, v25;
	v11 =	vmul.f32 $1.442695020e+00, v11  }
0x1c2: {  	[tilespmem:s13+$0xC0] =	vst v1;
	v24 =	vshll.u32 v24, $0x2;
	(erf) = vpow2.f32 v10;
	v10 =	vadd.f32 v22, v20  }
0x1c3: {  	[tilespmem:s13+$0xF0] =	vst v1;
	v27 =	vperm.xlane v31, v29;
	v20 =	vand.u32 $0x7C, v24;
	(erf) = vpow2.f32 v11  }
0x1c4: {  	[tilespmem:s13+$0xE0] =	vst v1;
	v12 =	vmul.f32 $1.442695020e+00, v12;
	v20 =	vadd.s32 v0, v20;
	v22 =	vmul.f32 $2.000000030e-01, v10  }
0x1c5: {  	[tilespmem:s13+$0x80] =	vst v1;
	v11 =	vshll.u32 v23, $0x2;
	v23 =	vld [tilespmem:s9+$0x40];
	v24 =	vand.u32 $0x80, v20;
	v13 =	vmul.f32 v21, v13  }
0x1c6: {  	s28 =	simm.s32 $0x380;
	[tilespmem:s13+$0xFFFFFF70] =	vst v1;
	v11 =	vand.u32 $0x7C, v11;
	(erf) = vpow2.f32 v12;
	v10 =	vmax.f32 v10, v22  }
0x1c7: {  	[tilespmem:s13+$0xFFFFFF30] =	vst v1;
	v12 =	vand.u32 $0x7F, v20;
	v21 =	vadd.s32 s28, v24;
	v10 =	vsub.f32 v10, v18  }
0x1c8: {  	[tilespmem:s13+$0xFFFFFF60] =	vst v1;
	v11 =	vadd.s32 v0, v11;
	v22 =	vperm.xlane v16, v5;
	v12 =	vor.u32 v12, v21  }
0x1c9: {  	v28 =	vld [tilespmem:s6+$0x40];
	[tilespmem:s20+$0xFFFFFF30] =	vst v13;
	v13 =	vshll.u32 v27, $0x2;
	v21 =	vand.u32 $0x80, v11  }
0x1ca: {  	s4 =	simm.s32 $0x280;
	[tilespmem:s13+$0xFFFFFF40] =	vst v1;
	v24 =	vand.u32 $0x7F, v11;
	v18 =	vperm.xlane v31, v19;
	v20 =	vld [tilespmem:s10+$0x40];
	v19 =	vmul.f32 v23, v22  }
0x1cb: {  	s5 =	simm.s32 $0x300;
	s31 =	simm.s32 $0x400;
	[tilespmem:s13+$0xFFFFFF20] =	vst v1;
	v13 =	vand.u32 $0x7C, v13;
	v21 =	vadd.s32 s4, v21;
	v23 =	vmul.f32 $1.442695020e+00, v10;
	v10 =	vpop (erf)  }
0x1cc: {  	s15 =	sand.u32 $0x3800, s31;
	s17 =	simm.s32 $0x380;
	v26 =	vperm.xlane v15, v5;
	v13 =	vor.u32 s5, v13;
	v21 =	vor.u32 v24, v21;
	[tilespmem:s20+$0xFFFFFFC0] =	vst v19;
	v11 =	vpop (erf)  }
0x1cd: {  	s15 =	sor.u32 $0x300, s15;
	s16 =	sand.u32 $0x380, s17;
	v19 =	vld [tilespmem:s7+$0x40];
	(erf) = vpow2.f32 v23;
	v23 =	vperm.xlane v17, v5;
	[tilespmem:v12+s26+$0x0] =	vst.idx.msk $0xf, v11;
	v12 =	vshll.u32 v18, $0x2  }
0x1ce: {  	v28 =	vmul.f32 v28, v26;
	[tilespmem:s13+$0xFFFFFF00] =	vst v1;
	s22 =	sadd.s32 s16, s15;
	v13 =	vadd.s32 v0, v13;
	v12 =	vand.u32 $0x7C, v12  }
0x1cf: {  	[tilespmem:s13+$0xFFFFFF10] =	vst v1;
	v20 =	vmul.f32 v20, v23;
	v18 =	vld [tilespmem:s22+$0x0]  }
0x1d0: {  	s19 =	simm.s32 $0x200;
	[tilespmem:s20+$0xC0] =	vst v28;
	v24 =	vperm.xlane v14, v5  }
0x1d1: {  	s23 =	simm.s32 $0x300;
	v25 =	vld [tilespmem:s6+$0x50];
	v58 =	vperm.xlane v11, v6;
	v27 =	vor.u32 s19, v12;
	[tilespmem:s20+$0xFFFFFF40] =	vst v20;
	v12 =	vpop (erf)  }
0x1d2: {  	s16 =	sand.u32 $0x300, s23;
	v19 =	vmul.f32 v19, v24;
	v20 =	vadd.s32 v0, v27;
	[tilespmem:v21+s26+$0x0] =	vst.idx.msk $0xf, v12;
	v21 =	vld [tilespmem:s10+$0x50]  }
0x1d3: {  	s24 =	simm.s32 $0x280;
	s25 =	sadd.s32 s16, s15;
	[tilespmem:v13+s26+$0x0] =	vst.idx.msk $0xf, v10;
	v27 =	vld [tilespmem:s9+$0x50]  }
0x1d4: {  	s28 =	sand.u32 $0x280, s24;
	v59 =	vld [tilespmem:s25+$0x0];
	[tilespmem:s20+$0x40] =	vst v19;
	v18 =	vmul.f32 v18, v58  }
0x1d5: {  	s29 =	simm.s32 $0x200;
	[tilespmem:s13+$0xFFFFFF50] =	vst v1;
	s23 =	sadd.s32 s28, s15;
	v19 =	vld [tilespmem:s7+$0x50]  }
0x1d6: {  	s31 =	sand.u32 $0x200, s29;
	v25 =	vmul.f32 v25, v26;
	v60 =	vld [tilespmem:s23+$0x0];
	v13 =	vpop (erf);
	[tilespmem:s21+$0x80] =	vst v18  }
0x1d7: {  	s24 =	sadd.s32 s31, s15;
	v18 =	vperm.xlane v10, v6;
	[tilespmem:v20+s26+$0x0] =	vst.idx.msk $0xf, v13;
	v20 =	vld [tilespmem:s22+$0x10];
	v21 =	vmul.f32 v21, v23  }
0x1d8: {  	[tilespmem:s20+$0xD0] =	vst v25;
	v22 =	vmul.f32 v27, v22;
	v23 =	vld [tilespmem:s24+$0x0]  }
0x1d9: {  	v25 =	vperm.xlane v12, v6;
	v27 =	vld [tilespmem:s6+$0x60];
	v26 =	vmul.f32 v59, v18;
	[tilespmem:s20+$0xFFFFFF50] =	vst v21  }
0x1da: {  	[tilespmem:s20+$0xFFFFFFD0] =	vst v22;
	v19 =	vmul.f32 v19, v24;
	v21 =	vld [tilespmem:s10+$0x60]  }
0x1db: {  	v24 =	vperm.xlane v13, v6;
	v22 =	vmul.f32 v60, v25;
	[tilespmem:s21+$0x0] =	vst v26;
	v26 =	vld [tilespmem:s9+$0x60]  }
0x1dc: {  	v62 =	vperm.xlane v15, v8;
	[tilespmem:s20+$0x50] =	vst v19;
	v61 =	vld [tilespmem:s25+$0x10];
	v20 =	vmul.f32 v20, v58  }
0x1dd: {  	v17 =	vperm.xlane v17, v8;
	[tilespmem:s21+$0xFFFFFF80] =	vst v22;
	v22 =	vld [tilespmem:s7+$0x60];
	v19 =	vmul.f32 v23, v24  }
0x1de: {  	v15 =	vperm.xlane v16, v8;
	v23 =	vld [tilespmem:s23+$0x10];
	[tilespmem:s21+$0x90] =	vst v20;
	v20 =	vmul.f32 v27, v62  }
0x1df: {  	[tilespmem:s21+$0xFFFFFF00] =	vst v19;
	v27 =	vld [tilespmem:s22+$0x20];
	v19 =	vmul.f32 v21, v17  }
0x1e0: {  	v16 =	vperm.xlane v14, v8;
	v63 =	vld [tilespmem:s24+$0x10];
	v21 =	vmul.f32 v26, v15;
	[tilespmem:s20+$0xE0] =	vst v20  }
0x1e1: {  	v14 =	vmul.f32 v61, v18;
	v26 =	vld [tilespmem:s6+$0x70];
	[tilespmem:s20+$0xFFFFFF60] =	vst v19  }
0x1e2: {  	v20 =	vperm.xlane v11, v7;
	[tilespmem:s20+$0xFFFFFFE0] =	vst v21;
	v21 =	vmul.f32 v22, v16;
	v18 =	vld [tilespmem:s10+$0x70]  }
0x1e3: {  	v22 =	vmul.f32 v23, v25;
	[tilespmem:s21+$0x10] =	vst v14;
	v19 =	vld [tilespmem:s9+$0x70]  }
0x1e4: {  	p0 =	por !p0, !p0;
	v23 =	vld [tilespmem:s25+$0x20];
	v27 =	vmul.f32 v27, v20;
	[tilespmem:s20+$0x60] =	vst v21  }
0x1e5: {  	s13 =	simm.s32 $0x8000;
	s15 =	simm.s32 $0x800;
	s6 =	simm.s32 $0x8;
	v14 =	vperm.xlane v10, v7;
	[tilespmem:s21+$0xFFFFFF90] =	vst v22;
	v21 =	vld [tilespmem:s7+$0x70]  }
0x1e6: {  	s9 =	simm.s32 $0x5800;
	s10 =	simm.s32 $0x8;
	v25 =	vmul.f32 v63, v24;
	v24 =	vld [tilespmem:s23+$0x20];
	s7 =	simm.s32 $0x4;
	[tilespmem:s21+$0xA0] =	vst v27;
	v22 =	vmul.f32 v26, v62  }
.LBB2_5:
0x1e7: {  	s16 =	sand.u32 $0x7, s10  }
0x1e8: {  	s19 =	sand.u32 $0xFFFFFFF0, s6;
	s17 =	sand.u32 $0x30, s6;
	[tilespmem:s21+$0xFFFFFF10] =	vst v25;
	v25 =	vld [tilespmem:s22+$0x30];
	v18 =	vmul.f32 v18, v17;
	s28 =	simm.s32 $0x1  }
0x1e9: {  	s28 =	simm.s32 @!p0 $0x0;
	s16 =	sshll.u32 s16, $0x7;
	s17 =	smin.u32 s17, $0x18;
	v26 =	vld [tilespmem:s9+$0x0];
	v15 =	vmul.f32 v19, v15;
	[tilespmem:s20+$0xF0] =	vst v22  }
0x1ea: {  	s31 =	sand.u32 $0x3, s7;
	s19 =	smin.u32 s19, $0x18;
	v19 =	vperm.xlane v12, v7;
	v17 =	vld [tilespmem:s9+$0xFFFFFF00];
	s16 =	sadd.s32 s16, s15;
	v22 =	vmul.f32 v23, v14;
	[tilespmem:s20+$0xFFFFFF70] =	vst v18  }
0x1eb: {  	s4 =	sshll.u32 s31, $0x8;
	s28 =	sshll.u32 s28, $0x9;
	s31 =	sadd.s32 $0x180, s16;
	v18 =	vld [tilespmem:s24+$0x20];
	[tilespmem:s20+$0xFFFFFFF0] =	vst v15;
	v15 =	vmul.f32 v21, v16  }
0x1ec: {  	s19 =	ssub.s32 s6, s19;
	s28 =	sadd.s32 s28, s15;
	s31 =	sor.u32 $0x400, s31;
	v16 =	vmul.f32 v24, v19;
	[tilespmem:s21+$0x20] =	vst v22  }
0x1ed: {  	s4 =	sadd.s32 s15, s4;
	v21 =	vmov s19;
	s16 =	sadd.s32 $0x80, s16;
	s5 =	sadd.s32 $0x1, s19;
	v22 =	vld [tilespmem:s9+$0xFFFFFF80];
	v20 =	vmul.f32 v25, v20;
	[tilespmem:s20+$0x70] =	vst v15  }
0x1ee: {  	s4 =	sadd.s32 $0x100, s4;
	v21 =	vadd.s32 $0x10, v21;
	s16 =	sor.u32 $0x400, s16;
	v23 =	vmov s5;
	s5 =	sadd.s32 $0x2, s19;
	v15 =	vperm.xlane v13, v7;
	[tilespmem:s21+$0xFFFFFFA0] =	vst v16;
	v16 =	vld [tilespmem:s25+$0x30]  }
0x1ef: {  	s28 =	sor.u32 $0x400, s28;
	s4 =	sor.u32 $0x400, s4;
	v23 =	vadd.s32 $0x10, v23;
	v27 =	vmov s5;
	s5 =	sadd.s32 $0x3, s19;
	v24 =	vadd.f32 v17, v9;
	v25 =	vld [tilespmem:s16+$0x300];
	[tilespmem:s21+$0xB0] =	vst v20  }
0x1f0: {  	p1 =	slt.u32 s6, $0x24;
	v27 =	vadd.s32 $0x10, v27;
	[tilespmem:s13+$0xFFFFFFC0] =	vst v1;
	v20 =	vld [tilespmem:s4+$0x300];
	v18 =	vmul.f32 v18, v15;
	s4 =	smov.u32 s6;
	s6 =	sadd.s32 $0x4, s6  }
0x1f1: {  	s20 =	smov.u32 s21;
	v29 =	vadd.f32 v26, v9;
	s16 =	smov.u32 s25;
	s21 =	smov.u32 s9;
	v28 =	vmul.f32 $2.000000030e-01, v24;
	[tilespmem:s13+$0xFFFFFFF0] =	vst v1;
	v30 =	vld [tilespmem:s23+$0x30]  }
0x1f2: {  	v31 =	vadd.f32 v22, v9;
	[tilespmem:s20+$0xFFFFFF20] =	vst v18;
	v18 =	vld [tilespmem:s22+$0x40]  }
0x1f3: {  	s25 =	sshll.u32 s4, $0x7;
	v24 =	vmax.f32 v24, v28;
	[tilespmem:s13+$0xFFFFFFE0] =	vst v1;
	v28 =	vld [tilespmem:s24+$0x30]  }
0x1f4: {  	s19 =	sadd.s32 $0x80, s25;
	s4 =	sadd.s32 $0x180, s25;
	v32 =	vld [tilespmem:s17+$0x100];
	v33 =	vmul.f32 $2.000000030e-01, v31;
	[tilespmem:s13+$0x50] =	vst v1;
	s17 =	sadd.s32 $0x100, s25  }
0x1f5: {  	v22 =	vadd.f32 v22, v25;
	v25 =	vmul.f32 $2.000000030e-01, v29;
	[tilespmem:s13+$0x0] =	vst v1;
	v34 =	vld [tilespmem:s9+$0x80]  }
0x1f6: {  	v16 =	vmul.f32 v16, v14;
	v20 =	vadd.f32 v26, v20;
	v31 =	vmax.f32 v31, v33;
	[tilespmem:s13+$0xFFFFFFD0] =	vst v1  }
0x1f7: {  	v26 =	vmul.f32 $2.000000030e-01, v22;
	v25 =	vmax.f32 v29, v25;
	v29 =	vmov s5;
	[tilespmem:s13+$0xFFFFFF80] =	vst v1  }
0x1f8: {  	v14 =	vperm.xlane v11, v5;
	v33 =	vmul.f32 $2.000000030e-01, v20;
	[tilespmem:s13+$0xFFFFFFB0] =	vst v1;
	v35 =	vld [tilespmem:s31+$0x300]  }
0x1f9: {  	v22 =	vmax.f32 v22, v26;
	v26 =	vadd.s32 $0x10, v29;
	v23 =	vperm.xlane v32, v23;
	[tilespmem:s13+$0xFFFFFFA0] =	vst v1  }
0x1fa: {  	v20 =	vmax.f32 v20, v33;
	v27 =	vperm.xlane v32, v27;
	v26 =	vperm.xlane v32, v26;
	v29 =	vld [tilespmem:s28+$0x300];
	[tilespmem:s20+$0x30] =	vst v16  }
0x1fb: {  	v19 =	vmul.f32 v30, v19;
	v16 =	vsub.f32 v22, v31;
	v20 =	vsub.f32 v20, v25;
	[tilespmem:s13+$0xD0] =	vst v1;
	v22 =	vld [tilespmem:s16+$0x40]  }
0x1fc: {  	v25 =	vadd.f32 v34, v9;
	v23 =	vshll.u32 v23, $0x2;
	v26 =	vshll.u32 v26, $0x2;
	[tilespmem:s13+$0x20] =	vst v1  }
0x1fd: {  	v20 =	vmul.f32 $1.442695020e+00, v20;
	v26 =	vand.u32 $0x7C, v26;
	[tilespmem:s13+$0x30] =	vst v1;
	v30 =	vadd.f32 v34, v35  }
0x1fe: {  	v16 =	vmul.f32 $1.442695020e+00, v16;
	v31 =	vmul.f32 $2.000000030e-01, v25;
	v26 =	vadd.s32 v0, v26;
	[tilespmem:s13+$0xA0] =	vst v1  }
0x1ff: {  	v34 =	vand.u32 $0x80, v26;
	[tilespmem:s13+$0xFFFFFF70] =	vst v1;
	v33 =	vmul.f32 $2.000000030e-01, v30;
	(erf) = vpow2.f32 v20  }
0x200: {  	v18 =	vmul.f32 v18, v14;
	v20 =	vmax.f32 v25, v31;
	v25 =	vadd.s32 s4, v34;
	[tilespmem:s13+$0xB0] =	vst v1  }
0x201: {  	v27 =	vshll.u32 v27, $0x2;
	v23 =	vand.u32 $0x7C, v23;
	[tilespmem:s13+$0xFFFFFF30] =	vst v1;
	v30 =	vmax.f32 v30, v33  }
0x202: {  	s29 =	sadd.s32 $0x200, s29;
	v23 =	vadd.s32 v0, v23;
	v17 =	vadd.f32 v17, v29;
	[tilespmem:s13+$0x10] =	vst v1;
	v20 =	vsub.f32 v30, v20  }
0x203: {  	v21 =	vperm.xlane v32, v21;
	v27 =	vand.u32 $0x7C, v27;
	v29 =	vand.u32 $0x80, v23;
	[tilespmem:s20+$0xFFFFFFB0] =	vst v19  }
0x204: {  	v29 =	vadd.s32 s19, v29;
	v19 =	vmul.f32 $2.000000030e-01, v17;
	v20 =	vmul.f32 $1.442695020e+00, v20;
	[tilespmem:s13+$0x90] =	vst v1;
	v30 =	vld [tilespmem:s23+$0x40]  }
0x205: {  	v21 =	vshll.u32 v21, $0x2;
	v27 =	vor.u32 s17, v27;
	[tilespmem:s20+$0xC0] =	vst v18  }
0x206: {  	v17 =	vmax.f32 v17, v19;
	v19 =	vand.u32 $0x7C, v21;
	[tilespmem:s13+$0x40] =	vst v1;
	(erf) = vpow2.f32 v20;
	v20 =	vld [tilespmem:s22+$0x50]  }
0x207: {  	v17 =	vsub.f32 v17, v24;
	v21 =	vor.u32 s25, v19;
	[tilespmem:s13+$0x70] =	vst v1  }
0x208: {  	[tilespmem:s13+$0xFFFFFF60] =	vst v1;
	v18 =	vpop (erf)  }
0x209: {  	[tilespmem:s13+$0x60] =	vst v1;
	v19 =	vperm.xlane v18, v6  }
0x20a: {  	[tilespmem:s13+$0xFFFFFF40] =	vst v1  }
0x20b: {  	v15 =	vmul.f32 v28, v15;
	v24 =	vperm.xlane v12, v5;
	[tilespmem:s13+$0xC0] =	vst v1  }
0x20c: {  	[tilespmem:s13+$0xF0] =	vst v1;
	(erf) = vpow2.f32 v16  }
0x20d: {  	[tilespmem:s20+$0xFFFFFF30] =	vst v15;
	v15 =	vmul.f32 v30, v24  }
0x20e: {  	v16 =	vmul.f32 $1.442695020e+00, v17;
	v17 =	vand.u32 $0x7F, v26;
	[tilespmem:s13+$0xFFFFFF20] =	vst v1;
	v26 =	vld [tilespmem:s24+$0x40]  }
0x20f: {  	v17 =	vor.u32 v17, v25;
	[tilespmem:s13+$0xFFFFFF00] =	vst v1;
	v25 =	vpop (erf)  }
0x210: {  	v23 =	vand.u32 $0x7F, v23;
	[tilespmem:s13+$0xE0] =	vst v1;
	(erf) = vpow2.f32 v16  }
0x211: {  	v16 =	vor.u32 v23, v29;
	[tilespmem:s20+$0xFFFFFFC0] =	vst v15  }
0x212: {  	s5 =	sadd.s32 $0x180, s29;
	s4 =	sand.u32 $0x3800, s15;
	[tilespmem:s13+$0x80] =	vst v1;
	v15 =	vld [tilespmem:s23+$0x50]  }
0x213: {  	s5 =	sand.u32 $0x380, s5;
	s4 =	sor.u32 $0x300, s4;
	v23 =	vadd.s32 v0, v27;
	v27 =	vperm.xlane v13, v5;
	[tilespmem:s13+$0xFFFFFF10] =	vst v1  }
0x214: {  	s19 =	sadd.s32 $0x80, s29;
	s17 =	sadd.s32 s5, s4;
	[tilespmem:v17+s26+$0x0] =	vst.idx.msk $0xf, v25;
	v17 =	vperm.xlane v25, v6  }
0x215: {  	s5 =	sand.u32 $0x280, s19;
	v30 =	vperm.xlane v10, v5;
	v26 =	vmul.f32 v26, v27;
	[tilespmem:s13+$0xFFFFFF90] =	vst v1;
	v28 =	vld [tilespmem:s17+$0x0];
	v29 =	vpop (erf)  }
0x216: {  	s19 =	sadd.s32 s5, s4;
	s5 =	sadd.s32 $0x100, s29;
	v21 =	vadd.s32 v0, v21;
	[tilespmem:v16+s26+$0x0] =	vst.idx.msk $0xf, v29  }
0x217: {  	s5 =	sand.u32 $0x300, s5;
	v22 =	vmul.f32 v22, v30;
	v16 =	vld [tilespmem:s19+$0x0];
	[tilespmem:s20+$0xFFFFFF40] =	vst v26  }
0x218: {  	s25 =	sadd.s32 s5, s4;
	[tilespmem:v23+s26+$0x0] =	vst.idx.msk $0xf, v18;
	v23 =	vld [tilespmem:s24+$0x50]  }
0x219: {  	v15 =	vmul.f32 v15, v24;
	v26 =	vld [tilespmem:s25+$0x0];
	v31 =	vpop (erf);
	[tilespmem:s20+$0x40] =	vst v22  }
0x21a: {  	s5 =	sand.u32 $0x200, s29;
	v22 =	vperm.xlane v29, v6;
	[tilespmem:s13+$0xFFFFFF50] =	vst v1;
	v24 =	vmul.f32 v28, v17;
	v28 =	vld [tilespmem:s16+$0x50]  }
0x21b: {  	s4 =	sadd.s32 s5, s4;
	v14 =	vmul.f32 v20, v14;
	[tilespmem:v21+s26+$0x0] =	vst.idx.msk $0xf, v31  }
0x21c: {  	v20 =	vld [tilespmem:s4+$0x0];
	v16 =	vmul.f32 v16, v22;
	[tilespmem:s9+$0x80] =	vst v24  }
0x21d: {  	v21 =	vld [tilespmem:s17+$0x10];
	v23 =	vmul.f32 v23, v27;
	[tilespmem:s20+$0xD0] =	vst v14  }
0x21e: {  	v24 =	vperm.xlane v31, v6;
	[tilespmem:s9+$0xFFFFFF80] =	vst v16;
	v16 =	vmul.f32 v26, v19;
	v26 =	vld [tilespmem:s22+$0x60]  }
0x21f: {  	v14 =	vperm.xlane v18, v7;
	[tilespmem:s20+$0xFFFFFF50] =	vst v23  }
0x220: {  	v23 =	vld [tilespmem:s24+$0x60];
	[tilespmem:s20+$0xFFFFFFD0] =	vst v15;
	v15 =	vmul.f32 v28, v30  }
0x221: {  	v20 =	vmul.f32 v20, v24;
	[tilespmem:s9+$0x0] =	vst v16;
	v16 =	vld [tilespmem:s23+$0x60]  }
0x222: {  	v28 =	vperm.xlane v11, v8;
	v11 =	vmov v25;
	v27 =	vld [tilespmem:s25+$0x10];
	v21 =	vmul.f32 v21, v17;
	[tilespmem:s20+$0x50] =	vst v15  }
0x223: {  	v17 =	vperm.xlane v13, v8;
	v15 =	vperm.xlane v12, v8;
	v12 =	vmovc v29;
	v13 =	vmov v31;
	[tilespmem:s9+$0xFFFFFF00] =	vst v20;
	v25 =	vld [tilespmem:s16+$0x60]  }
0x224: {  	v20 =	vperm.xlane v11, v7;
	v29 =	vld [tilespmem:s19+$0x10];
	[tilespmem:s9+$0x90] =	vst v21;
	v21 =	vmul.f32 v26, v28  }
0x225: {  	v26 =	vld [tilespmem:s17+$0x20];
	v23 =	vmul.f32 v23, v17  }
0x226: {  	v30 =	vld [tilespmem:s4+$0x10];
	v31 =	vmul.f32 v16, v15;
	v16 =	vperm.xlane v10, v8;
	[tilespmem:s20+$0xE0] =	vst v21;
	v10 =	vmov v18  }
0x227: {  	v19 =	vmul.f32 v27, v19;
	[tilespmem:s20+$0xFFFFFF60] =	vst v23;
	v27 =	vld [tilespmem:s22+$0x70];
	s22 =	smov.u32 s17  }
.Ltmp1:
0x228: {  	v18 =	vld [tilespmem:s24+$0x70];
	[tilespmem:s20+$0xFFFFFFE0] =	vst v31;
	v21 =	vmul.f32 v25, v16;
	s24 =	smov.u32 s4;
	(pc) =	sbr.rel @p1 .LBB2_5-.Ltmp1, $4  }
0x229: {  	v22 =	vmul.f32 v29, v22;
	[tilespmem:s9+$0x10] =	vst v19;
	v19 =	vld [tilespmem:s23+$0x70];
	s23 =	smov.u32 s19  }
0x22a: {  	v23 =	vld [tilespmem:s25+$0x20];
	v26 =	vmul.f32 v26, v20;
	[tilespmem:s20+$0x60] =	vst v21  }
0x22b: {  	s15 =	sadd.s32 $0x400, s15;
	s13 =	sadd.s32 $0x200, s13;
	s9 =	sadd.s32 $0x200, s9;
	v25 =	vmul.f32 v30, v24;
	[tilespmem:s21+$0xFFFFFF90] =	vst v22;
	v21 =	vld [tilespmem:s16+$0x70]  }
0x22c: {  	s10 =	sadd.s32 $0x4, s10;
	s7 =	sadd.s32 $0x2, s7;
	p0 =	por !p0, !p0;
	v24 =	vld [tilespmem:s23+$0x20];
	[tilespmem:s21+$0xA0] =	vst v26;
	v22 =	vmul.f32 v27, v28  }
0x22d: {  	[tilespmem:s21+$0xFFFFFF10] =	vst v25  }
0x22e: {  	v25 =	vld [tilespmem:s24+$0x20]  }
0x22f: {  	v27 =	vperm.xlane v12, v7;
	_ =	sdelay $0x1  }
0x230: {  	v26 =	vperm.xlane v13, v7;
	v24 =	vmul.f32 v24, v27  }
0x231: {  	v28 =	vld [tilespmem:s22+$0x30];
	v23 =	vmul.f32 v23, v14  }
0x232: {  	v25 =	vmul.f32 v25, v26;
	[tilespmem:s21+$0xFFFFFFA0] =	vst v24  }
0x233: {  	[tilespmem:s21+$0x20] =	vst v23;
	v23 =	vld [tilespmem:s23+$0x30]  }
0x234: {  	[tilespmem:s21+$0xFFFFFF20] =	vst v25;
	v25 =	vld [tilespmem:s25+$0x30]  }
0x235: {  	v24 =	vld [tilespmem:s24+$0x30]  }
0x236: {  	v20 =	vmul.f32 v28, v20;
	_ =	sdelay $0x1  }
0x237: {  	[tilespmem:s21+$0xB0] =	vst v20;
	v20 =	vmul.f32 v23, v27  }
0x238: {  	v14 =	vmul.f32 v25, v14  }
0x239: {  	v24 =	vmul.f32 v24, v26;
	[tilespmem:s21+$0xFFFFFFB0] =	vst v20  }
0x23a: {  	v23 =	vld [tilespmem:s22+$0x40];
	[tilespmem:s21+$0x30] =	vst v14  }
0x23b: {  	v14 =	vld [tilespmem:s23+$0x40];
	[tilespmem:s21+$0xFFFFFF30] =	vst v24  }
0x23c: {  	v20 =	vld [tilespmem:s24+$0x40]  }
0x23d: {  	v24 =	vperm.xlane v11, v5  }
0x23e: {  	v27 =	vperm.xlane v12, v5;
	v25 =	vld [tilespmem:s25+$0x40]  }
0x23f: {  	v26 =	vperm.xlane v13, v5;
	v23 =	vmul.f32 v23, v24  }
0x240: {  	v14 =	vmul.f32 v14, v27  }
0x241: {  	v53 =	vperm.xlane v10, v5;
	[tilespmem:s21+$0xC0] =	vst v23;
	v20 =	vmul.f32 v20, v26  }
0x242: {  	v23 =	vld [tilespmem:s22+$0x50];
	[tilespmem:s21+$0xFFFFFFC0] =	vst v14  }
0x243: {  	[tilespmem:s21+$0xFFFFFF40] =	vst v20;
	v20 =	vmul.f32 v25, v53;
	v25 =	vld [tilespmem:s23+$0x50]  }
0x244: {  	v14 =	vld [tilespmem:s24+$0x50]  }
0x245: {  	[tilespmem:s21+$0x40] =	vst v20  }
0x246: {  	v20 =	vld [tilespmem:s25+$0x50]  }
0x247: {  	v23 =	vmul.f32 v23, v24  }
0x248: {  	v24 =	vmul.f32 v25, v27  }
0x249: {  	[tilespmem:s21+$0xD0] =	vst v23;
	v14 =	vmul.f32 v14, v26  }
0x24a: {  	v23 =	vld [tilespmem:s22+$0x60];
	[tilespmem:s21+$0xFFFFFFD0] =	vst v24  }
0x24b: {  	[tilespmem:s21+$0xFFFFFF50] =	vst v14;
	v14 =	vmul.f32 v20, v53;
	v24 =	vld [tilespmem:s23+$0x60]  }
0x24c: {  	v20 =	vld [tilespmem:s24+$0x60]  }
0x24d: {  	v11 =	vperm.xlane v11, v8;
	[tilespmem:s21+$0x50] =	vst v14  }
0x24e: {  	v12 =	vperm.xlane v12, v8;
	v14 =	vld [tilespmem:s25+$0x60]  }
0x24f: {  	v13 =	vperm.xlane v13, v8;
	v23 =	vmul.f32 v23, v11  }
0x250: {  	v24 =	vmul.f32 v24, v12  }
0x251: {  	v10 =	vperm.xlane v10, v8;
	[tilespmem:s21+$0xE0] =	vst v23;
	v20 =	vmul.f32 v20, v13  }
0x252: {  	[tilespmem:s21+$0xFFFFFFE0] =	vst v24  }
0x253: {  	[tilespmem:s21+$0xFFFFFF60] =	vst v20;
	v20 =	vld [tilespmem:s22+$0x70];
	v14 =	vmul.f32 v14, v10  }
0x254: {  	v17 =	vmul.f32 v18, v17;
	v18 =	vld [tilespmem:s23+$0x70]  }
0x255: {  	v23 =	vld [tilespmem:s24+$0x70];
	[tilespmem:s21+$0x60] =	vst v14  }
0x256: {  	[tilespmem:s20+$0xF0] =	vst v22;
	v16 =	vmul.f32 v21, v16;
	v14 =	vmul.f32 v19, v15;
	v15 =	vld [tilespmem:s25+$0x70]  }
0x257: {  	[tilespmem:s20+$0xFFFFFF70] =	vst v17  }
0x258: {  	[tilespmem:s20+$0x70] =	vst v16;
	v11 =	vmul.f32 v20, v11  }
0x259: {  	[tilespmem:s20+$0xFFFFFFF0] =	vst v14;
	v12 =	vmul.f32 v18, v12  }
0x25a: {  	v13 =	vmul.f32 v23, v13;
	[tilespmem:s21+$0xF0] =	vst v11  }
0x25b: {  	[tilespmem:s21+$0xFFFFFFF0] =	vst v12;
	v10 =	vmul.f32 v15, v10  }
0x25c: {  	[tilespmem:s21+$0xFFFFFF70] =	vst v13  }
0x25d: {  	s4 =	rddreg [dreg:$0x1];
	s5 =	simm.s32 $0x100;
	s6 =	simm.s32 $0x5300;
	[tilespmem:s21+$0x70] =	vst v10  }
0x25e: {  	[spmem:s4] =	stream.indirect.scatter.add.f32 [tilespmem:s6], [sflag:$0x5], $0x80, s5, s14, $0xb8;
	[tilespmem:$0x1FF80] =	vst v63  }
0x25f: {  	s17 =	simm.s32 $0x200;
	s19 =	simm.s32 $0x2  }
0x260: {  	[spmem:s4] =	stream.indirect.scatter.add.f32 [tilespmem:s26], [sflag:$0x7], $0x80, s17, s14, $0xb8;
	[tilespmem:$0x1FF80] =	vst v63  }
0x261: {  	_ =	swait.ge [sflag:s19], $0x2800  }
0x262: {  	[sflag:s19] =	ssyncset.done $0x0  }
0x263: {  	s20 =	simm.s32 $0x4;
	[sflag:s19] =	ssyncadd.s32 $0xFFFFD800  }
0x264: {  	_ =	swait.ge [sflag:s20], $0x1400  }
0x265: {  	p0 =	seq.s32 s11, $0x7C;
	[sflag:s20] =	ssyncset.done $0x0  }
0x266: {  	s4 =	simm.s32 @!p0 $0x5;
	[sflag:s20] =	ssyncadd.s32 $0xFFFFEC00  }
0x267: {  	_ =	swait.ge @!p0 [sflag:s4], $0x1400  }
0x268: {  	s5 =	sld [smem:$0x7E9]  }
0x269: {  	[sflag:s4] =	ssyncset.done @!p0 $0x0  }
0x26a: {  	[sflag:s4] =	ssyncadd.s32 @!p0 $0xFFFFEC00;
	s4 =	sld [smem:$0x7E5]  }
0x26b: {  	s5 =	sadd.s32 @!p0 s18, s5  }
0x26c: {  	s5 =	sshrl.u32 @!p0 s5, $0x3  }
0x26d: {  	s6 =	simm.s32 @!p0 $0x0;
	s4 =	sadd.s32 @!p0 s4, s5  }
0x26e: {  	[tilespmem:s6], [sflag:$0x9] =	stream.linear.gather @!p0 [hbm4b:s4+s6], $0x28, $0x38;
	[tilespmem:$0x1FF80] =	vst v63  }
0x26f: {  	s4 =	simm.s32 @!p0 $0x9  }
0x270: {  	_ =	swait.ge @!p0 [sflag:s4], $0x28  }
0x271: {  	[sflag:s4] =	ssyncset.done @!p0 $0x0  }
0x272: {  	s7 =	simm.s32 @!p0 $0x100;
	s5 =	sadd.s32 @!p0 s2, s5;
	[sflag:s4] =	ssyncadd.s32 @!p0 $0xFFFFFFD8  }
0x273: {  	[tilespmem:s7], [sflag:$0x9] =	stream.linear.gather @!p0 [hbm4b:s5+s6], $0x28, $0x38;
	[tilespmem:$0x1FF80] =	vst v63  }
0x274: {  	_ =	swait.ge @!p0 [sflag:s4], $0x28  }
0x275: {  	[sflag:s4] =	ssyncset.done @!p0 $0x0  }
0x276: {  	[sflag:s4] =	ssyncadd.s32 @!p0 $0xFFFFFFD8  }
0x277: {  	v10 =	vld @!p0 [tilespmem:$0x0];
	_ =	sdelay $0x4  }
0x278: {  	v11 =	vshll.u32 @!p0 v10, $0x1  }
0x279: {  	v12 =	vlaneseq.u32 @!p0;
	v10 =	vand.u32 @!p0 $0x7, v10;
	v11 =	vand.u32 @!p0 $0xFFFFFFF0, v11  }
0x27a: {  	v13 =	vshrl.u32 @!p0 v12, $0x3;
	v10 =	vor.u32 @!p0 v10, v11;
	v11 =	vand.u32 @!p0 $0x7, v12  }
0x27b: {  	v13 =	vmul.u32 @!p0 $0x8, v13;
	v14 =	vperm.xlane @!p0 v10, v11  }
0x27c: {  	v12 =	vor.u32 @!p0 $0x8, v12  }
0x27d: {  	v10 =	vperm.xlane @!p0 v10, v12;
	v14 =	vadd.s32 @!p0 v13, v14;
	_ =	sdelay $0x1  }
0x27e: {  	v10 =	vadd.s32 @!p0 v13, v10;
	_ =	sdelay $0x1  }
0x27f: {  	vm1 =	vmmov @!p0 $0xffff;
	s4 =	simm.s32 @!p0 $0x300  }
0x280: {  	[tilespmem:s4], [sflag:$0x1] =	stream.indirect_vreg.gather @!p0 [hbm4b:s0+s6], $0x80, v14, vm1, $0xb8;
	[tilespmem:$0x1FF80] =	vst v63  }
0x281: {  	s4 =	simm.s32 @!p0 $0xB00  }
0x282: {  	[tilespmem:s4], [sflag:$0x1] =	stream.indirect_vreg.gather @!p0 [hbm4b:s0+s6], $0x80, v10, vm1, $0xb8;
	[tilespmem:$0x1FF80] =	vst v63  }
0x283: {  	v10 =	vld @!p0 [tilespmem:$0x10];
	_ =	sdelay $0x4  }
0x284: {  	v14 =	vshll.u32 @!p0 v10, $0x1  }
0x285: {  	v10 =	vand.u32 @!p0 $0x7, v10;
	v14 =	vand.u32 @!p0 $0xFFFFFFF0, v14  }
0x286: {  	v10 =	vor.u32 @!p0 v10, v14  }
0x287: {  	v14 =	vperm.xlane @!p0 v10, v11;
	_ =	sdelay $0x1  }
0x288: {  	v10 =	vperm.xlane @!p0 v10, v12;
	v14 =	vadd.s32 @!p0 v13, v14;
	_ =	sdelay $0x1  }
0x289: {  	v10 =	vadd.s32 @!p0 v13, v10;
	_ =	sdelay $0x1  }
0x28a: {  	s4 =	simm.s32 @!p0 $0x1300  }
0x28b: {  	[tilespmem:s4], [sflag:$0x1] =	stream.indirect_vreg.gather @!p0 [hbm4b:s0+s6], $0x80, v14, vm1, $0xb8;
	[tilespmem:$0x1FF80] =	vst v63  }
0x28c: {  	s4 =	simm.s32 @!p0 $0x1B00  }
0x28d: {  	[tilespmem:s4], [sflag:$0x1] =	stream.indirect_vreg.gather @!p0 [hbm4b:s0+s6], $0x80, v10, vm1, $0xb8;
	[tilespmem:$0x1FF80] =	vst v63  }
0x28e: {  	v10 =	vld.msk @!p0 [tilespmem:$0x20], $0xff;
	_ =	sdelay $0x4  }
0x28f: {  	v12 =	vshll.u32 @!p0 v10, $0x1  }
0x290: {  	v10 =	vand.u32 @!p0 $0x7, v10;
	v12 =	vand.u32 @!p0 $0xFFFFFFF0, v12  }
0x291: {  	v10 =	vor.u32 @!p0 v10, v12  }
0x292: {  	v10 =	vperm.xlane @!p0 v10, v11;
	_ =	sdelay $0x1  }
0x293: {  	v10 =	vadd.s32 @!p0 v13, v10;
	_ =	sdelay $0x3  }
0x294: {  	s4 =	simm.s32 @!p0 $0x2300  }
0x295: {  	[tilespmem:s4], [sflag:$0x1] =	stream.indirect_vreg.gather @!p0 [hbm4b:s0+s6], $0x80, v10, vm1, $0xb8;
	[tilespmem:$0x1FF80] =	vst v63  }
0x296: {  	p1 =	seq.s32 @!p0 s11, $0x0;
	s5 =	simm.s32 @!p0 $0x5300;
	s4 =	simm.s32 @!p0 $0x28  }
0x297: {  	[tilespmem:s5], [sflag:$0x3] =	stream.indirect.gather @!p0 [hbm4b:s30+s4], $0x80, s7, s4, $0xb8;
	[tilespmem:$0x1FF80] =	vst v63  }
0x298: {  	p0 =	por p0, !p1  }
0x299: {  	s4 =	simm.s32 @p0 $0x8  }
0x29a: {  	_ =	swait.ge @p0 [sflag:s4], $0x1400  }
0x29b: {  	[sflag:s4] =	ssyncset.done @p0 $0x0  }
0x29c: {  	[sflag:s4] =	ssyncadd.s32 @p0 $0xFFFFEC00  }
0x29d: {  	v10 =	vld [tilespmem:$0x180]  }
0x29e: {  	v11 =	vld [tilespmem:$0x190]  }
0x29f: {  	v12 =	vld [tilespmem:$0x198];
	_ =	sdelay $0x2  }
0x2a0: {  	v10 =	vshra.s32 v10, $0x5  }
0x2a1: {  	s10 =	simm.s32 $0x0;
	v11 =	vshra.s32 v11, $0x5;
	v10 =	vadd.s32 $0x2800, v10  }
0x2a2: {  	s21 =	sand.u32 $0x7, s10;
	[tilespmem:$0x280] =	vst v10;
	v10 =	vadd.s32 $0x2800, v11;
	v11 =	vshra.s32 v12, $0x5  }
0x2a3: {  	s22 =	sand.u32 $0x3, s10;
	s4 =	sshll.u32 s21, $0x7;
	[tilespmem:$0x290] =	vst v10;
	v10 =	vadd.s32 $0x2800, v11  }
0x2a4: {  	s18 =	simm.s32 $0x6800;
	s5 =	sshll.u32 s22, $0x8;
	s4 =	sadd.s32 $0x0, s4;
	[tilespmem:$0x298] =	vst v10  }
0x2a5: {  	s5 =	sadd.s32 $0x0, s5;
	s23 =	sadd.s32 $0x80, s4;
	v10 =	vld [tilespmem:s18+$0x0]  }
0x2a6: {  	s5 =	sadd.s32 $0x100, s5;
	s6 =	sor.u32 $0x400, s23;
	v11 =	vld [tilespmem:s18+$0xFFFFFF80]  }
0x2a7: {  	s5 =	sor.u32 $0x400, s5;
	v12 =	vld [tilespmem:s6+$0x2B00]  }
0x2a8: {  	s13 =	simm.s32 $0x9000;
	s4 =	sadd.s32 $0x180, s4;
	v13 =	vld [tilespmem:s5+$0x2B00]  }
0x2a9: {  	s4 =	sor.u32 $0x400, s4;
	[tilespmem:s13+$0xFFFFFFC0] =	vst v1;
	v14 =	vld [tilespmem:s18+$0x80]  }
0x2aa: {  	[tilespmem:s13+$0xFFFFFFF0] =	vst v1;
	v15 =	vld [tilespmem:s4+$0x2B00]  }
0x2ab: {  	s25 =	sand.u32 $0x30, s10;
	[tilespmem:s13+$0xFFFFFFE0] =	vst v1;
	v16 =	vld [tilespmem:s18+$0xFFFFFF00]  }
0x2ac: {  	s24 =	sand.u32 $0xFFFFFFF0, s10;
	[tilespmem:s13+$0x50] =	vst v1;
	s5 =	smin.u32 s25, $0x18  }
0x2ad: {  	s4 =	smin.u32 s24, $0x18;
	[tilespmem:s13+$0x0] =	vst v1;
	v22 =	vld [tilespmem:s5+$0x180]  }
0x2ae: {  	[tilespmem:s13+$0xFFFFFFD0] =	vst v1;
	s4 =	ssub.s32 $0x0, s4;
	v17 =	vadd.f32 v10, v9;
	v10 =	vadd.f32 v10, v13  }
0x2af: {  	[tilespmem:s13+$0xFFFFFF80] =	vst v1;
	s28 =	sadd.s32 $0x1, s4;
	v13 =	vmov s4;
	v18 =	vadd.f32 v14, v9;
	v14 =	vadd.f32 v14, v15  }
0x2b0: {  	s7 =	simm.s32 $0x1;
	p0 =	por $0x0, $0x0;
	[tilespmem:s13+$0xFFFFFFB0] =	vst v1;
	v15 =	vmov s28;
	v21 =	vadd.f32 v16, v9;
	v19 =	vmul.f32 $2.000000030e-01, v17  }
0x2b1: {  	s31 =	smov.u32 s30;
	s7 =	simm.s32 @!p0 $0x0;
	[tilespmem:s13+$0xFFFFFFA0] =	vst v1;
	v15 =	vadd.s32 $0x10, v15;
	v20 =	vmul.f32 $2.000000030e-01, v10;
	v24 =	vmul.f32 $2.000000030e-01, v14  }
0x2b2: {  	s29 =	sshll.u32 s7, $0x9;
	[tilespmem:s13+$0xD0] =	vst v1;
	s30 =	sadd.s32 $0x2, s4;
	s4 =	sadd.s32 $0x3, s4;
	v23 =	vmul.f32 $2.000000030e-01, v18;
	v15 =	vperm.xlane v22, v15;
	v17 =	vmax.f32 v17, v19  }
0x2b3: {  	[tilespmem:s13+$0x20] =	vst v1;
	s5 =	sadd.s32 $0x0, s29;
	v10 =	vmax.f32 v10, v20;
	v14 =	vmax.f32 v14, v24;
	v19 =	vmov s4  }
0x2b4: {  	[tilespmem:s13+$0x30] =	vst v1;
	s5 =	sor.u32 $0x400, s5;
	v15 =	vshll.u32 v15, $0x2;
	v10 =	vsub.f32 v10, v17;
	v17 =	vmax.f32 v18, v23  }
0x2b5: {  	[tilespmem:s13+$0xA0] =	vst v1;
	v20 =	vld [tilespmem:s5+$0x2B00];
	v19 =	vadd.s32 $0x10, v19;
	v14 =	vsub.f32 v14, v17;
	v17 =	vadd.f32 v11, v9  }
0x2b6: {  	[tilespmem:s13+$0xB0] =	vst v1;
	v11 =	vadd.f32 v11, v12;
	v12 =	vperm.xlane v22, v19;
	v10 =	vmul.f32 $1.442695020e+00, v10  }
0x2b7: {  	[tilespmem:s13+$0x10] =	vst v1;
	v18 =	vmov s30;
	v14 =	vmul.f32 $1.442695020e+00, v14;
	v19 =	vmul.f32 $2.000000030e-01, v17  }
0x2b8: {  	[tilespmem:s13+$0x90] =	vst v1;
	v12 =	vshll.u32 v12, $0x2;
	(erf) = vpow2.f32 v10;
	v10 =	vmul.f32 $2.000000030e-01, v11  }
0x2b9: {  	[tilespmem:s13+$0x40] =	vst v1;
	v12 =	vand.u32 $0x7C, v12;
	(erf) = vpow2.f32 v14;
	v17 =	vmax.f32 v17, v19  }
0x2ba: {  	[tilespmem:s13+$0x70] =	vst v1;
	v10 =	vmax.f32 v11, v10;
	v11 =	vadd.s32 v0, v12;
	v12 =	vadd.f32 v16, v20  }
0x2bb: {  	[tilespmem:s13+$0xC0] =	vst v1;
	v18 =	vadd.s32 $0x10, v18;
	v14 =	vmul.f32 $2.000000030e-01, v21;
	v10 =	vsub.f32 v10, v17  }
0x2bc: {  	s6 =	simm.s32 $0x180;
	[tilespmem:s13+$0xF0] =	vst v1;
	v16 =	vand.u32 $0x80, v11;
	v11 =	vand.u32 $0x7F, v11;
	v17 =	vmul.f32 $2.000000030e-01, v12  }
0x2bd: {  	[tilespmem:s13+$0xE0] =	vst v1;
	v14 =	vmax.f32 v21, v14;
	v16 =	vadd.s32 s6, v16;
	v10 =	vmul.f32 $1.442695020e+00, v10  }
0x2be: {  	[tilespmem:s13+$0x80] =	vst v1;
	v11 =	vor.u32 v11, v16;
	v16 =	vperm.xlane v22, v18;
	v12 =	vmax.f32 v12, v17  }
0x2bf: {  	[tilespmem:s13+$0x60] =	vst v1;
	v15 =	vand.u32 $0x7C, v15;
	v12 =	vsub.f32 v12, v14;
	(erf) = vpow2.f32 v10  }
0x2c0: {  	s15 =	simm.s32 $0x180;
	[tilespmem:s13+$0xFFFFFF90] =	vst v1;
	v10 =	vadd.s32 $0x10, v13;
	v13 =	vshll.u32 v16, $0x2;
	v16 =	vadd.s32 v0, v15  }
0x2c1: {  	s16 =	simm.s32 $0x100;
	s9 =	sand.u32 $0x3800, s10;
	s7 =	simm.s32 $0x80;
	[tilespmem:s13+$0xFFFFFF70] =	vst v1;
	v17 =	vand.u32 $0x80, v16;
	v13 =	vand.u32 $0x7C, v13;
	v14 =	vpop (erf);
	v12 =	vmul.f32 $1.442695020e+00, v12  }
0x2c2: {  	[tilespmem:s13+$0xFFFFFF30] =	vst v1;
	s5 =	sadd.s32 $0x2B00, s9;
	s6 =	sand.u32 $0x380, s15;
	v10 =	vperm.xlane v22, v10;
	v17 =	vadd.s32 s7, v17;
	v13 =	vor.u32 s16, v13;
	v15 =	vpop (erf)  }
0x2c3: {  	s6 =	sadd.s32 s6, s5;
	[tilespmem:v11+s3+$0x0] =	vst.idx.msk $0xf, v15;
	v11 =	vand.u32 $0x7F, v16;
	(erf) = vpow2.f32 v12;
	v12 =	vadd.s32 v0, v13  }
0x2c4: {  	[tilespmem:s13+$0xFFFFFF60] =	vst v1;
	v13 =	vld [tilespmem:s6+$0x0];
	v11 =	vor.u32 v11, v17  }
0x2c5: {  	[tilespmem:s13+$0xFFFFFF40] =	vst v1;
	v10 =	vshll.u32 v10, $0x2  }
0x2c6: {  	s17 =	simm.s32 $0x0;
	s19 =	simm.s32 $0x100;
	[tilespmem:s13+$0xFFFFFF20] =	vst v1;
	v10 =	vand.u32 $0x7C, v10  }
0x2c7: {  	s20 =	simm.s32 $0x80;
	[tilespmem:s13+$0xFFFFFF00] =	vst v1;
	s7 =	sand.u32 $0x300, s19;
	v18 =	vperm.xlane v15, v6;
	v10 =	vor.u32 s17, v10  }
0x2c8: {  	s4 =	sand.u32 $0x280, s20;
	s7 =	sadd.s32 s7, s5;
	v10 =	vadd.s32 v0, v10;
	v16 =	vpop (erf);
	[tilespmem:v12+s3+$0x0] =	vst.idx.msk $0xf, v14  }
0x2c9: {  	s9 =	sadd.s32 s4, s5;
	v12 =	vmul.f32 v13, v18;
	[tilespmem:v11+s3+$0x0] =	vst.idx.msk $0xf, v16;
	v11 =	vld [tilespmem:s7+$0x0]  }
0x2ca: {  	[tilespmem:s13+$0xFFFFFF10] =	vst v1;
	v13 =	vld [tilespmem:s9+$0x0]  }
0x2cb: {  	[tilespmem:s18+$0x80] =	vst v12  }
0x2cc: {  	s21 =	sand.u32 $0x200, s10;
	[tilespmem:s13+$0xFFFFFF50] =	vst v1;
	v19 =	vperm.xlane v14, v6;
	v12 =	vld [tilespmem:s6+$0x10];
	v17 =	vpop (erf)  }
0x2cd: {  	s10 =	sadd.s32 s21, s5;
	v20 =	vperm.xlane v16, v6;
	[tilespmem:v10+s3+$0x0] =	vst.idx.msk $0xf, v17  }
0x2ce: {  	v10 =	vld [tilespmem:s10+$0x0];
	v11 =	vmul.f32 v11, v19  }
0x2cf: {  	v13 =	vmul.f32 v13, v20  }
0x2d0: {  	[tilespmem:s18+$0x0] =	vst v11  }
0x2d1: {  	v11 =	vmul.f32 v12, v18;
	v12 =	vperm.xlane v17, v6;
	[tilespmem:s18+$0xFFFFFF80] =	vst v13;
	v13 =	vld [tilespmem:s7+$0x10]  }
0x2d2: {  	v18 =	vld [tilespmem:s9+$0x10]  }
0x2d3: {  	[tilespmem:s18+$0x90] =	vst v11;
	v10 =	vmul.f32 v10, v12  }
0x2d4: {  	v11 =	vld [tilespmem:s6+$0x20]  }
0x2d5: {  	[tilespmem:s18+$0xFFFFFF00] =	vst v10  }
0x2d6: {  	v21 =	vld [tilespmem:s10+$0x10];
	v13 =	vmul.f32 v13, v19  }
0x2d7: {  	v10 =	vperm.xlane v15, v7;
	v18 =	vmul.f32 v18, v20  }
0x2d8: {  	[tilespmem:s18+$0x10] =	vst v13  }
0x2d9: {  	v11 =	vmul.f32 v11, v10;
	v13 =	vld [tilespmem:s7+$0x20];
	[tilespmem:s18+$0xFFFFFF90] =	vst v18  }
0x2da: {  	v18 =	vld [tilespmem:s9+$0x20]  }
0x2db: {  	[tilespmem:s18+$0xA0] =	vst v11;
	v11 =	vmul.f32 v21, v12  }
0x2dc: {  	s22 =	simm.s32 $0x4;
	v19 =	vperm.xlane v14, v7;
	v12 =	vld [tilespmem:s6+$0x30]  }
0x2dd: {  	s23 =	sand.u32 $0x7, s22;
	[tilespmem:s18+$0xFFFFFF10] =	vst v11;
	v11 =	vperm.xlane v16, v7  }
0x2de: {  	s5 =	sshll.u32 s23, $0x7;
	v13 =	vmul.f32 v13, v19  }
0x2df: {  	s5 =	sadd.s32 $0x400, s5;
	v18 =	vmul.f32 v18, v11  }
0x2e0: {  	s20 =	simm.s32 $0x6A00;
	s15 =	sadd.s32 $0x80, s5;
	[tilespmem:s18+$0x20] =	vst v13  }
0x2e1: {  	s13 =	simm.s32 $0x9200;
	s15 =	sor.u32 $0x400, s15;
	v10 =	vmul.f32 v12, v10;
	v12 =	vld [tilespmem:s20+$0xFFFFFF80];
	[tilespmem:s18+$0xFFFFFFA0] =	vst v18  }
0x2e2: {  	v18 =	vld [tilespmem:s15+$0x2B00];
	[tilespmem:s13+$0xFFFFFFC0] =	vst v1  }
0x2e3: {  	[tilespmem:s13+$0xFFFFFFF0] =	vst v1  }
0x2e4: {  	v20 =	vld [tilespmem:s10+$0x20];
	[tilespmem:s13+$0xFFFFFFE0] =	vst v1  }
0x2e5: {  	[tilespmem:s13+$0xFFFFFFD0] =	vst v1  }
0x2e6: {  	s24 =	simm.s32 $0x2;
	[tilespmem:s13+$0xFFFFFF80] =	vst v1  }
0x2e7: {  	v22 =	vld [tilespmem:s20+$0xFFFFFF00];
	s16 =	sand.u32 $0x3, s24;
	s5 =	sadd.s32 $0x180, s5;
	v13 =	vperm.xlane v17, v7;
	[tilespmem:s13+$0xFFFFFFB0] =	vst v1  }
0x2e8: {  	s16 =	sshll.u32 s16, $0x8;
	s5 =	sor.u32 $0x400, s5;
	v21 =	vld [tilespmem:s7+$0x30];
	[tilespmem:s13+$0xFFFFFFA0] =	vst v1  }
0x2e9: {  	s25 =	sadd.s32 $0x400, s16;
	v24 =	vld [tilespmem:s5+$0x2B00];
	[tilespmem:s18+$0xB0] =	vst v10;
	v10 =	vmul.f32 v20, v13  }
0x2ea: {  	s15 =	sadd.s32 $0x100, s25;
	[tilespmem:s13+$0xFFFFFF90] =	vst v1;
	v25 =	vld [tilespmem:s9+$0x30]  }
0x2eb: {  	s28 =	sand.u32 $0xFFFFFFF0, s22;
	s15 =	sor.u32 $0x400, s15;
	v20 =	vld [tilespmem:s20+$0x0];
	[tilespmem:s18+$0xFFFFFF20] =	vst v10  }
0x2ec: {  	v10 =	vld [tilespmem:s15+$0x2B00];
	[tilespmem:s13+$0x50] =	vst v1;
	s15 =	smin.u32 s28, $0x18  }
0x2ed: {  	v26 =	vadd.f32 v22, v9;
	[tilespmem:s13+$0x0] =	vst v1;
	v19 =	vmul.f32 v21, v19;
	s15 =	ssub.s32 $0x4, s15;
	v21 =	vld [tilespmem:s20+$0x80]  }
0x2ee: {  	[tilespmem:s13+$0x20] =	vst v1;
	v27 =	vadd.f32 v12, v9;
	v12 =	vadd.f32 v12, v18;
	v23 =	vmov s15  }
0x2ef: {  	v18 =	vmul.f32 $2.000000030e-01, v26;
	s17 =	sadd.s32 $0x1, s15;
	s30 =	sadd.s32 $0x2, s15;
	v11 =	vmul.f32 v25, v11;
	[tilespmem:s18+$0x30] =	vst v19;
	v19 =	vadd.s32 $0x10, v23  }
0x2f0: {  	p0 =	por !p0, !p0;
	s16 =	simm.s32 $0x1;
	[tilespmem:s13+$0x30] =	vst v1;
	v23 =	vmov s17;
	v29 =	vmov s30;
	v30 =	vadd.f32 v20, v9  }
0x2f1: {  	s4 =	sand.u32 $0x30, s22;
	s16 =	simm.s32 @!p0 $0x0;
	[tilespmem:s13+$0x10] =	vst v1;
	v32 =	vmul.f32 $2.000000030e-01, v27;
	v34 =	vmul.f32 $2.000000030e-01, v12;
	v10 =	vadd.f32 v20, v10  }
0x2f2: {  	s4 =	smin.u32 s4, $0x18;
	s29 =	sshll.u32 s16, $0x9;
	[tilespmem:s13+$0x40] =	vst v1;
	s16 =	sadd.s32 $0x3, s15;
	v18 =	vmax.f32 v26, v18;
	v24 =	vadd.f32 v21, v24;
	v21 =	vadd.f32 v21, v9  }
0x2f3: {  	v31 =	vld [tilespmem:s4+$0x180];
	s5 =	sadd.s32 $0x400, s29;
	[tilespmem:s13+$0x70] =	vst v1;
	v57 =	vmov s16;
	v33 =	vmul.f32 $2.000000030e-01, v30;
	v35 =	vmul.f32 $2.000000030e-01, v10  }
0x2f4: {  	s5 =	sor.u32 $0x400, s5;
	[tilespmem:s13+$0x60] =	vst v1;
	v23 =	vadd.s32 $0x10, v23;
	v55 =	vmul.f32 $2.000000030e-01, v21;
	v56 =	vmul.f32 $2.000000030e-01, v24  }
0x2f5: {  	[tilespmem:s13+$0xD0] =	vst v1;
	v29 =	vadd.s32 $0x10, v29;
	v20 =	vld [tilespmem:s5+$0x2B00];
	v25 =	vmax.f32 v30, v33;
	v10 =	vmax.f32 v10, v35  }
0x2f6: {  	[tilespmem:s18+$0xFFFFFFB0] =	vst v11;
	v10 =	vsub.f32 v10, v25;
	v11 =	vmax.f32 v21, v55;
	v21 =	vmax.f32 v24, v56  }
0x2f7: {  	[tilespmem:s13+$0xA0] =	vst v1;
	v12 =	vmax.f32 v12, v34;
	v24 =	vadd.s32 $0x10, v57;
	v11 =	vsub.f32 v21, v11  }
0x2f8: {  	[tilespmem:s13+$0xB0] =	vst v1;
	v25 =	vmax.f32 v27, v32;
	v21 =	vld [tilespmem:s10+$0x30];
	v24 =	vperm.xlane v31, v24;
	v10 =	vmul.f32 $1.442695020e+00, v10  }
0x2f9: {  	[tilespmem:s13+$0x90] =	vst v1;
	v23 =	vperm.xlane v31, v23;
	v12 =	vsub.f32 v12, v25;
	v11 =	vmul.f32 $1.442695020e+00, v11  }
0x2fa: {  	[tilespmem:s13+$0xC0] =	vst v1;
	v24 =	vshll.u32 v24, $0x2;
	(erf) = vpow2.f32 v10;
	v10 =	vadd.f32 v22, v20  }
0x2fb: {  	[tilespmem:s13+$0xF0] =	vst v1;
	v27 =	vperm.xlane v31, v29;
	v20 =	vand.u32 $0x7C, v24;
	(erf) = vpow2.f32 v11  }
0x2fc: {  	[tilespmem:s13+$0xE0] =	vst v1;
	v12 =	vmul.f32 $1.442695020e+00, v12;
	v20 =	vadd.s32 v0, v20;
	v22 =	vmul.f32 $2.000000030e-01, v10  }
0x2fd: {  	[tilespmem:s13+$0x80] =	vst v1;
	v11 =	vshll.u32 v23, $0x2;
	v23 =	vld [tilespmem:s9+$0x40];
	v24 =	vand.u32 $0x80, v20;
	v13 =	vmul.f32 v21, v13  }
0x2fe: {  	s17 =	simm.s32 $0x380;
	[tilespmem:s13+$0xFFFFFF70] =	vst v1;
	v11 =	vand.u32 $0x7C, v11;
	(erf) = vpow2.f32 v12;
	v10 =	vmax.f32 v10, v22  }
0x2ff: {  	[tilespmem:s13+$0xFFFFFF30] =	vst v1;
	v12 =	vand.u32 $0x7F, v20;
	v21 =	vadd.s32 s17, v24;
	v10 =	vsub.f32 v10, v18  }
0x300: {  	[tilespmem:s13+$0xFFFFFF60] =	vst v1;
	v11 =	vadd.s32 v0, v11;
	v22 =	vperm.xlane v16, v5;
	v12 =	vor.u32 v12, v21  }
0x301: {  	v54 =	vld [tilespmem:s6+$0x40];
	[tilespmem:s18+$0xFFFFFF30] =	vst v13;
	v13 =	vshll.u32 v27, $0x2;
	v21 =	vand.u32 $0x80, v11  }
0x302: {  	s21 =	simm.s32 $0x280;
	[tilespmem:s13+$0xFFFFFF40] =	vst v1;
	v24 =	vand.u32 $0x7F, v11;
	v18 =	vperm.xlane v31, v19;
	v20 =	vld [tilespmem:s10+$0x40];
	v19 =	vmul.f32 v23, v22  }
0x303: {  	s22 =	simm.s32 $0x300;
	s19 =	simm.s32 $0x400;
	[tilespmem:s13+$0xFFFFFF20] =	vst v1;
	v13 =	vand.u32 $0x7C, v13;
	v21 =	vadd.s32 s21, v21;
	v23 =	vmul.f32 $1.442695020e+00, v10;
	v10 =	vpop (erf)  }
0x304: {  	s4 =	sand.u32 $0x3800, s19;
	s23 =	simm.s32 $0x380;
	v26 =	vperm.xlane v15, v5;
	v13 =	vor.u32 s22, v13;
	v21 =	vor.u32 v24, v21;
	[tilespmem:s18+$0xFFFFFFC0] =	vst v19;
	v11 =	vpop (erf)  }
0x305: {  	s4 =	sadd.s32 $0x2B00, s4;
	s5 =	sand.u32 $0x380, s23;
	v19 =	vld [tilespmem:s7+$0x40];
	(erf) = vpow2.f32 v23;
	v23 =	vperm.xlane v17, v5;
	[tilespmem:v12+s3+$0x0] =	vst.idx.msk $0xf, v11;
	v12 =	vshll.u32 v18, $0x2  }
0x306: {  	v28 =	vmul.f32 v54, v26;
	[tilespmem:s13+$0xFFFFFF00] =	vst v1;
	s21 =	sadd.s32 s5, s4;
	v13 =	vadd.s32 v0, v13;
	v12 =	vand.u32 $0x7C, v12  }
0x307: {  	[tilespmem:s13+$0xFFFFFF10] =	vst v1;
	v20 =	vmul.f32 v20, v23;
	v18 =	vld [tilespmem:s21+$0x0]  }
0x308: {  	s24 =	simm.s32 $0x200;
	[tilespmem:s18+$0xC0] =	vst v28;
	v24 =	vperm.xlane v14, v5  }
0x309: {  	s25 =	simm.s32 $0x300;
	v25 =	vld [tilespmem:s6+$0x50];
	v58 =	vperm.xlane v11, v6;
	v27 =	vor.u32 s24, v12;
	[tilespmem:s18+$0xFFFFFF40] =	vst v20;
	v12 =	vpop (erf)  }
0x30a: {  	s5 =	sand.u32 $0x300, s25;
	v19 =	vmul.f32 v19, v24;
	v20 =	vadd.s32 v0, v27;
	[tilespmem:v21+s3+$0x0] =	vst.idx.msk $0xf, v12;
	v21 =	vld [tilespmem:s10+$0x50]  }
0x30b: {  	s28 =	simm.s32 $0x280;
	s25 =	sadd.s32 s5, s4;
	[tilespmem:v13+s3+$0x0] =	vst.idx.msk $0xf, v10;
	v27 =	vld [tilespmem:s9+$0x50]  }
0x30c: {  	s29 =	sand.u32 $0x280, s28;
	v59 =	vld [tilespmem:s25+$0x0];
	[tilespmem:s18+$0x40] =	vst v19;
	v18 =	vmul.f32 v18, v58  }
0x30d: {  	[tilespmem:s13+$0xFFFFFF50] =	vst v1;
	s22 =	sadd.s32 s29, s4;
	s24 =	simm.s32 $0x200;
	v19 =	vld [tilespmem:s7+$0x50]  }
0x30e: {  	v25 =	vmul.f32 v25, v26;
	s30 =	sand.u32 $0x200, s24;
	v60 =	vld [tilespmem:s22+$0x0];
	v13 =	vpop (erf);
	[tilespmem:s20+$0x80] =	vst v18  }
0x30f: {  	s23 =	sadd.s32 s30, s4;
	v18 =	vperm.xlane v10, v6;
	[tilespmem:v20+s3+$0x0] =	vst.idx.msk $0xf, v13;
	v20 =	vld [tilespmem:s21+$0x10];
	v21 =	vmul.f32 v21, v23  }
0x310: {  	[tilespmem:s18+$0xD0] =	vst v25;
	v22 =	vmul.f32 v27, v22;
	v23 =	vld [tilespmem:s23+$0x0]  }
0x311: {  	v25 =	vperm.xlane v12, v6;
	v27 =	vld [tilespmem:s6+$0x60];
	v26 =	vmul.f32 v59, v18;
	[tilespmem:s18+$0xFFFFFF50] =	vst v21  }
0x312: {  	[tilespmem:s18+$0xFFFFFFD0] =	vst v22;
	v19 =	vmul.f32 v19, v24;
	v21 =	vld [tilespmem:s10+$0x60]  }
0x313: {  	v24 =	vperm.xlane v13, v6;
	v22 =	vmul.f32 v60, v25;
	[tilespmem:s20+$0x0] =	vst v26;
	v26 =	vld [tilespmem:s9+$0x60]  }
0x314: {  	v62 =	vperm.xlane v15, v8;
	[tilespmem:s18+$0x50] =	vst v19;
	v61 =	vld [tilespmem:s25+$0x10];
	v20 =	vmul.f32 v20, v58  }
0x315: {  	v17 =	vperm.xlane v17, v8;
	[tilespmem:s20+$0xFFFFFF80] =	vst v22;
	v22 =	vld [tilespmem:s7+$0x60];
	v19 =	vmul.f32 v23, v24  }
0x316: {  	v15 =	vperm.xlane v16, v8;
	v23 =	vld [tilespmem:s22+$0x10];
	[tilespmem:s20+$0x90] =	vst v20;
	v20 =	vmul.f32 v27, v62  }
0x317: {  	[tilespmem:s20+$0xFFFFFF00] =	vst v19;
	v27 =	vld [tilespmem:s21+$0x20];
	v19 =	vmul.f32 v21, v17  }
0x318: {  	v16 =	vperm.xlane v14, v8;
	v63 =	vld [tilespmem:s23+$0x10];
	v21 =	vmul.f32 v26, v15;
	[tilespmem:s18+$0xE0] =	vst v20  }
0x319: {  	v14 =	vmul.f32 v61, v18;
	v26 =	vld [tilespmem:s6+$0x70];
	[tilespmem:s18+$0xFFFFFF60] =	vst v19  }
0x31a: {  	v20 =	vperm.xlane v11, v7;
	[tilespmem:s18+$0xFFFFFFE0] =	vst v21;
	v21 =	vmul.f32 v22, v16;
	v18 =	vld [tilespmem:s10+$0x70]  }
0x31b: {  	v22 =	vmul.f32 v23, v25;
	[tilespmem:s20+$0x10] =	vst v14;
	v19 =	vld [tilespmem:s9+$0x70]  }
0x31c: {  	p0 =	por !p0, !p0;
	v23 =	vld [tilespmem:s25+$0x20];
	v27 =	vmul.f32 v27, v20;
	[tilespmem:s18+$0x60] =	vst v21  }
0x31d: {  	s15 =	simm.s32 $0x800;
	s13 =	simm.s32 $0x9400;
	s6 =	simm.s32 $0x8;
	v14 =	vperm.xlane v10, v7;
	[tilespmem:s20+$0xFFFFFF90] =	vst v22;
	v21 =	vld [tilespmem:s7+$0x70]  }
0x31e: {  	s9 =	simm.s32 $0x6C00;
	s10 =	simm.s32 $0x8;
	v25 =	vmul.f32 v63, v24;
	v24 =	vld [tilespmem:s22+$0x20];
	s7 =	simm.s32 $0x4;
	[tilespmem:s20+$0xA0] =	vst v27;
	v22 =	vmul.f32 v26, v62  }
.LBB2_7:
0x31f: {  	s4 =	sand.u32 $0x7, s10  }
0x320: {  	s5 =	sand.u32 $0xFFFFFFF0, s6;
	s16 =	sand.u32 $0x30, s6;
	[tilespmem:s20+$0xFFFFFF10] =	vst v25;
	v25 =	vld [tilespmem:s21+$0x30];
	v18 =	vmul.f32 v18, v17;
	s19 =	simm.s32 $0x1  }
0x321: {  	s19 =	simm.s32 @!p0 $0x0;
	s4 =	sshll.u32 s4, $0x7;
	s17 =	smin.u32 s16, $0x18;
	v26 =	vld [tilespmem:s9+$0x0];
	v15 =	vmul.f32 v19, v15;
	[tilespmem:s18+$0xF0] =	vst v22  }
0x322: {  	s16 =	sand.u32 $0x3, s7;
	s5 =	smin.u32 s5, $0x18;
	v19 =	vperm.xlane v12, v7;
	v17 =	vld [tilespmem:s9+$0xFFFFFF00];
	s4 =	sadd.s32 s4, s15;
	v22 =	vmul.f32 v23, v14;
	[tilespmem:s18+$0xFFFFFF70] =	vst v18  }
0x323: {  	s19 =	sshll.u32 s19, $0x9;
	s16 =	sshll.u32 s16, $0x8;
	s28 =	sadd.s32 $0x180, s4;
	v18 =	vld [tilespmem:s23+$0x20];
	[tilespmem:s18+$0xFFFFFFF0] =	vst v15;
	v15 =	vmul.f32 v21, v16  }
0x324: {  	s5 =	ssub.s32 s6, s5;
	s19 =	sadd.s32 s19, s15;
	s29 =	sor.u32 $0x400, s28;
	v16 =	vmul.f32 v24, v19;
	[tilespmem:s20+$0x20] =	vst v22  }
0x325: {  	s16 =	sadd.s32 s15, s16;
	v21 =	vmov s5;
	s4 =	sadd.s32 $0x80, s4;
	s28 =	sadd.s32 $0x1, s5;
	v22 =	vld [tilespmem:s9+$0xFFFFFF80];
	v20 =	vmul.f32 v25, v20;
	[tilespmem:s18+$0x70] =	vst v15  }
0x326: {  	v21 =	vadd.s32 $0x10, v21;
	s4 =	sor.u32 $0x400, s4;
	s16 =	sadd.s32 $0x100, s16;
	v23 =	vmov s28;
	s18 =	sadd.s32 $0x2, s5;
	v15 =	vperm.xlane v13, v7;
	[tilespmem:s20+$0xFFFFFFA0] =	vst v16;
	v16 =	vld [tilespmem:s25+$0x30]  }
0x327: {  	s28 =	sor.u32 $0x400, s19;
	s5 =	sadd.s32 $0x3, s5;
	v23 =	vadd.s32 $0x10, v23;
	v27 =	vmov s18;
	v24 =	vadd.f32 v17, v9;
	v25 =	vld [tilespmem:s4+$0x2B00];
	s4 =	sor.u32 $0x400, s16;
	[tilespmem:s20+$0xB0] =	vst v20  }
0x328: {  	p1 =	slt.u32 s6, $0x24;
	v27 =	vadd.s32 $0x10, v27;
	[tilespmem:s13+$0xFFFFFFC0] =	vst v1;
	v20 =	vld [tilespmem:s4+$0x2B00];
	v18 =	vmul.f32 v18, v15;
	s4 =	smov.u32 s6;
	s6 =	sadd.s32 $0x4, s6  }
0x329: {  	v29 =	vadd.f32 v26, v9;
	s18 =	smov.u32 s20;
	s16 =	smov.u32 s25;
	s20 =	smov.u32 s9;
	v28 =	vmul.f32 $2.000000030e-01, v24;
	[tilespmem:s13+$0xFFFFFFF0] =	vst v1;
	v30 =	vld [tilespmem:s22+$0x30]  }
0x32a: {  	v31 =	vadd.f32 v22, v9;
	[tilespmem:s18+$0xFFFFFF20] =	vst v18;
	v18 =	vld [tilespmem:s21+$0x40]  }
0x32b: {  	s25 =	sshll.u32 s4, $0x7;
	v24 =	vmax.f32 v24, v28;
	[tilespmem:s13+$0xFFFFFFE0] =	vst v1;
	v28 =	vld [tilespmem:s23+$0x30]  }
0x32c: {  	s19 =	sadd.s32 $0x80, s25;
	s4 =	sadd.s32 $0x180, s25;
	v32 =	vld [tilespmem:s17+$0x180];
	v33 =	vmul.f32 $2.000000030e-01, v31;
	[tilespmem:s13+$0x50] =	vst v1;
	s17 =	sadd.s32 $0x100, s25  }
0x32d: {  	v22 =	vadd.f32 v22, v25;
	v25 =	vmul.f32 $2.000000030e-01, v29;
	[tilespmem:s13+$0x0] =	vst v1;
	v34 =	vld [tilespmem:s9+$0x80]  }
0x32e: {  	v16 =	vmul.f32 v16, v14;
	v20 =	vadd.f32 v26, v20;
	v31 =	vmax.f32 v31, v33;
	[tilespmem:s13+$0xFFFFFFD0] =	vst v1  }
0x32f: {  	v26 =	vmul.f32 $2.000000030e-01, v22;
	v25 =	vmax.f32 v29, v25;
	v29 =	vmov s5;
	[tilespmem:s13+$0xFFFFFF80] =	vst v1  }
0x330: {  	v14 =	vperm.xlane v11, v5;
	v33 =	vmul.f32 $2.000000030e-01, v20;
	[tilespmem:s13+$0xFFFFFFB0] =	vst v1;
	v35 =	vld [tilespmem:s29+$0x2B00]  }
0x331: {  	v22 =	vmax.f32 v22, v26;
	v26 =	vadd.s32 $0x10, v29;
	v23 =	vperm.xlane v32, v23;
	[tilespmem:s13+$0xFFFFFFA0] =	vst v1  }
0x332: {  	v20 =	vmax.f32 v20, v33;
	v27 =	vperm.xlane v32, v27;
	v26 =	vperm.xlane v32, v26;
	v29 =	vld [tilespmem:s28+$0x2B00];
	[tilespmem:s18+$0x30] =	vst v16  }
0x333: {  	v19 =	vmul.f32 v30, v19;
	v16 =	vsub.f32 v22, v31;
	v20 =	vsub.f32 v20, v25;
	[tilespmem:s13+$0xD0] =	vst v1;
	v22 =	vld [tilespmem:s16+$0x40]  }
0x334: {  	v25 =	vadd.f32 v34, v9;
	v23 =	vshll.u32 v23, $0x2;
	v26 =	vshll.u32 v26, $0x2;
	[tilespmem:s13+$0x20] =	vst v1  }
0x335: {  	v20 =	vmul.f32 $1.442695020e+00, v20;
	v26 =	vand.u32 $0x7C, v26;
	[tilespmem:s13+$0x30] =	vst v1;
	v30 =	vadd.f32 v34, v35  }
0x336: {  	v16 =	vmul.f32 $1.442695020e+00, v16;
	v31 =	vmul.f32 $2.000000030e-01, v25;
	v26 =	vadd.s32 v0, v26;
	[tilespmem:s13+$0xA0] =	vst v1  }
0x337: {  	v34 =	vand.u32 $0x80, v26;
	[tilespmem:s13+$0xFFFFFF70] =	vst v1;
	v33 =	vmul.f32 $2.000000030e-01, v30;
	(erf) = vpow2.f32 v20  }
0x338: {  	v18 =	vmul.f32 v18, v14;
	v20 =	vmax.f32 v25, v31;
	v25 =	vadd.s32 s4, v34;
	[tilespmem:s13+$0xB0] =	vst v1  }
0x339: {  	v27 =	vshll.u32 v27, $0x2;
	v23 =	vand.u32 $0x7C, v23;
	[tilespmem:s13+$0xFFFFFF30] =	vst v1;
	v30 =	vmax.f32 v30, v33  }
0x33a: {  	s24 =	sadd.s32 $0x200, s24;
	v23 =	vadd.s32 v0, v23;
	v17 =	vadd.f32 v17, v29;
	[tilespmem:s13+$0x10] =	vst v1;
	v20 =	vsub.f32 v30, v20  }
0x33b: {  	v21 =	vperm.xlane v32, v21;
	v27 =	vand.u32 $0x7C, v27;
	v29 =	vand.u32 $0x80, v23;
	[tilespmem:s18+$0xFFFFFFB0] =	vst v19  }
0x33c: {  	v29 =	vadd.s32 s19, v29;
	v19 =	vmul.f32 $2.000000030e-01, v17;
	v20 =	vmul.f32 $1.442695020e+00, v20;
	[tilespmem:s13+$0x90] =	vst v1;
	v30 =	vld [tilespmem:s22+$0x40]  }
0x33d: {  	v21 =	vshll.u32 v21, $0x2;
	v27 =	vor.u32 s17, v27;
	[tilespmem:s18+$0xC0] =	vst v18  }
0x33e: {  	v17 =	vmax.f32 v17, v19;
	v19 =	vand.u32 $0x7C, v21;
	[tilespmem:s13+$0x40] =	vst v1;
	(erf) = vpow2.f32 v20;
	v20 =	vld [tilespmem:s21+$0x50]  }
0x33f: {  	v17 =	vsub.f32 v17, v24;
	v21 =	vor.u32 s25, v19;
	[tilespmem:s13+$0x70] =	vst v1  }
0x340: {  	[tilespmem:s13+$0xFFFFFF60] =	vst v1;
	v18 =	vpop (erf)  }
0x341: {  	[tilespmem:s13+$0x60] =	vst v1;
	v19 =	vperm.xlane v18, v6  }
0x342: {  	[tilespmem:s13+$0xFFFFFF40] =	vst v1  }
0x343: {  	v15 =	vmul.f32 v28, v15;
	v24 =	vperm.xlane v12, v5;
	[tilespmem:s13+$0xC0] =	vst v1  }
0x344: {  	[tilespmem:s13+$0xF0] =	vst v1;
	(erf) = vpow2.f32 v16  }
0x345: {  	[tilespmem:s18+$0xFFFFFF30] =	vst v15;
	v15 =	vmul.f32 v30, v24  }
0x346: {  	v16 =	vmul.f32 $1.442695020e+00, v17;
	v17 =	vand.u32 $0x7F, v26;
	[tilespmem:s13+$0xFFFFFF20] =	vst v1;
	v26 =	vld [tilespmem:s23+$0x40]  }
0x347: {  	v17 =	vor.u32 v17, v25;
	[tilespmem:s13+$0xFFFFFF00] =	vst v1;
	v25 =	vpop (erf)  }
0x348: {  	v23 =	vand.u32 $0x7F, v23;
	[tilespmem:s13+$0xE0] =	vst v1;
	(erf) = vpow2.f32 v16  }
0x349: {  	v16 =	vor.u32 v23, v29;
	[tilespmem:s18+$0xFFFFFFC0] =	vst v15  }
0x34a: {  	s5 =	sadd.s32 $0x180, s24;
	s4 =	sand.u32 $0x3800, s15;
	[tilespmem:s13+$0x80] =	vst v1;
	v15 =	vld [tilespmem:s22+$0x50]  }
0x34b: {  	s5 =	sand.u32 $0x380, s5;
	s4 =	sadd.s32 $0x2B00, s4;
	v23 =	vadd.s32 v0, v27;
	v27 =	vperm.xlane v13, v5;
	[tilespmem:s13+$0xFFFFFF10] =	vst v1  }
0x34c: {  	s19 =	sadd.s32 $0x80, s24;
	s17 =	sadd.s32 s5, s4;
	[tilespmem:v17+s3+$0x0] =	vst.idx.msk $0xf, v25;
	v17 =	vperm.xlane v25, v6  }
0x34d: {  	s5 =	sand.u32 $0x280, s19;
	v30 =	vperm.xlane v10, v5;
	v26 =	vmul.f32 v26, v27;
	[tilespmem:s13+$0xFFFFFF90] =	vst v1;
	v28 =	vld [tilespmem:s17+$0x0];
	v29 =	vpop (erf)  }
0x34e: {  	s19 =	sadd.s32 s5, s4;
	s5 =	sadd.s32 $0x100, s24;
	v21 =	vadd.s32 v0, v21;
	[tilespmem:v16+s3+$0x0] =	vst.idx.msk $0xf, v29  }
0x34f: {  	s5 =	sand.u32 $0x300, s5;
	v22 =	vmul.f32 v22, v30;
	v16 =	vld [tilespmem:s19+$0x0];
	[tilespmem:s18+$0xFFFFFF40] =	vst v26  }
0x350: {  	s25 =	sadd.s32 s5, s4;
	[tilespmem:v23+s3+$0x0] =	vst.idx.msk $0xf, v18;
	v23 =	vld [tilespmem:s23+$0x50]  }
0x351: {  	v15 =	vmul.f32 v15, v24;
	v26 =	vld [tilespmem:s25+$0x0];
	v31 =	vpop (erf);
	[tilespmem:s18+$0x40] =	vst v22  }
0x352: {  	s5 =	sand.u32 $0x200, s24;
	v22 =	vperm.xlane v29, v6;
	[tilespmem:s13+$0xFFFFFF50] =	vst v1;
	v24 =	vmul.f32 v28, v17;
	v28 =	vld [tilespmem:s16+$0x50]  }
0x353: {  	s4 =	sadd.s32 s5, s4;
	v14 =	vmul.f32 v20, v14;
	[tilespmem:v21+s3+$0x0] =	vst.idx.msk $0xf, v31  }
0x354: {  	v20 =	vld [tilespmem:s4+$0x0];
	v16 =	vmul.f32 v16, v22;
	[tilespmem:s9+$0x80] =	vst v24  }
0x355: {  	v21 =	vld [tilespmem:s17+$0x10];
	v23 =	vmul.f32 v23, v27;
	[tilespmem:s18+$0xD0] =	vst v14  }
0x356: {  	v24 =	vperm.xlane v31, v6;
	[tilespmem:s9+$0xFFFFFF80] =	vst v16;
	v16 =	vmul.f32 v26, v19;
	v26 =	vld [tilespmem:s21+$0x60]  }
0x357: {  	v14 =	vperm.xlane v18, v7;
	[tilespmem:s18+$0xFFFFFF50] =	vst v23  }
0x358: {  	v23 =	vld [tilespmem:s23+$0x60];
	[tilespmem:s18+$0xFFFFFFD0] =	vst v15;
	v15 =	vmul.f32 v28, v30  }
0x359: {  	v20 =	vmul.f32 v20, v24;
	[tilespmem:s9+$0x0] =	vst v16;
	v16 =	vld [tilespmem:s22+$0x60]  }
0x35a: {  	v28 =	vperm.xlane v11, v8;
	v11 =	vmov v25;
	v27 =	vld [tilespmem:s25+$0x10];
	v21 =	vmul.f32 v21, v17;
	[tilespmem:s18+$0x50] =	vst v15  }
0x35b: {  	v17 =	vperm.xlane v13, v8;
	v15 =	vperm.xlane v12, v8;
	v12 =	vmovc v29;
	v13 =	vmov v31;
	[tilespmem:s9+$0xFFFFFF00] =	vst v20;
	v25 =	vld [tilespmem:s16+$0x60]  }
0x35c: {  	v20 =	vperm.xlane v11, v7;
	v29 =	vld [tilespmem:s19+$0x10];
	[tilespmem:s9+$0x90] =	vst v21;
	v21 =	vmul.f32 v26, v28  }
0x35d: {  	v26 =	vld [tilespmem:s17+$0x20];
	v23 =	vmul.f32 v23, v17  }
0x35e: {  	v30 =	vld [tilespmem:s4+$0x10];
	v31 =	vmul.f32 v16, v15;
	v16 =	vperm.xlane v10, v8;
	[tilespmem:s18+$0xE0] =	vst v21;
	v10 =	vmov v18  }
0x35f: {  	v19 =	vmul.f32 v27, v19;
	[tilespmem:s18+$0xFFFFFF60] =	vst v23;
	v27 =	vld [tilespmem:s21+$0x70];
	s21 =	smov.u32 s17  }
.Ltmp2:
0x360: {  	v18 =	vld [tilespmem:s23+$0x70];
	[tilespmem:s18+$0xFFFFFFE0] =	vst v31;
	v21 =	vmul.f32 v25, v16;
	s23 =	smov.u32 s4;
	(pc) =	sbr.rel @p1 .LBB2_7-.Ltmp2, $4  }
0x361: {  	v22 =	vmul.f32 v29, v22;
	[tilespmem:s9+$0x10] =	vst v19;
	v19 =	vld [tilespmem:s22+$0x70];
	s22 =	smov.u32 s19  }
0x362: {  	v23 =	vld [tilespmem:s25+$0x20];
	v26 =	vmul.f32 v26, v20;
	[tilespmem:s18+$0x60] =	vst v21  }
0x363: {  	s15 =	sadd.s32 $0x400, s15;
	s13 =	sadd.s32 $0x200, s13;
	s9 =	sadd.s32 $0x200, s9;
	v25 =	vmul.f32 v30, v24;
	[tilespmem:s20+$0xFFFFFF90] =	vst v22;
	v21 =	vld [tilespmem:s16+$0x70]  }
0x364: {  	s10 =	sadd.s32 $0x4, s10;
	p0 =	por !p0, !p0;
	s7 =	sadd.s32 $0x2, s7;
	v24 =	vld [tilespmem:s22+$0x20];
	[tilespmem:s20+$0xA0] =	vst v26;
	v22 =	vmul.f32 v27, v28  }
0x365: {  	[tilespmem:s20+$0xFFFFFF10] =	vst v25  }
0x366: {  	v25 =	vld [tilespmem:s23+$0x20]  }
0x367: {  	v27 =	vperm.xlane v12, v7;
	_ =	sdelay $0x1  }
0x368: {  	v26 =	vperm.xlane v13, v7;
	v24 =	vmul.f32 v24, v27  }
0x369: {  	v23 =	vmul.f32 v23, v14  }
0x36a: {  	v28 =	vld [tilespmem:s21+$0x30];
	v25 =	vmul.f32 v25, v26;
	[tilespmem:s20+$0xFFFFFFA0] =	vst v24  }
0x36b: {  	[tilespmem:s20+$0x20] =	vst v23;
	v39 =	vld [tilespmem:s22+$0x30]  }
0x36c: {  	v40 =	vld [tilespmem:s25+$0x30];
	[tilespmem:s20+$0xFFFFFF20] =	vst v25  }
0x36d: {  	v38 =	vld [tilespmem:s23+$0x30];
	_ =	sdelay $0x1  }
0x36e: {  	v20 =	vmul.f32 v28, v20  }
0x36f: {  	v41 =	vmul.f32 v39, v27  }
0x370: {  	[tilespmem:s20+$0xB0] =	vst v20;
	v43 =	vmul.f32 v40, v14  }
0x371: {  	v42 =	vld [tilespmem:s21+$0x40];
	v24 =	vmul.f32 v38, v26;
	[tilespmem:s20+$0xFFFFFFB0] =	vst v41  }
0x372: {  	[tilespmem:s20+$0x30] =	vst v43;
	v45 =	vld [tilespmem:s22+$0x40]  }
0x373: {  	v47 =	vld [tilespmem:s25+$0x40];
	[tilespmem:s20+$0xFFFFFF30] =	vst v24  }
0x374: {  	v46 =	vperm.xlane v11, v5;
	v44 =	vld [tilespmem:s23+$0x40]  }
0x375: {  	v49 =	vperm.xlane v12, v5  }
0x376: {  	v50 =	vperm.xlane v10, v5;
	v23 =	vmul.f32 v42, v46  }
0x377: {  	v48 =	vperm.xlane v13, v5;
	v14 =	vmul.f32 v45, v49  }
0x378: {  	[tilespmem:s20+$0xC0] =	vst v23;
	v51 =	vmul.f32 v47, v50  }
0x379: {  	v23 =	vld [tilespmem:s21+$0x50];
	v20 =	vmul.f32 v44, v48;
	[tilespmem:s20+$0xFFFFFFC0] =	vst v14  }
0x37a: {  	[tilespmem:s20+$0x40] =	vst v51;
	v53 =	vld [tilespmem:s22+$0x50]  }
0x37b: {  	[tilespmem:s20+$0xFFFFFF40] =	vst v20;
	v20 =	vld [tilespmem:s25+$0x50]  }
0x37c: {  	v52 =	vld [tilespmem:s23+$0x50];
	_ =	sdelay $0x1  }
0x37d: {  	v23 =	vmul.f32 v23, v46  }
0x37e: {  	v54 =	vmul.f32 v53, v49  }
0x37f: {  	[tilespmem:s20+$0xD0] =	vst v23;
	v55 =	vmul.f32 v20, v50  }
0x380: {  	v23 =	vld [tilespmem:s21+$0x60];
	v14 =	vmul.f32 v52, v48;
	[tilespmem:s20+$0xFFFFFFD0] =	vst v54  }
0x381: {  	v24 =	vld [tilespmem:s22+$0x60];
	[tilespmem:s20+$0x50] =	vst v55  }
0x382: {  	[tilespmem:s20+$0xFFFFFF50] =	vst v14;
	v14 =	vld [tilespmem:s25+$0x60]  }
0x383: {  	v11 =	vperm.xlane v11, v8;
	v56 =	vld [tilespmem:s23+$0x60]  }
0x384: {  	v58 =	vperm.xlane v12, v8  }
0x385: {  	v10 =	vperm.xlane v10, v8;
	v23 =	vmul.f32 v23, v11  }
0x386: {  	v57 =	vperm.xlane v13, v8;
	v24 =	vmul.f32 v24, v58  }
0x387: {  	[tilespmem:s20+$0xE0] =	vst v23;
	v14 =	vmul.f32 v14, v10  }
0x388: {  	v59 =	vld [tilespmem:s21+$0x70];
	v20 =	vmul.f32 v56, v57;
	[tilespmem:s20+$0xFFFFFFE0] =	vst v24  }
0x389: {  	v61 =	vld [tilespmem:s22+$0x70];
	[tilespmem:s20+$0x60] =	vst v14  }
0x38a: {  	v17 =	vmul.f32 v18, v17;
	[tilespmem:s20+$0xFFFFFF60] =	vst v20;
	v63 =	vld [tilespmem:s25+$0x70]  }
0x38b: {  	v62 =	vmul.f32 v19, v15;
	[tilespmem:s18+$0xF0] =	vst v22;
	v60 =	vld [tilespmem:s23+$0x70]  }
0x38c: {  	[tilespmem:s18+$0xFFFFFF70] =	vst v17;
	v16 =	vmul.f32 v21, v16  }
0x38d: {  	[tilespmem:s18+$0xFFFFFFF0] =	vst v62;
	v11 =	vmul.f32 v59, v11  }
0x38e: {  	[tilespmem:s18+$0x70] =	vst v16;
	v12 =	vmul.f32 v61, v58  }
0x38f: {  	s11 =	sadd.s32 $0x1, s11;
	[tilespmem:s20+$0xF0] =	vst v11;
	v10 =	vmul.f32 v63, v10  }
0x390: {  	p0 =	sne.s32 s11, $0x7D;
	v13 =	vmul.f32 v60, v57;
	[tilespmem:s20+$0xFFFFFFF0] =	vst v12  }
.Ltmp3:
0x391: {  	[tilespmem:s20+$0x70] =	vst v10;
	(pc) =	sbr.rel @p0 .LBB2_4-.Ltmp3, $4  }
0x392: {  	s4 =	rddreg [dreg:$0x1];
	s5 =	simm.s32 $0x180;
	s9 =	simm.s32 $0x6700;
	[tilespmem:s20+$0xFFFFFF70] =	vst v13  }
0x393: {  	[spmem:s4] =	stream.indirect.scatter.add.f32 [tilespmem:s9], [sflag:$0x6], $0x80, s5, s14, $0xb8;
	[tilespmem:$0x1FF80] =	vst v63  }
0x394: {  	s6 =	simm.s32 $0x280  }
0x395: {  	[spmem:s4] =	stream.indirect.scatter.add.f32 [tilespmem:s3], [sflag:$0x8], $0x80, s6, s14, $0xb8;
	[tilespmem:$0x1FF80] =	vst v63  }
0x396: {  	s4 =	simm.s32 $0x5  }
0x397: {  	_ =	swait.ge [sflag:s4], $0x1400  }
0x398: {  	[sflag:s4] =	ssyncset.done $0x0  }
0x399: {  	s10 =	simm.s32 $0x7;
	[sflag:s4] =	ssyncadd.s32 $0xFFFFEC00  }
0x39a: {  	_ =	swait.ge [sflag:s10], $0x1400  }
0x39b: {  	[sflag:s10] =	ssyncset.done $0x0  }
0x39c: {  	s11 =	simm.s32 $0x6;
	[sflag:s10] =	ssyncadd.s32 $0xFFFFEC00  }
0x39d: {  	_ =	swait.ge [sflag:s11], $0x1400  }
0x39e: {  	[sflag:s11] =	ssyncset.done $0x0  }
0x39f: {  	s13 =	simm.s32 $0x8;
	[sflag:s11] =	ssyncadd.s32 $0xFFFFEC00  }
0x3a0: {  	_ =	swait.ge [sflag:s13], $0x1400  }
0x3a1: {  	[sflag:s13] =	ssyncset.done $0x0  }
0x3a2: {  	[sflag:s13] =	ssyncadd.s32 $0xFFFFEC00  }
0x3a3: {  	[bflag:$0x0] =	sbarrier.arrive $0xFFFF  }
0x3a4: {  	s16 =	sld [smem:$0x7CE]  }
0x3a5: {  	s15 =	stileid.u32  }
0x3a6: {  	s4 =	sshll.u32 s15, $0x6  }
0x3a7: {  	s6 =	sor.u32 $0x1C09, s4;
	s5 =	rddreg [dreg:$0x3];
	s4 =	sshrl.u32 s16, $0x3  }
0x3a8: {  	[hbm:s5], [sflag:s6] =	dma.local [spmem:s4], $0x180  }
0x3a9: {  	_ =	swait.ge [sflag:s12], $0x180  }
0x3aa: {  	s17 =	sld [smem:$0x7D0];
	_ =	sdelay $0x1  }
0x3ab: {  	[sflag:s12] =	ssyncset.done $0x0  }
0x3ac: {  	s18 =	rddreg [dreg:$0x4];
	[sflag:s12] =	ssyncadd.s32 $0xFFFFFE80;
	s4 =	sshrl.u32 s17, $0x3  }
0x3ad: {  	[hbm:s18], [sflag:s6] =	dma.local [spmem:s4], $0x180  }
0x3ae: {  	_ =	swait.ge [sflag:s12], $0x180  }
0x3af: {  	s13 =	sld [smem:$0x7EC];
	_ =	sdelay $0x1  }
0x3b0: {  	[sflag:s12] =	ssyncset.done $0x0  }
0x3b1: {  	s20 =	rddreg [dreg:$0x5];
	[sflag:s12] =	ssyncadd.s32 $0xFFFFFE80;
	s19 =	sshrl.u32 s13, $0x3  }
0x3b2: {  	[hbm:s20], [sflag:s6] =	dma.local [spmem:s19], $0x180  }
0x3b3: {  	_ =	swait.ge [sflag:s12], $0x180  }
0x3b4: {  	s21 =	sld [smem:$0x7D3];
	_ =	sdelay $0x1  }
0x3b5: {  	[sflag:s12] =	ssyncset.done $0x0  }
0x3b6: {  	s22 =	rddreg [dreg:$0x6];
	[sflag:s12] =	ssyncadd.s32 $0xFFFFFE80;
	s4 =	sshrl.u32 s21, $0x3  }
0x3b7: {  	[hbm:s22], [sflag:s6] =	dma.local [spmem:s4], $0x180  }
0x3b8: {  	_ =	swait.ge [sflag:s12], $0x180  }
0x3b9: {  	s15 =	sld [smem:$0x7ED];
	_ =	sdelay $0x1  }
0x3ba: {  	[sflag:s12] =	ssyncset.done $0x0  }
0x3bb: {  	s24 =	rddreg [dreg:$0x7];
	[sflag:s12] =	ssyncadd.s32 $0xFFFFFE80;
	s23 =	sshrl.u32 s15, $0x3  }
0x3bc: {  	[hbm:s24], [sflag:s6] =	dma.local [spmem:s23], $0x180  }
0x3bd: {  	_ =	swait.ge [sflag:s12], $0x180  }
0x3be: {  	s16 =	sld [smem:$0x7EE];
	_ =	sdelay $0x1  }
0x3bf: {  	[sflag:s12] =	ssyncset.done $0x0  }
0x3c0: {  	s30 =	rddreg [dreg:$0x8];
	[sflag:s12] =	ssyncadd.s32 $0xFFFFFE80;
	s25 =	sshrl.u32 s16, $0x3  }
0x3c1: {  	[hbm:s30], [sflag:s6] =	dma.local [spmem:s25], $0x180  }
0x3c2: {  	_ =	swait.ge [sflag:s12], $0x180  }
0x3c3: {  	s17 =	sld [smem:$0x7EF];
	_ =	sdelay $0x1  }
0x3c4: {  	[sflag:s12] =	ssyncset.done $0x0  }
0x3c5: {  	s8 =	rddreg [dreg:$0x9];
	[sflag:s12] =	ssyncadd.s32 $0xFFFFFE80;
	s7 =	sshrl.u32 s17, $0x3  }
0x3c6: {  	[hbm:s8], [sflag:s6] =	dma.local [spmem:s7], $0x180  }
0x3c7: {  	_ =	swait.ge [sflag:s12], $0x180  }
0x3c8: {  	s18 =	sld [smem:$0x7F0];
	_ =	sdelay $0x1  }
0x3c9: {  	[sflag:s12] =	ssyncset.done $0x0  }
0x3ca: {  	s10 =	rddreg [dreg:$0xa];
	[sflag:s12] =	ssyncadd.s32 $0xFFFFFE80;
	s9 =	sshrl.u32 s18, $0x3  }
0x3cb: {  	[hbm:s10], [sflag:s6] =	dma.local [spmem:s9], $0x180  }
0x3cc: {  	_ =	swait.ge [sflag:s12], $0x180  }
0x3cd: {  	s19 =	sld [smem:$0x7F1];
	_ =	sdelay $0x1  }
0x3ce: {  	[sflag:s12] =	ssyncset.done $0x0  }
0x3cf: {  	s20 =	rddreg [dreg:$0xb];
	[sflag:s12] =	ssyncadd.s32 $0xFFFFFE80;
	s11 =	sshrl.u32 s19, $0x3  }
0x3d0: {  	[hbm:s20], [sflag:s6] =	dma.local [spmem:s11], $0x180  }
0x3d1: {  	_ =	swait.ge [sflag:s12], $0x180  }
0x3d2: {  	s20 =	sld [smem:$0x7F2];
	_ =	sdelay $0x1  }
0x3d3: {  	[sflag:s12] =	ssyncset.done $0x0  }
0x3d4: {  	s22 =	rddreg [dreg:$0xc];
	[sflag:s12] =	ssyncadd.s32 $0xFFFFFE80;
	s21 =	sshrl.u32 s20, $0x3  }
0x3d5: {  	[hbm:s22], [sflag:s6] =	dma.local [spmem:s21], $0x180  }
0x3d6: {  	_ =	swait.ge [sflag:s12], $0x180  }
0x3d7: {  	s21 =	sld [smem:$0x7F3];
	_ =	sdelay $0x1  }
0x3d8: {  	[sflag:s12] =	ssyncset.done $0x0  }
0x3d9: {  	s24 =	rddreg [dreg:$0xd];
	[sflag:s12] =	ssyncadd.s32 $0xFFFFFE80;
	s23 =	sshrl.u32 s21, $0x3  }
0x3da: {  	[hbm:s24], [sflag:s6] =	dma.local [spmem:s23], $0x180  }
0x3db: {  	_ =	swait.ge [sflag:s12], $0x180  }
0x3dc: {  	s22 =	sld [smem:$0x7F4];
	_ =	sdelay $0x1  }
0x3dd: {  	[sflag:s12] =	ssyncset.done $0x0  }
0x3de: {  	s30 =	rddreg [dreg:$0xe];
	[sflag:s12] =	ssyncadd.s32 $0xFFFFFE80;
	s25 =	sshrl.u32 s22, $0x3  }
0x3df: {  	[hbm:s30], [sflag:s6] =	dma.local [spmem:s25], $0x180  }
0x3e0: {  	_ =	swait.ge [sflag:s12], $0x180  }
0x3e1: {  	s23 =	sld [smem:$0x7F5];
	_ =	sdelay $0x1  }
0x3e2: {  	[sflag:s12] =	ssyncset.done $0x0  }
0x3e3: {  	s8 =	rddreg [dreg:$0xf];
	[sflag:s12] =	ssyncadd.s32 $0xFFFFFE80;
	s7 =	sshrl.u32 s23, $0x3  }
0x3e4: {  	[hbm:s8], [sflag:s6] =	dma.local [spmem:s7], $0x180  }
0x3e5: {  	_ =	swait.ge [sflag:s12], $0x180  }
0x3e6: {  	s24 =	sld [smem:$0x7F6];
	_ =	sdelay $0x1  }
0x3e7: {  	[sflag:s12] =	ssyncset.done $0x0  }
0x3e8: {  	s10 =	rddreg [dreg:$0x10];
	[sflag:s12] =	ssyncadd.s32 $0xFFFFFE80;
	s9 =	sshrl.u32 s24, $0x3  }
0x3e9: {  	[hbm:s10], [sflag:s6] =	dma.local [spmem:s9], $0x180  }
0x3ea: {  	_ =	swait.ge [sflag:s12], $0x180  }
0x3eb: {  	s25 =	sld [smem:$0x7F7];
	_ =	sdelay $0x1  }
0x3ec: {  	[sflag:s12] =	ssyncset.done $0x0  }
0x3ed: {  	s30 =	rddreg [dreg:$0x11];
	[sflag:s12] =	ssyncadd.s32 $0xFFFFFE80;
	s11 =	sshrl.u32 s25, $0x3  }
0x3ee: {  	[hbm:s30], [sflag:s6] =	dma.local [spmem:s11], $0x180  }
0x3ef: {  	_ =	swait.ge [sflag:s12], $0x180  }
0x3f0: {  	s7 =	sld [smem:$0x7DA];
	_ =	sdelay $0x1  }
0x3f1: {  	[sflag:s12] =	ssyncset.done $0x0  }
0x3f2: {  	s8 =	rddreg [dreg:$0x12];
	[sflag:s12] =	ssyncadd.s32 $0xFFFFFE80;
	s4 =	sshrl.u32 s7, $0x3  }
0x3f3: {  	[hbm:s8], [sflag:s6] =	dma.local [spmem:s4], $0x180  }
0x3f4: {  	_ =	swait.ge [sflag:s12], $0x180  }
0x3f5: {  	s28 =	sld [smem:$0x7F8];
	_ =	sdelay $0x1  }
0x3f6: {  	[sflag:s12] =	ssyncset.done $0x0  }
0x3f7: {  	s10 =	rddreg [dreg:$0x13];
	[sflag:s12] =	ssyncadd.s32 $0xFFFFFE80;
	s9 =	sshrl.u32 s28, $0x3  }
0x3f8: {  	[hbm:s10], [sflag:s6] =	dma.local [spmem:s9], $0x180  }
0x3f9: {  	_ =	swait.ge [sflag:s12], $0x180  }
0x3fa: {  	s29 =	sld [smem:$0x7F9];
	_ =	sdelay $0x1  }
0x3fb: {  	[sflag:s12] =	ssyncset.done $0x0  }
0x3fc: {  	s30 =	rddreg [dreg:$0x14];
	[sflag:s12] =	ssyncadd.s32 $0xFFFFFE80;
	s11 =	sshrl.u32 s29, $0x3  }
0x3fd: {  	[hbm:s30], [sflag:s6] =	dma.local [spmem:s11], $0x180  }
0x3fe: {  	_ =	swait.ge [sflag:s12], $0x180  }
0x3ff: {  	s5 =	sld [smem:$0x7DC];
	_ =	sdelay $0x1  }
0x400: {  	[sflag:s12] =	ssyncset.done $0x0  }
0x401: {  	s7 =	rddreg [dreg:$0x15];
	[sflag:s12] =	ssyncadd.s32 $0xFFFFFE80;
	s4 =	sshrl.u32 s5, $0x3  }
0x402: {  	[hbm:s7], [sflag:s6] =	dma.local [spmem:s4], $0x180  }
0x403: {  	_ =	swait.ge [sflag:s12], $0x180  }
0x404: {  	s9 =	sld [smem:$0x7FA];
	_ =	sdelay $0x1  }
0x405: {  	[sflag:s12] =	ssyncset.done $0x0  }
0x406: {  	s10 =	rddreg [dreg:$0x16];
	[sflag:s12] =	ssyncadd.s32 $0xFFFFFE80;
	s8 =	sshrl.u32 s9, $0x3  }
0x407: {  	[hbm:s10], [sflag:s6] =	dma.local [spmem:s8], $0x180  }
0x408: {  	_ =	swait.ge [sflag:s12], $0x180  }
0x409: {  	s8 =	sld [smem:$0x7FB];
	_ =	sdelay $0x1  }
0x40a: {  	[sflag:s12] =	ssyncset.done $0x0  }
0x40b: {  	s30 =	rddreg [dreg:$0x17];
	[sflag:s12] =	ssyncadd.s32 $0xFFFFFE80;
	s11 =	sshrl.u32 s8, $0x3  }
0x40c: {  	[hbm:s30], [sflag:s6] =	dma.local [spmem:s11], $0x180  }
0x40d: {  	_ =	swait.ge [sflag:s12], $0x180  }
0x40e: {  	s7 =	sld [smem:$0x7DF];
	_ =	sdelay $0x1  }
0x40f: {  	[sflag:s12] =	ssyncset.done $0x0  }
0x410: {  	s10 =	rddreg [dreg:$0x18];
	[sflag:s12] =	ssyncadd.s32 $0xFFFFFE80;
	s4 =	sshrl.u32 s7, $0x3  }
0x411: {  	[hbm:s10], [sflag:s6] =	dma.local [spmem:s4], $0x180  }
0x412: {  	_ =	swait.ge [sflag:s12], $0x180  }
0x413: {  	s11 =	sld [smem:$0x7E1];
	_ =	sdelay $0x1  }
0x414: {  	[sflag:s12] =	ssyncset.done $0x0  }
0x415: {  	s30 =	rddreg [dreg:$0x19];
	[sflag:s12] =	ssyncadd.s32 $0xFFFFFE80;
	s4 =	sshrl.u32 s11, $0x3  }
0x416: {  	[hbm:s30], [sflag:s6] =	dma.local [spmem:s4], $0x180  }
0x417: {  	_ =	swait.ge [sflag:s12], $0x180  }
0x418: {  	s7 =	sld [smem:$0x7E2];
	_ =	sdelay $0x1  }
0x419: {  	[sflag:s12] =	ssyncset.done $0x0  }
0x41a: {  	s10 =	rddreg [dreg:$0x1a];
	[sflag:s12] =	ssyncadd.s32 $0xFFFFFE80;
	s4 =	sshrl.u32 s7, $0x3  }
0x41b: {  	[hbm:s10], [sflag:s6] =	dma.local [spmem:s4], $0x180  }
0x41c: {  	_ =	swait.ge [sflag:s12], $0x180  }
0x41d: {  	s11 =	sld [smem:$0x7E3];
	_ =	sdelay $0x1  }
0x41e: {  	[sflag:s12] =	ssyncset.done $0x0  }
0x41f: {  	s30 =	rddreg [dreg:$0x1b];
	[sflag:s12] =	ssyncadd.s32 $0xFFFFFE80;
	s4 =	sshrl.u32 s11, $0x3  }
0x420: {  	[hbm:s30], [sflag:s6] =	dma.local [spmem:s4], $0x180  }
0x421: {  	_ =	swait.ge [sflag:s12], $0x180  }
0x422: {  	s7 =	sld [smem:$0x7E4];
	_ =	sdelay $0x1  }
0x423: {  	[sflag:s12] =	ssyncset.done $0x0  }
0x424: {  	s10 =	rddreg [dreg:$0x1c];
	[sflag:s12] =	ssyncadd.s32 $0xFFFFFE80;
	s4 =	sshrl.u32 s7, $0x3  }
0x425: {  	[hbm:s10], [sflag:s6] =	dma.local [spmem:s4], $0x180  }
0x426: {  	_ =	swait.ge [sflag:s12], $0x180  }
0x427: {  	s10 =	sld [smem:$0x7FC];
	_ =	sdelay $0x1  }
0x428: {  	[sflag:s12] =	ssyncset.done $0x0  }
0x429: {  	s30 =	rddreg [dreg:$0x1d];
	[sflag:s12] =	ssyncadd.s32 $0xFFFFFE80;
	s11 =	sshrl.u32 s10, $0x3  }
0x42a: {  	[hbm:s30], [sflag:s6] =	dma.local [spmem:s11], $0x180  }
0x42b: {  	_ =	swait.ge [sflag:s12], $0x180  }
0x42c: {  	s11 =	sld [smem:$0x7FD];
	_ =	sdelay $0x1  }
0x42d: {  	[sflag:s12] =	ssyncset.done $0x0  }
0x42e: {  	s30 =	rddreg [dreg:$0x1e];
	[sflag:s12] =	ssyncadd.s32 $0xFFFFFE80;
	s7 =	sshrl.u32 s11, $0x3  }
0x42f: {  	[hbm:s30], [sflag:s6] =	dma.local [spmem:s7], $0x180  }
0x430: {  	_ =	swait.ge [sflag:s12], $0x180  }
0x431: {  	s7 =	sld [smem:$0x7CB]  }
0x432: {  	s30 =	sld [smem:$0x7EB];
	_ =	sdelay $0x1  }
0x433: {  	s5 =	sadd.s32 $0x1, s7  }
0x434: {  	p0 =	sne.s32 s5, s30  }
.Ltmp4:
0x435: {  	_ = 	snop;
	(pc) =	sbr.rel @p0 .LBB2_1-.Ltmp4, $3  }
0x436: {  	_ =	sdelay $0x1  }
0x437: {  	[sflag:s12] =	ssyncset.done $0x0  }
0x438: {  	[sflag:s12] =	ssyncadd.s32 $0xFFFFFE80  }
0x439: {  	_ =	sfence.sel $0x180000  }
0x43a: {  	[bflag:$0x0] =	sbarrier.arrive $0xFFFF  }
0x43b: {  	_ =	strace $0x90000047  }
0x43c: {  	s0 =	stileid.u32;
	[bflag:$0x2] =	sbarrier.arrive $0xFFFF  }
0x43d: {  	p0 =	sne.s32 s0, $0x0;
	s0 =	rddreg [dreg:$0x2]  }
0x43e: {  	s0 =	sadd.s32 @!p0 $0x100000, s0  }
0x43f: {  	[sflag:s0] =	ssyncadd.tile.s32 @!p0 $0x1;
	_ =	shalt  }
.Lfunc_end2:
_tile_overlayer_lowered:
.L_overlay_start_2:
0x440: {  	(tag) =	ssettag $0x2  }
0x441: {  	s0 =	rddreg [dreg:$0x0];
	s2 =	stileid.u32  }
0x442: {  	s1 =	rddreg [dreg:$0x1];
	p0 =	sne.s32 s2, $0x0  }
0x443: {  	s3 =	rddreg [dreg:$0x2];
	[bflag:$0x3] =	sbarrier.arrive $0xFFFF;
	s2 =	simm.s32 @!p0 $0x1C09  }
0x444: {  	[timem:s3], [sflag:s2] =	dma.local @!p0 [hbm:s0], s1  }
0x445: {  	s0 =	simm.s32 @!p0 $0x9  }
0x446: {  	_ =	swait.ge @!p0 [sflag:s0], s1  }
0x447: {  	s1 =	ssub.s32 @!p0 $0x0, s1;
	[sflag:s0] =	ssyncset.done @!p0 $0x0  }
0x448: {  	[sflag:s0] =	ssyncadd.s32 @!p0 s1  }
0x449: {  	[bflag:$0x3] =	sbarrier.arrive $0xFFFF  }
0x44a: {  	_ =	shalt  }

</sc_bundles>
